<compile_context>
chip_gen: v7x
topology: tpu7x:2x2x1
jax: 0.10.2.dev20260603
libtpu: 0.0.44.dev20260713+nightly
codegen_flags: <defaults>
</compile_context>

<pallas_src>
import functools

import jax
import jax.numpy as jnp
from jax import lax
from jax.experimental import pallas as pl
from jax.experimental.pallas import tpu as pltpu
from jax.experimental.pallas import tpu_sc as plsc

N = 10000
E = 320000
D = 128
G = 128
LAYERS = 3

NC = 2
NS = 16
NW = NC * NS
CHW = 128
EW = E // NW
CH = (EW + CHW - 1) // CHW
CH = CH + (CH % 2)
EWP = CH * CHW
NP = 10112
RPT = NP // NS



@functools.lru_cache(maxsize=None)
def _get_mesh():
    return plsc.VectorSubcoreMesh(
        core_axis_name="c", subcore_axis_name="s", num_cores=NC, num_subcores=NS
    )

def _sc_scatter_body(tab_hbm, srcw_hbm, dstw_hbm, zeros_hbm, out_hbm,
                     src_v, dst_v, rows_v, acc_sh, sem):
    c = lax.axis_index("c")
    t = lax.axis_index("s")
    wid = c * NS + t
    pltpu.sync_copy(srcw_hbm.at[wid], src_v)
    pltpu.sync_copy(dstw_hbm.at[wid], dst_v)
    r0 = t * RPT
    pltpu.sync_copy(zeros_hbm.at[pl.ds(r0, RPT)], acc_sh.at[pl.ds(r0, RPT)])
    plsc.subcore_barrier()

    def body(j, carry):
        pltpu.async_copy(tab_hbm.at[src_v.at[j]], rows_v, sem).wait()
        pltpu.sync_copy(rows_v, acc_sh.at[dst_v.at[j]], add=True)
        return carry

    lax.fori_loop(0, CH, body, 0)
    plsc.subcore_barrier()
    pltpu.sync_copy(acc_sh.at[pl.ds(r0, RPT)], out_hbm.at[c].at[pl.ds(r0, RPT)])


@functools.lru_cache(maxsize=None)
def _get_sc_scatter():
    return pl.kernel(
        _sc_scatter_body,
        out_type=jax.ShapeDtypeStruct((NC, NP, D), jnp.float32),
        mesh=_get_mesh(),
        scratch_types=[
            pltpu.VMEM((CH, CHW), jnp.int32),
            pltpu.VMEM((CH, CHW), jnp.int32),
            pltpu.VMEM((CHW, D), jnp.float32),
            pltpu.VMEM_SHARED((NP, D), jnp.float32),
            pltpu.SemaphoreType.DMA,
        ],
    )



def _leaky(h):
    return jnp.where(h > 0, h, h * 0.01)


def _bdot(a, b):
    return jnp.dot(a.astype(jnp.bfloat16), b.astype(jnp.bfloat16),
                   preferred_element_type=jnp.float32)


RBLK = NP // 8


def _tc_pre_body(x_ref, wpre_ref, bpre_ref, s_ref, wse_ref, bse_ref,
                 wg0_ref, degp_ref, x1_ref, s1_ref, t1_ref, dinv_ref):
    i = pl.program_id(0)
    rows = i * RBLK + lax.broadcasted_iota(jnp.int32, (RBLK, 1), 0)
    zmask = (rows < N).astype(jnp.float32)
    x1 = _bdot(x_ref[...], wpre_ref[...]) + bpre_ref[...]
    s1 = _bdot(s_ref[...], wse_ref[...]) + bse_ref[...]
    deg = degp_ref[0, :, 0:1] + degp_ref[1, :, 0:1] + 1.0
    dinv = lax.rsqrt(deg)
    x1_ref[...] = x1 * zmask
    s1 = s1 * zmask
    s1_ref[...] = s1
    t1_ref[...] = _bdot(s1, wg0_ref[...]) * dinv * zmask
    dinv_ref[...] = dinv


def _tc_pre(xp, wpre, bpre, sp, wse, bse, wg0, degp):
    row_spec = pl.BlockSpec((RBLK, D), lambda i: (i, 0))
    return pl.pallas_call(
        _tc_pre_body,
        grid=(NP // RBLK,),
        in_specs=[
            row_spec,
            pl.BlockSpec((D, D), lambda i: (0, 0)),
            pl.BlockSpec((1, D), lambda i: (0, 0)),
            pl.BlockSpec((RBLK, 16), lambda i: (i, 0)),
            pl.BlockSpec((16, D), lambda i: (0, 0)),
            pl.BlockSpec((1, D), lambda i: (0, 0)),
            pl.BlockSpec((D, D), lambda i: (0, 0)),
            pl.BlockSpec((NC, RBLK, D), lambda i: (0, i, 0)),
        ],
        out_specs=[row_spec, row_spec, row_spec,
                   pl.BlockSpec((RBLK, 1), lambda i: (i, 0))],
        out_shape=[
            jax.ShapeDtypeStruct((NP, D), jnp.float32),
            jax.ShapeDtypeStruct((NP, D), jnp.float32),
            jax.ShapeDtypeStruct((NP, D), jnp.float32),
            jax.ShapeDtypeStruct((NP, 1), jnp.float32),
        ],
    )(xp, wpre, bpre, sp, wse, bse, wg0, degp)


def _tc_layer_body(x_ref, s_ref, t_ref, dinv_ref, px_ref, ps_ref, pt_ref,
                   w1_ref, w2_ref, wgn_ref, bg_ref,
                   xn_ref, sn_ref, tn_ref):
    i = pl.program_id(0)
    x = x_ref[...]
    s = s_ref[...]
    t = t_ref[...]
    dinv = dinv_ref[...]
    hx = x + px_ref[0] + px_ref[1]
    hs = s + ps_ref[0] + ps_ref[1]
    h = _bdot(hx, w1_ref[:D, :]) + _bdot(hs, w1_ref[D:, :])
    h = _leaky(h)
    xn = _bdot(h, w2_ref[...])
    aggt = pt_ref[0] + pt_ref[1]
    sn = jnp.tanh((aggt + t) * dinv + bg_ref[...])
    rows = i * RBLK + lax.broadcasted_iota(jnp.int32, (RBLK, 1), 0)
    zmask = (rows < N).astype(jnp.float32)
    xn_ref[...] = xn * zmask
    sn = sn * zmask
    sn_ref[...] = sn
    tn_ref[...] = _bdot(sn, wgn_ref[...]) * dinv * zmask


def _tc_layer(x, s, t, dinv, px, ps, pt, w1, w2, wgn, bg):
    row_spec = pl.BlockSpec((RBLK, D), lambda i: (i, 0))
    part_spec = pl.BlockSpec((NC, RBLK, D), lambda i: (0, i, 0))
    return pl.pallas_call(
        _tc_layer_body,
        grid=(NP // RBLK,),
        in_specs=[
            row_spec,
            row_spec,
            row_spec,
            pl.BlockSpec((RBLK, 1), lambda i: (i, 0)),
            part_spec,
            part_spec,
            part_spec,
            pl.BlockSpec((2 * D, D), lambda i: (0, 0)),
            pl.BlockSpec((D, D), lambda i: (0, 0)),
            pl.BlockSpec((D, D), lambda i: (0, 0)),
            pl.BlockSpec((1, D), lambda i: (0, 0)),
        ],
        out_specs=[row_spec, row_spec, row_spec],
        out_shape=[
            jax.ShapeDtypeStruct((NP, D), jnp.float32),
            jax.ShapeDtypeStruct((NP, D), jnp.float32),
            jax.ShapeDtypeStruct((NP, D), jnp.float32),
        ],
    )(x, s, t, dinv, px, ps, pt, w1, w2, wgn, bg)


def _tc_final_body(x_ref, s_ref, batch_ref, gamma_ref, beta_ref,
                   whp_ref, bhp_ref, wf1_ref, wf2_ref, wf3_ref, wsc_ref,
                   out_ref):
    x = x_ref[:N, :]
    s = s_ref[:N, :]
    mu = jnp.mean(x, axis=0, keepdims=True)
    xc = x - mu
    var = jnp.mean(xc * xc, axis=0, keepdims=True)
    xl = xc * lax.rsqrt(var + 1e-4) * gamma_ref[...] + beta_ref[...]
    h = _bdot(xl, whp_ref[:D, :]) + _bdot(s, whp_ref[D:, :])
    h = h + bhp_ref[...]
    gids = lax.broadcasted_iota(jnp.int32, (G, 1), 0)
    m = (batch_ref[...] == gids).astype(jnp.float32)
    pooled = jnp.dot(m, h, preferred_element_type=jnp.float32, precision=lax.Precision.HIGHEST)
    b = _leaky(_bdot(pooled, wf1_ref[...]))
    b = _leaky(_bdot(b, wf2_ref[...]))
    b = _leaky(_bdot(b, wf3_ref[...]))
    out_ref[...] = b + _bdot(pooled, wsc_ref[...])


def _tc_final(x, s, batch2d, gamma, beta, whp, bhp, wf1, wf2, wf3, wsc):
    return pl.pallas_call(
        _tc_final_body,
        out_shape=jax.ShapeDtypeStruct((G, D), jnp.float32),
    )(x, s, batch2d, gamma, beta, whp, bhp, wf1, wf2, wf3, wsc)



def kernel(x, edge_index, batch, s, W_pre, b_pre, W_se, b_se, W1, W2,
           gamma, beta, Wg, bg, Whp, b_hp, Wf1, Wf2, Wf3, Wsc):
    src = edge_index[0].reshape(NW, EW)
    dst = edge_index[1].reshape(NW, EW)
    pad = EWP - EW
    srcw = jnp.pad(src, ((0, 0), (0, pad)), constant_values=N)
    dstw = jnp.pad(dst, ((0, 0), (0, pad)), constant_values=N)
    srcw = srcw.reshape(NW, CH, CHW)
    dstw = dstw.reshape(NW, CH, CHW)

    zeros_tab = jnp.zeros((NP, D), jnp.float32)
    ones_tab = jnp.concatenate(
        [jnp.ones((N, D), jnp.float32), jnp.zeros((NP - N, D), jnp.float32)],
        axis=0)

    scat = _get_sc_scatter()
    degp = scat(ones_tab, srcw, dstw, zeros_tab)

    xp = jnp.pad(x, ((0, NP - N), (0, 0)))
    sp = jnp.pad(s, ((0, NP - N), (0, 0)))
    x1, s1, t1, dinv = _tc_pre(
        xp, W_pre, b_pre.reshape(1, D), sp, W_se, b_se.reshape(1, D),
        Wg[0], degp)

    for i in range(LAYERS):
        px = scat(x1, srcw, dstw, zeros_tab)
        ps = scat(s1, srcw, dstw, zeros_tab)
        pt = scat(t1, srcw, dstw, zeros_tab)
        wg_next = Wg[i + 1] if i + 1 < LAYERS else Wg[0]
        x1, s1, t1 = _tc_layer(
            x1, s1, t1, dinv, px, ps, pt, W1[i], W2[i], wg_next,
            bg[i].reshape(1, D))

    return _tc_final(
        x1, s1, batch.reshape(1, N), gamma[2].reshape(1, D),
        beta[2].reshape(1, D), Whp, b_hp.reshape(1, D),
        Wf1, Wf2, Wf3, Wsc)

# --- scband reference (transcript-rebuilt; emitter-appended) ---
"""Pipeline reference for scband-graph-representation-learning-fedstar-68436008894717 (READ-ONLY COPY).

The authoritative reference and input builder live on the scoring server;
editing this copy changes nothing except your own understanding.
"""

import jax, jax.numpy as jnp
import numpy as np

N = 10000
E = 320000
D = 128
NSE = 16
L = 3
G = 128


def setup_inputs(seed: int = 0) -> dict:
    key = jax.random.key(seed)
    ks = jax.random.split(key, 24)
    sc = 0.05
    inp = {}
    inp["x"] = jax.random.normal(ks[0], (N, D), dtype=jnp.float32)
    inp["edge_index"] = jax.random.randint(ks[1], (2, E), 0, N, dtype=jnp.int32)
    inp["batch"] = jnp.sort(jax.random.randint(ks[2], (N,), 0, G, dtype=jnp.int32))
    inp["s"] = jax.random.normal(ks[3], (N, NSE), dtype=jnp.float32)
    inp["W_pre"] = jax.random.normal(ks[4], (D, D), dtype=jnp.float32) * sc
    inp["b_pre"] = jnp.zeros((D,), jnp.float32)
    inp["W_se"] = jax.random.normal(ks[5], (NSE, D), dtype=jnp.float32) * sc
    inp["b_se"] = jnp.zeros((D,), jnp.float32)
    inp["W1"] = jax.random.normal(ks[6], (L, 2 * D, D), dtype=jnp.float32) * sc
    inp["W2"] = jax.random.normal(ks[7], (L, D, D), dtype=jnp.float32) * sc
    inp["gamma"] = jnp.ones((L, D), jnp.float32)
    inp["beta"] = jnp.zeros((L, D), jnp.float32)
    inp["Wg"] = jax.random.normal(ks[8], (L, D, D), dtype=jnp.float32) * sc
    inp["bg"] = jnp.zeros((L, D), jnp.float32)
    inp["Whp"] = jax.random.normal(ks[9], (2 * D, D), dtype=jnp.float32) * sc
    inp["b_hp"] = jnp.zeros((D,), jnp.float32)
    inp["Wf1"] = jax.random.normal(ks[10], (D, D), dtype=jnp.float32) * sc
    inp["Wf2"] = jax.random.normal(ks[11], (D, D), dtype=jnp.float32) * sc
    inp["Wf3"] = jax.random.normal(ks[12], (D, D), dtype=jnp.float32) * sc
    inp["Wsc"] = jax.random.normal(ks[13], (D, D), dtype=jnp.float32) * sc
    return inp


def _gin(x, src, dst, W1, W2):
    # GINConv with eps=0: nn((1+eps)*x + sum_{j in N(i)} x_j)
    agg = jnp.zeros_like(x).at[dst].add(x[src])
    h = x + agg
    h = jax.nn.leaky_relu(h @ W1, negative_slope=0.01)
    return h @ W2


def _gcn(s, src, dst, W, b):
    # GCNConv: add self loops, symmetric normalization, aggregate at dst
    h = s @ W
    loop = jnp.arange(N, dtype=src.dtype)
    src2 = jnp.concatenate([src, loop])
    dst2 = jnp.concatenate([dst, loop])
    deg = jnp.zeros((N,), h.dtype).at[dst2].add(1.0)
    dinv = jnp.where(deg > 0, jax.lax.rsqrt(jnp.maximum(deg, 1e-12)), 0.0)
    norm = dinv[src2] * dinv[dst2]
    out = jnp.zeros_like(h).at[dst2].add(norm[:, None] * h[src2])
    return out + b


def _bn(x, g, b, eps=1e-4):
    # BatchNorm1d in training mode (batch statistics, biased variance)
    mu = jnp.mean(x, axis=0)
    var = jnp.mean((x - mu) ** 2, axis=0)
    return (x - mu) * jax.lax.rsqrt(var + eps) * g + b


def reference(x, edge_index, batch, s, W_pre, b_pre, W_se, b_se, W1, W2, gamma, beta, Wg, bg, Whp, b_hp, Wf1, Wf2, Wf3, Wsc):
    src, dst = edge_index[0], edge_index[1]
    x = x @ W_pre + b_pre
    s = s @ W_se + b_se
    x_local = x
    for i in range(L):
        xc = jnp.concatenate([x, s], axis=-1)
        x = _gin(xc, src, dst, W1[i], W2[i])
        x_local = _bn(x, gamma[i], beta[i])
        s = jnp.tanh(_gcn(s, src, dst, Wg[i], bg[i]))
    h = jnp.concatenate([x_local, s], axis=-1) @ Whp + b_hp
    pooled = jax.ops.segment_sum(h, batch, num_segments=G)
    blk = jax.nn.leaky_relu(pooled @ Wf1, negative_slope=0.01)
    blk = jax.nn.leaky_relu(blk @ Wf2, negative_slope=0.01)
    blk = jax.nn.leaky_relu(blk @ Wf3, negative_slope=0.01)
    return blk + pooled @ Wsc

if __name__ == "__main__":
    import jax
    _d = setup_inputs()
    print(jax.jit(kernel)(*tuple(_d.values())))

</pallas_src>

<mosaic_0001>
#map = affine_map<(d0, d1) -> (0, 0)>
#map1 = affine_map<(d0, d1) -> (0, 0, 0)>
module attributes {stable_mosaic.version = 14 : i64} {
  func.func @_sc_scatter_body(%arg0: i32, %arg1: i32, %arg2: memref<10112x128xf32, #tpu.memory_space<hbm>>, %arg3: memref<32x80x128xi32, #tpu.memory_space<hbm>>, %arg4: memref<32x80x128xi32, #tpu.memory_space<hbm>>, %arg5: memref<10112x128xf32, #tpu.memory_space<hbm>>, %arg6: memref<2x10112x128xf32, #tpu.memory_space<hbm>>, %arg7: memref<80x128xi32, #tpu.memory_space<vmem>>, %arg8: memref<80x128xi32, #tpu.memory_space<vmem>>, %arg9: memref<128x128xf32, #tpu.memory_space<vmem>>, %arg10: memref<10112x128xf32, #tpu.memory_space<vmem_shared>>, %arg11: memref<!tpu.dma_semaphore, #tpu.memory_space<semaphore_mem>>) attributes {dimension_semantics = [#tpu.dimension_semantics<core_parallel>, #tpu.dimension_semantics<subcore_parallel>], iteration_bounds = array<i64: 2, 16>, scalar_prefetch = 0 : i64, scratch_operands = 5 : i64, tpu.core_type = #tpu.core_type<sc_vector_subcore>, window_params = [{transform_indices = #map}, {transform_indices = #map1}, {transform_indices = #map1}, {transform_indices = #map}, {transform_indices = #map1}]} {
    %mul3A = arith.constant 16 : i32
    %mul3A_0 = arith.muli %arg0, %mul3A : i32
    %add3A = arith.addi %mul3A_0, %arg1 : i32
    "tpu.region"() ({
      %run_scoped3A = tpu.sem_alloc : memref<!tpu.dma_semaphore, #tpu.memory_space<semaphore_mem>>
      %dma_start3A = arith.constant 0 : i32
      %dma_start3A_9 = arith.constant 0 : i32
      %dma_start3A_10 = tpu.memref_slice %arg3[%add3A, %dma_start3A, %dma_start3A_9] : memref<32x80x128xi32, #tpu.memory_space<hbm>> -> memref<1x80x128xi32, #tpu.memory_space<hbm>>
      %dma_start3A_11 = tpu.memref_squeeze %dma_start3A_10 : memref<1x80x128xi32, #tpu.memory_space<hbm>> -> memref<80x128xi32, #tpu.memory_space<hbm>>
      %dma_start3A_12 = arith.constant 0 : i32
      %dma_start3A_13 = arith.constant 0 : i32
      %dma_start3A_14 = tpu.memref_slice %arg3[%add3A, %dma_start3A_12, %dma_start3A_13] : memref<32x80x128xi32, #tpu.memory_space<hbm>> -> memref<1x80x128xi32, #tpu.memory_space<hbm>>
      %dma_start3A_15 = tpu.memref_squeeze %dma_start3A_14 : memref<1x80x128xi32, #tpu.memory_space<hbm>> -> memref<80x128xi32, #tpu.memory_space<hbm>>
      tpu.enqueue_dma source(%dma_start3A_15 : memref<80x128xi32, #tpu.memory_space<hbm>>) target(%arg7 : memref<80x128xi32, #tpu.memory_space<vmem>>) target_semaphore(%run_scoped3A : memref<!tpu.dma_semaphore, #tpu.memory_space<semaphore_mem>>)
      %dma_wait3A = arith.constant 0 : i32
      %dma_wait3A_16 = arith.constant 0 : i32
      %dma_wait3A_17 = tpu.memref_slice %arg3[%add3A, %dma_wait3A, %dma_wait3A_16] : memref<32x80x128xi32, #tpu.memory_space<hbm>> -> memref<1x80x128xi32, #tpu.memory_space<hbm>>
      %dma_wait3A_18 = tpu.memref_squeeze %dma_wait3A_17 : memref<1x80x128xi32, #tpu.memory_space<hbm>> -> memref<80x128xi32, #tpu.memory_space<hbm>>
      %dma_wait3A_19 = arith.constant 0 : i32
      %dma_wait3A_20 = arith.constant 0 : i32
      %dma_wait3A_21 = tpu.memref_slice %arg3[%add3A, %dma_wait3A_19, %dma_wait3A_20] : memref<32x80x128xi32, #tpu.memory_space<hbm>> -> memref<1x80x128xi32, #tpu.memory_space<hbm>>
      %dma_wait3A_22 = tpu.memref_squeeze %dma_wait3A_21 : memref<1x80x128xi32, #tpu.memory_space<hbm>> -> memref<80x128xi32, #tpu.memory_space<hbm>>
      tpu.wait_dma2 semaphore(%run_scoped3A : memref<!tpu.dma_semaphore, #tpu.memory_space<semaphore_mem>>) src(%dma_wait3A_22 : memref<80x128xi32, #tpu.memory_space<hbm>>) dst(%arg7 : memref<80x128xi32, #tpu.memory_space<vmem>>)
      tpu.yield
    }) : () -> ()
    "tpu.region"() ({
      %run_scoped3A = tpu.sem_alloc : memref<!tpu.dma_semaphore, #tpu.memory_space<semaphore_mem>>
      %dma_start3A = arith.constant 0 : i32
      %dma_start3A_9 = arith.constant 0 : i32
      %dma_start3A_10 = tpu.memref_slice %arg4[%add3A, %dma_start3A, %dma_start3A_9] : memref<32x80x128xi32, #tpu.memory_space<hbm>> -> memref<1x80x128xi32, #tpu.memory_space<hbm>>
      %dma_start3A_11 = tpu.memref_squeeze %dma_start3A_10 : memref<1x80x128xi32, #tpu.memory_space<hbm>> -> memref<80x128xi32, #tpu.memory_space<hbm>>
      %dma_start3A_12 = arith.constant 0 : i32
      %dma_start3A_13 = arith.constant 0 : i32
      %dma_start3A_14 = tpu.memref_slice %arg4[%add3A, %dma_start3A_12, %dma_start3A_13] : memref<32x80x128xi32, #tpu.memory_space<hbm>> -> memref<1x80x128xi32, #tpu.memory_space<hbm>>
      %dma_start3A_15 = tpu.memref_squeeze %dma_start3A_14 : memref<1x80x128xi32, #tpu.memory_space<hbm>> -> memref<80x128xi32, #tpu.memory_space<hbm>>
      tpu.enqueue_dma source(%dma_start3A_15 : memref<80x128xi32, #tpu.memory_space<hbm>>) target(%arg8 : memref<80x128xi32, #tpu.memory_space<vmem>>) target_semaphore(%run_scoped3A : memref<!tpu.dma_semaphore, #tpu.memory_space<semaphore_mem>>)
      %dma_wait3A = arith.constant 0 : i32
      %dma_wait3A_16 = arith.constant 0 : i32
      %dma_wait3A_17 = tpu.memref_slice %arg4[%add3A, %dma_wait3A, %dma_wait3A_16] : memref<32x80x128xi32, #tpu.memory_space<hbm>> -> memref<1x80x128xi32, #tpu.memory_space<hbm>>
      %dma_wait3A_18 = tpu.memref_squeeze %dma_wait3A_17 : memref<1x80x128xi32, #tpu.memory_space<hbm>> -> memref<80x128xi32, #tpu.memory_space<hbm>>
      %dma_wait3A_19 = arith.constant 0 : i32
      %dma_wait3A_20 = arith.constant 0 : i32
      %dma_wait3A_21 = tpu.memref_slice %arg4[%add3A, %dma_wait3A_19, %dma_wait3A_20] : memref<32x80x128xi32, #tpu.memory_space<hbm>> -> memref<1x80x128xi32, #tpu.memory_space<hbm>>
      %dma_wait3A_22 = tpu.memref_squeeze %dma_wait3A_21 : memref<1x80x128xi32, #tpu.memory_space<hbm>> -> memref<80x128xi32, #tpu.memory_space<hbm>>
      tpu.wait_dma2 semaphore(%run_scoped3A : memref<!tpu.dma_semaphore, #tpu.memory_space<semaphore_mem>>) src(%dma_wait3A_22 : memref<80x128xi32, #tpu.memory_space<hbm>>) dst(%arg8 : memref<80x128xi32, #tpu.memory_space<vmem>>)
      tpu.yield
    }) : () -> ()
    %mul3A_1 = arith.constant 632 : i32
    %mul3A_2 = arith.muli %arg1, %mul3A_1 : i32
    "tpu.region"() ({
      %run_scoped3A = tpu.sem_alloc : memref<!tpu.dma_semaphore, #tpu.memory_space<semaphore_mem>>
      %dma_start3A = arith.constant 0 : i32
      %dma_start3A_9 = tpu.memref_slice %arg10[%mul3A_2, %dma_start3A] : memref<10112x128xf32, #tpu.memory_space<vmem_shared>> -> memref<632x128xf32, #tpu.memory_space<vmem_shared>>
      %dma_start3A_10 = arith.constant 0 : i32
      %dma_start3A_11 = tpu.memref_slice %arg5[%mul3A_2, %dma_start3A_10] : memref<10112x128xf32, #tpu.memory_space<hbm>> -> memref<632x128xf32, #tpu.memory_space<hbm>>
      tpu.enqueue_dma source(%dma_start3A_11 : memref<632x128xf32, #tpu.memory_space<hbm>>) target(%dma_start3A_9 : memref<632x128xf32, #tpu.memory_space<vmem_shared>>) target_semaphore(%run_scoped3A : memref<!tpu.dma_semaphore, #tpu.memory_space<semaphore_mem>>)
      %dma_wait3A = arith.constant 0 : i32
      %dma_wait3A_12 = tpu.memref_slice %arg10[%mul3A_2, %dma_wait3A] : memref<10112x128xf32, #tpu.memory_space<vmem_shared>> -> memref<632x128xf32, #tpu.memory_space<vmem_shared>>
      %dma_wait3A_13 = arith.constant 0 : i32
      %dma_wait3A_14 = tpu.memref_slice %arg5[%mul3A_2, %dma_wait3A_13] : memref<10112x128xf32, #tpu.memory_space<hbm>> -> memref<632x128xf32, #tpu.memory_space<hbm>>
      tpu.wait_dma2 semaphore(%run_scoped3A : memref<!tpu.dma_semaphore, #tpu.memory_space<semaphore_mem>>) src(%dma_wait3A_14 : memref<632x128xf32, #tpu.memory_space<hbm>>) dst(%dma_wait3A_12 : memref<632x128xf32, #tpu.memory_space<vmem_shared>>)
      tpu.yield
    }) : () -> ()
    %barrier3A = arith.constant 0 : index
    tpu.barrier barrier_id(%barrier3A)
    %scan3A = arith.constant 0 : i32
    %scan3A_3 = arith.constant 0 : i32
    %scan3A_4 = arith.constant 80 : i32
    %scan3A_5 = arith.addi %scan3A_3, %scan3A_4 : i32
    %scan3A_6 = arith.constant 1 : i32
    scf.for %scan3A_9 = %scan3A_3 to %scan3A_5 step %scan3A_6  : i32 {
      %dma_start3A = arith.constant 0 : i32
      %dma_start3A_10 = tpu.memref_slice %arg7[%scan3A_9, %dma_start3A] : memref<80x128xi32, #tpu.memory_space<vmem>> -> memref<1x128xi32, #tpu.memory_space<vmem>>
      %dma_start3A_11 = tpu.memref_squeeze %dma_start3A_10 : memref<1x128xi32, #tpu.memory_space<vmem>> -> memref<128xi32, #tpu.memory_space<vmem>>
      %dma_start3A_12 = arith.constant 0 : i32
      %dma_start3A_13 = arith.constant 0 : i32
      %dma_start3A_14 = tpu.memref_slice %arg2[%dma_start3A_12, %dma_start3A_13] : memref<10112x128xf32, #tpu.memory_space<hbm>> -> memref<10112x128xf32, #tpu.memory_space<hbm>>
      tpu.enqueue_indirect_dma source(%dma_start3A_14 : memref<10112x128xf32, #tpu.memory_space<hbm>>) target(%arg9 : memref<128x128xf32, #tpu.memory_space<vmem>>) offsets(%dma_start3A_11 : memref<128xi32, #tpu.memory_space<vmem>>) semaphore(%arg11 : memref<!tpu.dma_semaphore, #tpu.memory_space<semaphore_mem>>)
      %dma_wait3A = arith.constant 0 : i32
      %dma_wait3A_15 = tpu.memref_slice %arg7[%scan3A_9, %dma_wait3A] : memref<80x128xi32, #tpu.memory_space<vmem>> -> memref<1x128xi32, #tpu.memory_space<vmem>>
      %dma_wait3A_16 = tpu.memref_squeeze %dma_wait3A_15 : memref<1x128xi32, #tpu.memory_space<vmem>> -> memref<128xi32, #tpu.memory_space<vmem>>
      %dma_wait3A_17 = arith.constant 0 : i32
      %dma_wait3A_18 = arith.constant 0 : i32
      %dma_wait3A_19 = tpu.memref_slice %arg2[%dma_wait3A_17, %dma_wait3A_18] : memref<10112x128xf32, #tpu.memory_space<hbm>> -> memref<10112x128xf32, #tpu.memory_space<hbm>>
      tpu.wait_indirect_dma semaphore(%arg11 : memref<!tpu.dma_semaphore, #tpu.memory_space<semaphore_mem>>) src(%dma_wait3A_19 : memref<10112x128xf32, #tpu.memory_space<hbm>>) dst(%arg9 : memref<128x128xf32, #tpu.memory_space<vmem>>)
      "tpu.region"() ({
        %run_scoped3A = tpu.sem_alloc : memref<!tpu.dma_semaphore, #tpu.memory_space<semaphore_mem>>
        %dma_start3A_20 = arith.constant 0 : i32
        %dma_start3A_21 = tpu.memref_slice %arg8[%scan3A_9, %dma_start3A_20] : memref<80x128xi32, #tpu.memory_space<vmem>> -> memref<1x128xi32, #tpu.memory_space<vmem>>
        %dma_start3A_22 = tpu.memref_squeeze %dma_start3A_21 : memref<1x128xi32, #tpu.memory_space<vmem>> -> memref<128xi32, #tpu.memory_space<vmem>>
        %dma_start3A_23 = arith.constant 0 : i32
        %dma_start3A_24 = arith.constant 0 : i32
        %dma_start3A_25 = tpu.memref_slice %arg10[%dma_start3A_23, %dma_start3A_24] : memref<10112x128xf32, #tpu.memory_space<vmem_shared>> -> memref<10112x128xf32, #tpu.memory_space<vmem_shared>>
        tpu.enqueue_indirect_dma source(%arg9 : memref<128x128xf32, #tpu.memory_space<vmem>>) target(%dma_start3A_25 : memref<10112x128xf32, #tpu.memory_space<vmem_shared>>) offsets(%dma_start3A_22 : memref<128xi32, #tpu.memory_space<vmem>>) semaphore(%run_scoped3A : memref<!tpu.dma_semaphore, #tpu.memory_space<semaphore_mem>>) {add = true}
        %dma_wait3A_26 = arith.constant 0 : i32
        %dma_wait3A_27 = tpu.memref_slice %arg8[%scan3A_9, %dma_wait3A_26] : memref<80x128xi32, #tpu.memory_space<vmem>> -> memref<1x128xi32, #tpu.memory_space<vmem>>
        %dma_wait3A_28 = tpu.memref_squeeze %dma_wait3A_27 : memref<1x128xi32, #tpu.memory_space<vmem>> -> memref<128xi32, #tpu.memory_space<vmem>>
        %dma_wait3A_29 = arith.constant 0 : i32
        %dma_wait3A_30 = arith.constant 0 : i32
        %dma_wait3A_31 = tpu.memref_slice %arg10[%dma_wait3A_29, %dma_wait3A_30] : memref<10112x128xf32, #tpu.memory_space<vmem_shared>> -> memref<10112x128xf32, #tpu.memory_space<vmem_shared>>
        tpu.wait_indirect_dma semaphore(%run_scoped3A : memref<!tpu.dma_semaphore, #tpu.memory_space<semaphore_mem>>) src(%arg9 : memref<128x128xf32, #tpu.memory_space<vmem>>) dst(%dma_wait3A_31 : memref<10112x128xf32, #tpu.memory_space<vmem_shared>>)
        tpu.yield
      }) : () -> ()
    }
    %scan3A_7 = arith.constant 80 : i32
    %barrier3A_8 = arith.constant 0 : index
    tpu.barrier barrier_id(%barrier3A_8)
    "tpu.region"() ({
      %run_scoped3A = tpu.sem_alloc : memref<!tpu.dma_semaphore, #tpu.memory_space<semaphore_mem>>
      %dma_start3A = arith.constant 0 : i32
      %dma_start3A_9 = arith.constant 0 : i32
      %dma_start3A_10 = tpu.memref_slice %arg6[%arg0, %dma_start3A, %dma_start3A_9] : memref<2x10112x128xf32, #tpu.memory_space<hbm>> -> memref<1x10112x128xf32, #tpu.memory_space<hbm>>
      %dma_start3A_11 = tpu.memref_squeeze %dma_start3A_10 : memref<1x10112x128xf32, #tpu.memory_space<hbm>> -> memref<10112x128xf32, #tpu.memory_space<hbm>>
      %dma_start3A_12 = arith.constant 0 : i32
      %dma_start3A_13 = tpu.memref_slice %dma_start3A_11[%mul3A_2, %dma_start3A_12] : memref<10112x128xf32, #tpu.memory_space<hbm>> -> memref<632x128xf32, #tpu.memory_space<hbm>>
      %dma_start3A_14 = arith.constant 0 : i32
      %dma_start3A_15 = tpu.memref_slice %arg10[%mul3A_2, %dma_start3A_14] : memref<10112x128xf32, #tpu.memory_space<vmem_shared>> -> memref<632x128xf32, #tpu.memory_space<vmem_shared>>
      tpu.enqueue_dma source(%dma_start3A_15 : memref<632x128xf32, #tpu.memory_space<vmem_shared>>) target(%dma_start3A_13 : memref<632x128xf32, #tpu.memory_space<hbm>>) target_semaphore(%run_scoped3A : memref<!tpu.dma_semaphore, #tpu.memory_space<semaphore_mem>>)
      %dma_wait3A = arith.constant 0 : i32
      %dma_wait3A_16 = arith.constant 0 : i32
      %dma_wait3A_17 = tpu.memref_slice %arg6[%arg0, %dma_wait3A, %dma_wait3A_16] : memref<2x10112x128xf32, #tpu.memory_space<hbm>> -> memref<1x10112x128xf32, #tpu.memory_space<hbm>>
      %dma_wait3A_18 = tpu.memref_squeeze %dma_wait3A_17 : memref<1x10112x128xf32, #tpu.memory_space<hbm>> -> memref<10112x128xf32, #tpu.memory_space<hbm>>
      %dma_wait3A_19 = arith.constant 0 : i32
      %dma_wait3A_20 = tpu.memref_slice %dma_wait3A_18[%mul3A_2, %dma_wait3A_19] : memref<10112x128xf32, #tpu.memory_space<hbm>> -> memref<632x128xf32, #tpu.memory_space<hbm>>
      %dma_wait3A_21 = arith.constant 0 : i32
      %dma_wait3A_22 = tpu.memref_slice %arg10[%mul3A_2, %dma_wait3A_21] : memref<10112x128xf32, #tpu.memory_space<vmem_shared>> -> memref<632x128xf32, #tpu.memory_space<vmem_shared>>
      tpu.wait_dma2 semaphore(%run_scoped3A : memref<!tpu.dma_semaphore, #tpu.memory_space<semaphore_mem>>) src(%dma_wait3A_22 : memref<632x128xf32, #tpu.memory_space<vmem_shared>>) dst(%dma_wait3A_20 : memref<632x128xf32, #tpu.memory_space<hbm>>)
      tpu.yield
    }) : () -> ()
    return
  }
}

#map = affine_map<(d0, d1) -> (0, 0)>
#map1 = affine_map<(d0, d1) -> (0, 0, 0)>
module attributes {stable_mosaic.version = 14 : i64} {
  func.func @_sc_scatter_body(%arg0: i32, %arg1: i32, %arg2: memref<10112x128xf32, #tpu.memory_space<hbm>>, %arg3: memref<32x80x128xi32, #tpu.memory_space<hbm>>, %arg4: memref<32x80x128xi32, #tpu.memory_space<hbm>>, %arg5: memref<10112x128xf32, #tpu.memory_space<hbm>>, %arg6: memref<2x10112x128xf32, #tpu.memory_space<hbm>>, %arg7: memref<80x128xi32, #tpu.memory_space<vmem>>, %arg8: memref<80x128xi32, #tpu.memory_space<vmem>>, %arg9: memref<128x128xf32, #tpu.memory_space<vmem>>, %arg10: memref<10112x128xf32, #tpu.memory_space<vmem_shared>>, %arg11: memref<!tpu.dma_semaphore, #tpu.memory_space<semaphore_mem>>) attributes {dimension_semantics = [#tpu.dimension_semantics<core_parallel>, #tpu.dimension_semantics<subcore_parallel>], iteration_bounds = array<i64: 2, 16>, scalar_prefetch = 0 : i64, scratch_operands = 5 : i64, tpu.core_type = #tpu.core_type<sc_vector_subcore>, window_params = [{transform_indices = #map}, {transform_indices = #map1}, {transform_indices = #map1}, {transform_indices = #map}, {transform_indices = #map1}]} {
    %mul3A = arith.constant 16 : i32
    %mul3A_0 = arith.muli %arg0, %mul3A : i32
    %add3A = arith.addi %mul3A_0, %arg1 : i32
    "tpu.region"() ({
      %run_scoped3A = tpu.sem_alloc : memref<!tpu.dma_semaphore, #tpu.memory_space<semaphore_mem>>
      %dma_start3A = arith.constant 0 : i32
      %dma_start3A_9 = arith.constant 0 : i32
      %dma_start3A_10 = tpu.memref_slice %arg3[%add3A, %dma_start3A, %dma_start3A_9] : memref<32x80x128xi32, #tpu.memory_space<hbm>> -> memref<1x80x128xi32, #tpu.memory_space<hbm>>
      %dma_start3A_11 = tpu.memref_squeeze %dma_start3A_10 : memref<1x80x128xi32, #tpu.memory_space<hbm>> -> memref<80x128xi32, #tpu.memory_space<hbm>>
      %dma_start3A_12 = arith.constant 0 : i32
      %dma_start3A_13 = arith.constant 0 : i32
      %dma_start3A_14 = tpu.memref_slice %arg3[%add3A, %dma_start3A_12, %dma_start3A_13] : memref<32x80x128xi32, #tpu.memory_space<hbm>> -> memref<1x80x128xi32, #tpu.memory_space<hbm>>
      %dma_start3A_15 = tpu.memref_squeeze %dma_start3A_14 : memref<1x80x128xi32, #tpu.memory_space<hbm>> -> memref<80x128xi32, #tpu.memory_space<hbm>>
      tpu.enqueue_dma source(%dma_start3A_15 : memref<80x128xi32, #tpu.memory_space<hbm>>) target(%arg7 : memref<80x128xi32, #tpu.memory_space<vmem>>) target_semaphore(%run_scoped3A : memref<!tpu.dma_semaphore, #tpu.memory_space<semaphore_mem>>)
      %dma_wait3A = arith.constant 0 : i32
      %dma_wait3A_16 = arith.constant 0 : i32
      %dma_wait3A_17 = tpu.memref_slice %arg3[%add3A, %dma_wait3A, %dma_wait3A_16] : memref<32x80x128xi32, #tpu.memory_space<hbm>> -> memref<1x80x128xi32, #tpu.memory_space<hbm>>
      %dma_wait3A_18 = tpu.memref_squeeze %dma_wait3A_17 : memref<1x80x128xi32, #tpu.memory_space<hbm>> -> memref<80x128xi32, #tpu.memory_space<hbm>>
      %dma_wait3A_19 = arith.constant 0 : i32
      %dma_wait3A_20 = arith.constant 0 : i32
      %dma_wait3A_21 = tpu.memref_slice %arg3[%add3A, %dma_wait3A_19, %dma_wait3A_20] : memref<32x80x128xi32, #tpu.memory_space<hbm>> -> memref<1x80x128xi32, #tpu.memory_space<hbm>>
      %dma_wait3A_22 = tpu.memref_squeeze %dma_wait3A_21 : memref<1x80x128xi32, #tpu.memory_space<hbm>> -> memref<80x128xi32, #tpu.memory_space<hbm>>
      tpu.wait_dma2 semaphore(%run_scoped3A : memref<!tpu.dma_semaphore, #tpu.memory_space<semaphore_mem>>) src(%dma_wait3A_22 : memref<80x128xi32, #tpu.memory_space<hbm>>) dst(%arg7 : memref<80x128xi32, #tpu.memory_space<vmem>>)
      tpu.yield
    }) : () -> ()
    "tpu.region"() ({
      %run_scoped3A = tpu.sem_alloc : memref<!tpu.dma_semaphore, #tpu.memory_space<semaphore_mem>>
      %dma_start3A = arith.constant 0 : i32
      %dma_start3A_9 = arith.constant 0 : i32
      %dma_start3A_10 = tpu.memref_slice %arg4[%add3A, %dma_start3A, %dma_start3A_9] : memref<32x80x128xi32, #tpu.memory_space<hbm>> -> memref<1x80x128xi32, #tpu.memory_space<hbm>>
      %dma_start3A_11 = tpu.memref_squeeze %dma_start3A_10 : memref<1x80x128xi32, #tpu.memory_space<hbm>> -> memref<80x128xi32, #tpu.memory_space<hbm>>
      %dma_start3A_12 = arith.constant 0 : i32
      %dma_start3A_13 = arith.constant 0 : i32
      %dma_start3A_14 = tpu.memref_slice %arg4[%add3A, %dma_start3A_12, %dma_start3A_13] : memref<32x80x128xi32, #tpu.memory_space<hbm>> -> memref<1x80x128xi32, #tpu.memory_space<hbm>>
      %dma_start3A_15 = tpu.memref_squeeze %dma_start3A_14 : memref<1x80x128xi32, #tpu.memory_space<hbm>> -> memref<80x128xi32, #tpu.memory_space<hbm>>
      tpu.enqueue_dma source(%dma_start3A_15 : memref<80x128xi32, #tpu.memory_space<hbm>>) target(%arg8 : memref<80x128xi32, #tpu.memory_space<vmem>>) target_semaphore(%run_scoped3A : memref<!tpu.dma_semaphore, #tpu.memory_space<semaphore_mem>>)
      %dma_wait3A = arith.constant 0 : i32
      %dma_wait3A_16 = arith.constant 0 : i32
      %dma_wait3A_17 = tpu.memref_slice %arg4[%add3A, %dma_wait3A, %dma_wait3A_16] : memref<32x80x128xi32, #tpu.memory_space<hbm>> -> memref<1x80x128xi32, #tpu.memory_space<hbm>>
      %dma_wait3A_18 = tpu.memref_squeeze %dma_wait3A_17 : memref<1x80x128xi32, #tpu.memory_space<hbm>> -> memref<80x128xi32, #tpu.memory_space<hbm>>
      %dma_wait3A_19 = arith.constant 0 : i32
      %dma_wait3A_20 = arith.constant 0 : i32
      %dma_wait3A_21 = tpu.memref_slice %arg4[%add3A, %dma_wait3A_19, %dma_wait3A_20] : memref<32x80x128xi32, #tpu.memory_space<hbm>> -> memref<1x80x128xi32, #tpu.memory_space<hbm>>
      %dma_wait3A_22 = tpu.memref_squeeze %dma_wait3A_21 : memref<1x80x128xi32, #tpu.memory_space<hbm>> -> memref<80x128xi32, #tpu.memory_space<hbm>>
      tpu.wait_dma2 semaphore(%run_scoped3A : memref<!tpu.dma_semaphore, #tpu.memory_space<semaphore_mem>>) src(%dma_wait3A_22 : memref<80x128xi32, #tpu.memory_space<hbm>>) dst(%arg8 : memref<80x128xi32, #tpu.memory_space<vmem>>)
      tpu.yield
    }) : () -> ()
    %mul3A_1 = arith.constant 632 : i32
    %mul3A_2 = arith.muli %arg1, %mul3A_1 : i32
    "tpu.region"() ({
      %run_scoped3A = tpu.sem_alloc : memref<!tpu.dma_semaphore, #tpu.memory_space<semaphore_mem>>
      %dma_start3A = arith.constant 0 : i32
      %dma_start3A_9 = tpu.memref_slice %arg10[%mul3A_2, %dma_start3A] : memref<10112x128xf32, #tpu.memory_space<vmem_shared>> -> memref<632x128xf32, #tpu.memory_space<vmem_shared>>
      %dma_start3A_10 = arith.constant 0 : i32
      %dma_start3A_11 = tpu.memref_slice %arg5[%mul3A_2, %dma_start3A_10] : memref<10112x128xf32, #tpu.memory_space<hbm>> -> memref<632x128xf32, #tpu.memory_space<hbm>>
      tpu.enqueue_dma source(%dma_start3A_11 : memref<632x128xf32, #tpu.memory_space<hbm>>) target(%dma_start3A_9 : memref<632x128xf32, #tpu.memory_space<vmem_shared>>) target_semaphore(%run_scoped3A : memref<!tpu.dma_semaphore, #tpu.memory_space<semaphore_mem>>)
      %dma_wait3A = arith.constant 0 : i32
      %dma_wait3A_12 = tpu.memref_slice %arg10[%mul3A_2, %dma_wait3A] : memref<10112x128xf32, #tpu.memory_space<vmem_shared>> -> memref<632x128xf32, #tpu.memory_space<vmem_shared>>
      %dma_wait3A_13 = arith.constant 0 : i32
      %dma_wait3A_14 = tpu.memref_slice %arg5[%mul3A_2, %dma_wait3A_13] : memref<10112x128xf32, #tpu.memory_space<hbm>> -> memref<632x128xf32, #tpu.memory_space<hbm>>
      tpu.wait_dma2 semaphore(%run_scoped3A : memref<!tpu.dma_semaphore, #tpu.memory_space<semaphore_mem>>) src(%dma_wait3A_14 : memref<632x128xf32, #tpu.memory_space<hbm>>) dst(%dma_wait3A_12 : memref<632x128xf32, #tpu.memory_space<vmem_shared>>)
      tpu.yield
    }) : () -> ()
    %barrier3A = arith.constant 0 : index
    tpu.barrier barrier_id(%barrier3A)
    %scan3A = arith.constant 0 : i32
    %scan3A_3 = arith.constant 0 : i32
    %scan3A_4 = arith.constant 80 : i32
    %scan3A_5 = arith.addi %scan3A_3, %scan3A_4 : i32
    %scan3A_6 = arith.constant 1 : i32
    scf.for %scan3A_9 = %scan3A_3 to %scan3A_5 step %scan3A_6  : i32 {
      %dma_start3A = arith.constant 0 : i32
      %dma_start3A_10 = tpu.memref_slice %arg7[%scan3A_9, %dma_start3A] : memref<80x128xi32, #tpu.memory_space<vmem>> -> memref<1x128xi32, #tpu.memory_space<vmem>>
      %dma_start3A_11 = tpu.memref_squeeze %dma_start3A_10 : memref<1x128xi32, #tpu.memory_space<vmem>> -> memref<128xi32, #tpu.memory_space<vmem>>
      %dma_start3A_12 = arith.constant 0 : i32
      %dma_start3A_13 = arith.constant 0 : i32
      %dma_start3A_14 = tpu.memref_slice %arg2[%dma_start3A_12, %dma_start3A_13] : memref<10112x128xf32, #tpu.memory_space<hbm>> -> memref<10112x128xf32, #tpu.memory_space<hbm>>
      tpu.enqueue_indirect_dma source(%dma_start3A_14 : memref<10112x128xf32, #tpu.memory_space<hbm>>) target(%arg9 : memref<128x128xf32, #tpu.memory_space<vmem>>) offsets(%dma_start3A_11 : memref<128xi32, #tpu.memory_space<vmem>>) semaphore(%arg11 : memref<!tpu.dma_semaphore, #tpu.memory_space<semaphore_mem>>)
      %dma_wait3A = arith.constant 0 : i32
      %dma_wait3A_15 = tpu.memref_slice %arg7[%scan3A_9, %dma_wait3A] : memref<80x128xi32, #tpu.memory_space<vmem>> -> memref<1x128xi32, #tpu.memory_space<vmem>>
      %dma_wait3A_16 = tpu.memref_squeeze %dma_wait3A_15 : memref<1x128xi32, #tpu.memory_space<vmem>> -> memref<128xi32, #tpu.memory_space<vmem>>
      %dma_wait3A_17 = arith.constant 0 : i32
      %dma_wait3A_18 = arith.constant 0 : i32
      %dma_wait3A_19 = tpu.memref_slice %arg2[%dma_wait3A_17, %dma_wait3A_18] : memref<10112x128xf32, #tpu.memory_space<hbm>> -> memref<10112x128xf32, #tpu.memory_space<hbm>>
      tpu.wait_indirect_dma semaphore(%arg11 : memref<!tpu.dma_semaphore, #tpu.memory_space<semaphore_mem>>) src(%dma_wait3A_19 : memref<10112x128xf32, #tpu.memory_space<hbm>>) dst(%arg9 : memref<128x128xf32, #tpu.memory_space<vmem>>)
      "tpu.region"() ({
        %run_scoped3A = tpu.sem_alloc : memref<!tpu.dma_semaphore, #tpu.memory_space<semaphore_mem>>
        %dma_start3A_20 = arith.constant 0 : i32
        %dma_start3A_21 = tpu.memref_slice %arg8[%scan3A_9, %dma_start3A_20] : memref<80x128xi32, #tpu.memory_space<vmem>> -> memref<1x128xi32, #tpu.memory_space<vmem>>
        %dma_start3A_22 = tpu.memref_squeeze %dma_start3A_21 : memref<1x128xi32, #tpu.memory_space<vmem>> -> memref<128xi32, #tpu.memory_space<vmem>>
        %dma_start3A_23 = arith.constant 0 : i32
        %dma_start3A_24 = arith.constant 0 : i32
        %dma_start3A_25 = tpu.memref_slice %arg10[%dma_start3A_23, %dma_start3A_24] : memref<10112x128xf32, #tpu.memory_space<vmem_shared>> -> memref<10112x128xf32, #tpu.memory_space<vmem_shared>>
        tpu.enqueue_indirect_dma source(%arg9 : memref<128x128xf32, #tpu.memory_space<vmem>>) target(%dma_start3A_25 : memref<10112x128xf32, #tpu.memory_space<vmem_shared>>) offsets(%dma_start3A_22 : memref<128xi32, #tpu.memory_space<vmem>>) semaphore(%run_scoped3A : memref<!tpu.dma_semaphore, #tpu.memory_space<semaphore_mem>>) {add = true}
        %dma_wait3A_26 = arith.constant 0 : i32
        %dma_wait3A_27 = tpu.memref_slice %arg8[%scan3A_9, %dma_wait3A_26] : memref<80x128xi32, #tpu.memory_space<vmem>> -> memref<1x128xi32, #tpu.memory_space<vmem>>
        %dma_wait3A_28 = tpu.memref_squeeze %dma_wait3A_27 : memref<1x128xi32, #tpu.memory_space<vmem>> -> memref<128xi32, #tpu.memory_space<vmem>>
        %dma_wait3A_29 = arith.constant 0 : i32
        %dma_wait3A_30 = arith.constant 0 : i32
        %dma_wait3A_31 = tpu.memref_slice %arg10[%dma_wait3A_29, %dma_wait3A_30] : memref<10112x128xf32, #tpu.memory_space<vmem_shared>> -> memref<10112x128xf32, #tpu.memory_space<vmem_shared>>
        tpu.wait_indirect_dma semaphore(%run_scoped3A : memref<!tpu.dma_semaphore, #tpu.memory_space<semaphore_mem>>) src(%arg9 : memref<128x128xf32, #tpu.memory_space<vmem>>) dst(%dma_wait3A_31 : memref<10112x128xf32, #tpu.memory_space<vmem_shared>>)
        tpu.yield
      }) : () -> ()
    }
    %scan3A_7 = arith.constant 80 : i32
    %barrier3A_8 = arith.constant 0 : index
    tpu.barrier barrier_id(%barrier3A_8)
    "tpu.region"() ({
      %run_scoped3A = tpu.sem_alloc : memref<!tpu.dma_semaphore, #tpu.memory_space<semaphore_mem>>
      %dma_start3A = arith.constant 0 : i32
      %dma_start3A_9 = arith.constant 0 : i32
      %dma_start3A_10 = tpu.memref_slice %arg6[%arg0, %dma_start3A, %dma_start3A_9] : memref<2x10112x128xf32, #tpu.memory_space<hbm>> -> memref<1x10112x128xf32, #tpu.memory_space<hbm>>
      %dma_start3A_11 = tpu.memref_squeeze %dma_start3A_10 : memref<1x10112x128xf32, #tpu.memory_space<hbm>> -> memref<10112x128xf32, #tpu.memory_space<hbm>>
      %dma_start3A_12 = arith.constant 0 : i32
      %dma_start3A_13 = tpu.memref_slice %dma_start3A_11[%mul3A_2, %dma_start3A_12] : memref<10112x128xf32, #tpu.memory_space<hbm>> -> memref<632x128xf32, #tpu.memory_space<hbm>>
      %dma_start3A_14 = arith.constant 0 : i32
      %dma_start3A_15 = tpu.memref_slice %arg10[%mul3A_2, %dma_start3A_14] : memref<10112x128xf32, #tpu.memory_space<vmem_shared>> -> memref<632x128xf32, #tpu.memory_space<vmem_shared>>
      tpu.enqueue_dma source(%dma_start3A_15 : memref<632x128xf32, #tpu.memory_space<vmem_shared>>) target(%dma_start3A_13 : memref<632x128xf32, #tpu.memory_space<hbm>>) target_semaphore(%run_scoped3A : memref<!tpu.dma_semaphore, #tpu.memory_space<semaphore_mem>>)
      %dma_wait3A = arith.constant 0 : i32
      %dma_wait3A_16 = arith.constant 0 : i32
      %dma_wait3A_17 = tpu.memref_slice %arg6[%arg0, %dma_wait3A, %dma_wait3A_16] : memref<2x10112x128xf32, #tpu.memory_space<hbm>> -> memref<1x10112x128xf32, #tpu.memory_space<hbm>>
      %dma_wait3A_18 = tpu.memref_squeeze %dma_wait3A_17 : memref<1x10112x128xf32, #tpu.memory_space<hbm>> -> memref<10112x128xf32, #tpu.memory_space<hbm>>
      %dma_wait3A_19 = arith.constant 0 : i32
      %dma_wait3A_20 = tpu.memref_slice %dma_wait3A_18[%mul3A_2, %dma_wait3A_19] : memref<10112x128xf32, #tpu.memory_space<hbm>> -> memref<632x128xf32, #tpu.memory_space<hbm>>
      %dma_wait3A_21 = arith.constant 0 : i32
      %dma_wait3A_22 = tpu.memref_slice %arg10[%mul3A_2, %dma_wait3A_21] : memref<10112x128xf32, #tpu.memory_space<vmem_shared>> -> memref<632x128xf32, #tpu.memory_space<vmem_shared>>
      tpu.wait_dma2 semaphore(%run_scoped3A : memref<!tpu.dma_semaphore, #tpu.memory_space<semaphore_mem>>) src(%dma_wait3A_22 : memref<632x128xf32, #tpu.memory_space<vmem_shared>>) dst(%dma_wait3A_20 : memref<632x128xf32, #tpu.memory_space<hbm>>)
      tpu.yield
    }) : () -> ()
    return
  }
}

#map = affine_map<(d0, d1) -> (0, 0)>
#map1 = affine_map<(d0, d1) -> (0, 0, 0)>
module attributes {stable_mosaic.version = 14 : i64} {
  func.func @_sc_scatter_body(%arg0: i32, %arg1: i32, %arg2: memref<10112x128xf32, #tpu.memory_space<hbm>>, %arg3: memref<32x80x128xi32, #tpu.memory_space<hbm>>, %arg4: memref<32x80x128xi32, #tpu.memory_space<hbm>>, %arg5: memref<10112x128xf32, #tpu.memory_space<hbm>>, %arg6: memref<2x10112x128xf32, #tpu.memory_space<hbm>>, %arg7: memref<80x128xi32, #tpu.memory_space<vmem>>, %arg8: memref<80x128xi32, #tpu.memory_space<vmem>>, %arg9: memref<128x128xf32, #tpu.memory_space<vmem>>, %arg10: memref<10112x128xf32, #tpu.memory_space<vmem_shared>>, %arg11: memref<!tpu.dma_semaphore, #tpu.memory_space<semaphore_mem>>) attributes {dimension_semantics = [#tpu.dimension_semantics<core_parallel>, #tpu.dimension_semantics<subcore_parallel>], iteration_bounds = array<i64: 2, 16>, scalar_prefetch = 0 : i64, scratch_operands = 5 : i64, tpu.core_type = #tpu.core_type<sc_vector_subcore>, window_params = [{transform_indices = #map}, {transform_indices = #map1}, {transform_indices = #map1}, {transform_indices = #map}, {transform_indices = #map1}]} {
    %mul3A = arith.constant 16 : i32
    %mul3A_0 = arith.muli %arg0, %mul3A : i32
    %add3A = arith.addi %mul3A_0, %arg1 : i32
    "tpu.region"() ({
      %run_scoped3A = tpu.sem_alloc : memref<!tpu.dma_semaphore, #tpu.memory_space<semaphore_mem>>
      %dma_start3A = arith.constant 0 : i32
      %dma_start3A_9 = arith.constant 0 : i32
      %dma_start3A_10 = tpu.memref_slice %arg3[%add3A, %dma_start3A, %dma_start3A_9] : memref<32x80x128xi32, #tpu.memory_space<hbm>> -> memref<1x80x128xi32, #tpu.memory_space<hbm>>
      %dma_start3A_11 = tpu.memref_squeeze %dma_start3A_10 : memref<1x80x128xi32, #tpu.memory_space<hbm>> -> memref<80x128xi32, #tpu.memory_space<hbm>>
      %dma_start3A_12 = arith.constant 0 : i32
      %dma_start3A_13 = arith.constant 0 : i32
      %dma_start3A_14 = tpu.memref_slice %arg3[%add3A, %dma_start3A_12, %dma_start3A_13] : memref<32x80x128xi32, #tpu.memory_space<hbm>> -> memref<1x80x128xi32, #tpu.memory_space<hbm>>
      %dma_start3A_15 = tpu.memref_squeeze %dma_start3A_14 : memref<1x80x128xi32, #tpu.memory_space<hbm>> -> memref<80x128xi32, #tpu.memory_space<hbm>>
      tpu.enqueue_dma source(%dma_start3A_15 : memref<80x128xi32, #tpu.memory_space<hbm>>) target(%arg7 : memref<80x128xi32, #tpu.memory_space<vmem>>) target_semaphore(%run_scoped3A : memref<!tpu.dma_semaphore, #tpu.memory_space<semaphore_mem>>)
      %dma_wait3A = arith.constant 0 : i32
      %dma_wait3A_16 = arith.constant 0 : i32
      %dma_wait3A_17 = tpu.memref_slice %arg3[%add3A, %dma_wait3A, %dma_wait3A_16] : memref<32x80x128xi32, #tpu.memory_space<hbm>> -> memref<1x80x128xi32, #tpu.memory_space<hbm>>
      %dma_wait3A_18 = tpu.memref_squeeze %dma_wait3A_17 : memref<1x80x128xi32, #tpu.memory_space<hbm>> -> memref<80x128xi32, #tpu.memory_space<hbm>>
      %dma_wait3A_19 = arith.constant 0 : i32
      %dma_wait3A_20 = arith.constant 0 : i32
      %dma_wait3A_21 = tpu.memref_slice %arg3[%add3A, %dma_wait3A_19, %dma_wait3A_20] : memref<32x80x128xi32, #tpu.memory_space<hbm>> -> memref<1x80x128xi32, #tpu.memory_space<hbm>>
      %dma_wait3A_22 = tpu.memref_squeeze %dma_wait3A_21 : memref<1x80x128xi32, #tpu.memory_space<hbm>> -> memref<80x128xi32, #tpu.memory_space<hbm>>
      tpu.wait_dma2 semaphore(%run_scoped3A : memref<!tpu.dma_semaphore, #tpu.memory_space<semaphore_mem>>) src(%dma_wait3A_22 : memref<80x128xi32, #tpu.memory_space<hbm>>) dst(%arg7 : memref<80x128xi32, #tpu.memory_space<vmem>>)
      tpu.yield
    }) : () -> ()
    "tpu.region"() ({
      %run_scoped3A = tpu.sem_alloc : memref<!tpu.dma_semaphore, #tpu.memory_space<semaphore_mem>>
      %dma_start3A = arith.constant 0 : i32
      %dma_start3A_9 = arith.constant 0 : i32
      %dma_start3A_10 = tpu.memref_slice %arg4[%add3A, %dma_start3A, %dma_start3A_9] : memref<32x80x128xi32, #tpu.memory_space<hbm>> -> memref<1x80x128xi32, #tpu.memory_space<hbm>>
      %dma_start3A_11 = tpu.memref_squeeze %dma_start3A_10 : memref<1x80x128xi32, #tpu.memory_space<hbm>> -> memref<80x128xi32, #tpu.memory_space<hbm>>
      %dma_start3A_12 = arith.constant 0 : i32
      %dma_start3A_13 = arith.constant 0 : i32
      %dma_start3A_14 = tpu.memref_slice %arg4[%add3A, %dma_start3A_12, %dma_start3A_13] : memref<32x80x128xi32, #tpu.memory_space<hbm>> -> memref<1x80x128xi32, #tpu.memory_space<hbm>>
      %dma_start3A_15 = tpu.memref_squeeze %dma_start3A_14 : memref<1x80x128xi32, #tpu.memory_space<hbm>> -> memref<80x128xi32, #tpu.memory_space<hbm>>
      tpu.enqueue_dma source(%dma_start3A_15 : memref<80x128xi32, #tpu.memory_space<hbm>>) target(%arg8 : memref<80x128xi32, #tpu.memory_space<vmem>>) target_semaphore(%run_scoped3A : memref<!tpu.dma_semaphore, #tpu.memory_space<semaphore_mem>>)
      %dma_wait3A = arith.constant 0 : i32
      %dma_wait3A_16 = arith.constant 0 : i32
      %dma_wait3A_17 = tpu.memref_slice %arg4[%add3A, %dma_wait3A, %dma_wait3A_16] : memref<32x80x128xi32, #tpu.memory_space<hbm>> -> memref<1x80x128xi32, #tpu.memory_space<hbm>>
      %dma_wait3A_18 = tpu.memref_squeeze %dma_wait3A_17 : memref<1x80x128xi32, #tpu.memory_space<hbm>> -> memref<80x128xi32, #tpu.memory_space<hbm>>
      %dma_wait3A_19 = arith.constant 0 : i32
      %dma_wait3A_20 = arith.constant 0 : i32
      %dma_wait3A_21 = tpu.memref_slice %arg4[%add3A, %dma_wait3A_19, %dma_wait3A_20] : memref<32x80x128xi32, #tpu.memory_space<hbm>> -> memref<1x80x128xi32, #tpu.memory_space<hbm>>
      %dma_wait3A_22 = tpu.memref_squeeze %dma_wait3A_21 : memref<1x80x128xi32, #tpu.memory_space<hbm>> -> memref<80x128xi32, #tpu.memory_space<hbm>>
      tpu.wait_dma2 semaphore(%run_scoped3A : memref<!tpu.dma_semaphore, #tpu.memory_space<semaphore_mem>>) src(%dma_wait3A_22 : memref<80x128xi32, #tpu.memory_space<hbm>>) dst(%arg8 : memref<80x128xi32, #tpu.memory_space<vmem>>)
      tpu.yield
    }) : () -> ()
    %mul3A_1 = arith.constant 632 : i32
    %mul3A_2 = arith.muli %arg1, %mul3A_1 : i32
    "tpu.region"() ({
      %run_scoped3A = tpu.sem_alloc : memref<!tpu.dma_semaphore, #tpu.memory_space<semaphore_mem>>
      %dma_start3A = arith.constant 0 : i32
      %dma_start3A_9 = tpu.memref_slice %arg10[%mul3A_2, %dma_start3A] : memref<10112x128xf32, #tpu.memory_space<vmem_shared>> -> memref<632x128xf32, #tpu.memory_space<vmem_shared>>
      %dma_start3A_10 = arith.constant 0 : i32
      %dma_start3A_11 = tpu.memref_slice %arg5[%mul3A_2, %dma_start3A_10] : memref<10112x128xf32, #tpu.memory_space<hbm>> -> memref<632x128xf32, #tpu.memory_space<hbm>>
      tpu.enqueue_dma source(%dma_start3A_11 : memref<632x128xf32, #tpu.memory_space<hbm>>) target(%dma_start3A_9 : memref<632x128xf32, #tpu.memory_space<vmem_shared>>) target_semaphore(%run_scoped3A : memref<!tpu.dma_semaphore, #tpu.memory_space<semaphore_mem>>)
      %dma_wait3A = arith.constant 0 : i32
      %dma_wait3A_12 = tpu.memref_slice %arg10[%mul3A_2, %dma_wait3A] : memref<10112x128xf32, #tpu.memory_space<vmem_shared>> -> memref<632x128xf32, #tpu.memory_space<vmem_shared>>
      %dma_wait3A_13 = arith.constant 0 : i32
      %dma_wait3A_14 = tpu.memref_slice %arg5[%mul3A_2, %dma_wait3A_13] : memref<10112x128xf32, #tpu.memory_space<hbm>> -> memref<632x128xf32, #tpu.memory_space<hbm>>
      tpu.wait_dma2 semaphore(%run_scoped3A : memref<!tpu.dma_semaphore, #tpu.memory_space<semaphore_mem>>) src(%dma_wait3A_14 : memref<632x128xf32, #tpu.memory_space<hbm>>) dst(%dma_wait3A_12 : memref<632x128xf32, #tpu.memory_space<vmem_shared>>)
      tpu.yield
    }) : () -> ()
    %barrier3A = arith.constant 0 : index
    tpu.barrier barrier_id(%barrier3A)
    %scan3A = arith.constant 0 : i32
    %scan3A_3 = arith.constant 0 : i32
    %scan3A_4 = arith.constant 80 : i32
    %scan3A_5 = arith.addi %scan3A_3, %scan3A_4 : i32
    %scan3A_6 = arith.constant 1 : i32
    scf.for %scan3A_9 = %scan3A_3 to %scan3A_5 step %scan3A_6  : i32 {
      %dma_start3A = arith.constant 0 : i32
      %dma_start3A_10 = tpu.memref_slice %arg7[%scan3A_9, %dma_start3A] : memref<80x128xi32, #tpu.memory_space<vmem>> -> memref<1x128xi32, #tpu.memory_space<vmem>>
      %dma_start3A_11 = tpu.memref_squeeze %dma_start3A_10 : memref<1x128xi32, #tpu.memory_space<vmem>> -> memref<128xi32, #tpu.memory_space<vmem>>
      %dma_start3A_12 = arith.constant 0 : i32
      %dma_start3A_13 = arith.constant 0 : i32
      %dma_start3A_14 = tpu.memref_slice %arg2[%dma_start3A_12, %dma_start3A_13] : memref<10112x128xf32, #tpu.memory_space<hbm>> -> memref<10112x128xf32, #tpu.memory_space<hbm>>
      tpu.enqueue_indirect_dma source(%dma_start3A_14 : memref<10112x128xf32, #tpu.memory_space<hbm>>) target(%arg9 : memref<128x128xf32, #tpu.memory_space<vmem>>) offsets(%dma_start3A_11 : memref<128xi32, #tpu.memory_space<vmem>>) semaphore(%arg11 : memref<!tpu.dma_semaphore, #tpu.memory_space<semaphore_mem>>)
      %dma_wait3A = arith.constant 0 : i32
      %dma_wait3A_15 = tpu.memref_slice %arg7[%scan3A_9, %dma_wait3A] : memref<80x128xi32, #tpu.memory_space<vmem>> -> memref<1x128xi32, #tpu.memory_space<vmem>>
      %dma_wait3A_16 = tpu.memref_squeeze %dma_wait3A_15 : memref<1x128xi32, #tpu.memory_space<vmem>> -> memref<128xi32, #tpu.memory_space<vmem>>
      %dma_wait3A_17 = arith.constant 0 : i32
      %dma_wait3A_18 = arith.constant 0 : i32
      %dma_wait3A_19 = tpu.memref_slice %arg2[%dma_wait3A_17, %dma_wait3A_18] : memref<10112x128xf32, #tpu.memory_space<hbm>> -> memref<10112x128xf32, #tpu.memory_space<hbm>>
      tpu.wait_indirect_dma semaphore(%arg11 : memref<!tpu.dma_semaphore, #tpu.memory_space<semaphore_mem>>) src(%dma_wait3A_19 : memref<10112x128xf32, #tpu.memory_space<hbm>>) dst(%arg9 : memref<128x128xf32, #tpu.memory_space<vmem>>)
      "tpu.region"() ({
        %run_scoped3A = tpu.sem_alloc : memref<!tpu.dma_semaphore, #tpu.memory_space<semaphore_mem>>
        %dma_start3A_20 = arith.constant 0 : i32
        %dma_start3A_21 = tpu.memref_slice %arg8[%scan3A_9, %dma_start3A_20] : memref<80x128xi32, #tpu.memory_space<vmem>> -> memref<1x128xi32, #tpu.memory_space<vmem>>
        %dma_start3A_22 = tpu.memref_squeeze %dma_start3A_21 : memref<1x128xi32, #tpu.memory_space<vmem>> -> memref<128xi32, #tpu.memory_space<vmem>>
        %dma_start3A_23 = arith.constant 0 : i32
        %dma_start3A_24 = arith.constant 0 : i32
        %dma_start3A_25 = tpu.memref_slice %arg10[%dma_start3A_23, %dma_start3A_24] : memref<10112x128xf32, #tpu.memory_space<vmem_shared>> -> memref<10112x128xf32, #tpu.memory_space<vmem_shared>>
        tpu.enqueue_indirect_dma source(%arg9 : memref<128x128xf32, #tpu.memory_space<vmem>>) target(%dma_start3A_25 : memref<10112x128xf32, #tpu.memory_space<vmem_shared>>) offsets(%dma_start3A_22 : memref<128xi32, #tpu.memory_space<vmem>>) semaphore(%run_scoped3A : memref<!tpu.dma_semaphore, #tpu.memory_space<semaphore_mem>>) {add = true}
        %dma_wait3A_26 = arith.constant 0 : i32
        %dma_wait3A_27 = tpu.memref_slice %arg8[%scan3A_9, %dma_wait3A_26] : memref<80x128xi32, #tpu.memory_space<vmem>> -> memref<1x128xi32, #tpu.memory_space<vmem>>
        %dma_wait3A_28 = tpu.memref_squeeze %dma_wait3A_27 : memref<1x128xi32, #tpu.memory_space<vmem>> -> memref<128xi32, #tpu.memory_space<vmem>>
        %dma_wait3A_29 = arith.constant 0 : i32
        %dma_wait3A_30 = arith.constant 0 : i32
        %dma_wait3A_31 = tpu.memref_slice %arg10[%dma_wait3A_29, %dma_wait3A_30] : memref<10112x128xf32, #tpu.memory_space<vmem_shared>> -> memref<10112x128xf32, #tpu.memory_space<vmem_shared>>
        tpu.wait_indirect_dma semaphore(%run_scoped3A : memref<!tpu.dma_semaphore, #tpu.memory_space<semaphore_mem>>) src(%arg9 : memref<128x128xf32, #tpu.memory_space<vmem>>) dst(%dma_wait3A_31 : memref<10112x128xf32, #tpu.memory_space<vmem_shared>>)
        tpu.yield
      }) : () -> ()
    }
    %scan3A_7 = arith.constant 80 : i32
    %barrier3A_8 = arith.constant 0 : index
    tpu.barrier barrier_id(%barrier3A_8)
    "tpu.region"() ({
      %run_scoped3A = tpu.sem_alloc : memref<!tpu.dma_semaphore, #tpu.memory_space<semaphore_mem>>
      %dma_start3A = arith.constant 0 : i32
      %dma_start3A_9 = arith.constant 0 : i32
      %dma_start3A_10 = tpu.memref_slice %arg6[%arg0, %dma_start3A, %dma_start3A_9] : memref<2x10112x128xf32, #tpu.memory_space<hbm>> -> memref<1x10112x128xf32, #tpu.memory_space<hbm>>
      %dma_start3A_11 = tpu.memref_squeeze %dma_start3A_10 : memref<1x10112x128xf32, #tpu.memory_space<hbm>> -> memref<10112x128xf32, #tpu.memory_space<hbm>>
      %dma_start3A_12 = arith.constant 0 : i32
      %dma_start3A_13 = tpu.memref_slice %dma_start3A_11[%mul3A_2, %dma_start3A_12] : memref<10112x128xf32, #tpu.memory_space<hbm>> -> memref<632x128xf32, #tpu.memory_space<hbm>>
      %dma_start3A_14 = arith.constant 0 : i32
      %dma_start3A_15 = tpu.memref_slice %arg10[%mul3A_2, %dma_start3A_14] : memref<10112x128xf32, #tpu.memory_space<vmem_shared>> -> memref<632x128xf32, #tpu.memory_space<vmem_shared>>
      tpu.enqueue_dma source(%dma_start3A_15 : memref<632x128xf32, #tpu.memory_space<vmem_shared>>) target(%dma_start3A_13 : memref<632x128xf32, #tpu.memory_space<hbm>>) target_semaphore(%run_scoped3A : memref<!tpu.dma_semaphore, #tpu.memory_space<semaphore_mem>>)
      %dma_wait3A = arith.constant 0 : i32
      %dma_wait3A_16 = arith.constant 0 : i32
      %dma_wait3A_17 = tpu.memref_slice %arg6[%arg0, %dma_wait3A, %dma_wait3A_16] : memref<2x10112x128xf32, #tpu.memory_space<hbm>> -> memref<1x10112x128xf32, #tpu.memory_space<hbm>>
      %dma_wait3A_18 = tpu.memref_squeeze %dma_wait3A_17 : memref<1x10112x128xf32, #tpu.memory_space<hbm>> -> memref<10112x128xf32, #tpu.memory_space<hbm>>
      %dma_wait3A_19 = arith.constant 0 : i32
      %dma_wait3A_20 = tpu.memref_slice %dma_wait3A_18[%mul3A_2, %dma_wait3A_19] : memref<10112x128xf32, #tpu.memory_space<hbm>> -> memref<632x128xf32, #tpu.memory_space<hbm>>
      %dma_wait3A_21 = arith.constant 0 : i32
      %dma_wait3A_22 = tpu.memref_slice %arg10[%mul3A_2, %dma_wait3A_21] : memref<10112x128xf32, #tpu.memory_space<vmem_shared>> -> memref<632x128xf32, #tpu.memory_space<vmem_shared>>
      tpu.wait_dma2 semaphore(%run_scoped3A : memref<!tpu.dma_semaphore, #tpu.memory_space<semaphore_mem>>) src(%dma_wait3A_22 : memref<632x128xf32, #tpu.memory_space<vmem_shared>>) dst(%dma_wait3A_20 : memref<632x128xf32, #tpu.memory_space<hbm>>)
      tpu.yield
    }) : () -> ()
    return
  }
}

#map = affine_map<(d0, d1) -> (0, 0)>
#map1 = affine_map<(d0, d1) -> (0, 0, 0)>
module attributes {stable_mosaic.version = 14 : i64} {
  func.func @_sc_scatter_body(%arg0: i32, %arg1: i32, %arg2: memref<10112x128xf32, #tpu.memory_space<hbm>>, %arg3: memref<32x80x128xi32, #tpu.memory_space<hbm>>, %arg4: memref<32x80x128xi32, #tpu.memory_space<hbm>>, %arg5: memref<10112x128xf32, #tpu.memory_space<hbm>>, %arg6: memref<2x10112x128xf32, #tpu.memory_space<hbm>>, %arg7: memref<80x128xi32, #tpu.memory_space<vmem>>, %arg8: memref<80x128xi32, #tpu.memory_space<vmem>>, %arg9: memref<128x128xf32, #tpu.memory_space<vmem>>, %arg10: memref<10112x128xf32, #tpu.memory_space<vmem_shared>>, %arg11: memref<!tpu.dma_semaphore, #tpu.memory_space<semaphore_mem>>) attributes {dimension_semantics = [#tpu.dimension_semantics<core_parallel>, #tpu.dimension_semantics<subcore_parallel>], iteration_bounds = array<i64: 2, 16>, scalar_prefetch = 0 : i64, scratch_operands = 5 : i64, tpu.core_type = #tpu.core_type<sc_vector_subcore>, window_params = [{transform_indices = #map}, {transform_indices = #map1}, {transform_indices = #map1}, {transform_indices = #map}, {transform_indices = #map1}]} {
    %mul3A = arith.constant 16 : i32
    %mul3A_0 = arith.muli %arg0, %mul3A : i32
    %add3A = arith.addi %mul3A_0, %arg1 : i32
    "tpu.region"() ({
      %run_scoped3A = tpu.sem_alloc : memref<!tpu.dma_semaphore, #tpu.memory_space<semaphore_mem>>
      %dma_start3A = arith.constant 0 : i32
      %dma_start3A_9 = arith.constant 0 : i32
      %dma_start3A_10 = tpu.memref_slice %arg3[%add3A, %dma_start3A, %dma_start3A_9] : memref<32x80x128xi32, #tpu.memory_space<hbm>> -> memref<1x80x128xi32, #tpu.memory_space<hbm>>
      %dma_start3A_11 = tpu.memref_squeeze %dma_start3A_10 : memref<1x80x128xi32, #tpu.memory_space<hbm>> -> memref<80x128xi32, #tpu.memory_space<hbm>>
      %dma_start3A_12 = arith.constant 0 : i32
      %dma_start3A_13 = arith.constant 0 : i32
      %dma_start3A_14 = tpu.memref_slice %arg3[%add3A, %dma_start3A_12, %dma_start3A_13] : memref<32x80x128xi32, #tpu.memory_space<hbm>> -> memref<1x80x128xi32, #tpu.memory_space<hbm>>
      %dma_start3A_15 = tpu.memref_squeeze %dma_start3A_14 : memref<1x80x128xi32, #tpu.memory_space<hbm>> -> memref<80x128xi32, #tpu.memory_space<hbm>>
      tpu.enqueue_dma source(%dma_start3A_15 : memref<80x128xi32, #tpu.memory_space<hbm>>) target(%arg7 : memref<80x128xi32, #tpu.memory_space<vmem>>) target_semaphore(%run_scoped3A : memref<!tpu.dma_semaphore, #tpu.memory_space<semaphore_mem>>)
      %dma_wait3A = arith.constant 0 : i32
      %dma_wait3A_16 = arith.constant 0 : i32
      %dma_wait3A_17 = tpu.memref_slice %arg3[%add3A, %dma_wait3A, %dma_wait3A_16] : memref<32x80x128xi32, #tpu.memory_space<hbm>> -> memref<1x80x128xi32, #tpu.memory_space<hbm>>
      %dma_wait3A_18 = tpu.memref_squeeze %dma_wait3A_17 : memref<1x80x128xi32, #tpu.memory_space<hbm>> -> memref<80x128xi32, #tpu.memory_space<hbm>>
      %dma_wait3A_19 = arith.constant 0 : i32
      %dma_wait3A_20 = arith.constant 0 : i32
      %dma_wait3A_21 = tpu.memref_slice %arg3[%add3A, %dma_wait3A_19, %dma_wait3A_20] : memref<32x80x128xi32, #tpu.memory_space<hbm>> -> memref<1x80x128xi32, #tpu.memory_space<hbm>>
      %dma_wait3A_22 = tpu.memref_squeeze %dma_wait3A_21 : memref<1x80x128xi32, #tpu.memory_space<hbm>> -> memref<80x128xi32, #tpu.memory_space<hbm>>
      tpu.wait_dma2 semaphore(%run_scoped3A : memref<!tpu.dma_semaphore, #tpu.memory_space<semaphore_mem>>) src(%dma_wait3A_22 : memref<80x128xi32, #tpu.memory_space<hbm>>) dst(%arg7 : memref<80x128xi32, #tpu.memory_space<vmem>>)
      tpu.yield
    }) : () -> ()
    "tpu.region"() ({
      %run_scoped3A = tpu.sem_alloc : memref<!tpu.dma_semaphore, #tpu.memory_space<semaphore_mem>>
      %dma_start3A = arith.constant 0 : i32
      %dma_start3A_9 = arith.constant 0 : i32
      %dma_start3A_10 = tpu.memref_slice %arg4[%add3A, %dma_start3A, %dma_start3A_9] : memref<32x80x128xi32, #tpu.memory_space<hbm>> -> memref<1x80x128xi32, #tpu.memory_space<hbm>>
      %dma_start3A_11 = tpu.memref_squeeze %dma_start3A_10 : memref<1x80x128xi32, #tpu.memory_space<hbm>> -> memref<80x128xi32, #tpu.memory_space<hbm>>
      %dma_start3A_12 = arith.constant 0 : i32
      %dma_start3A_13 = arith.constant 0 : i32
      %dma_start3A_14 = tpu.memref_slice %arg4[%add3A, %dma_start3A_12, %dma_start3A_13] : memref<32x80x128xi32, #tpu.memory_space<hbm>> -> memref<1x80x128xi32, #tpu.memory_space<hbm>>
      %dma_start3A_15 = tpu.memref_squeeze %dma_start3A_14 : memref<1x80x128xi32, #tpu.memory_space<hbm>> -> memref<80x128xi32, #tpu.memory_space<hbm>>
      tpu.enqueue_dma source(%dma_start3A_15 : memref<80x128xi32, #tpu.memory_space<hbm>>) target(%arg8 : memref<80x128xi32, #tpu.memory_space<vmem>>) target_semaphore(%run_scoped3A : memref<!tpu.dma_semaphore, #tpu.memory_space<semaphore_mem>>)
      %dma_wait3A = arith.constant 0 : i32
      %dma_wait3A_16 = arith.constant 0 : i32
      %dma_wait3A_17 = tpu.memref_slice %arg4[%add3A, %dma_wait3A, %dma_wait3A_16] : memref<32x80x128xi32, #tpu.memory_space<hbm>> -> memref<1x80x128xi32, #tpu.memory_space<hbm>>
      %dma_wait3A_18 = tpu.memref_squeeze %dma_wait3A_17 : memref<1x80x128xi32, #tpu.memory_space<hbm>> -> memref<80x128xi32, #tpu.memory_space<hbm>>
      %dma_wait3A_19 = arith.constant 0 : i32
      %dma_wait3A_20 = arith.constant 0 : i32
      %dma_wait3A_21 = tpu.memref_slice %arg4[%add3A, %dma_wait3A_19, %dma_wait3A_20] : memref<32x80x128xi32, #tpu.memory_space<hbm>> -> memref<1x80x128xi32, #tpu.memory_space<hbm>>
      %dma_wait3A_22 = tpu.memref_squeeze %dma_wait3A_21 : memref<1x80x128xi32, #tpu.memory_space<hbm>> -> memref<80x128xi32, #tpu.memory_space<hbm>>
      tpu.wait_dma2 semaphore(%run_scoped3A : memref<!tpu.dma_semaphore, #tpu.memory_space<semaphore_mem>>) src(%dma_wait3A_22 : memref<80x128xi32, #tpu.memory_space<hbm>>) dst(%arg8 : memref<80x128xi32, #tpu.memory_space<vmem>>)
      tpu.yield
    }) : () -> ()
    %mul3A_1 = arith.constant 632 : i32
    %mul3A_2 = arith.muli %arg1, %mul3A_1 : i32
    "tpu.region"() ({
      %run_scoped3A = tpu.sem_alloc : memref<!tpu.dma_semaphore, #tpu.memory_space<semaphore_mem>>
      %dma_start3A = arith.constant 0 : i32
      %dma_start3A_9 = tpu.memref_slice %arg10[%mul3A_2, %dma_start3A] : memref<10112x128xf32, #tpu.memory_space<vmem_shared>> -> memref<632x128xf32, #tpu.memory_space<vmem_shared>>
      %dma_start3A_10 = arith.constant 0 : i32
      %dma_start3A_11 = tpu.memref_slice %arg5[%mul3A_2, %dma_start3A_10] : memref<10112x128xf32, #tpu.memory_space<hbm>> -> memref<632x128xf32, #tpu.memory_space<hbm>>
      tpu.enqueue_dma source(%dma_start3A_11 : memref<632x128xf32, #tpu.memory_space<hbm>>) target(%dma_start3A_9 : memref<632x128xf32, #tpu.memory_space<vmem_shared>>) target_semaphore(%run_scoped3A : memref<!tpu.dma_semaphore, #tpu.memory_space<semaphore_mem>>)
      %dma_wait3A = arith.constant 0 : i32
      %dma_wait3A_12 = tpu.memref_slice %arg10[%mul3A_2, %dma_wait3A] : memref<10112x128xf32, #tpu.memory_space<vmem_shared>> -> memref<632x128xf32, #tpu.memory_space<vmem_shared>>
      %dma_wait3A_13 = arith.constant 0 : i32
      %dma_wait3A_14 = tpu.memref_slice %arg5[%mul3A_2, %dma_wait3A_13] : memref<10112x128xf32, #tpu.memory_space<hbm>> -> memref<632x128xf32, #tpu.memory_space<hbm>>
      tpu.wait_dma2 semaphore(%run_scoped3A : memref<!tpu.dma_semaphore, #tpu.memory_space<semaphore_mem>>) src(%dma_wait3A_14 : memref<632x128xf32, #tpu.memory_space<hbm>>) dst(%dma_wait3A_12 : memref<632x128xf32, #tpu.memory_space<vmem_shared>>)
      tpu.yield
    }) : () -> ()
    %barrier3A = arith.constant 0 : index
    tpu.barrier barrier_id(%barrier3A)
    %scan3A = arith.constant 0 : i32
    %scan3A_3 = arith.constant 0 : i32
    %scan3A_4 = arith.constant 80 : i32
    %scan3A_5 = arith.addi %scan3A_3, %scan3A_4 : i32
    %scan3A_6 = arith.constant 1 : i32
    scf.for %scan3A_9 = %scan3A_3 to %scan3A_5 step %scan3A_6  : i32 {
      %dma_start3A = arith.constant 0 : i32
      %dma_start3A_10 = tpu.memref_slice %arg7[%scan3A_9, %dma_start3A] : memref<80x128xi32, #tpu.memory_space<vmem>> -> memref<1x128xi32, #tpu.memory_space<vmem>>
      %dma_start3A_11 = tpu.memref_squeeze %dma_start3A_10 : memref<1x128xi32, #tpu.memory_space<vmem>> -> memref<128xi32, #tpu.memory_space<vmem>>
      %dma_start3A_12 = arith.constant 0 : i32
      %dma_start3A_13 = arith.constant 0 : i32
      %dma_start3A_14 = tpu.memref_slice %arg2[%dma_start3A_12, %dma_start3A_13] : memref<10112x128xf32, #tpu.memory_space<hbm>> -> memref<10112x128xf32, #tpu.memory_space<hbm>>
      tpu.enqueue_indirect_dma source(%dma_start3A_14 : memref<10112x128xf32, #tpu.memory_space<hbm>>) target(%arg9 : memref<128x128xf32, #tpu.memory_space<vmem>>) offsets(%dma_start3A_11 : memref<128xi32, #tpu.memory_space<vmem>>) semaphore(%arg11 : memref<!tpu.dma_semaphore, #tpu.memory_space<semaphore_mem>>)
      %dma_wait3A = arith.constant 0 : i32
      %dma_wait3A_15 = tpu.memref_slice %arg7[%scan3A_9, %dma_wait3A] : memref<80x128xi32, #tpu.memory_space<vmem>> -> memref<1x128xi32, #tpu.memory_space<vmem>>
      %dma_wait3A_16 = tpu.memref_squeeze %dma_wait3A_15 : memref<1x128xi32, #tpu.memory_space<vmem>> -> memref<128xi32, #tpu.memory_space<vmem>>
      %dma_wait3A_17 = arith.constant 0 : i32
      %dma_wait3A_18 = arith.constant 0 : i32
      %dma_wait3A_19 = tpu.memref_slice %arg2[%dma_wait3A_17, %dma_wait3A_18] : memref<10112x128xf32, #tpu.memory_space<hbm>> -> memref<10112x128xf32, #tpu.memory_space<hbm>>
      tpu.wait_indirect_dma semaphore(%arg11 : memref<!tpu.dma_semaphore, #tpu.memory_space<semaphore_mem>>) src(%dma_wait3A_19 : memref<10112x128xf32, #tpu.memory_space<hbm>>) dst(%arg9 : memref<128x128xf32, #tpu.memory_space<vmem>>)
      "tpu.region"() ({
        %run_scoped3A = tpu.sem_alloc : memref<!tpu.dma_semaphore, #tpu.memory_space<semaphore_mem>>
        %dma_start3A_20 = arith.constant 0 : i32
        %dma_start3A_21 = tpu.memref_slice %arg8[%scan3A_9, %dma_start3A_20] : memref<80x128xi32, #tpu.memory_space<vmem>> -> memref<1x128xi32, #tpu.memory_space<vmem>>
        %dma_start3A_22 = tpu.memref_squeeze %dma_start3A_21 : memref<1x128xi32, #tpu.memory_space<vmem>> -> memref<128xi32, #tpu.memory_space<vmem>>
        %dma_start3A_23 = arith.constant 0 : i32
        %dma_start3A_24 = arith.constant 0 : i32
        %dma_start3A_25 = tpu.memref_slice %arg10[%dma_start3A_23, %dma_start3A_24] : memref<10112x128xf32, #tpu.memory_space<vmem_shared>> -> memref<10112x128xf32, #tpu.memory_space<vmem_shared>>
        tpu.enqueue_indirect_dma source(%arg9 : memref<128x128xf32, #tpu.memory_space<vmem>>) target(%dma_start3A_25 : memref<10112x128xf32, #tpu.memory_space<vmem_shared>>) offsets(%dma_start3A_22 : memref<128xi32, #tpu.memory_space<vmem>>) semaphore(%run_scoped3A : memref<!tpu.dma_semaphore, #tpu.memory_space<semaphore_mem>>) {add = true}
        %dma_wait3A_26 = arith.constant 0 : i32
        %dma_wait3A_27 = tpu.memref_slice %arg8[%scan3A_9, %dma_wait3A_26] : memref<80x128xi32, #tpu.memory_space<vmem>> -> memref<1x128xi32, #tpu.memory_space<vmem>>
        %dma_wait3A_28 = tpu.memref_squeeze %dma_wait3A_27 : memref<1x128xi32, #tpu.memory_space<vmem>> -> memref<128xi32, #tpu.memory_space<vmem>>
        %dma_wait3A_29 = arith.constant 0 : i32
        %dma_wait3A_30 = arith.constant 0 : i32
        %dma_wait3A_31 = tpu.memref_slice %arg10[%dma_wait3A_29, %dma_wait3A_30] : memref<10112x128xf32, #tpu.memory_space<vmem_shared>> -> memref<10112x128xf32, #tpu.memory_space<vmem_shared>>
        tpu.wait_indirect_dma semaphore(%run_scoped3A : memref<!tpu.dma_semaphore, #tpu.memory_space<semaphore_mem>>) src(%arg9 : memref<128x128xf32, #tpu.memory_space<vmem>>) dst(%dma_wait3A_31 : memref<10112x128xf32, #tpu.memory_space<vmem_shared>>)
        tpu.yield
      }) : () -> ()
    }
    %scan3A_7 = arith.constant 80 : i32
    %barrier3A_8 = arith.constant 0 : index
    tpu.barrier barrier_id(%barrier3A_8)
    "tpu.region"() ({
      %run_scoped3A = tpu.sem_alloc : memref<!tpu.dma_semaphore, #tpu.memory_space<semaphore_mem>>
      %dma_start3A = arith.constant 0 : i32
      %dma_start3A_9 = arith.constant 0 : i32
      %dma_start3A_10 = tpu.memref_slice %arg6[%arg0, %dma_start3A, %dma_start3A_9] : memref<2x10112x128xf32, #tpu.memory_space<hbm>> -> memref<1x10112x128xf32, #tpu.memory_space<hbm>>
      %dma_start3A_11 = tpu.memref_squeeze %dma_start3A_10 : memref<1x10112x128xf32, #tpu.memory_space<hbm>> -> memref<10112x128xf32, #tpu.memory_space<hbm>>
      %dma_start3A_12 = arith.constant 0 : i32
      %dma_start3A_13 = tpu.memref_slice %dma_start3A_11[%mul3A_2, %dma_start3A_12] : memref<10112x128xf32, #tpu.memory_space<hbm>> -> memref<632x128xf32, #tpu.memory_space<hbm>>
      %dma_start3A_14 = arith.constant 0 : i32
      %dma_start3A_15 = tpu.memref_slice %arg10[%mul3A_2, %dma_start3A_14] : memref<10112x128xf32, #tpu.memory_space<vmem_shared>> -> memref<632x128xf32, #tpu.memory_space<vmem_shared>>
      tpu.enqueue_dma source(%dma_start3A_15 : memref<632x128xf32, #tpu.memory_space<vmem_shared>>) target(%dma_start3A_13 : memref<632x128xf32, #tpu.memory_space<hbm>>) target_semaphore(%run_scoped3A : memref<!tpu.dma_semaphore, #tpu.memory_space<semaphore_mem>>)
      %dma_wait3A = arith.constant 0 : i32
      %dma_wait3A_16 = arith.constant 0 : i32
      %dma_wait3A_17 = tpu.memref_slice %arg6[%arg0, %dma_wait3A, %dma_wait3A_16] : memref<2x10112x128xf32, #tpu.memory_space<hbm>> -> memref<1x10112x128xf32, #tpu.memory_space<hbm>>
      %dma_wait3A_18 = tpu.memref_squeeze %dma_wait3A_17 : memref<1x10112x128xf32, #tpu.memory_space<hbm>> -> memref<10112x128xf32, #tpu.memory_space<hbm>>
      %dma_wait3A_19 = arith.constant 0 : i32
      %dma_wait3A_20 = tpu.memref_slice %dma_wait3A_18[%mul3A_2, %dma_wait3A_19] : memref<10112x128xf32, #tpu.memory_space<hbm>> -> memref<632x128xf32, #tpu.memory_space<hbm>>
      %dma_wait3A_21 = arith.constant 0 : i32
      %dma_wait3A_22 = tpu.memref_slice %arg10[%mul3A_2, %dma_wait3A_21] : memref<10112x128xf32, #tpu.memory_space<vmem_shared>> -> memref<632x128xf32, #tpu.memory_space<vmem_shared>>
      tpu.wait_dma2 semaphore(%run_scoped3A : memref<!tpu.dma_semaphore, #tpu.memory_space<semaphore_mem>>) src(%dma_wait3A_22 : memref<632x128xf32, #tpu.memory_space<vmem_shared>>) dst(%dma_wait3A_20 : memref<632x128xf32, #tpu.memory_space<hbm>>)
      tpu.yield
    }) : () -> ()
    return
  }
}

#map = affine_map<(d0, d1) -> (0, 0)>
#map1 = affine_map<(d0, d1) -> (0, 0, 0)>
module attributes {stable_mosaic.version = 14 : i64} {
  func.func @_sc_scatter_body(%arg0: i32, %arg1: i32, %arg2: memref<10112x128xf32, #tpu.memory_space<hbm>>, %arg3: memref<32x80x128xi32, #tpu.memory_space<hbm>>, %arg4: memref<32x80x128xi32, #tpu.memory_space<hbm>>, %arg5: memref<10112x128xf32, #tpu.memory_space<hbm>>, %arg6: memref<2x10112x128xf32, #tpu.memory_space<hbm>>, %arg7: memref<80x128xi32, #tpu.memory_space<vmem>>, %arg8: memref<80x128xi32, #tpu.memory_space<vmem>>, %arg9: memref<128x128xf32, #tpu.memory_space<vmem>>, %arg10: memref<10112x128xf32, #tpu.memory_space<vmem_shared>>, %arg11: memref<!tpu.dma_semaphore, #tpu.memory_space<semaphore_mem>>) attributes {dimension_semantics = [#tpu.dimension_semantics<core_parallel>, #tpu.dimension_semantics<subcore_parallel>], iteration_bounds = array<i64: 2, 16>, scalar_prefetch = 0 : i64, scratch_operands = 5 : i64, tpu.core_type = #tpu.core_type<sc_vector_subcore>, window_params = [{transform_indices = #map}, {transform_indices = #map1}, {transform_indices = #map1}, {transform_indices = #map}, {transform_indices = #map1}]} {
    %mul3A = arith.constant 16 : i32
    %mul3A_0 = arith.muli %arg0, %mul3A : i32
    %add3A = arith.addi %mul3A_0, %arg1 : i32
    "tpu.region"() ({
      %run_scoped3A = tpu.sem_alloc : memref<!tpu.dma_semaphore, #tpu.memory_space<semaphore_mem>>
      %dma_start3A = arith.constant 0 : i32
      %dma_start3A_9 = arith.constant 0 : i32
      %dma_start3A_10 = tpu.memref_slice %arg3[%add3A, %dma_start3A, %dma_start3A_9] : memref<32x80x128xi32, #tpu.memory_space<hbm>> -> memref<1x80x128xi32, #tpu.memory_space<hbm>>
      %dma_start3A_11 = tpu.memref_squeeze %dma_start3A_10 : memref<1x80x128xi32, #tpu.memory_space<hbm>> -> memref<80x128xi32, #tpu.memory_space<hbm>>
      %dma_start3A_12 = arith.constant 0 : i32
      %dma_start3A_13 = arith.constant 0 : i32
      %dma_start3A_14 = tpu.memref_slice %arg3[%add3A, %dma_start3A_12, %dma_start3A_13] : memref<32x80x128xi32, #tpu.memory_space<hbm>> -> memref<1x80x128xi32, #tpu.memory_space<hbm>>
      %dma_start3A_15 = tpu.memref_squeeze %dma_start3A_14 : memref<1x80x128xi32, #tpu.memory_space<hbm>> -> memref<80x128xi32, #tpu.memory_space<hbm>>
      tpu.enqueue_dma source(%dma_start3A_15 : memref<80x128xi32, #tpu.memory_space<hbm>>) target(%arg7 : memref<80x128xi32, #tpu.memory_space<vmem>>) target_semaphore(%run_scoped3A : memref<!tpu.dma_semaphore, #tpu.memory_space<semaphore_mem>>)
      %dma_wait3A = arith.constant 0 : i32
      %dma_wait3A_16 = arith.constant 0 : i32
      %dma_wait3A_17 = tpu.memref_slice %arg3[%add3A, %dma_wait3A, %dma_wait3A_16] : memref<32x80x128xi32, #tpu.memory_space<hbm>> -> memref<1x80x128xi32, #tpu.memory_space<hbm>>
      %dma_wait3A_18 = tpu.memref_squeeze %dma_wait3A_17 : memref<1x80x128xi32, #tpu.memory_space<hbm>> -> memref<80x128xi32, #tpu.memory_space<hbm>>
      %dma_wait3A_19 = arith.constant 0 : i32
      %dma_wait3A_20 = arith.constant 0 : i32
      %dma_wait3A_21 = tpu.memref_slice %arg3[%add3A, %dma_wait3A_19, %dma_wait3A_20] : memref<32x80x128xi32, #tpu.memory_space<hbm>> -> memref<1x80x128xi32, #tpu.memory_space<hbm>>
      %dma_wait3A_22 = tpu.memref_squeeze %dma_wait3A_21 : memref<1x80x128xi32, #tpu.memory_space<hbm>> -> memref<80x128xi32, #tpu.memory_space<hbm>>
      tpu.wait_dma2 semaphore(%run_scoped3A : memref<!tpu.dma_semaphore, #tpu.memory_space<semaphore_mem>>) src(%dma_wait3A_22 : memref<80x128xi32, #tpu.memory_space<hbm>>) dst(%arg7 : memref<80x128xi32, #tpu.memory_space<vmem>>)
      tpu.yield
    }) : () -> ()
    "tpu.region"() ({
      %run_scoped3A = tpu.sem_alloc : memref<!tpu.dma_semaphore, #tpu.memory_space<semaphore_mem>>
      %dma_start3A = arith.constant 0 : i32
      %dma_start3A_9 = arith.constant 0 : i32
      %dma_start3A_10 = tpu.memref_slice %arg4[%add3A, %dma_start3A, %dma_start3A_9] : memref<32x80x128xi32, #tpu.memory_space<hbm>> -> memref<1x80x128xi32, #tpu.memory_space<hbm>>
      %dma_start3A_11 = tpu.memref_squeeze %dma_start3A_10 : memref<1x80x128xi32, #tpu.memory_space<hbm>> -> memref<80x128xi32, #tpu.memory_space<hbm>>
      %dma_start3A_12 = arith.constant 0 : i32
      %dma_start3A_13 = arith.constant 0 : i32
      %dma_start3A_14 = tpu.memref_slice %arg4[%add3A, %dma_start3A_12, %dma_start3A_13] : memref<32x80x128xi32, #tpu.memory_space<hbm>> -> memref<1x80x128xi32, #tpu.memory_space<hbm>>
      %dma_start3A_15 = tpu.memref_squeeze %dma_start3A_14 : memref<1x80x128xi32, #tpu.memory_space<hbm>> -> memref<80x128xi32, #tpu.memory_space<hbm>>
      tpu.enqueue_dma source(%dma_start3A_15 : memref<80x128xi32, #tpu.memory_space<hbm>>) target(%arg8 : memref<80x128xi32, #tpu.memory_space<vmem>>) target_semaphore(%run_scoped3A : memref<!tpu.dma_semaphore, #tpu.memory_space<semaphore_mem>>)
      %dma_wait3A = arith.constant 0 : i32
      %dma_wait3A_16 = arith.constant 0 : i32
      %dma_wait3A_17 = tpu.memref_slice %arg4[%add3A, %dma_wait3A, %dma_wait3A_16] : memref<32x80x128xi32, #tpu.memory_space<hbm>> -> memref<1x80x128xi32, #tpu.memory_space<hbm>>
      %dma_wait3A_18 = tpu.memref_squeeze %dma_wait3A_17 : memref<1x80x128xi32, #tpu.memory_space<hbm>> -> memref<80x128xi32, #tpu.memory_space<hbm>>
      %dma_wait3A_19 = arith.constant 0 : i32
      %dma_wait3A_20 = arith.constant 0 : i32
      %dma_wait3A_21 = tpu.memref_slice %arg4[%add3A, %dma_wait3A_19, %dma_wait3A_20] : memref<32x80x128xi32, #tpu.memory_space<hbm>> -> memref<1x80x128xi32, #tpu.memory_space<hbm>>
      %dma_wait3A_22 = tpu.memref_squeeze %dma_wait3A_21 : memref<1x80x128xi32, #tpu.memory_space<hbm>> -> memref<80x128xi32, #tpu.memory_space<hbm>>
      tpu.wait_dma2 semaphore(%run_scoped3A : memref<!tpu.dma_semaphore, #tpu.memory_space<semaphore_mem>>) src(%dma_wait3A_22 : memref<80x128xi32, #tpu.memory_space<hbm>>) dst(%arg8 : memref<80x128xi32, #tpu.memory_space<vmem>>)
      tpu.yield
    }) : () -> ()
    %mul3A_1 = arith.constant 632 : i32
    %mul3A_2 = arith.muli %arg1, %mul3A_1 : i32
    "tpu.region"() ({
      %run_scoped3A = tpu.sem_alloc : memref<!tpu.dma_semaphore, #tpu.memory_space<semaphore_mem>>
      %dma_start3A = arith.constant 0 : i32
      %dma_start3A_9 = tpu.memref_slice %arg10[%mul3A_2, %dma_start3A] : memref<10112x128xf32, #tpu.memory_space<vmem_shared>> -> memref<632x128xf32, #tpu.memory_space<vmem_shared>>
      %dma_start3A_10 = arith.constant 0 : i32
      %dma_start3A_11 = tpu.memref_slice %arg5[%mul3A_2, %dma_start3A_10] : memref<10112x128xf32, #tpu.memory_space<hbm>> -> memref<632x128xf32, #tpu.memory_space<hbm>>
      tpu.enqueue_dma source(%dma_start3A_11 : memref<632x128xf32, #tpu.memory_space<hbm>>) target(%dma_start3A_9 : memref<632x128xf32, #tpu.memory_space<vmem_shared>>) target_semaphore(%run_scoped3A : memref<!tpu.dma_semaphore, #tpu.memory_space<semaphore_mem>>)
      %dma_wait3A = arith.constant 0 : i32
      %dma_wait3A_12 = tpu.memref_slice %arg10[%mul3A_2, %dma_wait3A] : memref<10112x128xf32, #tpu.memory_space<vmem_shared>> -> memref<632x128xf32, #tpu.memory_space<vmem_shared>>
      %dma_wait3A_13 = arith.constant 0 : i32
      %dma_wait3A_14 = tpu.memref_slice %arg5[%mul3A_2, %dma_wait3A_13] : memref<10112x128xf32, #tpu.memory_space<hbm>> -> memref<632x128xf32, #tpu.memory_space<hbm>>
      tpu.wait_dma2 semaphore(%run_scoped3A : memref<!tpu.dma_semaphore, #tpu.memory_space<semaphore_mem>>) src(%dma_wait3A_14 : memref<632x128xf32, #tpu.memory_space<hbm>>) dst(%dma_wait3A_12 : memref<632x128xf32, #tpu.memory_space<vmem_shared>>)
      tpu.yield
    }) : () -> ()
    %barrier3A = arith.constant 0 : index
    tpu.barrier barrier_id(%barrier3A)
    %scan3A = arith.constant 0 : i32
    %scan3A_3 = arith.constant 0 : i32
    %scan3A_4 = arith.constant 80 : i32
    %scan3A_5 = arith.addi %scan3A_3, %scan3A_4 : i32
    %scan3A_6 = arith.constant 1 : i32
    scf.for %scan3A_9 = %scan3A_3 to %scan3A_5 step %scan3A_6  : i32 {
      %dma_start3A = arith.constant 0 : i32
      %dma_start3A_10 = tpu.memref_slice %arg7[%scan3A_9, %dma_start3A] : memref<80x128xi32, #tpu.memory_space<vmem>> -> memref<1x128xi32, #tpu.memory_space<vmem>>
      %dma_start3A_11 = tpu.memref_squeeze %dma_start3A_10 : memref<1x128xi32, #tpu.memory_space<vmem>> -> memref<128xi32, #tpu.memory_space<vmem>>
      %dma_start3A_12 = arith.constant 0 : i32
      %dma_start3A_13 = arith.constant 0 : i32
      %dma_start3A_14 = tpu.memref_slice %arg2[%dma_start3A_12, %dma_start3A_13] : memref<10112x128xf32, #tpu.memory_space<hbm>> -> memref<10112x128xf32, #tpu.memory_space<hbm>>
      tpu.enqueue_indirect_dma source(%dma_start3A_14 : memref<10112x128xf32, #tpu.memory_space<hbm>>) target(%arg9 : memref<128x128xf32, #tpu.memory_space<vmem>>) offsets(%dma_start3A_11 : memref<128xi32, #tpu.memory_space<vmem>>) semaphore(%arg11 : memref<!tpu.dma_semaphore, #tpu.memory_space<semaphore_mem>>)
      %dma_wait3A = arith.constant 0 : i32
      %dma_wait3A_15 = tpu.memref_slice %arg7[%scan3A_9, %dma_wait3A] : memref<80x128xi32, #tpu.memory_space<vmem>> -> memref<1x128xi32, #tpu.memory_space<vmem>>
      %dma_wait3A_16 = tpu.memref_squeeze %dma_wait3A_15 : memref<1x128xi32, #tpu.memory_space<vmem>> -> memref<128xi32, #tpu.memory_space<vmem>>
      %dma_wait3A_17 = arith.constant 0 : i32
      %dma_wait3A_18 = arith.constant 0 : i32
      %dma_wait3A_19 = tpu.memref_slice %arg2[%dma_wait3A_17, %dma_wait3A_18] : memref<10112x128xf32, #tpu.memory_space<hbm>> -> memref<10112x128xf32, #tpu.memory_space<hbm>>
      tpu.wait_indirect_dma semaphore(%arg11 : memref<!tpu.dma_semaphore, #tpu.memory_space<semaphore_mem>>) src(%dma_wait3A_19 : memref<10112x128xf32, #tpu.memory_space<hbm>>) dst(%arg9 : memref<128x128xf32, #tpu.memory_space<vmem>>)
      "tpu.region"() ({
        %run_scoped3A = tpu.sem_alloc : memref<!tpu.dma_semaphore, #tpu.memory_space<semaphore_mem>>
        %dma_start3A_20 = arith.constant 0 : i32
        %dma_start3A_21 = tpu.memref_slice %arg8[%scan3A_9, %dma_start3A_20] : memref<80x128xi32, #tpu.memory_space<vmem>> -> memref<1x128xi32, #tpu.memory_space<vmem>>
        %dma_start3A_22 = tpu.memref_squeeze %dma_start3A_21 : memref<1x128xi32, #tpu.memory_space<vmem>> -> memref<128xi32, #tpu.memory_space<vmem>>
        %dma_start3A_23 = arith.constant 0 : i32
        %dma_start3A_24 = arith.constant 0 : i32
        %dma_start3A_25 = tpu.memref_slice %arg10[%dma_start3A_23, %dma_start3A_24] : memref<10112x128xf32, #tpu.memory_space<vmem_shared>> -> memref<10112x128xf32, #tpu.memory_space<vmem_shared>>
        tpu.enqueue_indirect_dma source(%arg9 : memref<128x128xf32, #tpu.memory_space<vmem>>) target(%dma_start3A_25 : memref<10112x128xf32, #tpu.memory_space<vmem_shared>>) offsets(%dma_start3A_22 : memref<128xi32, #tpu.memory_space<vmem>>) semaphore(%run_scoped3A : memref<!tpu.dma_semaphore, #tpu.memory_space<semaphore_mem>>) {add = true}
        %dma_wait3A_26 = arith.constant 0 : i32
        %dma_wait3A_27 = tpu.memref_slice %arg8[%scan3A_9, %dma_wait3A_26] : memref<80x128xi32, #tpu.memory_space<vmem>> -> memref<1x128xi32, #tpu.memory_space<vmem>>
        %dma_wait3A_28 = tpu.memref_squeeze %dma_wait3A_27 : memref<1x128xi32, #tpu.memory_space<vmem>> -> memref<128xi32, #tpu.memory_space<vmem>>
        %dma_wait3A_29 = arith.constant 0 : i32
        %dma_wait3A_30 = arith.constant 0 : i32
        %dma_wait3A_31 = tpu.memref_slice %arg10[%dma_wait3A_29, %dma_wait3A_30] : memref<10112x128xf32, #tpu.memory_space<vmem_shared>> -> memref<10112x128xf32, #tpu.memory_space<vmem_shared>>
        tpu.wait_indirect_dma semaphore(%run_scoped3A : memref<!tpu.dma_semaphore, #tpu.memory_space<semaphore_mem>>) src(%arg9 : memref<128x128xf32, #tpu.memory_space<vmem>>) dst(%dma_wait3A_31 : memref<10112x128xf32, #tpu.memory_space<vmem_shared>>)
        tpu.yield
      }) : () -> ()
    }
    %scan3A_7 = arith.constant 80 : i32
    %barrier3A_8 = arith.constant 0 : index
    tpu.barrier barrier_id(%barrier3A_8)
    "tpu.region"() ({
      %run_scoped3A = tpu.sem_alloc : memref<!tpu.dma_semaphore, #tpu.memory_space<semaphore_mem>>
      %dma_start3A = arith.constant 0 : i32
      %dma_start3A_9 = arith.constant 0 : i32
      %dma_start3A_10 = tpu.memref_slice %arg6[%arg0, %dma_start3A, %dma_start3A_9] : memref<2x10112x128xf32, #tpu.memory_space<hbm>> -> memref<1x10112x128xf32, #tpu.memory_space<hbm>>
      %dma_start3A_11 = tpu.memref_squeeze %dma_start3A_10 : memref<1x10112x128xf32, #tpu.memory_space<hbm>> -> memref<10112x128xf32, #tpu.memory_space<hbm>>
      %dma_start3A_12 = arith.constant 0 : i32
      %dma_start3A_13 = tpu.memref_slice %dma_start3A_11[%mul3A_2, %dma_start3A_12] : memref<10112x128xf32, #tpu.memory_space<hbm>> -> memref<632x128xf32, #tpu.memory_space<hbm>>
      %dma_start3A_14 = arith.constant 0 : i32
      %dma_start3A_15 = tpu.memref_slice %arg10[%mul3A_2, %dma_start3A_14] : memref<10112x128xf32, #tpu.memory_space<vmem_shared>> -> memref<632x128xf32, #tpu.memory_space<vmem_shared>>
      tpu.enqueue_dma source(%dma_start3A_15 : memref<632x128xf32, #tpu.memory_space<vmem_shared>>) target(%dma_start3A_13 : memref<632x128xf32, #tpu.memory_space<hbm>>) target_semaphore(%run_scoped3A : memref<!tpu.dma_semaphore, #tpu.memory_space<semaphore_mem>>)
      %dma_wait3A = arith.constant 0 : i32
      %dma_wait3A_16 = arith.constant 0 : i32
      %dma_wait3A_17 = tpu.memref_slice %arg6[%arg0, %dma_wait3A, %dma_wait3A_16] : memref<2x10112x128xf32, #tpu.memory_space<hbm>> -> memref<1x10112x128xf32, #tpu.memory_space<hbm>>
      %dma_wait3A_18 = tpu.memref_squeeze %dma_wait3A_17 : memref<1x10112x128xf32, #tpu.memory_space<hbm>> -> memref<10112x128xf32, #tpu.memory_space<hbm>>
      %dma_wait3A_19 = arith.constant 0 : i32
      %dma_wait3A_20 = tpu.memref_slice %dma_wait3A_18[%mul3A_2, %dma_wait3A_19] : memref<10112x128xf32, #tpu.memory_space<hbm>> -> memref<632x128xf32, #tpu.memory_space<hbm>>
      %dma_wait3A_21 = arith.constant 0 : i32
      %dma_wait3A_22 = tpu.memref_slice %arg10[%mul3A_2, %dma_wait3A_21] : memref<10112x128xf32, #tpu.memory_space<vmem_shared>> -> memref<632x128xf32, #tpu.memory_space<vmem_shared>>
      tpu.wait_dma2 semaphore(%run_scoped3A : memref<!tpu.dma_semaphore, #tpu.memory_space<semaphore_mem>>) src(%dma_wait3A_22 : memref<632x128xf32, #tpu.memory_space<vmem_shared>>) dst(%dma_wait3A_20 : memref<632x128xf32, #tpu.memory_space<hbm>>)
      tpu.yield
    }) : () -> ()
    return
  }
}

#map = affine_map<(d0, d1) -> (0, 0)>
#map1 = affine_map<(d0, d1) -> (0, 0, 0)>
module attributes {stable_mosaic.version = 14 : i64} {
  func.func @_sc_scatter_body(%arg0: i32, %arg1: i32, %arg2: memref<10112x128xf32, #tpu.memory_space<hbm>>, %arg3: memref<32x80x128xi32, #tpu.memory_space<hbm>>, %arg4: memref<32x80x128xi32, #tpu.memory_space<hbm>>, %arg5: memref<10112x128xf32, #tpu.memory_space<hbm>>, %arg6: memref<2x10112x128xf32, #tpu.memory_space<hbm>>, %arg7: memref<80x128xi32, #tpu.memory_space<vmem>>, %arg8: memref<80x128xi32, #tpu.memory_space<vmem>>, %arg9: memref<128x128xf32, #tpu.memory_space<vmem>>, %arg10: memref<10112x128xf32, #tpu.memory_space<vmem_shared>>, %arg11: memref<!tpu.dma_semaphore, #tpu.memory_space<semaphore_mem>>) attributes {dimension_semantics = [#tpu.dimension_semantics<core_parallel>, #tpu.dimension_semantics<subcore_parallel>], iteration_bounds = array<i64: 2, 16>, scalar_prefetch = 0 : i64, scratch_operands = 5 : i64, tpu.core_type = #tpu.core_type<sc_vector_subcore>, window_params = [{transform_indices = #map}, {transform_indices = #map1}, {transform_indices = #map1}, {transform_indices = #map}, {transform_indices = #map1}]} {
    %mul3A = arith.constant 16 : i32
    %mul3A_0 = arith.muli %arg0, %mul3A : i32
    %add3A = arith.addi %mul3A_0, %arg1 : i32
    "tpu.region"() ({
      %run_scoped3A = tpu.sem_alloc : memref<!tpu.dma_semaphore, #tpu.memory_space<semaphore_mem>>
      %dma_start3A = arith.constant 0 : i32
      %dma_start3A_9 = arith.constant 0 : i32
      %dma_start3A_10 = tpu.memref_slice %arg3[%add3A, %dma_start3A, %dma_start3A_9] : memref<32x80x128xi32, #tpu.memory_space<hbm>> -> memref<1x80x128xi32, #tpu.memory_space<hbm>>
      %dma_start3A_11 = tpu.memref_squeeze %dma_start3A_10 : memref<1x80x128xi32, #tpu.memory_space<hbm>> -> memref<80x128xi32, #tpu.memory_space<hbm>>
      %dma_start3A_12 = arith.constant 0 : i32
      %dma_start3A_13 = arith.constant 0 : i32
      %dma_start3A_14 = tpu.memref_slice %arg3[%add3A, %dma_start3A_12, %dma_start3A_13] : memref<32x80x128xi32, #tpu.memory_space<hbm>> -> memref<1x80x128xi32, #tpu.memory_space<hbm>>
      %dma_start3A_15 = tpu.memref_squeeze %dma_start3A_14 : memref<1x80x128xi32, #tpu.memory_space<hbm>> -> memref<80x128xi32, #tpu.memory_space<hbm>>
      tpu.enqueue_dma source(%dma_start3A_15 : memref<80x128xi32, #tpu.memory_space<hbm>>) target(%arg7 : memref<80x128xi32, #tpu.memory_space<vmem>>) target_semaphore(%run_scoped3A : memref<!tpu.dma_semaphore, #tpu.memory_space<semaphore_mem>>)
      %dma_wait3A = arith.constant 0 : i32
      %dma_wait3A_16 = arith.constant 0 : i32
      %dma_wait3A_17 = tpu.memref_slice %arg3[%add3A, %dma_wait3A, %dma_wait3A_16] : memref<32x80x128xi32, #tpu.memory_space<hbm>> -> memref<1x80x128xi32, #tpu.memory_space<hbm>>
      %dma_wait3A_18 = tpu.memref_squeeze %dma_wait3A_17 : memref<1x80x128xi32, #tpu.memory_space<hbm>> -> memref<80x128xi32, #tpu.memory_space<hbm>>
      %dma_wait3A_19 = arith.constant 0 : i32
      %dma_wait3A_20 = arith.constant 0 : i32
      %dma_wait3A_21 = tpu.memref_slice %arg3[%add3A, %dma_wait3A_19, %dma_wait3A_20] : memref<32x80x128xi32, #tpu.memory_space<hbm>> -> memref<1x80x128xi32, #tpu.memory_space<hbm>>
      %dma_wait3A_22 = tpu.memref_squeeze %dma_wait3A_21 : memref<1x80x128xi32, #tpu.memory_space<hbm>> -> memref<80x128xi32, #tpu.memory_space<hbm>>
      tpu.wait_dma2 semaphore(%run_scoped3A : memref<!tpu.dma_semaphore, #tpu.memory_space<semaphore_mem>>) src(%dma_wait3A_22 : memref<80x128xi32, #tpu.memory_space<hbm>>) dst(%arg7 : memref<80x128xi32, #tpu.memory_space<vmem>>)
      tpu.yield
    }) : () -> ()
    "tpu.region"() ({
      %run_scoped3A = tpu.sem_alloc : memref<!tpu.dma_semaphore, #tpu.memory_space<semaphore_mem>>
      %dma_start3A = arith.constant 0 : i32
      %dma_start3A_9 = arith.constant 0 : i32
      %dma_start3A_10 = tpu.memref_slice %arg4[%add3A, %dma_start3A, %dma_start3A_9] : memref<32x80x128xi32, #tpu.memory_space<hbm>> -> memref<1x80x128xi32, #tpu.memory_space<hbm>>
      %dma_start3A_11 = tpu.memref_squeeze %dma_start3A_10 : memref<1x80x128xi32, #tpu.memory_space<hbm>> -> memref<80x128xi32, #tpu.memory_space<hbm>>
      %dma_start3A_12 = arith.constant 0 : i32
      %dma_start3A_13 = arith.constant 0 : i32
      %dma_start3A_14 = tpu.memref_slice %arg4[%add3A, %dma_start3A_12, %dma_start3A_13] : memref<32x80x128xi32, #tpu.memory_space<hbm>> -> memref<1x80x128xi32, #tpu.memory_space<hbm>>
      %dma_start3A_15 = tpu.memref_squeeze %dma_start3A_14 : memref<1x80x128xi32, #tpu.memory_space<hbm>> -> memref<80x128xi32, #tpu.memory_space<hbm>>
      tpu.enqueue_dma source(%dma_start3A_15 : memref<80x128xi32, #tpu.memory_space<hbm>>) target(%arg8 : memref<80x128xi32, #tpu.memory_space<vmem>>) target_semaphore(%run_scoped3A : memref<!tpu.dma_semaphore, #tpu.memory_space<semaphore_mem>>)
      %dma_wait3A = arith.constant 0 : i32
      %dma_wait3A_16 = arith.constant 0 : i32
      %dma_wait3A_17 = tpu.memref_slice %arg4[%add3A, %dma_wait3A, %dma_wait3A_16] : memref<32x80x128xi32, #tpu.memory_space<hbm>> -> memref<1x80x128xi32, #tpu.memory_space<hbm>>
      %dma_wait3A_18 = tpu.memref_squeeze %dma_wait3A_17 : memref<1x80x128xi32, #tpu.memory_space<hbm>> -> memref<80x128xi32, #tpu.memory_space<hbm>>
      %dma_wait3A_19 = arith.constant 0 : i32
      %dma_wait3A_20 = arith.constant 0 : i32
      %dma_wait3A_21 = tpu.memref_slice %arg4[%add3A, %dma_wait3A_19, %dma_wait3A_20] : memref<32x80x128xi32, #tpu.memory_space<hbm>> -> memref<1x80x128xi32, #tpu.memory_space<hbm>>
      %dma_wait3A_22 = tpu.memref_squeeze %dma_wait3A_21 : memref<1x80x128xi32, #tpu.memory_space<hbm>> -> memref<80x128xi32, #tpu.memory_space<hbm>>
      tpu.wait_dma2 semaphore(%run_scoped3A : memref<!tpu.dma_semaphore, #tpu.memory_space<semaphore_mem>>) src(%dma_wait3A_22 : memref<80x128xi32, #tpu.memory_space<hbm>>) dst(%arg8 : memref<80x128xi32, #tpu.memory_space<vmem>>)
      tpu.yield
    }) : () -> ()
    %mul3A_1 = arith.constant 632 : i32
    %mul3A_2 = arith.muli %arg1, %mul3A_1 : i32
    "tpu.region"() ({
      %run_scoped3A = tpu.sem_alloc : memref<!tpu.dma_semaphore, #tpu.memory_space<semaphore_mem>>
      %dma_start3A = arith.constant 0 : i32
      %dma_start3A_9 = tpu.memref_slice %arg10[%mul3A_2, %dma_start3A] : memref<10112x128xf32, #tpu.memory_space<vmem_shared>> -> memref<632x128xf32, #tpu.memory_space<vmem_shared>>
      %dma_start3A_10 = arith.constant 0 : i32
      %dma_start3A_11 = tpu.memref_slice %arg5[%mul3A_2, %dma_start3A_10] : memref<10112x128xf32, #tpu.memory_space<hbm>> -> memref<632x128xf32, #tpu.memory_space<hbm>>
      tpu.enqueue_dma source(%dma_start3A_11 : memref<632x128xf32, #tpu.memory_space<hbm>>) target(%dma_start3A_9 : memref<632x128xf32, #tpu.memory_space<vmem_shared>>) target_semaphore(%run_scoped3A : memref<!tpu.dma_semaphore, #tpu.memory_space<semaphore_mem>>)
      %dma_wait3A = arith.constant 0 : i32
      %dma_wait3A_12 = tpu.memref_slice %arg10[%mul3A_2, %dma_wait3A] : memref<10112x128xf32, #tpu.memory_space<vmem_shared>> -> memref<632x128xf32, #tpu.memory_space<vmem_shared>>
      %dma_wait3A_13 = arith.constant 0 : i32
      %dma_wait3A_14 = tpu.memref_slice %arg5[%mul3A_2, %dma_wait3A_13] : memref<10112x128xf32, #tpu.memory_space<hbm>> -> memref<632x128xf32, #tpu.memory_space<hbm>>
      tpu.wait_dma2 semaphore(%run_scoped3A : memref<!tpu.dma_semaphore, #tpu.memory_space<semaphore_mem>>) src(%dma_wait3A_14 : memref<632x128xf32, #tpu.memory_space<hbm>>) dst(%dma_wait3A_12 : memref<632x128xf32, #tpu.memory_space<vmem_shared>>)
      tpu.yield
    }) : () -> ()
    %barrier3A = arith.constant 0 : index
    tpu.barrier barrier_id(%barrier3A)
    %scan3A = arith.constant 0 : i32
    %scan3A_3 = arith.constant 0 : i32
    %scan3A_4 = arith.constant 80 : i32
    %scan3A_5 = arith.addi %scan3A_3, %scan3A_4 : i32
    %scan3A_6 = arith.constant 1 : i32
    scf.for %scan3A_9 = %scan3A_3 to %scan3A_5 step %scan3A_6  : i32 {
      %dma_start3A = arith.constant 0 : i32
      %dma_start3A_10 = tpu.memref_slice %arg7[%scan3A_9, %dma_start3A] : memref<80x128xi32, #tpu.memory_space<vmem>> -> memref<1x128xi32, #tpu.memory_space<vmem>>
      %dma_start3A_11 = tpu.memref_squeeze %dma_start3A_10 : memref<1x128xi32, #tpu.memory_space<vmem>> -> memref<128xi32, #tpu.memory_space<vmem>>
      %dma_start3A_12 = arith.constant 0 : i32
      %dma_start3A_13 = arith.constant 0 : i32
      %dma_start3A_14 = tpu.memref_slice %arg2[%dma_start3A_12, %dma_start3A_13] : memref<10112x128xf32, #tpu.memory_space<hbm>> -> memref<10112x128xf32, #tpu.memory_space<hbm>>
      tpu.enqueue_indirect_dma source(%dma_start3A_14 : memref<10112x128xf32, #tpu.memory_space<hbm>>) target(%arg9 : memref<128x128xf32, #tpu.memory_space<vmem>>) offsets(%dma_start3A_11 : memref<128xi32, #tpu.memory_space<vmem>>) semaphore(%arg11 : memref<!tpu.dma_semaphore, #tpu.memory_space<semaphore_mem>>)
      %dma_wait3A = arith.constant 0 : i32
      %dma_wait3A_15 = tpu.memref_slice %arg7[%scan3A_9, %dma_wait3A] : memref<80x128xi32, #tpu.memory_space<vmem>> -> memref<1x128xi32, #tpu.memory_space<vmem>>
      %dma_wait3A_16 = tpu.memref_squeeze %dma_wait3A_15 : memref<1x128xi32, #tpu.memory_space<vmem>> -> memref<128xi32, #tpu.memory_space<vmem>>
      %dma_wait3A_17 = arith.constant 0 : i32
      %dma_wait3A_18 = arith.constant 0 : i32
      %dma_wait3A_19 = tpu.memref_slice %arg2[%dma_wait3A_17, %dma_wait3A_18] : memref<10112x128xf32, #tpu.memory_space<hbm>> -> memref<10112x128xf32, #tpu.memory_space<hbm>>
      tpu.wait_indirect_dma semaphore(%arg11 : memref<!tpu.dma_semaphore, #tpu.memory_space<semaphore_mem>>) src(%dma_wait3A_19 : memref<10112x128xf32, #tpu.memory_space<hbm>>) dst(%arg9 : memref<128x128xf32, #tpu.memory_space<vmem>>)
      "tpu.region"() ({
        %run_scoped3A = tpu.sem_alloc : memref<!tpu.dma_semaphore, #tpu.memory_space<semaphore_mem>>
        %dma_start3A_20 = arith.constant 0 : i32
        %dma_start3A_21 = tpu.memref_slice %arg8[%scan3A_9, %dma_start3A_20] : memref<80x128xi32, #tpu.memory_space<vmem>> -> memref<1x128xi32, #tpu.memory_space<vmem>>
        %dma_start3A_22 = tpu.memref_squeeze %dma_start3A_21 : memref<1x128xi32, #tpu.memory_space<vmem>> -> memref<128xi32, #tpu.memory_space<vmem>>
        %dma_start3A_23 = arith.constant 0 : i32
        %dma_start3A_24 = arith.constant 0 : i32
        %dma_start3A_25 = tpu.memref_slice %arg10[%dma_start3A_23, %dma_start3A_24] : memref<10112x128xf32, #tpu.memory_space<vmem_shared>> -> memref<10112x128xf32, #tpu.memory_space<vmem_shared>>
        tpu.enqueue_indirect_dma source(%arg9 : memref<128x128xf32, #tpu.memory_space<vmem>>) target(%dma_start3A_25 : memref<10112x128xf32, #tpu.memory_space<vmem_shared>>) offsets(%dma_start3A_22 : memref<128xi32, #tpu.memory_space<vmem>>) semaphore(%run_scoped3A : memref<!tpu.dma_semaphore, #tpu.memory_space<semaphore_mem>>) {add = true}
        %dma_wait3A_26 = arith.constant 0 : i32
        %dma_wait3A_27 = tpu.memref_slice %arg8[%scan3A_9, %dma_wait3A_26] : memref<80x128xi32, #tpu.memory_space<vmem>> -> memref<1x128xi32, #tpu.memory_space<vmem>>
        %dma_wait3A_28 = tpu.memref_squeeze %dma_wait3A_27 : memref<1x128xi32, #tpu.memory_space<vmem>> -> memref<128xi32, #tpu.memory_space<vmem>>
        %dma_wait3A_29 = arith.constant 0 : i32
        %dma_wait3A_30 = arith.constant 0 : i32
        %dma_wait3A_31 = tpu.memref_slice %arg10[%dma_wait3A_29, %dma_wait3A_30] : memref<10112x128xf32, #tpu.memory_space<vmem_shared>> -> memref<10112x128xf32, #tpu.memory_space<vmem_shared>>
        tpu.wait_indirect_dma semaphore(%run_scoped3A : memref<!tpu.dma_semaphore, #tpu.memory_space<semaphore_mem>>) src(%arg9 : memref<128x128xf32, #tpu.memory_space<vmem>>) dst(%dma_wait3A_31 : memref<10112x128xf32, #tpu.memory_space<vmem_shared>>)
        tpu.yield
      }) : () -> ()
    }
    %scan3A_7 = arith.constant 80 : i32
    %barrier3A_8 = arith.constant 0 : index
    tpu.barrier barrier_id(%barrier3A_8)
    "tpu.region"() ({
      %run_scoped3A = tpu.sem_alloc : memref<!tpu.dma_semaphore, #tpu.memory_space<semaphore_mem>>
      %dma_start3A = arith.constant 0 : i32
      %dma_start3A_9 = arith.constant 0 : i32
      %dma_start3A_10 = tpu.memref_slice %arg6[%arg0, %dma_start3A, %dma_start3A_9] : memref<2x10112x128xf32, #tpu.memory_space<hbm>> -> memref<1x10112x128xf32, #tpu.memory_space<hbm>>
      %dma_start3A_11 = tpu.memref_squeeze %dma_start3A_10 : memref<1x10112x128xf32, #tpu.memory_space<hbm>> -> memref<10112x128xf32, #tpu.memory_space<hbm>>
      %dma_start3A_12 = arith.constant 0 : i32
      %dma_start3A_13 = tpu.memref_slice %dma_start3A_11[%mul3A_2, %dma_start3A_12] : memref<10112x128xf32, #tpu.memory_space<hbm>> -> memref<632x128xf32, #tpu.memory_space<hbm>>
      %dma_start3A_14 = arith.constant 0 : i32
      %dma_start3A_15 = tpu.memref_slice %arg10[%mul3A_2, %dma_start3A_14] : memref<10112x128xf32, #tpu.memory_space<vmem_shared>> -> memref<632x128xf32, #tpu.memory_space<vmem_shared>>
      tpu.enqueue_dma source(%dma_start3A_15 : memref<632x128xf32, #tpu.memory_space<vmem_shared>>) target(%dma_start3A_13 : memref<632x128xf32, #tpu.memory_space<hbm>>) target_semaphore(%run_scoped3A : memref<!tpu.dma_semaphore, #tpu.memory_space<semaphore_mem>>)
      %dma_wait3A = arith.constant 0 : i32
      %dma_wait3A_16 = arith.constant 0 : i32
      %dma_wait3A_17 = tpu.memref_slice %arg6[%arg0, %dma_wait3A, %dma_wait3A_16] : memref<2x10112x128xf32, #tpu.memory_space<hbm>> -> memref<1x10112x128xf32, #tpu.memory_space<hbm>>
      %dma_wait3A_18 = tpu.memref_squeeze %dma_wait3A_17 : memref<1x10112x128xf32, #tpu.memory_space<hbm>> -> memref<10112x128xf32, #tpu.memory_space<hbm>>
      %dma_wait3A_19 = arith.constant 0 : i32
      %dma_wait3A_20 = tpu.memref_slice %dma_wait3A_18[%mul3A_2, %dma_wait3A_19] : memref<10112x128xf32, #tpu.memory_space<hbm>> -> memref<632x128xf32, #tpu.memory_space<hbm>>
      %dma_wait3A_21 = arith.constant 0 : i32
      %dma_wait3A_22 = tpu.memref_slice %arg10[%mul3A_2, %dma_wait3A_21] : memref<10112x128xf32, #tpu.memory_space<vmem_shared>> -> memref<632x128xf32, #tpu.memory_space<vmem_shared>>
      tpu.wait_dma2 semaphore(%run_scoped3A : memref<!tpu.dma_semaphore, #tpu.memory_space<semaphore_mem>>) src(%dma_wait3A_22 : memref<632x128xf32, #tpu.memory_space<vmem_shared>>) dst(%dma_wait3A_20 : memref<632x128xf32, #tpu.memory_space<hbm>>)
      tpu.yield
    }) : () -> ()
    return
  }
}

#map = affine_map<(d0, d1) -> (0, 0)>
#map1 = affine_map<(d0, d1) -> (0, 0, 0)>
module attributes {stable_mosaic.version = 14 : i64} {
  func.func @_sc_scatter_body(%arg0: i32, %arg1: i32, %arg2: memref<10112x128xf32, #tpu.memory_space<hbm>>, %arg3: memref<32x80x128xi32, #tpu.memory_space<hbm>>, %arg4: memref<32x80x128xi32, #tpu.memory_space<hbm>>, %arg5: memref<10112x128xf32, #tpu.memory_space<hbm>>, %arg6: memref<2x10112x128xf32, #tpu.memory_space<hbm>>, %arg7: memref<80x128xi32, #tpu.memory_space<vmem>>, %arg8: memref<80x128xi32, #tpu.memory_space<vmem>>, %arg9: memref<128x128xf32, #tpu.memory_space<vmem>>, %arg10: memref<10112x128xf32, #tpu.memory_space<vmem_shared>>, %arg11: memref<!tpu.dma_semaphore, #tpu.memory_space<semaphore_mem>>) attributes {dimension_semantics = [#tpu.dimension_semantics<core_parallel>, #tpu.dimension_semantics<subcore_parallel>], iteration_bounds = array<i64: 2, 16>, scalar_prefetch = 0 : i64, scratch_operands = 5 : i64, tpu.core_type = #tpu.core_type<sc_vector_subcore>, window_params = [{transform_indices = #map}, {transform_indices = #map1}, {transform_indices = #map1}, {transform_indices = #map}, {transform_indices = #map1}]} {
    %mul3A = arith.constant 16 : i32
    %mul3A_0 = arith.muli %arg0, %mul3A : i32
    %add3A = arith.addi %mul3A_0, %arg1 : i32
    "tpu.region"() ({
      %run_scoped3A = tpu.sem_alloc : memref<!tpu.dma_semaphore, #tpu.memory_space<semaphore_mem>>
      %dma_start3A = arith.constant 0 : i32
      %dma_start3A_9 = arith.constant 0 : i32
      %dma_start3A_10 = tpu.memref_slice %arg3[%add3A, %dma_start3A, %dma_start3A_9] : memref<32x80x128xi32, #tpu.memory_space<hbm>> -> memref<1x80x128xi32, #tpu.memory_space<hbm>>
      %dma_start3A_11 = tpu.memref_squeeze %dma_start3A_10 : memref<1x80x128xi32, #tpu.memory_space<hbm>> -> memref<80x128xi32, #tpu.memory_space<hbm>>
      %dma_start3A_12 = arith.constant 0 : i32
      %dma_start3A_13 = arith.constant 0 : i32
      %dma_start3A_14 = tpu.memref_slice %arg3[%add3A, %dma_start3A_12, %dma_start3A_13] : memref<32x80x128xi32, #tpu.memory_space<hbm>> -> memref<1x80x128xi32, #tpu.memory_space<hbm>>
      %dma_start3A_15 = tpu.memref_squeeze %dma_start3A_14 : memref<1x80x128xi32, #tpu.memory_space<hbm>> -> memref<80x128xi32, #tpu.memory_space<hbm>>
      tpu.enqueue_dma source(%dma_start3A_15 : memref<80x128xi32, #tpu.memory_space<hbm>>) target(%arg7 : memref<80x128xi32, #tpu.memory_space<vmem>>) target_semaphore(%run_scoped3A : memref<!tpu.dma_semaphore, #tpu.memory_space<semaphore_mem>>)
      %dma_wait3A = arith.constant 0 : i32
      %dma_wait3A_16 = arith.constant 0 : i32
      %dma_wait3A_17 = tpu.memref_slice %arg3[%add3A, %dma_wait3A, %dma_wait3A_16] : memref<32x80x128xi32, #tpu.memory_space<hbm>> -> memref<1x80x128xi32, #tpu.memory_space<hbm>>
      %dma_wait3A_18 = tpu.memref_squeeze %dma_wait3A_17 : memref<1x80x128xi32, #tpu.memory_space<hbm>> -> memref<80x128xi32, #tpu.memory_space<hbm>>
      %dma_wait3A_19 = arith.constant 0 : i32
      %dma_wait3A_20 = arith.constant 0 : i32
      %dma_wait3A_21 = tpu.memref_slice %arg3[%add3A, %dma_wait3A_19, %dma_wait3A_20] : memref<32x80x128xi32, #tpu.memory_space<hbm>> -> memref<1x80x128xi32, #tpu.memory_space<hbm>>
      %dma_wait3A_22 = tpu.memref_squeeze %dma_wait3A_21 : memref<1x80x128xi32, #tpu.memory_space<hbm>> -> memref<80x128xi32, #tpu.memory_space<hbm>>
      tpu.wait_dma2 semaphore(%run_scoped3A : memref<!tpu.dma_semaphore, #tpu.memory_space<semaphore_mem>>) src(%dma_wait3A_22 : memref<80x128xi32, #tpu.memory_space<hbm>>) dst(%arg7 : memref<80x128xi32, #tpu.memory_space<vmem>>)
      tpu.yield
    }) : () -> ()
    "tpu.region"() ({
      %run_scoped3A = tpu.sem_alloc : memref<!tpu.dma_semaphore, #tpu.memory_space<semaphore_mem>>
      %dma_start3A = arith.constant 0 : i32
      %dma_start3A_9 = arith.constant 0 : i32
      %dma_start3A_10 = tpu.memref_slice %arg4[%add3A, %dma_start3A, %dma_start3A_9] : memref<32x80x128xi32, #tpu.memory_space<hbm>> -> memref<1x80x128xi32, #tpu.memory_space<hbm>>
      %dma_start3A_11 = tpu.memref_squeeze %dma_start3A_10 : memref<1x80x128xi32, #tpu.memory_space<hbm>> -> memref<80x128xi32, #tpu.memory_space<hbm>>
      %dma_start3A_12 = arith.constant 0 : i32
      %dma_start3A_13 = arith.constant 0 : i32
      %dma_start3A_14 = tpu.memref_slice %arg4[%add3A, %dma_start3A_12, %dma_start3A_13] : memref<32x80x128xi32, #tpu.memory_space<hbm>> -> memref<1x80x128xi32, #tpu.memory_space<hbm>>
      %dma_start3A_15 = tpu.memref_squeeze %dma_start3A_14 : memref<1x80x128xi32, #tpu.memory_space<hbm>> -> memref<80x128xi32, #tpu.memory_space<hbm>>
      tpu.enqueue_dma source(%dma_start3A_15 : memref<80x128xi32, #tpu.memory_space<hbm>>) target(%arg8 : memref<80x128xi32, #tpu.memory_space<vmem>>) target_semaphore(%run_scoped3A : memref<!tpu.dma_semaphore, #tpu.memory_space<semaphore_mem>>)
      %dma_wait3A = arith.constant 0 : i32
      %dma_wait3A_16 = arith.constant 0 : i32
      %dma_wait3A_17 = tpu.memref_slice %arg4[%add3A, %dma_wait3A, %dma_wait3A_16] : memref<32x80x128xi32, #tpu.memory_space<hbm>> -> memref<1x80x128xi32, #tpu.memory_space<hbm>>
      %dma_wait3A_18 = tpu.memref_squeeze %dma_wait3A_17 : memref<1x80x128xi32, #tpu.memory_space<hbm>> -> memref<80x128xi32, #tpu.memory_space<hbm>>
      %dma_wait3A_19 = arith.constant 0 : i32
      %dma_wait3A_20 = arith.constant 0 : i32
      %dma_wait3A_21 = tpu.memref_slice %arg4[%add3A, %dma_wait3A_19, %dma_wait3A_20] : memref<32x80x128xi32, #tpu.memory_space<hbm>> -> memref<1x80x128xi32, #tpu.memory_space<hbm>>
      %dma_wait3A_22 = tpu.memref_squeeze %dma_wait3A_21 : memref<1x80x128xi32, #tpu.memory_space<hbm>> -> memref<80x128xi32, #tpu.memory_space<hbm>>
      tpu.wait_dma2 semaphore(%run_scoped3A : memref<!tpu.dma_semaphore, #tpu.memory_space<semaphore_mem>>) src(%dma_wait3A_22 : memref<80x128xi32, #tpu.memory_space<hbm>>) dst(%arg8 : memref<80x128xi32, #tpu.memory_space<vmem>>)
      tpu.yield
    }) : () -> ()
    %mul3A_1 = arith.constant 632 : i32
    %mul3A_2 = arith.muli %arg1, %mul3A_1 : i32
    "tpu.region"() ({
      %run_scoped3A = tpu.sem_alloc : memref<!tpu.dma_semaphore, #tpu.memory_space<semaphore_mem>>
      %dma_start3A = arith.constant 0 : i32
      %dma_start3A_9 = tpu.memref_slice %arg10[%mul3A_2, %dma_start3A] : memref<10112x128xf32, #tpu.memory_space<vmem_shared>> -> memref<632x128xf32, #tpu.memory_space<vmem_shared>>
      %dma_start3A_10 = arith.constant 0 : i32
      %dma_start3A_11 = tpu.memref_slice %arg5[%mul3A_2, %dma_start3A_10] : memref<10112x128xf32, #tpu.memory_space<hbm>> -> memref<632x128xf32, #tpu.memory_space<hbm>>
      tpu.enqueue_dma source(%dma_start3A_11 : memref<632x128xf32, #tpu.memory_space<hbm>>) target(%dma_start3A_9 : memref<632x128xf32, #tpu.memory_space<vmem_shared>>) target_semaphore(%run_scoped3A : memref<!tpu.dma_semaphore, #tpu.memory_space<semaphore_mem>>)
      %dma_wait3A = arith.constant 0 : i32
      %dma_wait3A_12 = tpu.memref_slice %arg10[%mul3A_2, %dma_wait3A] : memref<10112x128xf32, #tpu.memory_space<vmem_shared>> -> memref<632x128xf32, #tpu.memory_space<vmem_shared>>
      %dma_wait3A_13 = arith.constant 0 : i32
      %dma_wait3A_14 = tpu.memref_slice %arg5[%mul3A_2, %dma_wait3A_13] : memref<10112x128xf32, #tpu.memory_space<hbm>> -> memref<632x128xf32, #tpu.memory_space<hbm>>
      tpu.wait_dma2 semaphore(%run_scoped3A : memref<!tpu.dma_semaphore, #tpu.memory_space<semaphore_mem>>) src(%dma_wait3A_14 : memref<632x128xf32, #tpu.memory_space<hbm>>) dst(%dma_wait3A_12 : memref<632x128xf32, #tpu.memory_space<vmem_shared>>)
      tpu.yield
    }) : () -> ()
    %barrier3A = arith.constant 0 : index
    tpu.barrier barrier_id(%barrier3A)
    %scan3A = arith.constant 0 : i32
    %scan3A_3 = arith.constant 0 : i32
    %scan3A_4 = arith.constant 80 : i32
    %scan3A_5 = arith.addi %scan3A_3, %scan3A_4 : i32
    %scan3A_6 = arith.constant 1 : i32
    scf.for %scan3A_9 = %scan3A_3 to %scan3A_5 step %scan3A_6  : i32 {
      %dma_start3A = arith.constant 0 : i32
      %dma_start3A_10 = tpu.memref_slice %arg7[%scan3A_9, %dma_start3A] : memref<80x128xi32, #tpu.memory_space<vmem>> -> memref<1x128xi32, #tpu.memory_space<vmem>>
      %dma_start3A_11 = tpu.memref_squeeze %dma_start3A_10 : memref<1x128xi32, #tpu.memory_space<vmem>> -> memref<128xi32, #tpu.memory_space<vmem>>
      %dma_start3A_12 = arith.constant 0 : i32
      %dma_start3A_13 = arith.constant 0 : i32
      %dma_start3A_14 = tpu.memref_slice %arg2[%dma_start3A_12, %dma_start3A_13] : memref<10112x128xf32, #tpu.memory_space<hbm>> -> memref<10112x128xf32, #tpu.memory_space<hbm>>
      tpu.enqueue_indirect_dma source(%dma_start3A_14 : memref<10112x128xf32, #tpu.memory_space<hbm>>) target(%arg9 : memref<128x128xf32, #tpu.memory_space<vmem>>) offsets(%dma_start3A_11 : memref<128xi32, #tpu.memory_space<vmem>>) semaphore(%arg11 : memref<!tpu.dma_semaphore, #tpu.memory_space<semaphore_mem>>)
      %dma_wait3A = arith.constant 0 : i32
      %dma_wait3A_15 = tpu.memref_slice %arg7[%scan3A_9, %dma_wait3A] : memref<80x128xi32, #tpu.memory_space<vmem>> -> memref<1x128xi32, #tpu.memory_space<vmem>>
      %dma_wait3A_16 = tpu.memref_squeeze %dma_wait3A_15 : memref<1x128xi32, #tpu.memory_space<vmem>> -> memref<128xi32, #tpu.memory_space<vmem>>
      %dma_wait3A_17 = arith.constant 0 : i32
      %dma_wait3A_18 = arith.constant 0 : i32
      %dma_wait3A_19 = tpu.memref_slice %arg2[%dma_wait3A_17, %dma_wait3A_18] : memref<10112x128xf32, #tpu.memory_space<hbm>> -> memref<10112x128xf32, #tpu.memory_space<hbm>>
      tpu.wait_indirect_dma semaphore(%arg11 : memref<!tpu.dma_semaphore, #tpu.memory_space<semaphore_mem>>) src(%dma_wait3A_19 : memref<10112x128xf32, #tpu.memory_space<hbm>>) dst(%arg9 : memref<128x128xf32, #tpu.memory_space<vmem>>)
      "tpu.region"() ({
        %run_scoped3A = tpu.sem_alloc : memref<!tpu.dma_semaphore, #tpu.memory_space<semaphore_mem>>
        %dma_start3A_20 = arith.constant 0 : i32
        %dma_start3A_21 = tpu.memref_slice %arg8[%scan3A_9, %dma_start3A_20] : memref<80x128xi32, #tpu.memory_space<vmem>> -> memref<1x128xi32, #tpu.memory_space<vmem>>
        %dma_start3A_22 = tpu.memref_squeeze %dma_start3A_21 : memref<1x128xi32, #tpu.memory_space<vmem>> -> memref<128xi32, #tpu.memory_space<vmem>>
        %dma_start3A_23 = arith.constant 0 : i32
        %dma_start3A_24 = arith.constant 0 : i32
        %dma_start3A_25 = tpu.memref_slice %arg10[%dma_start3A_23, %dma_start3A_24] : memref<10112x128xf32, #tpu.memory_space<vmem_shared>> -> memref<10112x128xf32, #tpu.memory_space<vmem_shared>>
        tpu.enqueue_indirect_dma source(%arg9 : memref<128x128xf32, #tpu.memory_space<vmem>>) target(%dma_start3A_25 : memref<10112x128xf32, #tpu.memory_space<vmem_shared>>) offsets(%dma_start3A_22 : memref<128xi32, #tpu.memory_space<vmem>>) semaphore(%run_scoped3A : memref<!tpu.dma_semaphore, #tpu.memory_space<semaphore_mem>>) {add = true}
        %dma_wait3A_26 = arith.constant 0 : i32
        %dma_wait3A_27 = tpu.memref_slice %arg8[%scan3A_9, %dma_wait3A_26] : memref<80x128xi32, #tpu.memory_space<vmem>> -> memref<1x128xi32, #tpu.memory_space<vmem>>
        %dma_wait3A_28 = tpu.memref_squeeze %dma_wait3A_27 : memref<1x128xi32, #tpu.memory_space<vmem>> -> memref<128xi32, #tpu.memory_space<vmem>>
        %dma_wait3A_29 = arith.constant 0 : i32
        %dma_wait3A_30 = arith.constant 0 : i32
        %dma_wait3A_31 = tpu.memref_slice %arg10[%dma_wait3A_29, %dma_wait3A_30] : memref<10112x128xf32, #tpu.memory_space<vmem_shared>> -> memref<10112x128xf32, #tpu.memory_space<vmem_shared>>
        tpu.wait_indirect_dma semaphore(%run_scoped3A : memref<!tpu.dma_semaphore, #tpu.memory_space<semaphore_mem>>) src(%arg9 : memref<128x128xf32, #tpu.memory_space<vmem>>) dst(%dma_wait3A_31 : memref<10112x128xf32, #tpu.memory_space<vmem_shared>>)
        tpu.yield
      }) : () -> ()
    }
    %scan3A_7 = arith.constant 80 : i32
    %barrier3A_8 = arith.constant 0 : index
    tpu.barrier barrier_id(%barrier3A_8)
    "tpu.region"() ({
      %run_scoped3A = tpu.sem_alloc : memref<!tpu.dma_semaphore, #tpu.memory_space<semaphore_mem>>
      %dma_start3A = arith.constant 0 : i32
      %dma_start3A_9 = arith.constant 0 : i32
      %dma_start3A_10 = tpu.memref_slice %arg6[%arg0, %dma_start3A, %dma_start3A_9] : memref<2x10112x128xf32, #tpu.memory_space<hbm>> -> memref<1x10112x128xf32, #tpu.memory_space<hbm>>
      %dma_start3A_11 = tpu.memref_squeeze %dma_start3A_10 : memref<1x10112x128xf32, #tpu.memory_space<hbm>> -> memref<10112x128xf32, #tpu.memory_space<hbm>>
      %dma_start3A_12 = arith.constant 0 : i32
      %dma_start3A_13 = tpu.memref_slice %dma_start3A_11[%mul3A_2, %dma_start3A_12] : memref<10112x128xf32, #tpu.memory_space<hbm>> -> memref<632x128xf32, #tpu.memory_space<hbm>>
      %dma_start3A_14 = arith.constant 0 : i32
      %dma_start3A_15 = tpu.memref_slice %arg10[%mul3A_2, %dma_start3A_14] : memref<10112x128xf32, #tpu.memory_space<vmem_shared>> -> memref<632x128xf32, #tpu.memory_space<vmem_shared>>
      tpu.enqueue_dma source(%dma_start3A_15 : memref<632x128xf32, #tpu.memory_space<vmem_shared>>) target(%dma_start3A_13 : memref<632x128xf32, #tpu.memory_space<hbm>>) target_semaphore(%run_scoped3A : memref<!tpu.dma_semaphore, #tpu.memory_space<semaphore_mem>>)
      %dma_wait3A = arith.constant 0 : i32
      %dma_wait3A_16 = arith.constant 0 : i32
      %dma_wait3A_17 = tpu.memref_slice %arg6[%arg0, %dma_wait3A, %dma_wait3A_16] : memref<2x10112x128xf32, #tpu.memory_space<hbm>> -> memref<1x10112x128xf32, #tpu.memory_space<hbm>>
      %dma_wait3A_18 = tpu.memref_squeeze %dma_wait3A_17 : memref<1x10112x128xf32, #tpu.memory_space<hbm>> -> memref<10112x128xf32, #tpu.memory_space<hbm>>
      %dma_wait3A_19 = arith.constant 0 : i32
      %dma_wait3A_20 = tpu.memref_slice %dma_wait3A_18[%mul3A_2, %dma_wait3A_19] : memref<10112x128xf32, #tpu.memory_space<hbm>> -> memref<632x128xf32, #tpu.memory_space<hbm>>
      %dma_wait3A_21 = arith.constant 0 : i32
      %dma_wait3A_22 = tpu.memref_slice %arg10[%mul3A_2, %dma_wait3A_21] : memref<10112x128xf32, #tpu.memory_space<vmem_shared>> -> memref<632x128xf32, #tpu.memory_space<vmem_shared>>
      tpu.wait_dma2 semaphore(%run_scoped3A : memref<!tpu.dma_semaphore, #tpu.memory_space<semaphore_mem>>) src(%dma_wait3A_22 : memref<632x128xf32, #tpu.memory_space<vmem_shared>>) dst(%dma_wait3A_20 : memref<632x128xf32, #tpu.memory_space<hbm>>)
      tpu.yield
    }) : () -> ()
    return
  }
}

#map = affine_map<(d0, d1) -> (0, 0)>
#map1 = affine_map<(d0, d1) -> (0, 0, 0)>
module attributes {stable_mosaic.version = 14 : i64} {
  func.func @_sc_scatter_body(%arg0: i32, %arg1: i32, %arg2: memref<10112x128xf32, #tpu.memory_space<hbm>>, %arg3: memref<32x80x128xi32, #tpu.memory_space<hbm>>, %arg4: memref<32x80x128xi32, #tpu.memory_space<hbm>>, %arg5: memref<10112x128xf32, #tpu.memory_space<hbm>>, %arg6: memref<2x10112x128xf32, #tpu.memory_space<hbm>>, %arg7: memref<80x128xi32, #tpu.memory_space<vmem>>, %arg8: memref<80x128xi32, #tpu.memory_space<vmem>>, %arg9: memref<128x128xf32, #tpu.memory_space<vmem>>, %arg10: memref<10112x128xf32, #tpu.memory_space<vmem_shared>>, %arg11: memref<!tpu.dma_semaphore, #tpu.memory_space<semaphore_mem>>) attributes {dimension_semantics = [#tpu.dimension_semantics<core_parallel>, #tpu.dimension_semantics<subcore_parallel>], iteration_bounds = array<i64: 2, 16>, scalar_prefetch = 0 : i64, scratch_operands = 5 : i64, tpu.core_type = #tpu.core_type<sc_vector_subcore>, window_params = [{transform_indices = #map}, {transform_indices = #map1}, {transform_indices = #map1}, {transform_indices = #map}, {transform_indices = #map1}]} {
    %mul3A = arith.constant 16 : i32
    %mul3A_0 = arith.muli %arg0, %mul3A : i32
    %add3A = arith.addi %mul3A_0, %arg1 : i32
    "tpu.region"() ({
      %run_scoped3A = tpu.sem_alloc : memref<!tpu.dma_semaphore, #tpu.memory_space<semaphore_mem>>
      %dma_start3A = arith.constant 0 : i32
      %dma_start3A_9 = arith.constant 0 : i32
      %dma_start3A_10 = tpu.memref_slice %arg3[%add3A, %dma_start3A, %dma_start3A_9] : memref<32x80x128xi32, #tpu.memory_space<hbm>> -> memref<1x80x128xi32, #tpu.memory_space<hbm>>
      %dma_start3A_11 = tpu.memref_squeeze %dma_start3A_10 : memref<1x80x128xi32, #tpu.memory_space<hbm>> -> memref<80x128xi32, #tpu.memory_space<hbm>>
      %dma_start3A_12 = arith.constant 0 : i32
      %dma_start3A_13 = arith.constant 0 : i32
      %dma_start3A_14 = tpu.memref_slice %arg3[%add3A, %dma_start3A_12, %dma_start3A_13] : memref<32x80x128xi32, #tpu.memory_space<hbm>> -> memref<1x80x128xi32, #tpu.memory_space<hbm>>
      %dma_start3A_15 = tpu.memref_squeeze %dma_start3A_14 : memref<1x80x128xi32, #tpu.memory_space<hbm>> -> memref<80x128xi32, #tpu.memory_space<hbm>>
      tpu.enqueue_dma source(%dma_start3A_15 : memref<80x128xi32, #tpu.memory_space<hbm>>) target(%arg7 : memref<80x128xi32, #tpu.memory_space<vmem>>) target_semaphore(%run_scoped3A : memref<!tpu.dma_semaphore, #tpu.memory_space<semaphore_mem>>)
      %dma_wait3A = arith.constant 0 : i32
      %dma_wait3A_16 = arith.constant 0 : i32
      %dma_wait3A_17 = tpu.memref_slice %arg3[%add3A, %dma_wait3A, %dma_wait3A_16] : memref<32x80x128xi32, #tpu.memory_space<hbm>> -> memref<1x80x128xi32, #tpu.memory_space<hbm>>
      %dma_wait3A_18 = tpu.memref_squeeze %dma_wait3A_17 : memref<1x80x128xi32, #tpu.memory_space<hbm>> -> memref<80x128xi32, #tpu.memory_space<hbm>>
      %dma_wait3A_19 = arith.constant 0 : i32
      %dma_wait3A_20 = arith.constant 0 : i32
      %dma_wait3A_21 = tpu.memref_slice %arg3[%add3A, %dma_wait3A_19, %dma_wait3A_20] : memref<32x80x128xi32, #tpu.memory_space<hbm>> -> memref<1x80x128xi32, #tpu.memory_space<hbm>>
      %dma_wait3A_22 = tpu.memref_squeeze %dma_wait3A_21 : memref<1x80x128xi32, #tpu.memory_space<hbm>> -> memref<80x128xi32, #tpu.memory_space<hbm>>
      tpu.wait_dma2 semaphore(%run_scoped3A : memref<!tpu.dma_semaphore, #tpu.memory_space<semaphore_mem>>) src(%dma_wait3A_22 : memref<80x128xi32, #tpu.memory_space<hbm>>) dst(%arg7 : memref<80x128xi32, #tpu.memory_space<vmem>>)
      tpu.yield
    }) : () -> ()
    "tpu.region"() ({
      %run_scoped3A = tpu.sem_alloc : memref<!tpu.dma_semaphore, #tpu.memory_space<semaphore_mem>>
      %dma_start3A = arith.constant 0 : i32
      %dma_start3A_9 = arith.constant 0 : i32
      %dma_start3A_10 = tpu.memref_slice %arg4[%add3A, %dma_start3A, %dma_start3A_9] : memref<32x80x128xi32, #tpu.memory_space<hbm>> -> memref<1x80x128xi32, #tpu.memory_space<hbm>>
      %dma_start3A_11 = tpu.memref_squeeze %dma_start3A_10 : memref<1x80x128xi32, #tpu.memory_space<hbm>> -> memref<80x128xi32, #tpu.memory_space<hbm>>
      %dma_start3A_12 = arith.constant 0 : i32
      %dma_start3A_13 = arith.constant 0 : i32
      %dma_start3A_14 = tpu.memref_slice %arg4[%add3A, %dma_start3A_12, %dma_start3A_13] : memref<32x80x128xi32, #tpu.memory_space<hbm>> -> memref<1x80x128xi32, #tpu.memory_space<hbm>>
      %dma_start3A_15 = tpu.memref_squeeze %dma_start3A_14 : memref<1x80x128xi32, #tpu.memory_space<hbm>> -> memref<80x128xi32, #tpu.memory_space<hbm>>
      tpu.enqueue_dma source(%dma_start3A_15 : memref<80x128xi32, #tpu.memory_space<hbm>>) target(%arg8 : memref<80x128xi32, #tpu.memory_space<vmem>>) target_semaphore(%run_scoped3A : memref<!tpu.dma_semaphore, #tpu.memory_space<semaphore_mem>>)
      %dma_wait3A = arith.constant 0 : i32
      %dma_wait3A_16 = arith.constant 0 : i32
      %dma_wait3A_17 = tpu.memref_slice %arg4[%add3A, %dma_wait3A, %dma_wait3A_16] : memref<32x80x128xi32, #tpu.memory_space<hbm>> -> memref<1x80x128xi32, #tpu.memory_space<hbm>>
      %dma_wait3A_18 = tpu.memref_squeeze %dma_wait3A_17 : memref<1x80x128xi32, #tpu.memory_space<hbm>> -> memref<80x128xi32, #tpu.memory_space<hbm>>
      %dma_wait3A_19 = arith.constant 0 : i32
      %dma_wait3A_20 = arith.constant 0 : i32
      %dma_wait3A_21 = tpu.memref_slice %arg4[%add3A, %dma_wait3A_19, %dma_wait3A_20] : memref<32x80x128xi32, #tpu.memory_space<hbm>> -> memref<1x80x128xi32, #tpu.memory_space<hbm>>
      %dma_wait3A_22 = tpu.memref_squeeze %dma_wait3A_21 : memref<1x80x128xi32, #tpu.memory_space<hbm>> -> memref<80x128xi32, #tpu.memory_space<hbm>>
      tpu.wait_dma2 semaphore(%run_scoped3A : memref<!tpu.dma_semaphore, #tpu.memory_space<semaphore_mem>>) src(%dma_wait3A_22 : memref<80x128xi32, #tpu.memory_space<hbm>>) dst(%arg8 : memref<80x128xi32, #tpu.memory_space<vmem>>)
      tpu.yield
    }) : () -> ()
    %mul3A_1 = arith.constant 632 : i32
    %mul3A_2 = arith.muli %arg1, %mul3A_1 : i32
    "tpu.region"() ({
      %run_scoped3A = tpu.sem_alloc : memref<!tpu.dma_semaphore, #tpu.memory_space<semaphore_mem>>
      %dma_start3A = arith.constant 0 : i32
      %dma_start3A_9 = tpu.memref_slice %arg10[%mul3A_2, %dma_start3A] : memref<10112x128xf32, #tpu.memory_space<vmem_shared>> -> memref<632x128xf32, #tpu.memory_space<vmem_shared>>
      %dma_start3A_10 = arith.constant 0 : i32
      %dma_start3A_11 = tpu.memref_slice %arg5[%mul3A_2, %dma_start3A_10] : memref<10112x128xf32, #tpu.memory_space<hbm>> -> memref<632x128xf32, #tpu.memory_space<hbm>>
      tpu.enqueue_dma source(%dma_start3A_11 : memref<632x128xf32, #tpu.memory_space<hbm>>) target(%dma_start3A_9 : memref<632x128xf32, #tpu.memory_space<vmem_shared>>) target_semaphore(%run_scoped3A : memref<!tpu.dma_semaphore, #tpu.memory_space<semaphore_mem>>)
      %dma_wait3A = arith.constant 0 : i32
      %dma_wait3A_12 = tpu.memref_slice %arg10[%mul3A_2, %dma_wait3A] : memref<10112x128xf32, #tpu.memory_space<vmem_shared>> -> memref<632x128xf32, #tpu.memory_space<vmem_shared>>
      %dma_wait3A_13 = arith.constant 0 : i32
      %dma_wait3A_14 = tpu.memref_slice %arg5[%mul3A_2, %dma_wait3A_13] : memref<10112x128xf32, #tpu.memory_space<hbm>> -> memref<632x128xf32, #tpu.memory_space<hbm>>
      tpu.wait_dma2 semaphore(%run_scoped3A : memref<!tpu.dma_semaphore, #tpu.memory_space<semaphore_mem>>) src(%dma_wait3A_14 : memref<632x128xf32, #tpu.memory_space<hbm>>) dst(%dma_wait3A_12 : memref<632x128xf32, #tpu.memory_space<vmem_shared>>)
      tpu.yield
    }) : () -> ()
    %barrier3A = arith.constant 0 : index
    tpu.barrier barrier_id(%barrier3A)
    %scan3A = arith.constant 0 : i32
    %scan3A_3 = arith.constant 0 : i32
    %scan3A_4 = arith.constant 80 : i32
    %scan3A_5 = arith.addi %scan3A_3, %scan3A_4 : i32
    %scan3A_6 = arith.constant 1 : i32
    scf.for %scan3A_9 = %scan3A_3 to %scan3A_5 step %scan3A_6  : i32 {
      %dma_start3A = arith.constant 0 : i32
      %dma_start3A_10 = tpu.memref_slice %arg7[%scan3A_9, %dma_start3A] : memref<80x128xi32, #tpu.memory_space<vmem>> -> memref<1x128xi32, #tpu.memory_space<vmem>>
      %dma_start3A_11 = tpu.memref_squeeze %dma_start3A_10 : memref<1x128xi32, #tpu.memory_space<vmem>> -> memref<128xi32, #tpu.memory_space<vmem>>
      %dma_start3A_12 = arith.constant 0 : i32
      %dma_start3A_13 = arith.constant 0 : i32
      %dma_start3A_14 = tpu.memref_slice %arg2[%dma_start3A_12, %dma_start3A_13] : memref<10112x128xf32, #tpu.memory_space<hbm>> -> memref<10112x128xf32, #tpu.memory_space<hbm>>
      tpu.enqueue_indirect_dma source(%dma_start3A_14 : memref<10112x128xf32, #tpu.memory_space<hbm>>) target(%arg9 : memref<128x128xf32, #tpu.memory_space<vmem>>) offsets(%dma_start3A_11 : memref<128xi32, #tpu.memory_space<vmem>>) semaphore(%arg11 : memref<!tpu.dma_semaphore, #tpu.memory_space<semaphore_mem>>)
      %dma_wait3A = arith.constant 0 : i32
      %dma_wait3A_15 = tpu.memref_slice %arg7[%scan3A_9, %dma_wait3A] : memref<80x128xi32, #tpu.memory_space<vmem>> -> memref<1x128xi32, #tpu.memory_space<vmem>>
      %dma_wait3A_16 = tpu.memref_squeeze %dma_wait3A_15 : memref<1x128xi32, #tpu.memory_space<vmem>> -> memref<128xi32, #tpu.memory_space<vmem>>
      %dma_wait3A_17 = arith.constant 0 : i32
      %dma_wait3A_18 = arith.constant 0 : i32
      %dma_wait3A_19 = tpu.memref_slice %arg2[%dma_wait3A_17, %dma_wait3A_18] : memref<10112x128xf32, #tpu.memory_space<hbm>> -> memref<10112x128xf32, #tpu.memory_space<hbm>>
      tpu.wait_indirect_dma semaphore(%arg11 : memref<!tpu.dma_semaphore, #tpu.memory_space<semaphore_mem>>) src(%dma_wait3A_19 : memref<10112x128xf32, #tpu.memory_space<hbm>>) dst(%arg9 : memref<128x128xf32, #tpu.memory_space<vmem>>)
      "tpu.region"() ({
        %run_scoped3A = tpu.sem_alloc : memref<!tpu.dma_semaphore, #tpu.memory_space<semaphore_mem>>
        %dma_start3A_20 = arith.constant 0 : i32
        %dma_start3A_21 = tpu.memref_slice %arg8[%scan3A_9, %dma_start3A_20] : memref<80x128xi32, #tpu.memory_space<vmem>> -> memref<1x128xi32, #tpu.memory_space<vmem>>
        %dma_start3A_22 = tpu.memref_squeeze %dma_start3A_21 : memref<1x128xi32, #tpu.memory_space<vmem>> -> memref<128xi32, #tpu.memory_space<vmem>>
        %dma_start3A_23 = arith.constant 0 : i32
        %dma_start3A_24 = arith.constant 0 : i32
        %dma_start3A_25 = tpu.memref_slice %arg10[%dma_start3A_23, %dma_start3A_24] : memref<10112x128xf32, #tpu.memory_space<vmem_shared>> -> memref<10112x128xf32, #tpu.memory_space<vmem_shared>>
        tpu.enqueue_indirect_dma source(%arg9 : memref<128x128xf32, #tpu.memory_space<vmem>>) target(%dma_start3A_25 : memref<10112x128xf32, #tpu.memory_space<vmem_shared>>) offsets(%dma_start3A_22 : memref<128xi32, #tpu.memory_space<vmem>>) semaphore(%run_scoped3A : memref<!tpu.dma_semaphore, #tpu.memory_space<semaphore_mem>>) {add = true}
        %dma_wait3A_26 = arith.constant 0 : i32
        %dma_wait3A_27 = tpu.memref_slice %arg8[%scan3A_9, %dma_wait3A_26] : memref<80x128xi32, #tpu.memory_space<vmem>> -> memref<1x128xi32, #tpu.memory_space<vmem>>
        %dma_wait3A_28 = tpu.memref_squeeze %dma_wait3A_27 : memref<1x128xi32, #tpu.memory_space<vmem>> -> memref<128xi32, #tpu.memory_space<vmem>>
        %dma_wait3A_29 = arith.constant 0 : i32
        %dma_wait3A_30 = arith.constant 0 : i32
        %dma_wait3A_31 = tpu.memref_slice %arg10[%dma_wait3A_29, %dma_wait3A_30] : memref<10112x128xf32, #tpu.memory_space<vmem_shared>> -> memref<10112x128xf32, #tpu.memory_space<vmem_shared>>
        tpu.wait_indirect_dma semaphore(%run_scoped3A : memref<!tpu.dma_semaphore, #tpu.memory_space<semaphore_mem>>) src(%arg9 : memref<128x128xf32, #tpu.memory_space<vmem>>) dst(%dma_wait3A_31 : memref<10112x128xf32, #tpu.memory_space<vmem_shared>>)
        tpu.yield
      }) : () -> ()
    }
    %scan3A_7 = arith.constant 80 : i32
    %barrier3A_8 = arith.constant 0 : index
    tpu.barrier barrier_id(%barrier3A_8)
    "tpu.region"() ({
      %run_scoped3A = tpu.sem_alloc : memref<!tpu.dma_semaphore, #tpu.memory_space<semaphore_mem>>
      %dma_start3A = arith.constant 0 : i32
      %dma_start3A_9 = arith.constant 0 : i32
      %dma_start3A_10 = tpu.memref_slice %arg6[%arg0, %dma_start3A, %dma_start3A_9] : memref<2x10112x128xf32, #tpu.memory_space<hbm>> -> memref<1x10112x128xf32, #tpu.memory_space<hbm>>
      %dma_start3A_11 = tpu.memref_squeeze %dma_start3A_10 : memref<1x10112x128xf32, #tpu.memory_space<hbm>> -> memref<10112x128xf32, #tpu.memory_space<hbm>>
      %dma_start3A_12 = arith.constant 0 : i32
      %dma_start3A_13 = tpu.memref_slice %dma_start3A_11[%mul3A_2, %dma_start3A_12] : memref<10112x128xf32, #tpu.memory_space<hbm>> -> memref<632x128xf32, #tpu.memory_space<hbm>>
      %dma_start3A_14 = arith.constant 0 : i32
      %dma_start3A_15 = tpu.memref_slice %arg10[%mul3A_2, %dma_start3A_14] : memref<10112x128xf32, #tpu.memory_space<vmem_shared>> -> memref<632x128xf32, #tpu.memory_space<vmem_shared>>
      tpu.enqueue_dma source(%dma_start3A_15 : memref<632x128xf32, #tpu.memory_space<vmem_shared>>) target(%dma_start3A_13 : memref<632x128xf32, #tpu.memory_space<hbm>>) target_semaphore(%run_scoped3A : memref<!tpu.dma_semaphore, #tpu.memory_space<semaphore_mem>>)
      %dma_wait3A = arith.constant 0 : i32
      %dma_wait3A_16 = arith.constant 0 : i32
      %dma_wait3A_17 = tpu.memref_slice %arg6[%arg0, %dma_wait3A, %dma_wait3A_16] : memref<2x10112x128xf32, #tpu.memory_space<hbm>> -> memref<1x10112x128xf32, #tpu.memory_space<hbm>>
      %dma_wait3A_18 = tpu.memref_squeeze %dma_wait3A_17 : memref<1x10112x128xf32, #tpu.memory_space<hbm>> -> memref<10112x128xf32, #tpu.memory_space<hbm>>
      %dma_wait3A_19 = arith.constant 0 : i32
      %dma_wait3A_20 = tpu.memref_slice %dma_wait3A_18[%mul3A_2, %dma_wait3A_19] : memref<10112x128xf32, #tpu.memory_space<hbm>> -> memref<632x128xf32, #tpu.memory_space<hbm>>
      %dma_wait3A_21 = arith.constant 0 : i32
      %dma_wait3A_22 = tpu.memref_slice %arg10[%mul3A_2, %dma_wait3A_21] : memref<10112x128xf32, #tpu.memory_space<vmem_shared>> -> memref<632x128xf32, #tpu.memory_space<vmem_shared>>
      tpu.wait_dma2 semaphore(%run_scoped3A : memref<!tpu.dma_semaphore, #tpu.memory_space<semaphore_mem>>) src(%dma_wait3A_22 : memref<632x128xf32, #tpu.memory_space<vmem_shared>>) dst(%dma_wait3A_20 : memref<632x128xf32, #tpu.memory_space<hbm>>)
      tpu.yield
    }) : () -> ()
    return
  }
}

#map = affine_map<(d0, d1) -> (0, 0)>
#map1 = affine_map<(d0, d1) -> (0, 0, 0)>
module attributes {stable_mosaic.version = 14 : i64} {
  func.func @_sc_scatter_body(%arg0: i32, %arg1: i32, %arg2: memref<10112x128xf32, #tpu.memory_space<hbm>>, %arg3: memref<32x80x128xi32, #tpu.memory_space<hbm>>, %arg4: memref<32x80x128xi32, #tpu.memory_space<hbm>>, %arg5: memref<10112x128xf32, #tpu.memory_space<hbm>>, %arg6: memref<2x10112x128xf32, #tpu.memory_space<hbm>>, %arg7: memref<80x128xi32, #tpu.memory_space<vmem>>, %arg8: memref<80x128xi32, #tpu.memory_space<vmem>>, %arg9: memref<128x128xf32, #tpu.memory_space<vmem>>, %arg10: memref<10112x128xf32, #tpu.memory_space<vmem_shared>>, %arg11: memref<!tpu.dma_semaphore, #tpu.memory_space<semaphore_mem>>) attributes {dimension_semantics = [#tpu.dimension_semantics<core_parallel>, #tpu.dimension_semantics<subcore_parallel>], iteration_bounds = array<i64: 2, 16>, scalar_prefetch = 0 : i64, scratch_operands = 5 : i64, tpu.core_type = #tpu.core_type<sc_vector_subcore>, window_params = [{transform_indices = #map}, {transform_indices = #map1}, {transform_indices = #map1}, {transform_indices = #map}, {transform_indices = #map1}]} {
    %mul3A = arith.constant 16 : i32
    %mul3A_0 = arith.muli %arg0, %mul3A : i32
    %add3A = arith.addi %mul3A_0, %arg1 : i32
    "tpu.region"() ({
      %run_scoped3A = tpu.sem_alloc : memref<!tpu.dma_semaphore, #tpu.memory_space<semaphore_mem>>
      %dma_start3A = arith.constant 0 : i32
      %dma_start3A_9 = arith.constant 0 : i32
      %dma_start3A_10 = tpu.memref_slice %arg3[%add3A, %dma_start3A, %dma_start3A_9] : memref<32x80x128xi32, #tpu.memory_space<hbm>> -> memref<1x80x128xi32, #tpu.memory_space<hbm>>
      %dma_start3A_11 = tpu.memref_squeeze %dma_start3A_10 : memref<1x80x128xi32, #tpu.memory_space<hbm>> -> memref<80x128xi32, #tpu.memory_space<hbm>>
      %dma_start3A_12 = arith.constant 0 : i32
      %dma_start3A_13 = arith.constant 0 : i32
      %dma_start3A_14 = tpu.memref_slice %arg3[%add3A, %dma_start3A_12, %dma_start3A_13] : memref<32x80x128xi32, #tpu.memory_space<hbm>> -> memref<1x80x128xi32, #tpu.memory_space<hbm>>
      %dma_start3A_15 = tpu.memref_squeeze %dma_start3A_14 : memref<1x80x128xi32, #tpu.memory_space<hbm>> -> memref<80x128xi32, #tpu.memory_space<hbm>>
      tpu.enqueue_dma source(%dma_start3A_15 : memref<80x128xi32, #tpu.memory_space<hbm>>) target(%arg7 : memref<80x128xi32, #tpu.memory_space<vmem>>) target_semaphore(%run_scoped3A : memref<!tpu.dma_semaphore, #tpu.memory_space<semaphore_mem>>)
      %dma_wait3A = arith.constant 0 : i32
      %dma_wait3A_16 = arith.constant 0 : i32
      %dma_wait3A_17 = tpu.memref_slice %arg3[%add3A, %dma_wait3A, %dma_wait3A_16] : memref<32x80x128xi32, #tpu.memory_space<hbm>> -> memref<1x80x128xi32, #tpu.memory_space<hbm>>
      %dma_wait3A_18 = tpu.memref_squeeze %dma_wait3A_17 : memref<1x80x128xi32, #tpu.memory_space<hbm>> -> memref<80x128xi32, #tpu.memory_space<hbm>>
      %dma_wait3A_19 = arith.constant 0 : i32
      %dma_wait3A_20 = arith.constant 0 : i32
      %dma_wait3A_21 = tpu.memref_slice %arg3[%add3A, %dma_wait3A_19, %dma_wait3A_20] : memref<32x80x128xi32, #tpu.memory_space<hbm>> -> memref<1x80x128xi32, #tpu.memory_space<hbm>>
      %dma_wait3A_22 = tpu.memref_squeeze %dma_wait3A_21 : memref<1x80x128xi32, #tpu.memory_space<hbm>> -> memref<80x128xi32, #tpu.memory_space<hbm>>
      tpu.wait_dma2 semaphore(%run_scoped3A : memref<!tpu.dma_semaphore, #tpu.memory_space<semaphore_mem>>) src(%dma_wait3A_22 : memref<80x128xi32, #tpu.memory_space<hbm>>) dst(%arg7 : memref<80x128xi32, #tpu.memory_space<vmem>>)
      tpu.yield
    }) : () -> ()
    "tpu.region"() ({
      %run_scoped3A = tpu.sem_alloc : memref<!tpu.dma_semaphore, #tpu.memory_space<semaphore_mem>>
      %dma_start3A = arith.constant 0 : i32
      %dma_start3A_9 = arith.constant 0 : i32
      %dma_start3A_10 = tpu.memref_slice %arg4[%add3A, %dma_start3A, %dma_start3A_9] : memref<32x80x128xi32, #tpu.memory_space<hbm>> -> memref<1x80x128xi32, #tpu.memory_space<hbm>>
      %dma_start3A_11 = tpu.memref_squeeze %dma_start3A_10 : memref<1x80x128xi32, #tpu.memory_space<hbm>> -> memref<80x128xi32, #tpu.memory_space<hbm>>
      %dma_start3A_12 = arith.constant 0 : i32
      %dma_start3A_13 = arith.constant 0 : i32
      %dma_start3A_14 = tpu.memref_slice %arg4[%add3A, %dma_start3A_12, %dma_start3A_13] : memref<32x80x128xi32, #tpu.memory_space<hbm>> -> memref<1x80x128xi32, #tpu.memory_space<hbm>>
      %dma_start3A_15 = tpu.memref_squeeze %dma_start3A_14 : memref<1x80x128xi32, #tpu.memory_space<hbm>> -> memref<80x128xi32, #tpu.memory_space<hbm>>
      tpu.enqueue_dma source(%dma_start3A_15 : memref<80x128xi32, #tpu.memory_space<hbm>>) target(%arg8 : memref<80x128xi32, #tpu.memory_space<vmem>>) target_semaphore(%run_scoped3A : memref<!tpu.dma_semaphore, #tpu.memory_space<semaphore_mem>>)
      %dma_wait3A = arith.constant 0 : i32
      %dma_wait3A_16 = arith.constant 0 : i32
      %dma_wait3A_17 = tpu.memref_slice %arg4[%add3A, %dma_wait3A, %dma_wait3A_16] : memref<32x80x128xi32, #tpu.memory_space<hbm>> -> memref<1x80x128xi32, #tpu.memory_space<hbm>>
      %dma_wait3A_18 = tpu.memref_squeeze %dma_wait3A_17 : memref<1x80x128xi32, #tpu.memory_space<hbm>> -> memref<80x128xi32, #tpu.memory_space<hbm>>
      %dma_wait3A_19 = arith.constant 0 : i32
      %dma_wait3A_20 = arith.constant 0 : i32
      %dma_wait3A_21 = tpu.memref_slice %arg4[%add3A, %dma_wait3A_19, %dma_wait3A_20] : memref<32x80x128xi32, #tpu.memory_space<hbm>> -> memref<1x80x128xi32, #tpu.memory_space<hbm>>
      %dma_wait3A_22 = tpu.memref_squeeze %dma_wait3A_21 : memref<1x80x128xi32, #tpu.memory_space<hbm>> -> memref<80x128xi32, #tpu.memory_space<hbm>>
      tpu.wait_dma2 semaphore(%run_scoped3A : memref<!tpu.dma_semaphore, #tpu.memory_space<semaphore_mem>>) src(%dma_wait3A_22 : memref<80x128xi32, #tpu.memory_space<hbm>>) dst(%arg8 : memref<80x128xi32, #tpu.memory_space<vmem>>)
      tpu.yield
    }) : () -> ()
    %mul3A_1 = arith.constant 632 : i32
    %mul3A_2 = arith.muli %arg1, %mul3A_1 : i32
    "tpu.region"() ({
      %run_scoped3A = tpu.sem_alloc : memref<!tpu.dma_semaphore, #tpu.memory_space<semaphore_mem>>
      %dma_start3A = arith.constant 0 : i32
      %dma_start3A_9 = tpu.memref_slice %arg10[%mul3A_2, %dma_start3A] : memref<10112x128xf32, #tpu.memory_space<vmem_shared>> -> memref<632x128xf32, #tpu.memory_space<vmem_shared>>
      %dma_start3A_10 = arith.constant 0 : i32
      %dma_start3A_11 = tpu.memref_slice %arg5[%mul3A_2, %dma_start3A_10] : memref<10112x128xf32, #tpu.memory_space<hbm>> -> memref<632x128xf32, #tpu.memory_space<hbm>>
      tpu.enqueue_dma source(%dma_start3A_11 : memref<632x128xf32, #tpu.memory_space<hbm>>) target(%dma_start3A_9 : memref<632x128xf32, #tpu.memory_space<vmem_shared>>) target_semaphore(%run_scoped3A : memref<!tpu.dma_semaphore, #tpu.memory_space<semaphore_mem>>)
      %dma_wait3A = arith.constant 0 : i32
      %dma_wait3A_12 = tpu.memref_slice %arg10[%mul3A_2, %dma_wait3A] : memref<10112x128xf32, #tpu.memory_space<vmem_shared>> -> memref<632x128xf32, #tpu.memory_space<vmem_shared>>
      %dma_wait3A_13 = arith.constant 0 : i32
      %dma_wait3A_14 = tpu.memref_slice %arg5[%mul3A_2, %dma_wait3A_13] : memref<10112x128xf32, #tpu.memory_space<hbm>> -> memref<632x128xf32, #tpu.memory_space<hbm>>
      tpu.wait_dma2 semaphore(%run_scoped3A : memref<!tpu.dma_semaphore, #tpu.memory_space<semaphore_mem>>) src(%dma_wait3A_14 : memref<632x128xf32, #tpu.memory_space<hbm>>) dst(%dma_wait3A_12 : memref<632x128xf32, #tpu.memory_space<vmem_shared>>)
      tpu.yield
    }) : () -> ()
    %barrier3A = arith.constant 0 : index
    tpu.barrier barrier_id(%barrier3A)
    %scan3A = arith.constant 0 : i32
    %scan3A_3 = arith.constant 0 : i32
    %scan3A_4 = arith.constant 80 : i32
    %scan3A_5 = arith.addi %scan3A_3, %scan3A_4 : i32
    %scan3A_6 = arith.constant 1 : i32
    scf.for %scan3A_9 = %scan3A_3 to %scan3A_5 step %scan3A_6  : i32 {
      %dma_start3A = arith.constant 0 : i32
      %dma_start3A_10 = tpu.memref_slice %arg7[%scan3A_9, %dma_start3A] : memref<80x128xi32, #tpu.memory_space<vmem>> -> memref<1x128xi32, #tpu.memory_space<vmem>>
      %dma_start3A_11 = tpu.memref_squeeze %dma_start3A_10 : memref<1x128xi32, #tpu.memory_space<vmem>> -> memref<128xi32, #tpu.memory_space<vmem>>
      %dma_start3A_12 = arith.constant 0 : i32
      %dma_start3A_13 = arith.constant 0 : i32
      %dma_start3A_14 = tpu.memref_slice %arg2[%dma_start3A_12, %dma_start3A_13] : memref<10112x128xf32, #tpu.memory_space<hbm>> -> memref<10112x128xf32, #tpu.memory_space<hbm>>
      tpu.enqueue_indirect_dma source(%dma_start3A_14 : memref<10112x128xf32, #tpu.memory_space<hbm>>) target(%arg9 : memref<128x128xf32, #tpu.memory_space<vmem>>) offsets(%dma_start3A_11 : memref<128xi32, #tpu.memory_space<vmem>>) semaphore(%arg11 : memref<!tpu.dma_semaphore, #tpu.memory_space<semaphore_mem>>)
      %dma_wait3A = arith.constant 0 : i32
      %dma_wait3A_15 = tpu.memref_slice %arg7[%scan3A_9, %dma_wait3A] : memref<80x128xi32, #tpu.memory_space<vmem>> -> memref<1x128xi32, #tpu.memory_space<vmem>>
      %dma_wait3A_16 = tpu.memref_squeeze %dma_wait3A_15 : memref<1x128xi32, #tpu.memory_space<vmem>> -> memref<128xi32, #tpu.memory_space<vmem>>
      %dma_wait3A_17 = arith.constant 0 : i32
      %dma_wait3A_18 = arith.constant 0 : i32
      %dma_wait3A_19 = tpu.memref_slice %arg2[%dma_wait3A_17, %dma_wait3A_18] : memref<10112x128xf32, #tpu.memory_space<hbm>> -> memref<10112x128xf32, #tpu.memory_space<hbm>>
      tpu.wait_indirect_dma semaphore(%arg11 : memref<!tpu.dma_semaphore, #tpu.memory_space<semaphore_mem>>) src(%dma_wait3A_19 : memref<10112x128xf32, #tpu.memory_space<hbm>>) dst(%arg9 : memref<128x128xf32, #tpu.memory_space<vmem>>)
      "tpu.region"() ({
        %run_scoped3A = tpu.sem_alloc : memref<!tpu.dma_semaphore, #tpu.memory_space<semaphore_mem>>
        %dma_start3A_20 = arith.constant 0 : i32
        %dma_start3A_21 = tpu.memref_slice %arg8[%scan3A_9, %dma_start3A_20] : memref<80x128xi32, #tpu.memory_space<vmem>> -> memref<1x128xi32, #tpu.memory_space<vmem>>
        %dma_start3A_22 = tpu.memref_squeeze %dma_start3A_21 : memref<1x128xi32, #tpu.memory_space<vmem>> -> memref<128xi32, #tpu.memory_space<vmem>>
        %dma_start3A_23 = arith.constant 0 : i32
        %dma_start3A_24 = arith.constant 0 : i32
        %dma_start3A_25 = tpu.memref_slice %arg10[%dma_start3A_23, %dma_start3A_24] : memref<10112x128xf32, #tpu.memory_space<vmem_shared>> -> memref<10112x128xf32, #tpu.memory_space<vmem_shared>>
        tpu.enqueue_indirect_dma source(%arg9 : memref<128x128xf32, #tpu.memory_space<vmem>>) target(%dma_start3A_25 : memref<10112x128xf32, #tpu.memory_space<vmem_shared>>) offsets(%dma_start3A_22 : memref<128xi32, #tpu.memory_space<vmem>>) semaphore(%run_scoped3A : memref<!tpu.dma_semaphore, #tpu.memory_space<semaphore_mem>>) {add = true}
        %dma_wait3A_26 = arith.constant 0 : i32
        %dma_wait3A_27 = tpu.memref_slice %arg8[%scan3A_9, %dma_wait3A_26] : memref<80x128xi32, #tpu.memory_space<vmem>> -> memref<1x128xi32, #tpu.memory_space<vmem>>
        %dma_wait3A_28 = tpu.memref_squeeze %dma_wait3A_27 : memref<1x128xi32, #tpu.memory_space<vmem>> -> memref<128xi32, #tpu.memory_space<vmem>>
        %dma_wait3A_29 = arith.constant 0 : i32
        %dma_wait3A_30 = arith.constant 0 : i32
        %dma_wait3A_31 = tpu.memref_slice %arg10[%dma_wait3A_29, %dma_wait3A_30] : memref<10112x128xf32, #tpu.memory_space<vmem_shared>> -> memref<10112x128xf32, #tpu.memory_space<vmem_shared>>
        tpu.wait_indirect_dma semaphore(%run_scoped3A : memref<!tpu.dma_semaphore, #tpu.memory_space<semaphore_mem>>) src(%arg9 : memref<128x128xf32, #tpu.memory_space<vmem>>) dst(%dma_wait3A_31 : memref<10112x128xf32, #tpu.memory_space<vmem_shared>>)
        tpu.yield
      }) : () -> ()
    }
    %scan3A_7 = arith.constant 80 : i32
    %barrier3A_8 = arith.constant 0 : index
    tpu.barrier barrier_id(%barrier3A_8)
    "tpu.region"() ({
      %run_scoped3A = tpu.sem_alloc : memref<!tpu.dma_semaphore, #tpu.memory_space<semaphore_mem>>
      %dma_start3A = arith.constant 0 : i32
      %dma_start3A_9 = arith.constant 0 : i32
      %dma_start3A_10 = tpu.memref_slice %arg6[%arg0, %dma_start3A, %dma_start3A_9] : memref<2x10112x128xf32, #tpu.memory_space<hbm>> -> memref<1x10112x128xf32, #tpu.memory_space<hbm>>
      %dma_start3A_11 = tpu.memref_squeeze %dma_start3A_10 : memref<1x10112x128xf32, #tpu.memory_space<hbm>> -> memref<10112x128xf32, #tpu.memory_space<hbm>>
      %dma_start3A_12 = arith.constant 0 : i32
      %dma_start3A_13 = tpu.memref_slice %dma_start3A_11[%mul3A_2, %dma_start3A_12] : memref<10112x128xf32, #tpu.memory_space<hbm>> -> memref<632x128xf32, #tpu.memory_space<hbm>>
      %dma_start3A_14 = arith.constant 0 : i32
      %dma_start3A_15 = tpu.memref_slice %arg10[%mul3A_2, %dma_start3A_14] : memref<10112x128xf32, #tpu.memory_space<vmem_shared>> -> memref<632x128xf32, #tpu.memory_space<vmem_shared>>
      tpu.enqueue_dma source(%dma_start3A_15 : memref<632x128xf32, #tpu.memory_space<vmem_shared>>) target(%dma_start3A_13 : memref<632x128xf32, #tpu.memory_space<hbm>>) target_semaphore(%run_scoped3A : memref<!tpu.dma_semaphore, #tpu.memory_space<semaphore_mem>>)
      %dma_wait3A = arith.constant 0 : i32
      %dma_wait3A_16 = arith.constant 0 : i32
      %dma_wait3A_17 = tpu.memref_slice %arg6[%arg0, %dma_wait3A, %dma_wait3A_16] : memref<2x10112x128xf32, #tpu.memory_space<hbm>> -> memref<1x10112x128xf32, #tpu.memory_space<hbm>>
      %dma_wait3A_18 = tpu.memref_squeeze %dma_wait3A_17 : memref<1x10112x128xf32, #tpu.memory_space<hbm>> -> memref<10112x128xf32, #tpu.memory_space<hbm>>
      %dma_wait3A_19 = arith.constant 0 : i32
      %dma_wait3A_20 = tpu.memref_slice %dma_wait3A_18[%mul3A_2, %dma_wait3A_19] : memref<10112x128xf32, #tpu.memory_space<hbm>> -> memref<632x128xf32, #tpu.memory_space<hbm>>
      %dma_wait3A_21 = arith.constant 0 : i32
      %dma_wait3A_22 = tpu.memref_slice %arg10[%mul3A_2, %dma_wait3A_21] : memref<10112x128xf32, #tpu.memory_space<vmem_shared>> -> memref<632x128xf32, #tpu.memory_space<vmem_shared>>
      tpu.wait_dma2 semaphore(%run_scoped3A : memref<!tpu.dma_semaphore, #tpu.memory_space<semaphore_mem>>) src(%dma_wait3A_22 : memref<632x128xf32, #tpu.memory_space<vmem_shared>>) dst(%dma_wait3A_20 : memref<632x128xf32, #tpu.memory_space<hbm>>)
      tpu.yield
    }) : () -> ()
    return
  }
}

#map = affine_map<(d0, d1) -> (0, 0)>
#map1 = affine_map<(d0, d1) -> (0, 0, 0)>
module attributes {stable_mosaic.version = 14 : i64} {
  func.func @_sc_scatter_body(%arg0: i32, %arg1: i32, %arg2: memref<10112x128xf32, #tpu.memory_space<hbm>>, %arg3: memref<32x80x128xi32, #tpu.memory_space<hbm>>, %arg4: memref<32x80x128xi32, #tpu.memory_space<hbm>>, %arg5: memref<10112x128xf32, #tpu.memory_space<hbm>>, %arg6: memref<2x10112x128xf32, #tpu.memory_space<hbm>>, %arg7: memref<80x128xi32, #tpu.memory_space<vmem>>, %arg8: memref<80x128xi32, #tpu.memory_space<vmem>>, %arg9: memref<128x128xf32, #tpu.memory_space<vmem>>, %arg10: memref<10112x128xf32, #tpu.memory_space<vmem_shared>>, %arg11: memref<!tpu.dma_semaphore, #tpu.memory_space<semaphore_mem>>) attributes {dimension_semantics = [#tpu.dimension_semantics<core_parallel>, #tpu.dimension_semantics<subcore_parallel>], iteration_bounds = array<i64: 2, 16>, scalar_prefetch = 0 : i64, scratch_operands = 5 : i64, tpu.core_type = #tpu.core_type<sc_vector_subcore>, window_params = [{transform_indices = #map}, {transform_indices = #map1}, {transform_indices = #map1}, {transform_indices = #map}, {transform_indices = #map1}]} {
    %mul3A = arith.constant 16 : i32
    %mul3A_0 = arith.muli %arg0, %mul3A : i32
    %add3A = arith.addi %mul3A_0, %arg1 : i32
    "tpu.region"() ({
      %run_scoped3A = tpu.sem_alloc : memref<!tpu.dma_semaphore, #tpu.memory_space<semaphore_mem>>
      %dma_start3A = arith.constant 0 : i32
      %dma_start3A_9 = arith.constant 0 : i32
      %dma_start3A_10 = tpu.memref_slice %arg3[%add3A, %dma_start3A, %dma_start3A_9] : memref<32x80x128xi32, #tpu.memory_space<hbm>> -> memref<1x80x128xi32, #tpu.memory_space<hbm>>
      %dma_start3A_11 = tpu.memref_squeeze %dma_start3A_10 : memref<1x80x128xi32, #tpu.memory_space<hbm>> -> memref<80x128xi32, #tpu.memory_space<hbm>>
      %dma_start3A_12 = arith.constant 0 : i32
      %dma_start3A_13 = arith.constant 0 : i32
      %dma_start3A_14 = tpu.memref_slice %arg3[%add3A, %dma_start3A_12, %dma_start3A_13] : memref<32x80x128xi32, #tpu.memory_space<hbm>> -> memref<1x80x128xi32, #tpu.memory_space<hbm>>
      %dma_start3A_15 = tpu.memref_squeeze %dma_start3A_14 : memref<1x80x128xi32, #tpu.memory_space<hbm>> -> memref<80x128xi32, #tpu.memory_space<hbm>>
      tpu.enqueue_dma source(%dma_start3A_15 : memref<80x128xi32, #tpu.memory_space<hbm>>) target(%arg7 : memref<80x128xi32, #tpu.memory_space<vmem>>) target_semaphore(%run_scoped3A : memref<!tpu.dma_semaphore, #tpu.memory_space<semaphore_mem>>)
      %dma_wait3A = arith.constant 0 : i32
      %dma_wait3A_16 = arith.constant 0 : i32
      %dma_wait3A_17 = tpu.memref_slice %arg3[%add3A, %dma_wait3A, %dma_wait3A_16] : memref<32x80x128xi32, #tpu.memory_space<hbm>> -> memref<1x80x128xi32, #tpu.memory_space<hbm>>
      %dma_wait3A_18 = tpu.memref_squeeze %dma_wait3A_17 : memref<1x80x128xi32, #tpu.memory_space<hbm>> -> memref<80x128xi32, #tpu.memory_space<hbm>>
      %dma_wait3A_19 = arith.constant 0 : i32
      %dma_wait3A_20 = arith.constant 0 : i32
      %dma_wait3A_21 = tpu.memref_slice %arg3[%add3A, %dma_wait3A_19, %dma_wait3A_20] : memref<32x80x128xi32, #tpu.memory_space<hbm>> -> memref<1x80x128xi32, #tpu.memory_space<hbm>>
      %dma_wait3A_22 = tpu.memref_squeeze %dma_wait3A_21 : memref<1x80x128xi32, #tpu.memory_space<hbm>> -> memref<80x128xi32, #tpu.memory_space<hbm>>
      tpu.wait_dma2 semaphore(%run_scoped3A : memref<!tpu.dma_semaphore, #tpu.memory_space<semaphore_mem>>) src(%dma_wait3A_22 : memref<80x128xi32, #tpu.memory_space<hbm>>) dst(%arg7 : memref<80x128xi32, #tpu.memory_space<vmem>>)
      tpu.yield
    }) : () -> ()
    "tpu.region"() ({
      %run_scoped3A = tpu.sem_alloc : memref<!tpu.dma_semaphore, #tpu.memory_space<semaphore_mem>>
      %dma_start3A = arith.constant 0 : i32
      %dma_start3A_9 = arith.constant 0 : i32
      %dma_start3A_10 = tpu.memref_slice %arg4[%add3A, %dma_start3A, %dma_start3A_9] : memref<32x80x128xi32, #tpu.memory_space<hbm>> -> memref<1x80x128xi32, #tpu.memory_space<hbm>>
      %dma_start3A_11 = tpu.memref_squeeze %dma_start3A_10 : memref<1x80x128xi32, #tpu.memory_space<hbm>> -> memref<80x128xi32, #tpu.memory_space<hbm>>
      %dma_start3A_12 = arith.constant 0 : i32
      %dma_start3A_13 = arith.constant 0 : i32
      %dma_start3A_14 = tpu.memref_slice %arg4[%add3A, %dma_start3A_12, %dma_start3A_13] : memref<32x80x128xi32, #tpu.memory_space<hbm>> -> memref<1x80x128xi32, #tpu.memory_space<hbm>>
      %dma_start3A_15 = tpu.memref_squeeze %dma_start3A_14 : memref<1x80x128xi32, #tpu.memory_space<hbm>> -> memref<80x128xi32, #tpu.memory_space<hbm>>
      tpu.enqueue_dma source(%dma_start3A_15 : memref<80x128xi32, #tpu.memory_space<hbm>>) target(%arg8 : memref<80x128xi32, #tpu.memory_space<vmem>>) target_semaphore(%run_scoped3A : memref<!tpu.dma_semaphore, #tpu.memory_space<semaphore_mem>>)
      %dma_wait3A = arith.constant 0 : i32
      %dma_wait3A_16 = arith.constant 0 : i32
      %dma_wait3A_17 = tpu.memref_slice %arg4[%add3A, %dma_wait3A, %dma_wait3A_16] : memref<32x80x128xi32, #tpu.memory_space<hbm>> -> memref<1x80x128xi32, #tpu.memory_space<hbm>>
      %dma_wait3A_18 = tpu.memref_squeeze %dma_wait3A_17 : memref<1x80x128xi32, #tpu.memory_space<hbm>> -> memref<80x128xi32, #tpu.memory_space<hbm>>
      %dma_wait3A_19 = arith.constant 0 : i32
      %dma_wait3A_20 = arith.constant 0 : i32
      %dma_wait3A_21 = tpu.memref_slice %arg4[%add3A, %dma_wait3A_19, %dma_wait3A_20] : memref<32x80x128xi32, #tpu.memory_space<hbm>> -> memref<1x80x128xi32, #tpu.memory_space<hbm>>
      %dma_wait3A_22 = tpu.memref_squeeze %dma_wait3A_21 : memref<1x80x128xi32, #tpu.memory_space<hbm>> -> memref<80x128xi32, #tpu.memory_space<hbm>>
      tpu.wait_dma2 semaphore(%run_scoped3A : memref<!tpu.dma_semaphore, #tpu.memory_space<semaphore_mem>>) src(%dma_wait3A_22 : memref<80x128xi32, #tpu.memory_space<hbm>>) dst(%arg8 : memref<80x128xi32, #tpu.memory_space<vmem>>)
      tpu.yield
    }) : () -> ()
    %mul3A_1 = arith.constant 632 : i32
    %mul3A_2 = arith.muli %arg1, %mul3A_1 : i32
    "tpu.region"() ({
      %run_scoped3A = tpu.sem_alloc : memref<!tpu.dma_semaphore, #tpu.memory_space<semaphore_mem>>
      %dma_start3A = arith.constant 0 : i32
      %dma_start3A_9 = tpu.memref_slice %arg10[%mul3A_2, %dma_start3A] : memref<10112x128xf32, #tpu.memory_space<vmem_shared>> -> memref<632x128xf32, #tpu.memory_space<vmem_shared>>
      %dma_start3A_10 = arith.constant 0 : i32
      %dma_start3A_11 = tpu.memref_slice %arg5[%mul3A_2, %dma_start3A_10] : memref<10112x128xf32, #tpu.memory_space<hbm>> -> memref<632x128xf32, #tpu.memory_space<hbm>>
      tpu.enqueue_dma source(%dma_start3A_11 : memref<632x128xf32, #tpu.memory_space<hbm>>) target(%dma_start3A_9 : memref<632x128xf32, #tpu.memory_space<vmem_shared>>) target_semaphore(%run_scoped3A : memref<!tpu.dma_semaphore, #tpu.memory_space<semaphore_mem>>)
      %dma_wait3A = arith.constant 0 : i32
      %dma_wait3A_12 = tpu.memref_slice %arg10[%mul3A_2, %dma_wait3A] : memref<10112x128xf32, #tpu.memory_space<vmem_shared>> -> memref<632x128xf32, #tpu.memory_space<vmem_shared>>
      %dma_wait3A_13 = arith.constant 0 : i32
      %dma_wait3A_14 = tpu.memref_slice %arg5[%mul3A_2, %dma_wait3A_13] : memref<10112x128xf32, #tpu.memory_space<hbm>> -> memref<632x128xf32, #tpu.memory_space<hbm>>
      tpu.wait_dma2 semaphore(%run_scoped3A : memref<!tpu.dma_semaphore, #tpu.memory_space<semaphore_mem>>) src(%dma_wait3A_14 : memref<632x128xf32, #tpu.memory_space<hbm>>) dst(%dma_wait3A_12 : memref<632x128xf32, #tpu.memory_space<vmem_shared>>)
      tpu.yield
    }) : () -> ()
    %barrier3A = arith.constant 0 : index
    tpu.barrier barrier_id(%barrier3A)
    %scan3A = arith.constant 0 : i32
    %scan3A_3 = arith.constant 0 : i32
    %scan3A_4 = arith.constant 80 : i32
    %scan3A_5 = arith.addi %scan3A_3, %scan3A_4 : i32
    %scan3A_6 = arith.constant 1 : i32
    scf.for %scan3A_9 = %scan3A_3 to %scan3A_5 step %scan3A_6  : i32 {
      %dma_start3A = arith.constant 0 : i32
      %dma_start3A_10 = tpu.memref_slice %arg7[%scan3A_9, %dma_start3A] : memref<80x128xi32, #tpu.memory_space<vmem>> -> memref<1x128xi32, #tpu.memory_space<vmem>>
      %dma_start3A_11 = tpu.memref_squeeze %dma_start3A_10 : memref<1x128xi32, #tpu.memory_space<vmem>> -> memref<128xi32, #tpu.memory_space<vmem>>
      %dma_start3A_12 = arith.constant 0 : i32
      %dma_start3A_13 = arith.constant 0 : i32
      %dma_start3A_14 = tpu.memref_slice %arg2[%dma_start3A_12, %dma_start3A_13] : memref<10112x128xf32, #tpu.memory_space<hbm>> -> memref<10112x128xf32, #tpu.memory_space<hbm>>
      tpu.enqueue_indirect_dma source(%dma_start3A_14 : memref<10112x128xf32, #tpu.memory_space<hbm>>) target(%arg9 : memref<128x128xf32, #tpu.memory_space<vmem>>) offsets(%dma_start3A_11 : memref<128xi32, #tpu.memory_space<vmem>>) semaphore(%arg11 : memref<!tpu.dma_semaphore, #tpu.memory_space<semaphore_mem>>)
      %dma_wait3A = arith.constant 0 : i32
      %dma_wait3A_15 = tpu.memref_slice %arg7[%scan3A_9, %dma_wait3A] : memref<80x128xi32, #tpu.memory_space<vmem>> -> memref<1x128xi32, #tpu.memory_space<vmem>>
      %dma_wait3A_16 = tpu.memref_squeeze %dma_wait3A_15 : memref<1x128xi32, #tpu.memory_space<vmem>> -> memref<128xi32, #tpu.memory_space<vmem>>
      %dma_wait3A_17 = arith.constant 0 : i32
      %dma_wait3A_18 = arith.constant 0 : i32
      %dma_wait3A_19 = tpu.memref_slice %arg2[%dma_wait3A_17, %dma_wait3A_18] : memref<10112x128xf32, #tpu.memory_space<hbm>> -> memref<10112x128xf32, #tpu.memory_space<hbm>>
      tpu.wait_indirect_dma semaphore(%arg11 : memref<!tpu.dma_semaphore, #tpu.memory_space<semaphore_mem>>) src(%dma_wait3A_19 : memref<10112x128xf32, #tpu.memory_space<hbm>>) dst(%arg9 : memref<128x128xf32, #tpu.memory_space<vmem>>)
      "tpu.region"() ({
        %run_scoped3A = tpu.sem_alloc : memref<!tpu.dma_semaphore, #tpu.memory_space<semaphore_mem>>
        %dma_start3A_20 = arith.constant 0 : i32
        %dma_start3A_21 = tpu.memref_slice %arg8[%scan3A_9, %dma_start3A_20] : memref<80x128xi32, #tpu.memory_space<vmem>> -> memref<1x128xi32, #tpu.memory_space<vmem>>
        %dma_start3A_22 = tpu.memref_squeeze %dma_start3A_21 : memref<1x128xi32, #tpu.memory_space<vmem>> -> memref<128xi32, #tpu.memory_space<vmem>>
        %dma_start3A_23 = arith.constant 0 : i32
        %dma_start3A_24 = arith.constant 0 : i32
        %dma_start3A_25 = tpu.memref_slice %arg10[%dma_start3A_23, %dma_start3A_24] : memref<10112x128xf32, #tpu.memory_space<vmem_shared>> -> memref<10112x128xf32, #tpu.memory_space<vmem_shared>>
        tpu.enqueue_indirect_dma source(%arg9 : memref<128x128xf32, #tpu.memory_space<vmem>>) target(%dma_start3A_25 : memref<10112x128xf32, #tpu.memory_space<vmem_shared>>) offsets(%dma_start3A_22 : memref<128xi32, #tpu.memory_space<vmem>>) semaphore(%run_scoped3A : memref<!tpu.dma_semaphore, #tpu.memory_space<semaphore_mem>>) {add = true}
        %dma_wait3A_26 = arith.constant 0 : i32
        %dma_wait3A_27 = tpu.memref_slice %arg8[%scan3A_9, %dma_wait3A_26] : memref<80x128xi32, #tpu.memory_space<vmem>> -> memref<1x128xi32, #tpu.memory_space<vmem>>
        %dma_wait3A_28 = tpu.memref_squeeze %dma_wait3A_27 : memref<1x128xi32, #tpu.memory_space<vmem>> -> memref<128xi32, #tpu.memory_space<vmem>>
        %dma_wait3A_29 = arith.constant 0 : i32
        %dma_wait3A_30 = arith.constant 0 : i32
        %dma_wait3A_31 = tpu.memref_slice %arg10[%dma_wait3A_29, %dma_wait3A_30] : memref<10112x128xf32, #tpu.memory_space<vmem_shared>> -> memref<10112x128xf32, #tpu.memory_space<vmem_shared>>
        tpu.wait_indirect_dma semaphore(%run_scoped3A : memref<!tpu.dma_semaphore, #tpu.memory_space<semaphore_mem>>) src(%arg9 : memref<128x128xf32, #tpu.memory_space<vmem>>) dst(%dma_wait3A_31 : memref<10112x128xf32, #tpu.memory_space<vmem_shared>>)
        tpu.yield
      }) : () -> ()
    }
    %scan3A_7 = arith.constant 80 : i32
    %barrier3A_8 = arith.constant 0 : index
    tpu.barrier barrier_id(%barrier3A_8)
    "tpu.region"() ({
      %run_scoped3A = tpu.sem_alloc : memref<!tpu.dma_semaphore, #tpu.memory_space<semaphore_mem>>
      %dma_start3A = arith.constant 0 : i32
      %dma_start3A_9 = arith.constant 0 : i32
      %dma_start3A_10 = tpu.memref_slice %arg6[%arg0, %dma_start3A, %dma_start3A_9] : memref<2x10112x128xf32, #tpu.memory_space<hbm>> -> memref<1x10112x128xf32, #tpu.memory_space<hbm>>
      %dma_start3A_11 = tpu.memref_squeeze %dma_start3A_10 : memref<1x10112x128xf32, #tpu.memory_space<hbm>> -> memref<10112x128xf32, #tpu.memory_space<hbm>>
      %dma_start3A_12 = arith.constant 0 : i32
      %dma_start3A_13 = tpu.memref_slice %dma_start3A_11[%mul3A_2, %dma_start3A_12] : memref<10112x128xf32, #tpu.memory_space<hbm>> -> memref<632x128xf32, #tpu.memory_space<hbm>>
      %dma_start3A_14 = arith.constant 0 : i32
      %dma_start3A_15 = tpu.memref_slice %arg10[%mul3A_2, %dma_start3A_14] : memref<10112x128xf32, #tpu.memory_space<vmem_shared>> -> memref<632x128xf32, #tpu.memory_space<vmem_shared>>
      tpu.enqueue_dma source(%dma_start3A_15 : memref<632x128xf32, #tpu.memory_space<vmem_shared>>) target(%dma_start3A_13 : memref<632x128xf32, #tpu.memory_space<hbm>>) target_semaphore(%run_scoped3A : memref<!tpu.dma_semaphore, #tpu.memory_space<semaphore_mem>>)
      %dma_wait3A = arith.constant 0 : i32
      %dma_wait3A_16 = arith.constant 0 : i32
      %dma_wait3A_17 = tpu.memref_slice %arg6[%arg0, %dma_wait3A, %dma_wait3A_16] : memref<2x10112x128xf32, #tpu.memory_space<hbm>> -> memref<1x10112x128xf32, #tpu.memory_space<hbm>>
      %dma_wait3A_18 = tpu.memref_squeeze %dma_wait3A_17 : memref<1x10112x128xf32, #tpu.memory_space<hbm>> -> memref<10112x128xf32, #tpu.memory_space<hbm>>
      %dma_wait3A_19 = arith.constant 0 : i32
      %dma_wait3A_20 = tpu.memref_slice %dma_wait3A_18[%mul3A_2, %dma_wait3A_19] : memref<10112x128xf32, #tpu.memory_space<hbm>> -> memref<632x128xf32, #tpu.memory_space<hbm>>
      %dma_wait3A_21 = arith.constant 0 : i32
      %dma_wait3A_22 = tpu.memref_slice %arg10[%mul3A_2, %dma_wait3A_21] : memref<10112x128xf32, #tpu.memory_space<vmem_shared>> -> memref<632x128xf32, #tpu.memory_space<vmem_shared>>
      tpu.wait_dma2 semaphore(%run_scoped3A : memref<!tpu.dma_semaphore, #tpu.memory_space<semaphore_mem>>) src(%dma_wait3A_22 : memref<632x128xf32, #tpu.memory_space<vmem_shared>>) dst(%dma_wait3A_20 : memref<632x128xf32, #tpu.memory_space<hbm>>)
      tpu.yield
    }) : () -> ()
    return
  }
}

module attributes {stable_mosaic.version = 14 : i64} {
  func.func @_tc_pre_body(%arg0: i32, %arg1: memref<1264x128xf32, #tpu.memory_space<vmem>>, %arg2: memref<128x128xf32, #tpu.memory_space<vmem>>, %arg3: memref<1x128xf32, #tpu.memory_space<vmem>>, %arg4: memref<1264x16xf32, #tpu.memory_space<vmem>>, %arg5: memref<16x128xf32, #tpu.memory_space<vmem>>, %arg6: memref<1x128xf32, #tpu.memory_space<vmem>>, %arg7: memref<128x128xf32, #tpu.memory_space<vmem>>, %arg8: memref<2x1264x128xf32, #tpu.memory_space<vmem>>, %arg9: memref<1264x128xf32, #tpu.memory_space<vmem>>, %arg10: memref<1264x128xf32, #tpu.memory_space<vmem>>, %arg11: memref<1264x128xf32, #tpu.memory_space<vmem>>, %arg12: memref<1264x1xf32, #tpu.memory_space<vmem>>) attributes {dimension_semantics = [#tpu.dimension_semantics<arbitrary>], iteration_bounds = array<i64: 8>, scalar_prefetch = 0 : i64, scratch_operands = 0 : i64, tpu.core_type = #tpu.core_type<tc>, window_params = [{transform_indices = @transform_0, window_bounds = array<i64: 1264, 128>}, {pipeline_mode = #tpu.pipeline_mode<synchronous>, transform_indices = @transform_1, window_bounds = array<i64: 128, 128>}, {pipeline_mode = #tpu.pipeline_mode<synchronous>, transform_indices = @transform_2, window_bounds = array<i64: 1, 128>}, {transform_indices = @transform_3, window_bounds = array<i64: 1264, 16>}, {pipeline_mode = #tpu.pipeline_mode<synchronous>, transform_indices = @transform_4, window_bounds = array<i64: 16, 128>}, {pipeline_mode = #tpu.pipeline_mode<synchronous>, transform_indices = @transform_5, window_bounds = array<i64: 1, 128>}, {pipeline_mode = #tpu.pipeline_mode<synchronous>, transform_indices = @transform_6, window_bounds = array<i64: 128, 128>}, {transform_indices = @transform_7, window_bounds = array<i64: 2, 1264, 128>}, {transform_indices = @transform_8, window_bounds = array<i64: 1264, 128>}, {transform_indices = @transform_9, window_bounds = array<i64: 1264, 128>}, {transform_indices = @transform_10, window_bounds = array<i64: 1264, 128>}, {transform_indices = @transform_11, window_bounds = array<i64: 1264, 1>}]} {
    %mul3A = arith.constant 1264 : i32
    %mul3A_0 = arith.muli %arg0, %mul3A : i32
    %iota3A = tpu.iota {dimensions = array<i32: 0>} : vector<1264x1xi32>
    %add3A = vector.broadcast %mul3A_0 : i32 to vector<1264x1xi32>
    %add3A_1 = arith.addi %add3A, %iota3A : vector<1264x1xi32>
    %lt3A = arith.constant 10000 : i32
    %lt3A_2 = vector.broadcast %lt3A : i32 to vector<1264x1xi32>
    %lt3A_3 = arith.cmpi slt, %add3A_1, %lt3A_2 : vector<1264x1xi32>
    %convert_element_type3A = arith.extui %lt3A_3 : vector<1264x1xi1> to vector<1264x1xi32>
    %convert_element_type3A_4 = arith.sitofp %convert_element_type3A : vector<1264x1xi32> to vector<1264x1xf32>
    %get3A = arith.constant 0 : index
    %get3A_5 = arith.constant 0 : index
    %get3A_6 = vector.load %arg1[%get3A, %get3A_5] : memref<1264x128xf32, #tpu.memory_space<vmem>>, vector<1264x128xf32>
    %get3A_7 = arith.constant 0 : index
    %get3A_8 = arith.constant 0 : index
    %get3A_9 = vector.load %arg2[%get3A_7, %get3A_8] : memref<128x128xf32, #tpu.memory_space<vmem>>, vector<128x128xf32>
    %convert_element_type3A_10 = arith.truncf %get3A_6 : vector<1264x128xf32> to vector<1264x128xbf16>
    %convert_element_type3A_11 = arith.truncf %get3A_9 : vector<128x128xf32> to vector<128x128xbf16>
    %dot_general3A = arith.constant dense<0.000000e+00> : vector<1264x128xf32>
    %dot_general3A_12 = tpu.matmul %convert_element_type3A_10, %convert_element_type3A_11, %dot_general3A {dimension_numbers = #tpu.dot_dimension_numbers<[1], [0], [0], [1], [0, 0, 1, 1], [], []>, transpose_lhs_hint = false} : vector<1264x128xbf16>, vector<128x128xbf16>, vector<1264x128xf32> -> vector<1264x128xf32>
    %get3A_13 = arith.constant 0 : index
    %get3A_14 = arith.constant 0 : index
    %get3A_15 = vector.load %arg3[%get3A_13, %get3A_14] : memref<1x128xf32, #tpu.memory_space<vmem>>, vector<1x128xf32>
    %add3A_16 = vector.broadcast %get3A_15 : vector<1x128xf32> to vector<1264x128xf32>
    %add3A_17 = arith.addf %dot_general3A_12, %add3A_16 : vector<1264x128xf32>
    %get3A_18 = arith.constant 0 : index
    %get3A_19 = arith.constant 0 : index
    %get3A_20 = vector.load %arg4[%get3A_18, %get3A_19] : memref<1264x16xf32, #tpu.memory_space<vmem>>, vector<1264x16xf32>
    %get3A_21 = arith.constant 0 : index
    %get3A_22 = arith.constant 0 : index
    %get3A_23 = vector.load %arg5[%get3A_21, %get3A_22] : memref<16x128xf32, #tpu.memory_space<vmem>>, vector<16x128xf32>
    %convert_element_type3A_24 = arith.truncf %get3A_20 : vector<1264x16xf32> to vector<1264x16xbf16>
    %convert_element_type3A_25 = arith.truncf %get3A_23 : vector<16x128xf32> to vector<16x128xbf16>
    %dot_general3A_26 = arith.constant dense<0.000000e+00> : vector<1264x128xf32>
    %dot_general3A_27 = tpu.matmul %convert_element_type3A_24, %convert_element_type3A_25, %dot_general3A_26 {dimension_numbers = #tpu.dot_dimension_numbers<[1], [0], [0], [1], [0, 0, 1, 1], [], []>, transpose_lhs_hint = false} : vector<1264x16xbf16>, vector<16x128xbf16>, vector<1264x128xf32> -> vector<1264x128xf32>
    %get3A_28 = arith.constant 0 : index
    %get3A_29 = arith.constant 0 : index
    %get3A_30 = vector.load %arg6[%get3A_28, %get3A_29] : memref<1x128xf32, #tpu.memory_space<vmem>>, vector<1x128xf32>
    %add3A_31 = vector.broadcast %get3A_30 : vector<1x128xf32> to vector<1264x128xf32>
    %add3A_32 = arith.addf %dot_general3A_27, %add3A_31 : vector<1264x128xf32>
    %get3A_33 = arith.constant 0 : index
    %get3A_34 = arith.constant 0 : index
    %get3A_35 = arith.constant 0 : index
    %get3A_36 = vector.load %arg8[%get3A_33, %get3A_34, %get3A_35] : memref<2x1264x128xf32, #tpu.memory_space<vmem>>, vector<1x1264x1xf32>
    %get3A_37 = vector.shape_cast %get3A_36 : vector<1x1264x1xf32> to vector<1264x1xf32>
    %get3A_38 = arith.constant 1 : index
    %get3A_39 = arith.constant 0 : index
    %get3A_40 = arith.constant 0 : index
    %get3A_41 = vector.load %arg8[%get3A_38, %get3A_39, %get3A_40] : memref<2x1264x128xf32, #tpu.memory_space<vmem>>, vector<1x1264x1xf32>
    %get3A_42 = vector.shape_cast %get3A_41 : vector<1x1264x1xf32> to vector<1264x1xf32>
    %add3A_43 = arith.addf %get3A_37, %get3A_42 : vector<1264x1xf32>
    %add3A_44 = arith.constant 1.000000e+00 : f32
    %add3A_45 = vector.broadcast %add3A_44 : f32 to vector<1264x1xf32>
    %add3A_46 = arith.addf %add3A_43, %add3A_45 : vector<1264x1xf32>
    %rsqrt3A = math.rsqrt %add3A_46 : vector<1264x1xf32>
    %mul3A_47 = vector.broadcast %convert_element_type3A_4 : vector<1264x1xf32> to vector<1264x128xf32>
    %mul3A_48 = arith.mulf %add3A_17, %mul3A_47 : vector<1264x128xf32>
    %swap3A = arith.constant 0 : index
    %swap3A_49 = arith.constant 0 : index
    %swap3A_50 = vector.load %arg9[%swap3A, %swap3A_49] : memref<1264x128xf32, #tpu.memory_space<vmem>>, vector<1264x128xf32>
    tpu.vector_store %arg9[%swap3A, %swap3A_49], %mul3A_48 {strides = array<i32>} : memref<1264x128xf32, #tpu.memory_space<vmem>>, vector<1264x128xf32>,
    %mul3A_51 = vector.broadcast %convert_element_type3A_4 : vector<1264x1xf32> to vector<1264x128xf32>
    %mul3A_52 = arith.mulf %add3A_32, %mul3A_51 : vector<1264x128xf32>
    %swap3A_53 = arith.constant 0 : index
    %swap3A_54 = arith.constant 0 : index
    %swap3A_55 = vector.load %arg10[%swap3A_53, %swap3A_54] : memref<1264x128xf32, #tpu.memory_space<vmem>>, vector<1264x128xf32>
    tpu.vector_store %arg10[%swap3A_53, %swap3A_54], %mul3A_52 {strides = array<i32>} : memref<1264x128xf32, #tpu.memory_space<vmem>>, vector<1264x128xf32>,
    %get3A_56 = arith.constant 0 : index
    %get3A_57 = arith.constant 0 : index
    %get3A_58 = vector.load %arg7[%get3A_56, %get3A_57] : memref<128x128xf32, #tpu.memory_space<vmem>>, vector<128x128xf32>
    %convert_element_type3A_59 = arith.truncf %mul3A_52 : vector<1264x128xf32> to vector<1264x128xbf16>
    %convert_element_type3A_60 = arith.truncf %get3A_58 : vector<128x128xf32> to vector<128x128xbf16>
    %dot_general3A_61 = arith.constant dense<0.000000e+00> : vector<1264x128xf32>
    %dot_general3A_62 = tpu.matmul %convert_element_type3A_59, %convert_element_type3A_60, %dot_general3A_61 {dimension_numbers = #tpu.dot_dimension_numbers<[1], [0], [0], [1], [0, 0, 1, 1], [], []>, transpose_lhs_hint = false} : vector<1264x128xbf16>, vector<128x128xbf16>, vector<1264x128xf32> -> vector<1264x128xf32>
    %mul3A_63 = vector.broadcast %rsqrt3A : vector<1264x1xf32> to vector<1264x128xf32>
    %mul3A_64 = arith.mulf %dot_general3A_62, %mul3A_63 : vector<1264x128xf32>
    %mul3A_65 = vector.broadcast %convert_element_type3A_4 : vector<1264x1xf32> to vector<1264x128xf32>
    %mul3A_66 = arith.mulf %mul3A_64, %mul3A_65 : vector<1264x128xf32>
    %swap3A_67 = arith.constant 0 : index
    %swap3A_68 = arith.constant 0 : index
    %swap3A_69 = vector.load %arg11[%swap3A_67, %swap3A_68] : memref<1264x128xf32, #tpu.memory_space<vmem>>, vector<1264x128xf32>
    tpu.vector_store %arg11[%swap3A_67, %swap3A_68], %mul3A_66 {strides = array<i32>} : memref<1264x128xf32, #tpu.memory_space<vmem>>, vector<1264x128xf32>,
    %swap3A_70 = arith.constant 0 : index
    %swap3A_71 = arith.constant 0 : index
    %swap3A_72 = vector.load %arg12[%swap3A_70, %swap3A_71] : memref<1264x1xf32, #tpu.memory_space<vmem>>, vector<1264x1xf32>
    tpu.vector_store %arg12[%swap3A_70, %swap3A_71], %rsqrt3A {strides = array<i32>} : memref<1264x1xf32, #tpu.memory_space<vmem>>, vector<1264x1xf32>,
    return
  }
  func.func @transform_0(%arg0: i32) -> (i32, i32) {
    %c0_i32 = arith.constant 0 : i32
    %c0_i32_0 = arith.constant 0 : i32
    return %arg0, %c0_i32 : i32, i32
  }
  func.func @transform_1(%arg0: i32) -> (i32, i32) {
    %c0_i32 = arith.constant 0 : i32
    %c0_i32_0 = arith.constant 0 : i32
    %c0_i32_1 = arith.constant 0 : i32
    return %c0_i32, %c0_i32_0 : i32, i32
  }
  func.func @transform_2(%arg0: i32) -> (i32, i32) {
    %c0_i32 = arith.constant 0 : i32
    %c0_i32_0 = arith.constant 0 : i32
    %c0_i32_1 = arith.constant 0 : i32
    return %c0_i32, %c0_i32_0 : i32, i32
  }
  func.func @transform_3(%arg0: i32) -> (i32, i32) {
    %c0_i32 = arith.constant 0 : i32
    %c0_i32_0 = arith.constant 0 : i32
    return %arg0, %c0_i32 : i32, i32
  }
  func.func @transform_4(%arg0: i32) -> (i32, i32) {
    %c0_i32 = arith.constant 0 : i32
    %c0_i32_0 = arith.constant 0 : i32
    %c0_i32_1 = arith.constant 0 : i32
    return %c0_i32, %c0_i32_0 : i32, i32
  }
  func.func @transform_5(%arg0: i32) -> (i32, i32) {
    %c0_i32 = arith.constant 0 : i32
    %c0_i32_0 = arith.constant 0 : i32
    %c0_i32_1 = arith.constant 0 : i32
    return %c0_i32, %c0_i32_0 : i32, i32
  }
  func.func @transform_6(%arg0: i32) -> (i32, i32) {
    %c0_i32 = arith.constant 0 : i32
    %c0_i32_0 = arith.constant 0 : i32
    %c0_i32_1 = arith.constant 0 : i32
    return %c0_i32, %c0_i32_0 : i32, i32
  }
  func.func @transform_7(%arg0: i32) -> (i32, i32, i32) {
    %c0_i32 = arith.constant 0 : i32
    %c0_i32_0 = arith.constant 0 : i32
    %c0_i32_1 = arith.constant 0 : i32
    return %c0_i32, %arg0, %c0_i32_0 : i32, i32, i32
  }
  func.func @transform_8(%arg0: i32) -> (i32, i32) {
    %c0_i32 = arith.constant 0 : i32
    %c0_i32_0 = arith.constant 0 : i32
    return %arg0, %c0_i32 : i32, i32
  }
  func.func @transform_9(%arg0: i32) -> (i32, i32) {
    %c0_i32 = arith.constant 0 : i32
    %c0_i32_0 = arith.constant 0 : i32
    return %arg0, %c0_i32 : i32, i32
  }
  func.func @transform_10(%arg0: i32) -> (i32, i32) {
    %c0_i32 = arith.constant 0 : i32
    %c0_i32_0 = arith.constant 0 : i32
    return %arg0, %c0_i32 : i32, i32
  }
  func.func @transform_11(%arg0: i32) -> (i32, i32) {
    %c0_i32 = arith.constant 0 : i32
    %c0_i32_0 = arith.constant 0 : i32
    return %arg0, %c0_i32 : i32, i32
  }
}

module attributes {stable_mosaic.version = 14 : i64} {
  func.func @_tc_layer_body(%arg0: i32, %arg1: memref<1264x128xf32, #tpu.memory_space<vmem>>, %arg2: memref<1264x128xf32, #tpu.memory_space<vmem>>, %arg3: memref<1264x128xf32, #tpu.memory_space<vmem>>, %arg4: memref<1264x1xf32, #tpu.memory_space<vmem>>, %arg5: memref<2x1264x128xf32, #tpu.memory_space<vmem>>, %arg6: memref<2x1264x128xf32, #tpu.memory_space<vmem>>, %arg7: memref<2x1264x128xf32, #tpu.memory_space<vmem>>, %arg8: memref<256x128xf32, #tpu.memory_space<vmem>>, %arg9: memref<128x128xf32, #tpu.memory_space<vmem>>, %arg10: memref<128x128xf32, #tpu.memory_space<vmem>>, %arg11: memref<1x128xf32, #tpu.memory_space<vmem>>, %arg12: memref<1264x128xf32, #tpu.memory_space<vmem>>, %arg13: memref<1264x128xf32, #tpu.memory_space<vmem>>, %arg14: memref<1264x128xf32, #tpu.memory_space<vmem>>) attributes {dimension_semantics = [#tpu.dimension_semantics<arbitrary>], iteration_bounds = array<i64: 8>, scalar_prefetch = 0 : i64, scratch_operands = 0 : i64, tpu.core_type = #tpu.core_type<tc>, window_params = [{transform_indices = @transform_0, window_bounds = array<i64: 1264, 128>}, {transform_indices = @transform_1, window_bounds = array<i64: 1264, 128>}, {transform_indices = @transform_2, window_bounds = array<i64: 1264, 128>}, {transform_indices = @transform_3, window_bounds = array<i64: 1264, 1>}, {transform_indices = @transform_4, window_bounds = array<i64: 2, 1264, 128>}, {transform_indices = @transform_5, window_bounds = array<i64: 2, 1264, 128>}, {transform_indices = @transform_6, window_bounds = array<i64: 2, 1264, 128>}, {pipeline_mode = #tpu.pipeline_mode<synchronous>, transform_indices = @transform_7, window_bounds = array<i64: 256, 128>}, {pipeline_mode = #tpu.pipeline_mode<synchronous>, transform_indices = @transform_8, window_bounds = array<i64: 128, 128>}, {pipeline_mode = #tpu.pipeline_mode<synchronous>, transform_indices = @transform_9, window_bounds = array<i64: 128, 128>}, {pipeline_mode = #tpu.pipeline_mode<synchronous>, transform_indices = @transform_10, window_bounds = array<i64: 1, 128>}, {transform_indices = @transform_11, window_bounds = array<i64: 1264, 128>}, {transform_indices = @transform_12, window_bounds = array<i64: 1264, 128>}, {transform_indices = @transform_13, window_bounds = array<i64: 1264, 128>}]} {
    %get3A = arith.constant 0 : index
    %get3A_0 = arith.constant 0 : index
    %get3A_1 = vector.load %arg1[%get3A, %get3A_0] : memref<1264x128xf32, #tpu.memory_space<vmem>>, vector<1264x128xf32>
    %get3A_2 = arith.constant 0 : index
    %get3A_3 = arith.constant 0 : index
    %get3A_4 = vector.load %arg2[%get3A_2, %get3A_3] : memref<1264x128xf32, #tpu.memory_space<vmem>>, vector<1264x128xf32>
    %get3A_5 = arith.constant 0 : index
    %get3A_6 = arith.constant 0 : index
    %get3A_7 = vector.load %arg3[%get3A_5, %get3A_6] : memref<1264x128xf32, #tpu.memory_space<vmem>>, vector<1264x128xf32>
    %get3A_8 = arith.constant 0 : index
    %get3A_9 = arith.constant 0 : index
    %get3A_10 = vector.load %arg4[%get3A_8, %get3A_9] : memref<1264x1xf32, #tpu.memory_space<vmem>>, vector<1264x1xf32>
    %get3A_11 = arith.constant 0 : index
    %get3A_12 = arith.constant 0 : index
    %get3A_13 = arith.constant 0 : index
    %get3A_14 = vector.load %arg5[%get3A_11, %get3A_12, %get3A_13] : memref<2x1264x128xf32, #tpu.memory_space<vmem>>, vector<1x1264x128xf32>
    %get3A_15 = vector.shape_cast %get3A_14 : vector<1x1264x128xf32> to vector<1264x128xf32>
    %add3A = arith.addf %get3A_1, %get3A_15 : vector<1264x128xf32>
    %get3A_16 = arith.constant 1 : index
    %get3A_17 = arith.constant 0 : index
    %get3A_18 = arith.constant 0 : index
    %get3A_19 = vector.load %arg5[%get3A_16, %get3A_17, %get3A_18] : memref<2x1264x128xf32, #tpu.memory_space<vmem>>, vector<1x1264x128xf32>
    %get3A_20 = vector.shape_cast %get3A_19 : vector<1x1264x128xf32> to vector<1264x128xf32>
    %add3A_21 = arith.addf %add3A, %get3A_20 : vector<1264x128xf32>
    %get3A_22 = arith.constant 0 : index
    %get3A_23 = arith.constant 0 : index
    %get3A_24 = arith.constant 0 : index
    %get3A_25 = vector.load %arg6[%get3A_22, %get3A_23, %get3A_24] : memref<2x1264x128xf32, #tpu.memory_space<vmem>>, vector<1x1264x128xf32>
    %get3A_26 = vector.shape_cast %get3A_25 : vector<1x1264x128xf32> to vector<1264x128xf32>
    %add3A_27 = arith.addf %get3A_4, %get3A_26 : vector<1264x128xf32>
    %get3A_28 = arith.constant 1 : index
    %get3A_29 = arith.constant 0 : index
    %get3A_30 = arith.constant 0 : index
    %get3A_31 = vector.load %arg6[%get3A_28, %get3A_29, %get3A_30] : memref<2x1264x128xf32, #tpu.memory_space<vmem>>, vector<1x1264x128xf32>
    %get3A_32 = vector.shape_cast %get3A_31 : vector<1x1264x128xf32> to vector<1264x128xf32>
    %add3A_33 = arith.addf %add3A_27, %get3A_32 : vector<1264x128xf32>
    %get3A_34 = arith.constant 0 : index
    %get3A_35 = arith.constant 0 : index
    %get3A_36 = vector.load %arg8[%get3A_34, %get3A_35] : memref<256x128xf32, #tpu.memory_space<vmem>>, vector<128x128xf32>
    %convert_element_type3A = arith.truncf %add3A_21 : vector<1264x128xf32> to vector<1264x128xbf16>
    %convert_element_type3A_37 = arith.truncf %get3A_36 : vector<128x128xf32> to vector<128x128xbf16>
    %dot_general3A = arith.constant dense<0.000000e+00> : vector<1264x128xf32>
    %dot_general3A_38 = tpu.matmul %convert_element_type3A, %convert_element_type3A_37, %dot_general3A {dimension_numbers = #tpu.dot_dimension_numbers<[1], [0], [0], [1], [0, 0, 1, 1], [], []>, transpose_lhs_hint = false} : vector<1264x128xbf16>, vector<128x128xbf16>, vector<1264x128xf32> -> vector<1264x128xf32>
    %get3A_39 = arith.constant 128 : index
    %get3A_40 = arith.constant 0 : index
    %get3A_41 = vector.load %arg8[%get3A_39, %get3A_40] : memref<256x128xf32, #tpu.memory_space<vmem>>, vector<128x128xf32>
    %convert_element_type3A_42 = arith.truncf %add3A_33 : vector<1264x128xf32> to vector<1264x128xbf16>
    %convert_element_type3A_43 = arith.truncf %get3A_41 : vector<128x128xf32> to vector<128x128xbf16>
    %dot_general3A_44 = arith.constant dense<0.000000e+00> : vector<1264x128xf32>
    %dot_general3A_45 = tpu.matmul %convert_element_type3A_42, %convert_element_type3A_43, %dot_general3A_44 {dimension_numbers = #tpu.dot_dimension_numbers<[1], [0], [0], [1], [0, 0, 1, 1], [], []>, transpose_lhs_hint = false} : vector<1264x128xbf16>, vector<128x128xbf16>, vector<1264x128xf32> -> vector<1264x128xf32>
    %add3A_46 = arith.addf %dot_general3A_38, %dot_general3A_45 : vector<1264x128xf32>
    %gt3A = arith.constant 0.000000e+00 : f32
    %gt3A_47 = vector.broadcast %gt3A : f32 to vector<1264x128xf32>
    %gt3A_48 = arith.cmpf ogt, %add3A_46, %gt3A_47 : vector<1264x128xf32>
    %mul3A = arith.constant 0.00999999977 : f32
    %mul3A_49 = vector.broadcast %mul3A : f32 to vector<1264x128xf32>
    %mul3A_50 = arith.mulf %add3A_46, %mul3A_49 : vector<1264x128xf32>
    %select_n3A = arith.select %gt3A_48, %add3A_46, %mul3A_50 : vector<1264x128xi1>, vector<1264x128xf32>
    %get3A_51 = arith.constant 0 : index
    %get3A_52 = arith.constant 0 : index
    %get3A_53 = vector.load %arg9[%get3A_51, %get3A_52] : memref<128x128xf32, #tpu.memory_space<vmem>>, vector<128x128xf32>
    %convert_element_type3A_54 = arith.truncf %select_n3A : vector<1264x128xf32> to vector<1264x128xbf16>
    %convert_element_type3A_55 = arith.truncf %get3A_53 : vector<128x128xf32> to vector<128x128xbf16>
    %dot_general3A_56 = arith.constant dense<0.000000e+00> : vector<1264x128xf32>
    %dot_general3A_57 = tpu.matmul %convert_element_type3A_54, %convert_element_type3A_55, %dot_general3A_56 {dimension_numbers = #tpu.dot_dimension_numbers<[1], [0], [0], [1], [0, 0, 1, 1], [], []>, transpose_lhs_hint = false} : vector<1264x128xbf16>, vector<128x128xbf16>, vector<1264x128xf32> -> vector<1264x128xf32>
    %get3A_58 = arith.constant 0 : index
    %get3A_59 = arith.constant 0 : index
    %get3A_60 = arith.constant 0 : index
    %get3A_61 = vector.load %arg7[%get3A_58, %get3A_59, %get3A_60] : memref<2x1264x128xf32, #tpu.memory_space<vmem>>, vector<1x1264x128xf32>
    %get3A_62 = vector.shape_cast %get3A_61 : vector<1x1264x128xf32> to vector<1264x128xf32>
    %get3A_63 = arith.constant 1 : index
    %get3A_64 = arith.constant 0 : index
    %get3A_65 = arith.constant 0 : index
    %get3A_66 = vector.load %arg7[%get3A_63, %get3A_64, %get3A_65] : memref<2x1264x128xf32, #tpu.memory_space<vmem>>, vector<1x1264x128xf32>
    %get3A_67 = vector.shape_cast %get3A_66 : vector<1x1264x128xf32> to vector<1264x128xf32>
    %add3A_68 = arith.addf %get3A_62, %get3A_67 : vector<1264x128xf32>
    %add3A_69 = arith.addf %add3A_68, %get3A_7 : vector<1264x128xf32>
    %mul3A_70 = vector.broadcast %get3A_10 : vector<1264x1xf32> to vector<1264x128xf32>
    %mul3A_71 = arith.mulf %add3A_69, %mul3A_70 : vector<1264x128xf32>
    %get3A_72 = arith.constant 0 : index
    %get3A_73 = arith.constant 0 : index
    %get3A_74 = vector.load %arg11[%get3A_72, %get3A_73] : memref<1x128xf32, #tpu.memory_space<vmem>>, vector<1x128xf32>
    %add3A_75 = vector.broadcast %get3A_74 : vector<1x128xf32> to vector<1264x128xf32>
    %add3A_76 = arith.addf %mul3A_71, %add3A_75 : vector<1264x128xf32>
    %tanh3A = math.tanh %add3A_76 : vector<1264x128xf32>
    %mul3A_77 = arith.constant 1264 : i32
    %mul3A_78 = arith.muli %arg0, %mul3A_77 : i32
    %iota3A = tpu.iota {dimensions = array<i32: 0>} : vector<1264x1xi32>
    %add3A_79 = vector.broadcast %mul3A_78 : i32 to vector<1264x1xi32>
    %add3A_80 = arith.addi %add3A_79, %iota3A : vector<1264x1xi32>
    %lt3A = arith.constant 10000 : i32
    %lt3A_81 = vector.broadcast %lt3A : i32 to vector<1264x1xi32>
    %lt3A_82 = arith.cmpi slt, %add3A_80, %lt3A_81 : vector<1264x1xi32>
    %convert_element_type3A_83 = arith.extui %lt3A_82 : vector<1264x1xi1> to vector<1264x1xi32>
    %convert_element_type3A_84 = arith.sitofp %convert_element_type3A_83 : vector<1264x1xi32> to vector<1264x1xf32>
    %mul3A_85 = vector.broadcast %convert_element_type3A_84 : vector<1264x1xf32> to vector<1264x128xf32>
    %mul3A_86 = arith.mulf %dot_general3A_57, %mul3A_85 : vector<1264x128xf32>
    %swap3A = arith.constant 0 : index
    %swap3A_87 = arith.constant 0 : index
    %swap3A_88 = vector.load %arg12[%swap3A, %swap3A_87] : memref<1264x128xf32, #tpu.memory_space<vmem>>, vector<1264x128xf32>
    tpu.vector_store %arg12[%swap3A, %swap3A_87], %mul3A_86 {strides = array<i32>} : memref<1264x128xf32, #tpu.memory_space<vmem>>, vector<1264x128xf32>,
    %mul3A_89 = vector.broadcast %convert_element_type3A_84 : vector<1264x1xf32> to vector<1264x128xf32>
    %mul3A_90 = arith.mulf %tanh3A, %mul3A_89 : vector<1264x128xf32>
    %swap3A_91 = arith.constant 0 : index
    %swap3A_92 = arith.constant 0 : index
    %swap3A_93 = vector.load %arg13[%swap3A_91, %swap3A_92] : memref<1264x128xf32, #tpu.memory_space<vmem>>, vector<1264x128xf32>
    tpu.vector_store %arg13[%swap3A_91, %swap3A_92], %mul3A_90 {strides = array<i32>} : memref<1264x128xf32, #tpu.memory_space<vmem>>, vector<1264x128xf32>,
    %get3A_94 = arith.constant 0 : index
    %get3A_95 = arith.constant 0 : index
    %get3A_96 = vector.load %arg10[%get3A_94, %get3A_95] : memref<128x128xf32, #tpu.memory_space<vmem>>, vector<128x128xf32>
    %convert_element_type3A_97 = arith.truncf %mul3A_90 : vector<1264x128xf32> to vector<1264x128xbf16>
    %convert_element_type3A_98 = arith.truncf %get3A_96 : vector<128x128xf32> to vector<128x128xbf16>
    %dot_general3A_99 = arith.constant dense<0.000000e+00> : vector<1264x128xf32>
    %dot_general3A_100 = tpu.matmul %convert_element_type3A_97, %convert_element_type3A_98, %dot_general3A_99 {dimension_numbers = #tpu.dot_dimension_numbers<[1], [0], [0], [1], [0, 0, 1, 1], [], []>, transpose_lhs_hint = false} : vector<1264x128xbf16>, vector<128x128xbf16>, vector<1264x128xf32> -> vector<1264x128xf32>
    %mul3A_101 = vector.broadcast %get3A_10 : vector<1264x1xf32> to vector<1264x128xf32>
    %mul3A_102 = arith.mulf %dot_general3A_100, %mul3A_101 : vector<1264x128xf32>
    %mul3A_103 = vector.broadcast %convert_element_type3A_84 : vector<1264x1xf32> to vector<1264x128xf32>
    %mul3A_104 = arith.mulf %mul3A_102, %mul3A_103 : vector<1264x128xf32>
    %swap3A_105 = arith.constant 0 : index
    %swap3A_106 = arith.constant 0 : index
    %swap3A_107 = vector.load %arg14[%swap3A_105, %swap3A_106] : memref<1264x128xf32, #tpu.memory_space<vmem>>, vector<1264x128xf32>
    tpu.vector_store %arg14[%swap3A_105, %swap3A_106], %mul3A_104 {strides = array<i32>} : memref<1264x128xf32, #tpu.memory_space<vmem>>, vector<1264x128xf32>,
    return
  }
  func.func @transform_0(%arg0: i32) -> (i32, i32) {
    %c0_i32 = arith.constant 0 : i32
    %c0_i32_0 = arith.constant 0 : i32
    return %arg0, %c0_i32 : i32, i32
  }
  func.func @transform_1(%arg0: i32) -> (i32, i32) {
    %c0_i32 = arith.constant 0 : i32
    %c0_i32_0 = arith.constant 0 : i32
    return %arg0, %c0_i32 : i32, i32
  }
  func.func @transform_2(%arg0: i32) -> (i32, i32) {
    %c0_i32 = arith.constant 0 : i32
    %c0_i32_0 = arith.constant 0 : i32
    return %arg0, %c0_i32 : i32, i32
  }
  func.func @transform_3(%arg0: i32) -> (i32, i32) {
    %c0_i32 = arith.constant 0 : i32
    %c0_i32_0 = arith.constant 0 : i32
    return %arg0, %c0_i32 : i32, i32
  }
  func.func @transform_4(%arg0: i32) -> (i32, i32, i32) {
    %c0_i32 = arith.constant 0 : i32
    %c0_i32_0 = arith.constant 0 : i32
    %c0_i32_1 = arith.constant 0 : i32
    return %c0_i32, %arg0, %c0_i32_0 : i32, i32, i32
  }
  func.func @transform_5(%arg0: i32) -> (i32, i32, i32) {
    %c0_i32 = arith.constant 0 : i32
    %c0_i32_0 = arith.constant 0 : i32
    %c0_i32_1 = arith.constant 0 : i32
    return %c0_i32, %arg0, %c0_i32_0 : i32, i32, i32
  }
  func.func @transform_6(%arg0: i32) -> (i32, i32, i32) {
    %c0_i32 = arith.constant 0 : i32
    %c0_i32_0 = arith.constant 0 : i32
    %c0_i32_1 = arith.constant 0 : i32
    return %c0_i32, %arg0, %c0_i32_0 : i32, i32, i32
  }
  func.func @transform_7(%arg0: i32) -> (i32, i32) {
    %c0_i32 = arith.constant 0 : i32
    %c0_i32_0 = arith.constant 0 : i32
    %c0_i32_1 = arith.constant 0 : i32
    return %c0_i32, %c0_i32_0 : i32, i32
  }
  func.func @transform_8(%arg0: i32) -> (i32, i32) {
    %c0_i32 = arith.constant 0 : i32
    %c0_i32_0 = arith.constant 0 : i32
    %c0_i32_1 = arith.constant 0 : i32
    return %c0_i32, %c0_i32_0 : i32, i32
  }
  func.func @transform_9(%arg0: i32) -> (i32, i32) {
    %c0_i32 = arith.constant 0 : i32
    %c0_i32_0 = arith.constant 0 : i32
    %c0_i32_1 = arith.constant 0 : i32
    return %c0_i32, %c0_i32_0 : i32, i32
  }
  func.func @transform_10(%arg0: i32) -> (i32, i32) {
    %c0_i32 = arith.constant 0 : i32
    %c0_i32_0 = arith.constant 0 : i32
    %c0_i32_1 = arith.constant 0 : i32
    return %c0_i32, %c0_i32_0 : i32, i32
  }
  func.func @transform_11(%arg0: i32) -> (i32, i32) {
    %c0_i32 = arith.constant 0 : i32
    %c0_i32_0 = arith.constant 0 : i32
    return %arg0, %c0_i32 : i32, i32
  }
  func.func @transform_12(%arg0: i32) -> (i32, i32) {
    %c0_i32 = arith.constant 0 : i32
    %c0_i32_0 = arith.constant 0 : i32
    return %arg0, %c0_i32 : i32, i32
  }
  func.func @transform_13(%arg0: i32) -> (i32, i32) {
    %c0_i32 = arith.constant 0 : i32
    %c0_i32_0 = arith.constant 0 : i32
    return %arg0, %c0_i32 : i32, i32
  }
}

module attributes {stable_mosaic.version = 14 : i64} {
  func.func @_tc_layer_body(%arg0: i32, %arg1: memref<1264x128xf32, #tpu.memory_space<vmem>>, %arg2: memref<1264x128xf32, #tpu.memory_space<vmem>>, %arg3: memref<1264x128xf32, #tpu.memory_space<vmem>>, %arg4: memref<1264x1xf32, #tpu.memory_space<vmem>>, %arg5: memref<2x1264x128xf32, #tpu.memory_space<vmem>>, %arg6: memref<2x1264x128xf32, #tpu.memory_space<vmem>>, %arg7: memref<2x1264x128xf32, #tpu.memory_space<vmem>>, %arg8: memref<256x128xf32, #tpu.memory_space<vmem>>, %arg9: memref<128x128xf32, #tpu.memory_space<vmem>>, %arg10: memref<128x128xf32, #tpu.memory_space<vmem>>, %arg11: memref<1x128xf32, #tpu.memory_space<vmem>>, %arg12: memref<1264x128xf32, #tpu.memory_space<vmem>>, %arg13: memref<1264x128xf32, #tpu.memory_space<vmem>>, %arg14: memref<1264x128xf32, #tpu.memory_space<vmem>>) attributes {dimension_semantics = [#tpu.dimension_semantics<arbitrary>], iteration_bounds = array<i64: 8>, scalar_prefetch = 0 : i64, scratch_operands = 0 : i64, tpu.core_type = #tpu.core_type<tc>, window_params = [{transform_indices = @transform_0, window_bounds = array<i64: 1264, 128>}, {transform_indices = @transform_1, window_bounds = array<i64: 1264, 128>}, {transform_indices = @transform_2, window_bounds = array<i64: 1264, 128>}, {transform_indices = @transform_3, window_bounds = array<i64: 1264, 1>}, {transform_indices = @transform_4, window_bounds = array<i64: 2, 1264, 128>}, {transform_indices = @transform_5, window_bounds = array<i64: 2, 1264, 128>}, {transform_indices = @transform_6, window_bounds = array<i64: 2, 1264, 128>}, {pipeline_mode = #tpu.pipeline_mode<synchronous>, transform_indices = @transform_7, window_bounds = array<i64: 256, 128>}, {pipeline_mode = #tpu.pipeline_mode<synchronous>, transform_indices = @transform_8, window_bounds = array<i64: 128, 128>}, {pipeline_mode = #tpu.pipeline_mode<synchronous>, transform_indices = @transform_9, window_bounds = array<i64: 128, 128>}, {pipeline_mode = #tpu.pipeline_mode<synchronous>, transform_indices = @transform_10, window_bounds = array<i64: 1, 128>}, {transform_indices = @transform_11, window_bounds = array<i64: 1264, 128>}, {transform_indices = @transform_12, window_bounds = array<i64: 1264, 128>}, {transform_indices = @transform_13, window_bounds = array<i64: 1264, 128>}]} {
    %get3A = arith.constant 0 : index
    %get3A_0 = arith.constant 0 : index
    %get3A_1 = vector.load %arg1[%get3A, %get3A_0] : memref<1264x128xf32, #tpu.memory_space<vmem>>, vector<1264x128xf32>
    %get3A_2 = arith.constant 0 : index
    %get3A_3 = arith.constant 0 : index
    %get3A_4 = vector.load %arg2[%get3A_2, %get3A_3] : memref<1264x128xf32, #tpu.memory_space<vmem>>, vector<1264x128xf32>
    %get3A_5 = arith.constant 0 : index
    %get3A_6 = arith.constant 0 : index
    %get3A_7 = vector.load %arg3[%get3A_5, %get3A_6] : memref<1264x128xf32, #tpu.memory_space<vmem>>, vector<1264x128xf32>
    %get3A_8 = arith.constant 0 : index
    %get3A_9 = arith.constant 0 : index
    %get3A_10 = vector.load %arg4[%get3A_8, %get3A_9] : memref<1264x1xf32, #tpu.memory_space<vmem>>, vector<1264x1xf32>
    %get3A_11 = arith.constant 0 : index
    %get3A_12 = arith.constant 0 : index
    %get3A_13 = arith.constant 0 : index
    %get3A_14 = vector.load %arg5[%get3A_11, %get3A_12, %get3A_13] : memref<2x1264x128xf32, #tpu.memory_space<vmem>>, vector<1x1264x128xf32>
    %get3A_15 = vector.shape_cast %get3A_14 : vector<1x1264x128xf32> to vector<1264x128xf32>
    %add3A = arith.addf %get3A_1, %get3A_15 : vector<1264x128xf32>
    %get3A_16 = arith.constant 1 : index
    %get3A_17 = arith.constant 0 : index
    %get3A_18 = arith.constant 0 : index
    %get3A_19 = vector.load %arg5[%get3A_16, %get3A_17, %get3A_18] : memref<2x1264x128xf32, #tpu.memory_space<vmem>>, vector<1x1264x128xf32>
    %get3A_20 = vector.shape_cast %get3A_19 : vector<1x1264x128xf32> to vector<1264x128xf32>
    %add3A_21 = arith.addf %add3A, %get3A_20 : vector<1264x128xf32>
    %get3A_22 = arith.constant 0 : index
    %get3A_23 = arith.constant 0 : index
    %get3A_24 = arith.constant 0 : index
    %get3A_25 = vector.load %arg6[%get3A_22, %get3A_23, %get3A_24] : memref<2x1264x128xf32, #tpu.memory_space<vmem>>, vector<1x1264x128xf32>
    %get3A_26 = vector.shape_cast %get3A_25 : vector<1x1264x128xf32> to vector<1264x128xf32>
    %add3A_27 = arith.addf %get3A_4, %get3A_26 : vector<1264x128xf32>
    %get3A_28 = arith.constant 1 : index
    %get3A_29 = arith.constant 0 : index
    %get3A_30 = arith.constant 0 : index
    %get3A_31 = vector.load %arg6[%get3A_28, %get3A_29, %get3A_30] : memref<2x1264x128xf32, #tpu.memory_space<vmem>>, vector<1x1264x128xf32>
    %get3A_32 = vector.shape_cast %get3A_31 : vector<1x1264x128xf32> to vector<1264x128xf32>
    %add3A_33 = arith.addf %add3A_27, %get3A_32 : vector<1264x128xf32>
    %get3A_34 = arith.constant 0 : index
    %get3A_35 = arith.constant 0 : index
    %get3A_36 = vector.load %arg8[%get3A_34, %get3A_35] : memref<256x128xf32, #tpu.memory_space<vmem>>, vector<128x128xf32>
    %convert_element_type3A = arith.truncf %add3A_21 : vector<1264x128xf32> to vector<1264x128xbf16>
    %convert_element_type3A_37 = arith.truncf %get3A_36 : vector<128x128xf32> to vector<128x128xbf16>
    %dot_general3A = arith.constant dense<0.000000e+00> : vector<1264x128xf32>
    %dot_general3A_38 = tpu.matmul %convert_element_type3A, %convert_element_type3A_37, %dot_general3A {dimension_numbers = #tpu.dot_dimension_numbers<[1], [0], [0], [1], [0, 0, 1, 1], [], []>, transpose_lhs_hint = false} : vector<1264x128xbf16>, vector<128x128xbf16>, vector<1264x128xf32> -> vector<1264x128xf32>
    %get3A_39 = arith.constant 128 : index
    %get3A_40 = arith.constant 0 : index
    %get3A_41 = vector.load %arg8[%get3A_39, %get3A_40] : memref<256x128xf32, #tpu.memory_space<vmem>>, vector<128x128xf32>
    %convert_element_type3A_42 = arith.truncf %add3A_33 : vector<1264x128xf32> to vector<1264x128xbf16>
    %convert_element_type3A_43 = arith.truncf %get3A_41 : vector<128x128xf32> to vector<128x128xbf16>
    %dot_general3A_44 = arith.constant dense<0.000000e+00> : vector<1264x128xf32>
    %dot_general3A_45 = tpu.matmul %convert_element_type3A_42, %convert_element_type3A_43, %dot_general3A_44 {dimension_numbers = #tpu.dot_dimension_numbers<[1], [0], [0], [1], [0, 0, 1, 1], [], []>, transpose_lhs_hint = false} : vector<1264x128xbf16>, vector<128x128xbf16>, vector<1264x128xf32> -> vector<1264x128xf32>
    %add3A_46 = arith.addf %dot_general3A_38, %dot_general3A_45 : vector<1264x128xf32>
    %gt3A = arith.constant 0.000000e+00 : f32
    %gt3A_47 = vector.broadcast %gt3A : f32 to vector<1264x128xf32>
    %gt3A_48 = arith.cmpf ogt, %add3A_46, %gt3A_47 : vector<1264x128xf32>
    %mul3A = arith.constant 0.00999999977 : f32
    %mul3A_49 = vector.broadcast %mul3A : f32 to vector<1264x128xf32>
    %mul3A_50 = arith.mulf %add3A_46, %mul3A_49 : vector<1264x128xf32>
    %select_n3A = arith.select %gt3A_48, %add3A_46, %mul3A_50 : vector<1264x128xi1>, vector<1264x128xf32>
    %get3A_51 = arith.constant 0 : index
    %get3A_52 = arith.constant 0 : index
    %get3A_53 = vector.load %arg9[%get3A_51, %get3A_52] : memref<128x128xf32, #tpu.memory_space<vmem>>, vector<128x128xf32>
    %convert_element_type3A_54 = arith.truncf %select_n3A : vector<1264x128xf32> to vector<1264x128xbf16>
    %convert_element_type3A_55 = arith.truncf %get3A_53 : vector<128x128xf32> to vector<128x128xbf16>
    %dot_general3A_56 = arith.constant dense<0.000000e+00> : vector<1264x128xf32>
    %dot_general3A_57 = tpu.matmul %convert_element_type3A_54, %convert_element_type3A_55, %dot_general3A_56 {dimension_numbers = #tpu.dot_dimension_numbers<[1], [0], [0], [1], [0, 0, 1, 1], [], []>, transpose_lhs_hint = false} : vector<1264x128xbf16>, vector<128x128xbf16>, vector<1264x128xf32> -> vector<1264x128xf32>
    %get3A_58 = arith.constant 0 : index
    %get3A_59 = arith.constant 0 : index
    %get3A_60 = arith.constant 0 : index
    %get3A_61 = vector.load %arg7[%get3A_58, %get3A_59, %get3A_60] : memref<2x1264x128xf32, #tpu.memory_space<vmem>>, vector<1x1264x128xf32>
    %get3A_62 = vector.shape_cast %get3A_61 : vector<1x1264x128xf32> to vector<1264x128xf32>
    %get3A_63 = arith.constant 1 : index
    %get3A_64 = arith.constant 0 : index
    %get3A_65 = arith.constant 0 : index
    %get3A_66 = vector.load %arg7[%get3A_63, %get3A_64, %get3A_65] : memref<2x1264x128xf32, #tpu.memory_space<vmem>>, vector<1x1264x128xf32>
    %get3A_67 = vector.shape_cast %get3A_66 : vector<1x1264x128xf32> to vector<1264x128xf32>
    %add3A_68 = arith.addf %get3A_62, %get3A_67 : vector<1264x128xf32>
    %add3A_69 = arith.addf %add3A_68, %get3A_7 : vector<1264x128xf32>
    %mul3A_70 = vector.broadcast %get3A_10 : vector<1264x1xf32> to vector<1264x128xf32>
    %mul3A_71 = arith.mulf %add3A_69, %mul3A_70 : vector<1264x128xf32>
    %get3A_72 = arith.constant 0 : index
    %get3A_73 = arith.constant 0 : index
    %get3A_74 = vector.load %arg11[%get3A_72, %get3A_73] : memref<1x128xf32, #tpu.memory_space<vmem>>, vector<1x128xf32>
    %add3A_75 = vector.broadcast %get3A_74 : vector<1x128xf32> to vector<1264x128xf32>
    %add3A_76 = arith.addf %mul3A_71, %add3A_75 : vector<1264x128xf32>
    %tanh3A = math.tanh %add3A_76 : vector<1264x128xf32>
    %mul3A_77 = arith.constant 1264 : i32
    %mul3A_78 = arith.muli %arg0, %mul3A_77 : i32
    %iota3A = tpu.iota {dimensions = array<i32: 0>} : vector<1264x1xi32>
    %add3A_79 = vector.broadcast %mul3A_78 : i32 to vector<1264x1xi32>
    %add3A_80 = arith.addi %add3A_79, %iota3A : vector<1264x1xi32>
    %lt3A = arith.constant 10000 : i32
    %lt3A_81 = vector.broadcast %lt3A : i32 to vector<1264x1xi32>
    %lt3A_82 = arith.cmpi slt, %add3A_80, %lt3A_81 : vector<1264x1xi32>
    %convert_element_type3A_83 = arith.extui %lt3A_82 : vector<1264x1xi1> to vector<1264x1xi32>
    %convert_element_type3A_84 = arith.sitofp %convert_element_type3A_83 : vector<1264x1xi32> to vector<1264x1xf32>
    %mul3A_85 = vector.broadcast %convert_element_type3A_84 : vector<1264x1xf32> to vector<1264x128xf32>
    %mul3A_86 = arith.mulf %dot_general3A_57, %mul3A_85 : vector<1264x128xf32>
    %swap3A = arith.constant 0 : index
    %swap3A_87 = arith.constant 0 : index
    %swap3A_88 = vector.load %arg12[%swap3A, %swap3A_87] : memref<1264x128xf32, #tpu.memory_space<vmem>>, vector<1264x128xf32>
    tpu.vector_store %arg12[%swap3A, %swap3A_87], %mul3A_86 {strides = array<i32>} : memref<1264x128xf32, #tpu.memory_space<vmem>>, vector<1264x128xf32>,
    %mul3A_89 = vector.broadcast %convert_element_type3A_84 : vector<1264x1xf32> to vector<1264x128xf32>
    %mul3A_90 = arith.mulf %tanh3A, %mul3A_89 : vector<1264x128xf32>
    %swap3A_91 = arith.constant 0 : index
    %swap3A_92 = arith.constant 0 : index
    %swap3A_93 = vector.load %arg13[%swap3A_91, %swap3A_92] : memref<1264x128xf32, #tpu.memory_space<vmem>>, vector<1264x128xf32>
    tpu.vector_store %arg13[%swap3A_91, %swap3A_92], %mul3A_90 {strides = array<i32>} : memref<1264x128xf32, #tpu.memory_space<vmem>>, vector<1264x128xf32>,
    %get3A_94 = arith.constant 0 : index
    %get3A_95 = arith.constant 0 : index
    %get3A_96 = vector.load %arg10[%get3A_94, %get3A_95] : memref<128x128xf32, #tpu.memory_space<vmem>>, vector<128x128xf32>
    %convert_element_type3A_97 = arith.truncf %mul3A_90 : vector<1264x128xf32> to vector<1264x128xbf16>
    %convert_element_type3A_98 = arith.truncf %get3A_96 : vector<128x128xf32> to vector<128x128xbf16>
    %dot_general3A_99 = arith.constant dense<0.000000e+00> : vector<1264x128xf32>
    %dot_general3A_100 = tpu.matmul %convert_element_type3A_97, %convert_element_type3A_98, %dot_general3A_99 {dimension_numbers = #tpu.dot_dimension_numbers<[1], [0], [0], [1], [0, 0, 1, 1], [], []>, transpose_lhs_hint = false} : vector<1264x128xbf16>, vector<128x128xbf16>, vector<1264x128xf32> -> vector<1264x128xf32>
    %mul3A_101 = vector.broadcast %get3A_10 : vector<1264x1xf32> to vector<1264x128xf32>
    %mul3A_102 = arith.mulf %dot_general3A_100, %mul3A_101 : vector<1264x128xf32>
    %mul3A_103 = vector.broadcast %convert_element_type3A_84 : vector<1264x1xf32> to vector<1264x128xf32>
    %mul3A_104 = arith.mulf %mul3A_102, %mul3A_103 : vector<1264x128xf32>
    %swap3A_105 = arith.constant 0 : index
    %swap3A_106 = arith.constant 0 : index
    %swap3A_107 = vector.load %arg14[%swap3A_105, %swap3A_106] : memref<1264x128xf32, #tpu.memory_space<vmem>>, vector<1264x128xf32>
    tpu.vector_store %arg14[%swap3A_105, %swap3A_106], %mul3A_104 {strides = array<i32>} : memref<1264x128xf32, #tpu.memory_space<vmem>>, vector<1264x128xf32>,
    return
  }
  func.func @transform_0(%arg0: i32) -> (i32, i32) {
    %c0_i32 = arith.constant 0 : i32
    %c0_i32_0 = arith.constant 0 : i32
    return %arg0, %c0_i32 : i32, i32
  }
  func.func @transform_1(%arg0: i32) -> (i32, i32) {
    %c0_i32 = arith.constant 0 : i32
    %c0_i32_0 = arith.constant 0 : i32
    return %arg0, %c0_i32 : i32, i32
  }
  func.func @transform_2(%arg0: i32) -> (i32, i32) {
    %c0_i32 = arith.constant 0 : i32
    %c0_i32_0 = arith.constant 0 : i32
    return %arg0, %c0_i32 : i32, i32
  }
  func.func @transform_3(%arg0: i32) -> (i32, i32) {
    %c0_i32 = arith.constant 0 : i32
    %c0_i32_0 = arith.constant 0 : i32
    return %arg0, %c0_i32 : i32, i32
  }
  func.func @transform_4(%arg0: i32) -> (i32, i32, i32) {
    %c0_i32 = arith.constant 0 : i32
    %c0_i32_0 = arith.constant 0 : i32
    %c0_i32_1 = arith.constant 0 : i32
    return %c0_i32, %arg0, %c0_i32_0 : i32, i32, i32
  }
  func.func @transform_5(%arg0: i32) -> (i32, i32, i32) {
    %c0_i32 = arith.constant 0 : i32
    %c0_i32_0 = arith.constant 0 : i32
    %c0_i32_1 = arith.constant 0 : i32
    return %c0_i32, %arg0, %c0_i32_0 : i32, i32, i32
  }
  func.func @transform_6(%arg0: i32) -> (i32, i32, i32) {
    %c0_i32 = arith.constant 0 : i32
    %c0_i32_0 = arith.constant 0 : i32
    %c0_i32_1 = arith.constant 0 : i32
    return %c0_i32, %arg0, %c0_i32_0 : i32, i32, i32
  }
  func.func @transform_7(%arg0: i32) -> (i32, i32) {
    %c0_i32 = arith.constant 0 : i32
    %c0_i32_0 = arith.constant 0 : i32
    %c0_i32_1 = arith.constant 0 : i32
    return %c0_i32, %c0_i32_0 : i32, i32
  }
  func.func @transform_8(%arg0: i32) -> (i32, i32) {
    %c0_i32 = arith.constant 0 : i32
    %c0_i32_0 = arith.constant 0 : i32
    %c0_i32_1 = arith.constant 0 : i32
    return %c0_i32, %c0_i32_0 : i32, i32
  }
  func.func @transform_9(%arg0: i32) -> (i32, i32) {
    %c0_i32 = arith.constant 0 : i32
    %c0_i32_0 = arith.constant 0 : i32
    %c0_i32_1 = arith.constant 0 : i32
    return %c0_i32, %c0_i32_0 : i32, i32
  }
  func.func @transform_10(%arg0: i32) -> (i32, i32) {
    %c0_i32 = arith.constant 0 : i32
    %c0_i32_0 = arith.constant 0 : i32
    %c0_i32_1 = arith.constant 0 : i32
    return %c0_i32, %c0_i32_0 : i32, i32
  }
  func.func @transform_11(%arg0: i32) -> (i32, i32) {
    %c0_i32 = arith.constant 0 : i32
    %c0_i32_0 = arith.constant 0 : i32
    return %arg0, %c0_i32 : i32, i32
  }
  func.func @transform_12(%arg0: i32) -> (i32, i32) {
    %c0_i32 = arith.constant 0 : i32
    %c0_i32_0 = arith.constant 0 : i32
    return %arg0, %c0_i32 : i32, i32
  }
  func.func @transform_13(%arg0: i32) -> (i32, i32) {
    %c0_i32 = arith.constant 0 : i32
    %c0_i32_0 = arith.constant 0 : i32
    return %arg0, %c0_i32 : i32, i32
  }
}

module attributes {stable_mosaic.version = 14 : i64} {
  func.func @_tc_final_body(%arg0: memref<10112x128xf32, #tpu.memory_space<vmem>>, %arg1: memref<10112x128xf32, #tpu.memory_space<vmem>>, %arg2: memref<1x10000xi32, #tpu.memory_space<vmem>>, %arg3: memref<1x128xf32, #tpu.memory_space<vmem>>, %arg4: memref<1x128xf32, #tpu.memory_space<vmem>>, %arg5: memref<256x128xf32, #tpu.memory_space<vmem>>, %arg6: memref<1x128xf32, #tpu.memory_space<vmem>>, %arg7: memref<128x128xf32, #tpu.memory_space<vmem>>, %arg8: memref<128x128xf32, #tpu.memory_space<vmem>>, %arg9: memref<128x128xf32, #tpu.memory_space<vmem>>, %arg10: memref<128x128xf32, #tpu.memory_space<vmem>>, %arg11: memref<128x128xf32, #tpu.memory_space<vmem>>) attributes {dimension_semantics = [], scalar_prefetch = 0 : i64, scratch_operands = 0 : i64, tpu.core_type = #tpu.core_type<tc>} {
    %get3A = arith.constant 0 : index
    %get3A_0 = arith.constant 0 : index
    %get3A_1 = vector.load %arg0[%get3A, %get3A_0] : memref<10112x128xf32, #tpu.memory_space<vmem>>, vector<10000x128xf32>
    %get3A_2 = arith.constant 0 : index
    %get3A_3 = arith.constant 0 : index
    %get3A_4 = vector.load %arg1[%get3A_2, %get3A_3] : memref<10112x128xf32, #tpu.memory_space<vmem>>, vector<10000x128xf32>
    %reduce_sum3A = arith.constant dense<0.000000e+00> : vector<128xf32>
    %reduce_sum3A_5 = vector.multi_reduction <add>, %get3A_1, %reduce_sum3A [0] : vector<10000x128xf32> to vector<128xf32>
    %broadcast_in_dim3A = vector.shape_cast %reduce_sum3A_5 : vector<128xf32> to vector<1x128xf32>
    %div3A = arith.constant 1.000000e+04 : f32
    %div3A_6 = vector.broadcast %div3A : f32 to vector<1x128xf32>
    %div3A_7 = arith.divf %broadcast_in_dim3A, %div3A_6 : vector<1x128xf32>
    %sub3A = vector.broadcast %div3A_7 : vector<1x128xf32> to vector<10000x128xf32>
    %sub3A_8 = arith.subf %get3A_1, %sub3A : vector<10000x128xf32>
    %mul3A = arith.mulf %sub3A_8, %sub3A_8 : vector<10000x128xf32>
    %reduce_sum3A_9 = arith.constant dense<0.000000e+00> : vector<128xf32>
    %reduce_sum3A_10 = vector.multi_reduction <add>, %mul3A, %reduce_sum3A_9 [0] : vector<10000x128xf32> to vector<128xf32>
    %broadcast_in_dim3A_11 = vector.shape_cast %reduce_sum3A_10 : vector<128xf32> to vector<1x128xf32>
    %div3A_12 = arith.constant 1.000000e+04 : f32
    %div3A_13 = vector.broadcast %div3A_12 : f32 to vector<1x128xf32>
    %div3A_14 = arith.divf %broadcast_in_dim3A_11, %div3A_13 : vector<1x128xf32>
    %add3A = arith.constant 9.99999974E-5 : f32
    %add3A_15 = vector.broadcast %add3A : f32 to vector<1x128xf32>
    %add3A_16 = arith.addf %div3A_14, %add3A_15 : vector<1x128xf32>
    %rsqrt3A = math.rsqrt %add3A_16 : vector<1x128xf32>
    %mul3A_17 = vector.broadcast %rsqrt3A : vector<1x128xf32> to vector<10000x128xf32>
    %mul3A_18 = arith.mulf %sub3A_8, %mul3A_17 : vector<10000x128xf32>
    %get3A_19 = arith.constant 0 : index
    %get3A_20 = arith.constant 0 : index
    %get3A_21 = vector.load %arg3[%get3A_19, %get3A_20] : memref<1x128xf32, #tpu.memory_space<vmem>>, vector<1x128xf32>
    %mul3A_22 = vector.broadcast %get3A_21 : vector<1x128xf32> to vector<10000x128xf32>
    %mul3A_23 = arith.mulf %mul3A_18, %mul3A_22 : vector<10000x128xf32>
    %get3A_24 = arith.constant 0 : index
    %get3A_25 = arith.constant 0 : index
    %get3A_26 = vector.load %arg4[%get3A_24, %get3A_25] : memref<1x128xf32, #tpu.memory_space<vmem>>, vector<1x128xf32>
    %add3A_27 = vector.broadcast %get3A_26 : vector<1x128xf32> to vector<10000x128xf32>
    %add3A_28 = arith.addf %mul3A_23, %add3A_27 : vector<10000x128xf32>
    %get3A_29 = arith.constant 0 : index
    %get3A_30 = arith.constant 0 : index
    %get3A_31 = vector.load %arg5[%get3A_29, %get3A_30] : memref<256x128xf32, #tpu.memory_space<vmem>>, vector<128x128xf32>
    %convert_element_type3A = arith.truncf %add3A_28 : vector<10000x128xf32> to vector<10000x128xbf16>
    %convert_element_type3A_32 = arith.truncf %get3A_31 : vector<128x128xf32> to vector<128x128xbf16>
    %dot_general3A = arith.constant dense<0.000000e+00> : vector<10000x128xf32>
    %dot_general3A_33 = tpu.matmul %convert_element_type3A, %convert_element_type3A_32, %dot_general3A {dimension_numbers = #tpu.dot_dimension_numbers<[1], [0], [0], [1], [0, 0, 1, 1], [], []>, transpose_lhs_hint = false} : vector<10000x128xbf16>, vector<128x128xbf16>, vector<10000x128xf32> -> vector<10000x128xf32>
    %get3A_34 = arith.constant 128 : index
    %get3A_35 = arith.constant 0 : index
    %get3A_36 = vector.load %arg5[%get3A_34, %get3A_35] : memref<256x128xf32, #tpu.memory_space<vmem>>, vector<128x128xf32>
    %convert_element_type3A_37 = arith.truncf %get3A_4 : vector<10000x128xf32> to vector<10000x128xbf16>
    %convert_element_type3A_38 = arith.truncf %get3A_36 : vector<128x128xf32> to vector<128x128xbf16>
    %dot_general3A_39 = arith.constant dense<0.000000e+00> : vector<10000x128xf32>
    %dot_general3A_40 = tpu.matmul %convert_element_type3A_37, %convert_element_type3A_38, %dot_general3A_39 {dimension_numbers = #tpu.dot_dimension_numbers<[1], [0], [0], [1], [0, 0, 1, 1], [], []>, transpose_lhs_hint = false} : vector<10000x128xbf16>, vector<128x128xbf16>, vector<10000x128xf32> -> vector<10000x128xf32>
    %add3A_41 = arith.addf %dot_general3A_33, %dot_general3A_40 : vector<10000x128xf32>
    %get3A_42 = arith.constant 0 : index
    %get3A_43 = arith.constant 0 : index
    %get3A_44 = vector.load %arg6[%get3A_42, %get3A_43] : memref<1x128xf32, #tpu.memory_space<vmem>>, vector<1x128xf32>
    %add3A_45 = vector.broadcast %get3A_44 : vector<1x128xf32> to vector<10000x128xf32>
    %add3A_46 = arith.addf %add3A_41, %add3A_45 : vector<10000x128xf32>
    %iota3A = tpu.iota {dimensions = array<i32: 0>} : vector<128x1xi32>
    %get3A_47 = arith.constant 0 : index
    %get3A_48 = arith.constant 0 : index
    %get3A_49 = vector.load %arg2[%get3A_47, %get3A_48] : memref<1x10000xi32, #tpu.memory_space<vmem>>, vector<1x10000xi32>
    %eq3A = vector.broadcast %get3A_49 : vector<1x10000xi32> to vector<128x10000xi32>
    %eq3A_50 = vector.broadcast %iota3A : vector<128x1xi32> to vector<128x10000xi32>
    %eq3A_51 = arith.cmpi eq, %eq3A, %eq3A_50 : vector<128x10000xi32>
    %convert_element_type3A_52 = arith.extui %eq3A_51 : vector<128x10000xi1> to vector<128x10000xi32>
    %convert_element_type3A_53 = arith.sitofp %convert_element_type3A_52 : vector<128x10000xi32> to vector<128x10000xf32>
    %dot_general3A_54 = arith.constant dense<0.000000e+00> : vector<128x128xf32>
    %dot_general3A_55 = tpu.matmul %convert_element_type3A_53, %add3A_46, %dot_general3A_54 {dimension_numbers = #tpu.dot_dimension_numbers<[1], [0], [0], [1], [0, 0, 1, 1], [], []>, precision = #tpu.contract_precision<fp32>, transpose_lhs_hint = false} : vector<128x10000xf32>, vector<10000x128xf32>, vector<128x128xf32> -> vector<128x128xf32>
    %get3A_56 = arith.constant 0 : index
    %get3A_57 = arith.constant 0 : index
    %get3A_58 = vector.load %arg7[%get3A_56, %get3A_57] : memref<128x128xf32, #tpu.memory_space<vmem>>, vector<128x128xf32>
    %convert_element_type3A_59 = arith.truncf %dot_general3A_55 : vector<128x128xf32> to vector<128x128xbf16>
    %convert_element_type3A_60 = arith.truncf %get3A_58 : vector<128x128xf32> to vector<128x128xbf16>
    %dot_general3A_61 = arith.constant dense<0.000000e+00> : vector<128x128xf32>
    %dot_general3A_62 = tpu.matmul %convert_element_type3A_59, %convert_element_type3A_60, %dot_general3A_61 {dimension_numbers = #tpu.dot_dimension_numbers<[1], [0], [0], [1], [0, 0, 1, 1], [], []>, transpose_lhs_hint = false} : vector<128x128xbf16>, vector<128x128xbf16>, vector<128x128xf32> -> vector<128x128xf32>
    %gt3A = arith.constant 0.000000e+00 : f32
    %gt3A_63 = vector.broadcast %gt3A : f32 to vector<128x128xf32>
    %gt3A_64 = arith.cmpf ogt, %dot_general3A_62, %gt3A_63 : vector<128x128xf32>
    %mul3A_65 = arith.constant 0.00999999977 : f32
    %mul3A_66 = vector.broadcast %mul3A_65 : f32 to vector<128x128xf32>
    %mul3A_67 = arith.mulf %dot_general3A_62, %mul3A_66 : vector<128x128xf32>
    %select_n3A = arith.select %gt3A_64, %dot_general3A_62, %mul3A_67 : vector<128x128xi1>, vector<128x128xf32>
    %get3A_68 = arith.constant 0 : index
    %get3A_69 = arith.constant 0 : index
    %get3A_70 = vector.load %arg8[%get3A_68, %get3A_69] : memref<128x128xf32, #tpu.memory_space<vmem>>, vector<128x128xf32>
    %convert_element_type3A_71 = arith.truncf %select_n3A : vector<128x128xf32> to vector<128x128xbf16>
    %convert_element_type3A_72 = arith.truncf %get3A_70 : vector<128x128xf32> to vector<128x128xbf16>
    %dot_general3A_73 = arith.constant dense<0.000000e+00> : vector<128x128xf32>
    %dot_general3A_74 = tpu.matmul %convert_element_type3A_71, %convert_element_type3A_72, %dot_general3A_73 {dimension_numbers = #tpu.dot_dimension_numbers<[1], [0], [0], [1], [0, 0, 1, 1], [], []>, transpose_lhs_hint = false} : vector<128x128xbf16>, vector<128x128xbf16>, vector<128x128xf32> -> vector<128x128xf32>
    %gt3A_75 = arith.constant 0.000000e+00 : f32
    %gt3A_76 = vector.broadcast %gt3A_75 : f32 to vector<128x128xf32>
    %gt3A_77 = arith.cmpf ogt, %dot_general3A_74, %gt3A_76 : vector<128x128xf32>
    %mul3A_78 = arith.constant 0.00999999977 : f32
    %mul3A_79 = vector.broadcast %mul3A_78 : f32 to vector<128x128xf32>
    %mul3A_80 = arith.mulf %dot_general3A_74, %mul3A_79 : vector<128x128xf32>
    %select_n3A_81 = arith.select %gt3A_77, %dot_general3A_74, %mul3A_80 : vector<128x128xi1>, vector<128x128xf32>
    %get3A_82 = arith.constant 0 : index
    %get3A_83 = arith.constant 0 : index
    %get3A_84 = vector.load %arg9[%get3A_82, %get3A_83] : memref<128x128xf32, #tpu.memory_space<vmem>>, vector<128x128xf32>
    %convert_element_type3A_85 = arith.truncf %select_n3A_81 : vector<128x128xf32> to vector<128x128xbf16>
    %convert_element_type3A_86 = arith.truncf %get3A_84 : vector<128x128xf32> to vector<128x128xbf16>
    %dot_general3A_87 = arith.constant dense<0.000000e+00> : vector<128x128xf32>
    %dot_general3A_88 = tpu.matmul %convert_element_type3A_85, %convert_element_type3A_86, %dot_general3A_87 {dimension_numbers = #tpu.dot_dimension_numbers<[1], [0], [0], [1], [0, 0, 1, 1], [], []>, transpose_lhs_hint = false} : vector<128x128xbf16>, vector<128x128xbf16>, vector<128x128xf32> -> vector<128x128xf32>
    %gt3A_89 = arith.constant 0.000000e+00 : f32
    %gt3A_90 = vector.broadcast %gt3A_89 : f32 to vector<128x128xf32>
    %gt3A_91 = arith.cmpf ogt, %dot_general3A_88, %gt3A_90 : vector<128x128xf32>
    %mul3A_92 = arith.constant 0.00999999977 : f32
    %mul3A_93 = vector.broadcast %mul3A_92 : f32 to vector<128x128xf32>
    %mul3A_94 = arith.mulf %dot_general3A_88, %mul3A_93 : vector<128x128xf32>
    %select_n3A_95 = arith.select %gt3A_91, %dot_general3A_88, %mul3A_94 : vector<128x128xi1>, vector<128x128xf32>
    %get3A_96 = arith.constant 0 : index
    %get3A_97 = arith.constant 0 : index
    %get3A_98 = vector.load %arg10[%get3A_96, %get3A_97] : memref<128x128xf32, #tpu.memory_space<vmem>>, vector<128x128xf32>
    %convert_element_type3A_99 = arith.truncf %dot_general3A_55 : vector<128x128xf32> to vector<128x128xbf16>
    %convert_element_type3A_100 = arith.truncf %get3A_98 : vector<128x128xf32> to vector<128x128xbf16>
    %dot_general3A_101 = arith.constant dense<0.000000e+00> : vector<128x128xf32>
    %dot_general3A_102 = tpu.matmul %convert_element_type3A_99, %convert_element_type3A_100, %dot_general3A_101 {dimension_numbers = #tpu.dot_dimension_numbers<[1], [0], [0], [1], [0, 0, 1, 1], [], []>, transpose_lhs_hint = false} : vector<128x128xbf16>, vector<128x128xbf16>, vector<128x128xf32> -> vector<128x128xf32>
    %add3A_103 = arith.addf %select_n3A_95, %dot_general3A_102 : vector<128x128xf32>
    %swap3A = arith.constant 0 : index
    %swap3A_104 = arith.constant 0 : index
    %swap3A_105 = vector.load %arg11[%swap3A, %swap3A_104] : memref<128x128xf32, #tpu.memory_space<vmem>>, vector<128x128xf32>
    tpu.vector_store %arg11[%swap3A, %swap3A_104], %add3A_103 {strides = array<i32>} : memref<128x128xf32, #tpu.memory_space<vmem>>, vector<128x128xf32>,
    return
  }
}

</mosaic_0001>

<sc_bundles>
// kernel: kernel.17.cloned.1.call-start
scs
__scs_entry_jumppad:
0x0: {  	(pc) =	sbr.rel $0x88, $3  }
0x1: {  	(tag) =	ssettag $0x0;
	lr =	simm.s32 $0x1  }
0x2: {  	[smem:$0x3F8D] =	sst lr;
	_ =	strace $0xD0000000  }
0x3: {  	_ = 	snop  }
0x4: {  	_ = 	snop  }
0x5: {  	_ = 	snop  }
0x6: {  	_ = 	snop  }
0x7: {  	_ = 	snop  }
__scs_overlays_trampoline_lowered:
0x8: {  	[smem:$0x3F9C] =	sst s0  }
0x9: {  	[smem:$0x3F9D] =	sst s1  }
0xa: {  	[smem:$0x3F9E] =	sst s2  }
0xb: {  	[smem:$0x3F9F] =	sst s3  }
0xc: {  	[smem:$0x3FA0] =	sst s4  }
0xd: {  	[smem:$0x3FA1] =	sst s5  }
0xe: {  	[smem:$0x3FA2] =	sst s6  }
0xf: {  	[smem:$0x3FA3] =	sst s7  }
0x10: {  	[smem:$0x3FA4] =	sst s8  }
0x11: {  	[smem:$0x3FA5] =	sst s9;
	s0 =	simm.s32 @!p0 $0x0  }
0x12: {  	s1 =	sld [smem:$0x3F8B];
	s0 =	simm.s32 @p0 $0x1  }
0x13: {  	[smem:$0x3FA6] =	sst s0;
	s0 =	simm.s32 @!p1 $0x0  }
0x14: {  	s2 =	sld [smem:$0x3F8A];
	s0 =	simm.s32 @p1 $0x1  }
0x15: {  	[smem:$0x3FA7] =	sst s0;
	s0 =	simm.s32 @!p2 $0x0  }
0x16: {  	s3 =	sld [smem:$0x3FDB];
	s0 =	simm.s32 @p2 $0x1  }
0x17: {  	s4 =	simm.s32 $0x1BF5;
	[smem:$0x3FA9] =	sst s0  }
0x18: {  	s0 =	sld [smem:$0x3F8C];
	_ =	swait.ge [sflag:s4], $0x0  }
0x19: {  	s7 =	sld [smem:$0x3F8D]  }
0x1a: {  	s8 =	sadd.s32 $0xFFFFE003, lr  }
0x1b: {  	s9 =	sadd.s32 $0xFFFFFEF7, lr;
	s5 =	simm.s32 $0xFFFFFFFF;
	p2 =	slt.u32 s8, $0xFFFFF086  }
0x1c: {  	p1 =	slt.u32 s9, $0xF7A;
	s5 =	simm.s32 @!p2 $0x0  }
0x1d: {  	s5 =	simm.s32 @p1 $0x1;
	p0 =	seq.s32 s7, s2  }
0x1e: {  	s7 =	smul.u32 @!p0 $0xF7A, s2;
	p2 =	seq.s32 @!p0 s5, $0x0  }
0x1f: {  	s9 =	smul.u32 $0xF7A, s1;
	s8 =	simm.s32 @!p0 $0x1BF5;
	p2 =	por !p2, p0  }
0x20: {  	[sflag:s8] =	ssyncset.s32 @!p0 $0xFFFFF086;
	s6 =	sadd.s32 @!p0 s3, s7;
	s7 =	simm.s32 @!p0 $0x108  }
0x21: {  	s3 =	sadd.s32 s3, s9;
	s6 =	sadd.s32 @!p0 $0x88, s6;
	s7 =	simm.s32 @p2 $0x1082  }
0x22: {  	[simem:s7], [sflag:s8] =	dma.local @!p0 [hbm:s6], $0xF7A  }
0x23: {  	s9 =	sor.u32 $0xD0000000, s2;
	s6 =	simm.s32 $0x108;
	_ =	swait.ge @!p0 [sflag:s8], $0x0  }
0x24: {  	s3 =	sadd.s32 $0x88, s3;
	s6 =	simm.s32 @!p1 $0x1082;
	[sflag:s4] =	ssyncset.s32 $0xFFFFF086  }
0x25: {  	[simem:s6], [sflag:s4] =	dma.local [hbm:s3], $0xF7A  }
0x26: {  	[smem:$0x3F8D] =	sst s1;
	(tag) =	ssettag s2;
	_ =	strace s9  }
0x27: {  	s1 =	sld [smem:$0x3F9D]  }
0x28: {  	s2 =	sld [smem:$0x3F9E]  }
0x29: {  	s4 =	sld [smem:$0x3FA0]  }
0x2a: {  	p0 =	seq.s32 s5, $0x0;
	s5 =	sld [smem:$0x3FA1]  }
0x2b: {  	s6 =	sld [smem:$0x3FA2]  }
0x2c: {  	s7 =	sld [smem:$0x3FA3]  }
0x2d: {  	s3 =	simm.s32 $0x108;
	s8 =	sld [smem:$0x3FA4]  }
0x2e: {  	s3 =	simm.s32 @!p0 $0x1082;
	s9 =	sld [smem:$0x3FA5]  }
0x2f: {  	lr =	sadd.s32 s0, s3;
	s0 =	sld [smem:$0x3F9C]  }
0x30: {  	s3 =	sld [smem:$0x3F9F]  }
0x31: {  	[smem:$0x3FA8] =	sst s10  }
0x32: {  	s10 =	sld [smem:$0x3FA6];
	_ =	sdelay $0x3  }
0x33: {  	p0 =	seq.s32 s10, $0x1;
	s10 =	sld [smem:$0x3FA8];
	_ =	sdelay $0x3  }
0x34: {  	[smem:$0x3FA8] =	sst s10  }
0x35: {  	s10 =	sld [smem:$0x3FA7];
	_ =	sdelay $0x3  }
0x36: {  	p1 =	seq.s32 s10, $0x1;
	s10 =	sld [smem:$0x3FA8];
	_ =	sdelay $0x3  }
0x37: {  	[smem:$0x3FA8] =	sst s10  }
0x38: {  	s10 =	sld [smem:$0x3FA9]  }
0x39: {  	_ = 	snop;
	(pc) =	sbr.ind lr, $3  }
0x3a: {  	_ = 	snop  }
0x3b: {  	_ = 	snop  }
0x3c: {  	p2 =	seq.s32 s10, $0x1;
	s10 =	sld [smem:$0x3FA8]  }
0x3d: {  	_ =	shalt  }
0x3e: {  	_ =	shalt  }
0x3f: {  	_ =	shalt  }
0x40: {  	_ =	shalt  }
0x41: {  	_ =	shalt  }
0x42: {  	_ =	shalt  }
0x43: {  	_ =	shalt  }
0x44: {  	_ =	shalt  }
0x45: {  	_ =	shalt  }
0x46: {  	_ =	shalt  }
0x47: {  	_ =	shalt  }
0x48: {  	_ =	shalt  }
0x49: {  	_ =	shalt  }
0x4a: {  	_ =	shalt  }
0x4b: {  	_ =	shalt  }
0x4c: {  	_ =	shalt  }
0x4d: {  	_ =	shalt  }
0x4e: {  	_ =	shalt  }
0x4f: {  	_ =	shalt  }
0x50: {  	_ =	shalt  }
0x51: {  	_ =	shalt  }
0x52: {  	_ =	shalt  }
0x53: {  	_ =	shalt  }
0x54: {  	_ =	shalt  }
0x55: {  	_ =	shalt  }
0x56: {  	_ =	shalt  }
0x57: {  	_ =	shalt  }
0x58: {  	_ =	shalt  }
0x59: {  	_ =	shalt  }
0x5a: {  	_ =	shalt  }
0x5b: {  	_ =	shalt  }
0x5c: {  	_ =	shalt  }
0x5d: {  	_ =	shalt  }
0x5e: {  	_ =	shalt  }
0x5f: {  	_ =	shalt  }
0x60: {  	_ =	shalt  }
0x61: {  	_ =	shalt  }
0x62: {  	_ =	shalt  }
0x63: {  	_ =	shalt  }
0x64: {  	_ =	shalt  }
0x65: {  	_ =	shalt  }
0x66: {  	_ =	shalt  }
0x67: {  	_ =	shalt  }
0x68: {  	_ =	shalt  }
0x69: {  	_ =	shalt  }
0x6a: {  	_ =	shalt  }
0x6b: {  	_ =	shalt  }
0x6c: {  	_ =	shalt  }
0x6d: {  	_ =	shalt  }
0x6e: {  	_ =	shalt  }
0x6f: {  	_ =	shalt  }
0x70: {  	_ =	shalt  }
0x71: {  	_ =	shalt  }
0x72: {  	_ =	shalt  }
0x73: {  	_ =	shalt  }
0x74: {  	_ =	shalt  }
0x75: {  	_ =	shalt  }
0x76: {  	_ =	shalt  }
0x77: {  	_ =	shalt  }
0x78: {  	_ =	shalt  }
0x79: {  	_ =	shalt  }
0x7a: {  	_ =	shalt  }
0x7b: {  	_ =	shalt  }
0x7c: {  	_ =	shalt  }
0x7d: {  	_ =	shalt  }
0x7e: {  	_ =	shalt  }
0x7f: {  	_ =	shalt  }
0x80: {  	_ =	shalt  }
0x81: {  	_ =	shalt  }
0x82: {  	_ =	shalt  }
0x83: {  	_ =	shalt  }
0x84: {  	_ =	shalt  }
0x85: {  	_ =	shalt  }
0x86: {  	_ =	shalt  }
0x87: {  	_ =	shalt  }
.Lfunc_end0:
.L_simem_size_0:
called_computation_lowered:
.L_overlay_start_0:
0x88: {  	s2 =	sld [smem:$0x3FD9]  }
0x89: {  	s3 =	sld [smem:$0x3FFE];
	_ =	sdelay $0x1  }
0x8a: {  	s1 =	srdreg.scid  }
0x8b: {  	s0 =	sand.u32 $0x1, s1  }
0x8c: {  	s16 =	sshll.u32 s0, $0xA;
	s2 =	sadd.s32 s3, s2  }
0x8d: {  	s2 =	sadd.s32 s2, s16  }
0x8e: {  	[smem:$0x3FB4] =	sst s2  }
0x8f: {  	_ = 	snop  }
0x90: {  	(tm) =	ssettm $0x1  }
0x91: {  	s17 =	sld [smem:$0x3FFB];
	_ =	sdelay $0x3  }
0x92: {  	_ =	strace s17  }
0x93: {  	s2 =	sld [smem:$0x3FFC];
	_ =	sdelay $0x3  }
0x94: {  	_ =	strace s2  }
0x95: {  	s2 =	sld [smem:$0x3FFD];
	_ =	sdelay $0x3  }
0x96: {  	_ =	strace s2  }
0x97: {  	_ =	strace $0x8FFFFFFF  }
0x98: {  	s18 =	sld [smem:$0x3FDB];
	_ =	sdelay $0x1  }
0x99: {  	s19 =	simm.s32 $_scs_section_size  }
0x9a: {  	s4 =	simm.s32 $_size__tile_overlayer_lowered;
	s5 =	simm.s32 $_tile_overlayer_lowered  }
0x9b: {  	s22 =	simm.s32 $0x1BFF;
	s21 =	sshll.u32 s5, $0x1;
	s2 =	sadd.s32 s19, s18  }
0x9c: {  	s6 =	simm.s32 $0x0;
	s20 =	sshll.u32 s4, $0x1;
	s4 =	sadd.s32 s21, s2  }
0x9d: {  	[timem:s6], [sflag:s22] =	dma.local [hbm:s4], s20  }
0x9e: {  	_ =	swait.ge [sflag:s22], s20  }
0x9f: {  	s3 =	ssub.s32 $0x0, s20;
	[sflag:s22] =	ssyncset.done $0x0  }
0xa0: {  	[sflag:s22] =	ssyncadd.s32 s3;
	_ =	sdelay $0x1  }
0xa1: {  	s23 =	simm.s32 $0x1B8B  }
0xa2: {  	_ =	swait.ge [sflag:s23], $0x1  }
0xa3: {  	[sflag:s23] =	ssyncset.done $0x0  }
0xa4: {  	s25 =	simm.s32 $0x1B8E;
	s24 =	sld [smem:$0x3FFE];
	[sflag:s23] =	ssyncadd.s32 $0xFFFFFFFF  }
0xa5: {  	s26 =	simm.s32 $execute0_lowered;
	[smem:$0x3FD2] =	sst s25  }
0xa6: {  	s4 =	sshll.u32 s26, $0x1;
	_ =	strace $0x80000046;
	[dreg:$0x1] =	wrdreg $0xFFFFFFFF  }
0xa7: {  	s28 =	simm.s32 $_size_execute0_lowered;
	s2 =	sadd.s32 s2, s4;
	[dreg:$0x0] =	wrdreg $0x0  }
0xa8: {  	s4 =	sshll.u32 s28, $0x1;
	[dreg:$0x2] =	wrdreg s2  }
0xa9: {  	[dreg:$0x3] =	wrdreg s4  }
0xaa: {  	[dreg:$0x4] =	wrdreg $0xC0  }
0xab: {  	_ =	task [dreg:s6], $0x5FFFF  }
0xac: {  	[dreg:$0x1] =	wrdreg $0xFFFFFFFF  }
0xad: {  	[dreg:$0x0] =	wrdreg $0x60  }
0xae: {  	[dreg:$0x2] =	wrdreg s24  }
0xaf: {  	[dreg:$0x3] =	wrdreg $0x90000  }
0xb0: {  	[dreg:$0x4] =	wrdreg $0x9  }
0xb1: {  	_ =	task.clear_ibuf [dreg:s6], $0x5FFFF;
	_ =	strace $0x90000046  }
0xb2: {  	s29 =	simm.s32 $0x9;
	_ =	strace $0x80000048  }
0xb3: {  	_ =	swait.ge [sflag:s29], $0x1  }
0xb4: {  	[sflag:s29] =	ssyncadd.s32 $0xFFFFFFFF  }
0xb5: {  	_ =	strace $0x90000048  }
0xb6: {  	_ =	sfence  }
0xb7: {  	s30 =	sld [smem:$0x0];
	_ =	sdelay $0x2  }
0xb8: {  	s31 =	sshll.u32 s1, $0xD;
	s1 =	sshrl.u32 s1, $0x2  }
0xb9: {  	s3 =	sand.u32 $0x4000, s31;
	s1 =	sadd.s32 s1, s30  }
0xba: {  	s0 =	sor.u32 s3, s0;
	s1 =	sshll.u32 s1, $0x11  }
0xbb: {  	s0 =	sor.u32 s1, s0  }
0xbc: {  	s0 =	sadd.s32 $0x8F2B, s0  }
0xbd: {  	[sflag:s0] =	ssyncadd.remote.s32 $0x1  }
0xbe: {  	_ =	sfence.sel $0xFFFF  }
0xbf: {  	[dreg:$0x0] =	wrdreg $0xFFFFFFFF;
	(pc) =	sbr.abs _section_cstart, $3  }
0xc0: {  	[dreg:$0x1] =	wrdreg $0xFFFFFFFF  }
0xc1: {  	_ =	task.clear_ibuf [dreg:s6], $0x2FFFF;
	_ =	strace $0x9FFFFFFF  }
0xc2: {  	(tm) =	ssettm $0x7FFFFFFF  }
0xc3: {  	_ =	shalt  }
tec
execute0_lowered:
.L_overlay_start_1:
0x0: {  	(tag) =	ssettag $0x1  }
0x1: {  	s6 =	rddreg [dreg:$0x0]  }
0x2: {  	s0 =	srdreg.scid;
	s2 =	rddreg [dreg:$0x1]  }
0x3: {  	s3 =	simm.s32 $0x0;
	s5 =	sand.u32 $0x1, s0;
	s0 =	stileid.u32  }
0x4: {  	s13 =	simm.s32 $0x80;
	s14 =	simm.s32 $0x5000;
	s16 =	smul.u32 $0x2780, s0  }
0x5: {  	s15 =	simm.s32 $0x1;
	[smem:$0x7FF] =	sst s3;
	s8 =	smul.u32 $0x27800, s5  }
0x6: {  	s1 =	sshll.u32 s5, $0x4;
	s5 =	ssub.s32 $0x2, s5;
	s9 =	smul.u32 $0x4F000, s0  }
0x7: {  	s31 =	sshll.u32 s0, $0x6;
	s4 =	sor.u32 s0, s1;
	s1 =	rddreg [dreg:$0x2]  }
0x8: {  	_ =	strace $0x80000047;
	s30 =	sshrl.u32 s5, $0x1;
	s7 =	smul.u32 $0x500, s4  }
0x9: {  	s4 =	sadd.s32 $0x1D000, s6;
	s10 =	sadd.s32 s16, s6;
	s9 =	sshrl.u32 s9, $0x2  }
0xa: {  	s8 =	sadd.s32 s8, s6;
	s11 =	ssub.s32 s5, s30;
	s12 =	sadd.s32 s9, s2  }
0xb: {  	s17 =	sadd.s32 $0x6C000, s8;
	s8 =	smax.u32 s11, $0x1;
	s9 =	simm.s32 $0x2  }
0xc: {  	s11 =	sor.u32 $0x1C02, s31;
	s7 =	sadd.s32 s7, s6;
	s12 =	sshrl.u32 s12, $0x3  }
0xd: {  	s16 =	sadd.s32 s16, s17;
	s17 =	simm.s32 $0x0;
	s5 =	sadd.s32 $0x9000, s7  }
0xe: {  	s6 =	sadd.s32 $0x13000, s7;
	s7 =	sadd.s32 $0x44800, s10;
	s10 =	simm.s32 $0x2800  }
.LBB2_1:
0xf: {  	[tilespmem:s3], [sflag:$0x2] =	stream.linear.gather [hbm4b:s5+s3], $0x2800, $0x38;
	[tilespmem:$0x1CC00] =	vst v63  }
0x10: {  	_ =	swait.ge [sflag:s9], $0x2800  }
0x11: {  	[sflag:s9] =	ssyncset.done $0x0  }
0x12: {  	[sflag:s9] =	ssyncadd.s32 $0xFFFFD800  }
0x13: {  	[tilespmem:s10], [sflag:$0x2] =	stream.linear.gather [hbm4b:s6+s3], $0x2800, $0x38;
	[tilespmem:$0x1CC00] =	vst v63  }
0x14: {  	_ =	swait.ge [sflag:s9], $0x2800  }
0x15: {  	[sflag:s9] =	ssyncset.done $0x0  }
0x16: {  	[sflag:s9] =	ssyncadd.s32 $0xFFFFD800  }
0x17: {  	[spmem:s12], [sflag:s11] =	dma.local [hbm:s7], $0x2780  }
0x18: {  	_ =	swait.ge [sflag:s9], $0x2780  }
0x19: {  	[sflag:s9] =	ssyncset.done $0x0  }
0x1a: {  	[sflag:s9] =	ssyncadd.s32 $0xFFFFD880  }
0x1b: {  	s18 =	simm.s32 $0x0;
	[bflag:$0x0] =	sbarrier.arrive $0xFFFF  }
0x1c: {  	[tilespmem:s14], [sflag:$0x1] =	stream.indirect.gather [hbm4b:s4+s13], $0x80, s18, s13, $0xb8;
	[tilespmem:$0x1CC00] =	vst v63  }
0x1d: {  	_ =	swait.ge [sflag:s15], $0x4000  }
0x1e: {  	[sflag:s15] =	ssyncset.done $0x0  }
0x1f: {  	s31 =	simm.s32 $0x2800;
	[sflag:s15] =	ssyncadd.s32 $0xFFFFC000  }
0x20: {  	[spmem:s2] =	stream.indirect.scatter.add.f32 [tilespmem:s14], [sflag:$0x2], $0x80, s31, s13, $0xb8;
	[tilespmem:$0x1CC00] =	vst v63  }
0x21: {  	_ =	swait.ge [sflag:s9], $0x4000  }
0x22: {  	s19 =	simm.s32 $0x400;
	s18 =	simm.s32 $0x200;
	[sflag:s9] =	ssyncset.done $0x0  }
.LBB2_2:
0x23: {  	s20 =	sshra.s32 s18, $0x2  }
0x24: {  	[sflag:s9] =	ssyncadd.s32 $0xFFFFC000;
	s18 =	smov.u32 s19;
	s21 =	sadd.s32 $0x200, s19  }
0x25: {  	[tilespmem:s14], [sflag:$0x1] =	stream.indirect.gather [hbm4b:s4+s13], $0x80, s20, s13, $0xb8;
	[tilespmem:$0x1CC00] =	vst v63  }
0x26: {  	p0 =	sne.s32 s19, $0x9E00;
	_ =	swait.ge [sflag:s15], $0x4000  }
.Ltmp0:
0x27: {  	[sflag:s15] =	ssyncset.done $0x0;
	(pc) =	sbr.rel @p0 .LBB2_2-.Ltmp0, $4  }
0x28: {  	s19 =	sadd.s32 $0x2800, s20;
	[sflag:s15] =	ssyncadd.s32 $0xFFFFC000  }
0x29: {  	[spmem:s2] =	stream.indirect.scatter.add.f32 [tilespmem:s14], [sflag:$0x2], $0x80, s19, s13, $0xb8;
	[tilespmem:$0x1CC00] =	vst v63  }
0x2a: {  	_ =	swait.ge [sflag:s9], $0x4000  }
0x2b: {  	s19 =	smov.u32 s21;
	[sflag:s9] =	ssyncset.done $0x0  }
0x2c: {  	s18 =	sshra.s32 s18, $0x2;
	[sflag:s9] =	ssyncadd.s32 $0xFFFFC000  }
0x2d: {  	[tilespmem:s14], [sflag:$0x1] =	stream.indirect.gather [hbm4b:s4+s13], $0x80, s18, s13, $0xb8;
	[tilespmem:$0x1CC00] =	vst v63  }
0x2e: {  	_ =	swait.ge [sflag:s15], $0x4000  }
0x2f: {  	[sflag:s15] =	ssyncset.done $0x0  }
0x30: {  	s18 =	sadd.s32 $0x2800, s18;
	[sflag:s15] =	ssyncadd.s32 $0xFFFFC000  }
0x31: {  	[spmem:s2] =	stream.indirect.scatter.add.f32 [tilespmem:s14], [sflag:$0x2], $0x80, s18, s13, $0xb8;
	[tilespmem:$0x1CC00] =	vst v63  }
0x32: {  	_ =	swait.ge [sflag:s9], $0x4000  }
0x33: {  	s17 =	sadd.s32 $0x1, s17;
	[sflag:s9] =	ssyncset.done $0x0  }
0x34: {  	p0 =	sne.s32 s17, s8;
	[sflag:s9] =	ssyncadd.s32 $0xFFFFC000  }
.Ltmp1:
0x35: {  	[bflag:$0x0] =	sbarrier.arrive $0xFFFF;
	(pc) =	sbr.rel @p0 .LBB2_1-.Ltmp1, $4  }
0x36: {  	[hbm:s16], [sflag:s11] =	dma.local [spmem:s12], $0x2780  }
0x37: {  	_ =	swait.ge [sflag:s9], $0x2780  }
0x38: {  	[sflag:s9] =	ssyncset.done $0x0  }
0x39: {  	[sflag:s9] =	ssyncadd.s32 $0xFFFFD880  }
0x3a: {  	_ =	sfence.sel $0x180000  }
0x3b: {  	[bflag:$0x0] =	sbarrier.arrive $0xFFFF  }
0x3c: {  	p0 =	sne.s32 s0, $0x0;
	_ =	strace $0x90000047  }
0x3d: {  	s0 =	sadd.s32 @!p0 $0x100000, s1;
	[bflag:$0x2] =	sbarrier.arrive $0xFFFF  }
0x3e: {  	[sflag:s0] =	ssyncadd.tile.s32 @!p0 $0x1;
	_ =	shalt  }
.Lfunc_end2:
_tile_overlayer_lowered:
.L_overlay_start_2:
0x3f: {  	(tag) =	ssettag $0x2  }
0x40: {  	s0 =	rddreg [dreg:$0x0];
	s2 =	stileid.u32  }
0x41: {  	s1 =	rddreg [dreg:$0x1];
	p0 =	sne.s32 s2, $0x0  }
0x42: {  	s3 =	rddreg [dreg:$0x2];
	[bflag:$0x3] =	sbarrier.arrive $0xFFFF;
	s2 =	simm.s32 @!p0 $0x1C02  }
0x43: {  	[timem:s3], [sflag:s2] =	dma.local @!p0 [hbm:s0], s1  }
0x44: {  	s0 =	simm.s32 @!p0 $0x2  }
0x45: {  	_ =	swait.ge @!p0 [sflag:s0], s1  }
0x46: {  	s1 =	ssub.s32 @!p0 $0x0, s1;
	[sflag:s0] =	ssyncset.done @!p0 $0x0  }
0x47: {  	[sflag:s0] =	ssyncadd.s32 @!p0 s1  }
0x48: {  	[bflag:$0x3] =	sbarrier.arrive $0xFFFF  }
0x49: {  	_ =	shalt  }

// kernel: kernel.20.cloned.1.call-start
scs
__scs_entry_jumppad:
0x0: {  	(pc) =	sbr.rel $0x88, $3  }
0x1: {  	(tag) =	ssettag $0x0;
	lr =	simm.s32 $0x1  }
0x2: {  	[smem:$0x3F8D] =	sst lr;
	_ =	strace $0xD0000000  }
0x3: {  	_ = 	snop  }
0x4: {  	_ = 	snop  }
0x5: {  	_ = 	snop  }
0x6: {  	_ = 	snop  }
0x7: {  	_ = 	snop  }
__scs_overlays_trampoline_lowered:
0x8: {  	[smem:$0x3F9C] =	sst s0  }
0x9: {  	[smem:$0x3F9D] =	sst s1  }
0xa: {  	[smem:$0x3F9E] =	sst s2  }
0xb: {  	[smem:$0x3F9F] =	sst s3  }
0xc: {  	[smem:$0x3FA0] =	sst s4  }
0xd: {  	[smem:$0x3FA1] =	sst s5  }
0xe: {  	[smem:$0x3FA2] =	sst s6  }
0xf: {  	[smem:$0x3FA3] =	sst s7  }
0x10: {  	[smem:$0x3FA4] =	sst s8  }
0x11: {  	[smem:$0x3FA5] =	sst s9;
	s0 =	simm.s32 @!p0 $0x0  }
0x12: {  	s1 =	sld [smem:$0x3F8B];
	s0 =	simm.s32 @p0 $0x1  }
0x13: {  	[smem:$0x3FA6] =	sst s0;
	s0 =	simm.s32 @!p1 $0x0  }
0x14: {  	s2 =	sld [smem:$0x3F8A];
	s0 =	simm.s32 @p1 $0x1  }
0x15: {  	[smem:$0x3FA7] =	sst s0;
	s0 =	simm.s32 @!p2 $0x0  }
0x16: {  	s3 =	sld [smem:$0x3FDB];
	s0 =	simm.s32 @p2 $0x1  }
0x17: {  	s4 =	simm.s32 $0x1BF5;
	[smem:$0x3FA9] =	sst s0  }
0x18: {  	s0 =	sld [smem:$0x3F8C];
	_ =	swait.ge [sflag:s4], $0x0  }
0x19: {  	s7 =	sld [smem:$0x3F8D]  }
0x1a: {  	s8 =	sadd.s32 $0xFFFFE003, lr  }
0x1b: {  	s9 =	sadd.s32 $0xFFFFFEF7, lr;
	s5 =	simm.s32 $0xFFFFFFFF;
	p2 =	slt.u32 s8, $0xFFFFF086  }
0x1c: {  	p1 =	slt.u32 s9, $0xF7A;
	s5 =	simm.s32 @!p2 $0x0  }
0x1d: {  	s5 =	simm.s32 @p1 $0x1;
	p0 =	seq.s32 s7, s2  }
0x1e: {  	s7 =	smul.u32 @!p0 $0xF7A, s2;
	p2 =	seq.s32 @!p0 s5, $0x0  }
0x1f: {  	s9 =	smul.u32 $0xF7A, s1;
	s8 =	simm.s32 @!p0 $0x1BF5;
	p2 =	por !p2, p0  }
0x20: {  	[sflag:s8] =	ssyncset.s32 @!p0 $0xFFFFF086;
	s6 =	sadd.s32 @!p0 s3, s7;
	s7 =	simm.s32 @!p0 $0x108  }
0x21: {  	s3 =	sadd.s32 s3, s9;
	s6 =	sadd.s32 @!p0 $0x88, s6;
	s7 =	simm.s32 @p2 $0x1082  }
0x22: {  	[simem:s7], [sflag:s8] =	dma.local @!p0 [hbm:s6], $0xF7A  }
0x23: {  	s9 =	sor.u32 $0xD0000000, s2;
	s6 =	simm.s32 $0x108;
	_ =	swait.ge @!p0 [sflag:s8], $0x0  }
0x24: {  	s3 =	sadd.s32 $0x88, s3;
	s6 =	simm.s32 @!p1 $0x1082;
	[sflag:s4] =	ssyncset.s32 $0xFFFFF086  }
0x25: {  	[simem:s6], [sflag:s4] =	dma.local [hbm:s3], $0xF7A  }
0x26: {  	[smem:$0x3F8D] =	sst s1;
	(tag) =	ssettag s2;
	_ =	strace s9  }
0x27: {  	s1 =	sld [smem:$0x3F9D]  }
0x28: {  	s2 =	sld [smem:$0x3F9E]  }
0x29: {  	s4 =	sld [smem:$0x3FA0]  }
0x2a: {  	p0 =	seq.s32 s5, $0x0;
	s5 =	sld [smem:$0x3FA1]  }
0x2b: {  	s6 =	sld [smem:$0x3FA2]  }
0x2c: {  	s7 =	sld [smem:$0x3FA3]  }
0x2d: {  	s3 =	simm.s32 $0x108;
	s8 =	sld [smem:$0x3FA4]  }
0x2e: {  	s3 =	simm.s32 @!p0 $0x1082;
	s9 =	sld [smem:$0x3FA5]  }
0x2f: {  	lr =	sadd.s32 s0, s3;
	s0 =	sld [smem:$0x3F9C]  }
0x30: {  	s3 =	sld [smem:$0x3F9F]  }
0x31: {  	[smem:$0x3FA8] =	sst s10  }
0x32: {  	s10 =	sld [smem:$0x3FA6];
	_ =	sdelay $0x3  }
0x33: {  	p0 =	seq.s32 s10, $0x1;
	s10 =	sld [smem:$0x3FA8];
	_ =	sdelay $0x3  }
0x34: {  	[smem:$0x3FA8] =	sst s10  }
0x35: {  	s10 =	sld [smem:$0x3FA7];
	_ =	sdelay $0x3  }
0x36: {  	p1 =	seq.s32 s10, $0x1;
	s10 =	sld [smem:$0x3FA8];
	_ =	sdelay $0x3  }
0x37: {  	[smem:$0x3FA8] =	sst s10  }
0x38: {  	s10 =	sld [smem:$0x3FA9]  }
0x39: {  	_ = 	snop;
	(pc) =	sbr.ind lr, $3  }
0x3a: {  	_ = 	snop  }
0x3b: {  	_ = 	snop  }
0x3c: {  	p2 =	seq.s32 s10, $0x1;
	s10 =	sld [smem:$0x3FA8]  }
0x3d: {  	_ =	shalt  }
0x3e: {  	_ =	shalt  }
0x3f: {  	_ =	shalt  }
0x40: {  	_ =	shalt  }
0x41: {  	_ =	shalt  }
0x42: {  	_ =	shalt  }
0x43: {  	_ =	shalt  }
0x44: {  	_ =	shalt  }
0x45: {  	_ =	shalt  }
0x46: {  	_ =	shalt  }
0x47: {  	_ =	shalt  }
0x48: {  	_ =	shalt  }
0x49: {  	_ =	shalt  }
0x4a: {  	_ =	shalt  }
0x4b: {  	_ =	shalt  }
0x4c: {  	_ =	shalt  }
0x4d: {  	_ =	shalt  }
0x4e: {  	_ =	shalt  }
0x4f: {  	_ =	shalt  }
0x50: {  	_ =	shalt  }
0x51: {  	_ =	shalt  }
0x52: {  	_ =	shalt  }
0x53: {  	_ =	shalt  }
0x54: {  	_ =	shalt  }
0x55: {  	_ =	shalt  }
0x56: {  	_ =	shalt  }
0x57: {  	_ =	shalt  }
0x58: {  	_ =	shalt  }
0x59: {  	_ =	shalt  }
0x5a: {  	_ =	shalt  }
0x5b: {  	_ =	shalt  }
0x5c: {  	_ =	shalt  }
0x5d: {  	_ =	shalt  }
0x5e: {  	_ =	shalt  }
0x5f: {  	_ =	shalt  }
0x60: {  	_ =	shalt  }
0x61: {  	_ =	shalt  }
0x62: {  	_ =	shalt  }
0x63: {  	_ =	shalt  }
0x64: {  	_ =	shalt  }
0x65: {  	_ =	shalt  }
0x66: {  	_ =	shalt  }
0x67: {  	_ =	shalt  }
0x68: {  	_ =	shalt  }
0x69: {  	_ =	shalt  }
0x6a: {  	_ =	shalt  }
0x6b: {  	_ =	shalt  }
0x6c: {  	_ =	shalt  }
0x6d: {  	_ =	shalt  }
0x6e: {  	_ =	shalt  }
0x6f: {  	_ =	shalt  }
0x70: {  	_ =	shalt  }
0x71: {  	_ =	shalt  }
0x72: {  	_ =	shalt  }
0x73: {  	_ =	shalt  }
0x74: {  	_ =	shalt  }
0x75: {  	_ =	shalt  }
0x76: {  	_ =	shalt  }
0x77: {  	_ =	shalt  }
0x78: {  	_ =	shalt  }
0x79: {  	_ =	shalt  }
0x7a: {  	_ =	shalt  }
0x7b: {  	_ =	shalt  }
0x7c: {  	_ =	shalt  }
0x7d: {  	_ =	shalt  }
0x7e: {  	_ =	shalt  }
0x7f: {  	_ =	shalt  }
0x80: {  	_ =	shalt  }
0x81: {  	_ =	shalt  }
0x82: {  	_ =	shalt  }
0x83: {  	_ =	shalt  }
0x84: {  	_ =	shalt  }
0x85: {  	_ =	shalt  }
0x86: {  	_ =	shalt  }
0x87: {  	_ =	shalt  }
.Lfunc_end0:
.L_simem_size_0:
called_computation.1_lowered:
.L_overlay_start_0:
0x88: {  	s2 =	sld [smem:$0x3FD9]  }
0x89: {  	s3 =	sld [smem:$0x3FFE];
	_ =	sdelay $0x1  }
0x8a: {  	s1 =	srdreg.scid  }
0x8b: {  	s0 =	sand.u32 $0x1, s1  }
0x8c: {  	s17 =	sshll.u32 s0, $0xA;
	s2 =	sadd.s32 s3, s2  }
0x8d: {  	s2 =	sadd.s32 s2, s17  }
0x8e: {  	[smem:$0x3FB4] =	sst s2  }
0x8f: {  	_ = 	snop  }
0x90: {  	(tm) =	ssettm $0x1  }
0x91: {  	s18 =	sld [smem:$0x3FFB];
	_ =	sdelay $0x3  }
0x92: {  	_ =	strace s18  }
0x93: {  	s2 =	sld [smem:$0x3FFC];
	_ =	sdelay $0x3  }
0x94: {  	_ =	strace s2  }
0x95: {  	s2 =	sld [smem:$0x3FFD];
	_ =	sdelay $0x3  }
0x96: {  	_ =	strace s2  }
0x97: {  	_ =	strace $0x8FFFFFFF  }
0x98: {  	s19 =	sld [smem:$0x3FDB];
	_ =	sdelay $0x1  }
0x99: {  	s20 =	simm.s32 $_scs_section_size  }
0x9a: {  	s4 =	simm.s32 $_size__tile_overlayer_lowered;
	s5 =	simm.s32 $_tile_overlayer_lowered  }
0x9b: {  	s6 =	simm.s32 $0x1BFF;
	s21 =	sshll.u32 s5, $0x1;
	s3 =	sadd.s32 s20, s19  }
0x9c: {  	s22 =	simm.s32 $0x0;
	s4 =	sshll.u32 s4, $0x1;
	s5 =	sadd.s32 s21, s3  }
0x9d: {  	[timem:s22], [sflag:s6] =	dma.local [hbm:s5], s4  }
0x9e: {  	_ =	swait.ge [sflag:s6], s4  }
0x9f: {  	s4 =	ssub.s32 $0x0, s4;
	[sflag:s6] =	ssyncset.done $0x0  }
0xa0: {  	[sflag:s6] =	ssyncadd.s32 s4;
	_ =	sdelay $0x1  }
0xa1: {  	s23 =	simm.s32 $0x1B8B  }
0xa2: {  	_ =	swait.ge [sflag:s23], $0x1  }
0xa3: {  	[sflag:s23] =	ssyncset.done $0x0  }
0xa4: {  	[sflag:s23] =	ssyncadd.s32 $0xFFFFFFFF  }
0xa5: {  	s4 =	sld [smem:$0x0]  }
0xa6: {  	s5 =	sand.u32 $0xFFFFFFFE, s1  }
0xa7: {  	p0 =	sne.s32 s1, s5  }
0xa8: {  	s5 =	sshll.u32 @p0 s5, $0xE  }
0xa9: {  	s5 =	sadd.s32 @p0 $0x11B8D, s5;
	s6 =	sshll.u32 @p0 s4, $0x11  }
0xaa: {  	s5 =	sor.u32 @p0 s6, s5  }
0xab: {  	[sflag:s5] =	ssyncadd.remote.s32 @p0 $0x1;
	_ =	sdelay $0x1  }
0xac: {  	s5 =	simm.s32 @p0 $0x1B8D  }
0xad: {  	_ =	swait.eq @p0 [sflag:s5], $0x1  }
0xae: {  	[sflag:s5] =	ssyncadd.s32 @p0 $0xFFFFFFFF  }
0xaf: {  	s6 =	sshll.u32 @!p0 s1, $0xE  }
0xb0: {  	s6 =	sor.u32 @!p0 $0x4000, s6;
	s5 =	simm.s32 @!p0 $0x1B8D  }
0xb1: {  	s4 =	sshll.u32 @!p0 s4, $0x11;
	s6 =	sadd.s32 @!p0 $0x11B8D, s6;
	_ =	swait.eq @!p0 [sflag:s5], $0x1  }
0xb2: {  	s4 =	sor.u32 @!p0 s4, s6;
	[sflag:s5] =	ssyncadd.s32 @!p0 $0xFFFFFFFF  }
0xb3: {  	s25 =	simm.s32 $0x1B8E;
	s24 =	sld [smem:$0x3FFE];
	[sflag:s4] =	ssyncadd.remote.s32 @!p0 $0x1  }
0xb4: {  	s26 =	simm.s32 $execute0_lowered;
	[smem:$0x3FD2] =	sst s25  }
0xb5: {  	s5 =	sshll.u32 s26, $0x1;
	_ =	strace $0x8000004F;
	[dreg:$0x1] =	wrdreg $0xFFFFFFFF  }
0xb6: {  	s28 =	simm.s32 $_size_execute0_lowered;
	s3 =	sadd.s32 s3, s5;
	[dreg:$0x0] =	wrdreg $0x0  }
0xb7: {  	s5 =	sshll.u32 s28, $0x1;
	[dreg:$0x2] =	wrdreg s3  }
0xb8: {  	[dreg:$0x3] =	wrdreg s5  }
0xb9: {  	[dreg:$0x4] =	wrdreg $0xC0  }
0xba: {  	_ =	task [dreg:s22], $0x5FFFF  }
0xbb: {  	[dreg:$0x1] =	wrdreg $0xFFFFFFFF  }
0xbc: {  	[dreg:$0x0] =	wrdreg $0x60  }
0xbd: {  	[dreg:$0x2] =	wrdreg s24  }
0xbe: {  	[dreg:$0x3] =	wrdreg $0x90000  }
0xbf: {  	[dreg:$0x4] =	wrdreg $0x9  }
0xc0: {  	_ =	task.clear_ibuf [dreg:s22], $0x5FFFF;
	_ =	strace $0x9000004F  }
0xc1: {  	s29 =	simm.s32 $0x9;
	_ =	strace $0x80000051  }
0xc2: {  	_ =	swait.ge [sflag:s29], $0x1  }
0xc3: {  	[sflag:s29] =	ssyncadd.s32 $0xFFFFFFFF  }
0xc4: {  	_ =	strace $0x90000051  }
0xc5: {  	_ =	sfence  }
0xc6: {  	s30 =	sld [smem:$0x0];
	_ =	sdelay $0x2  }
0xc7: {  	s31 =	sshll.u32 s1, $0xD;
	s1 =	sshrl.u32 s1, $0x2  }
0xc8: {  	s4 =	sand.u32 $0x4000, s31;
	s1 =	sadd.s32 s1, s30  }
0xc9: {  	s0 =	sor.u32 s4, s0;
	s1 =	sshll.u32 s1, $0x11  }
0xca: {  	s0 =	sor.u32 s1, s0  }
0xcb: {  	s0 =	sadd.s32 $0x8F2B, s0  }
0xcc: {  	[sflag:s0] =	ssyncadd.remote.s32 $0x1  }
0xcd: {  	_ =	sfence.sel $0xFFFF  }
0xce: {  	[dreg:$0x0] =	wrdreg $0xFFFFFFFF;
	(pc) =	sbr.abs _section_cstart, $3  }
0xcf: {  	[dreg:$0x1] =	wrdreg $0xFFFFFFFF  }
0xd0: {  	_ =	task.clear_ibuf [dreg:s22], $0x2FFFF;
	_ =	strace $0x9FFFFFFF  }
0xd1: {  	(tm) =	ssettm $0x7FFFFFFF  }
tec
execute0_lowered:
.L_overlay_start_1:
0x0: {  	(tag) =	ssettag $0x1  }
0x1: {  	s6 =	rddreg [dreg:$0x0]  }
0x2: {  	s0 =	srdreg.scid;
	s2 =	rddreg [dreg:$0x1]  }
0x3: {  	s3 =	simm.s32 $0x0;
	s5 =	sand.u32 $0x1, s0;
	s0 =	stileid.u32  }
0x4: {  	s13 =	simm.s32 $0x80;
	s14 =	simm.s32 $0x5000;
	s16 =	smul.u32 $0x2780, s0  }
0x5: {  	s15 =	simm.s32 $0x1;
	[smem:$0x7FF] =	sst s3;
	s8 =	smul.u32 $0x27800, s5  }
0x6: {  	s1 =	sshll.u32 s5, $0x4;
	s5 =	ssub.s32 $0x2, s5;
	s9 =	smul.u32 $0x4F000, s0  }
0x7: {  	s31 =	sshll.u32 s0, $0x6;
	s4 =	sor.u32 s0, s1;
	s1 =	rddreg [dreg:$0x2]  }
0x8: {  	_ =	strace $0x80000050;
	s30 =	sshrl.u32 s5, $0x1;
	s7 =	smul.u32 $0x500, s4  }
0x9: {  	s4 =	sadd.s32 $0x6C000, s6;
	s10 =	sadd.s32 s16, s6;
	s9 =	sshrl.u32 s9, $0x2  }
0xa: {  	s8 =	sadd.s32 s8, s6;
	s11 =	ssub.s32 s5, s30;
	s12 =	sadd.s32 s9, s2  }
0xb: {  	s17 =	sadd.s32 $0x1A9800, s8;
	s8 =	smax.u32 s11, $0x1;
	s9 =	simm.s32 $0x2  }
0xc: {  	s11 =	sor.u32 $0x1C02, s31;
	s7 =	sadd.s32 s7, s6;
	s12 =	sshrl.u32 s12, $0x3  }
0xd: {  	s16 =	sadd.s32 s16, s17;
	s17 =	simm.s32 $0x0;
	s5 =	sadd.s32 $0x9000, s7  }
0xe: {  	s6 =	sadd.s32 $0x13000, s7;
	s7 =	sadd.s32 $0x44800, s10;
	s10 =	simm.s32 $0x2800  }
.LBB2_1:
0xf: {  	[tilespmem:s3], [sflag:$0x2] =	stream.linear.gather [hbm4b:s5+s3], $0x2800, $0x38;
	[tilespmem:$0x1CC00] =	vst v63  }
0x10: {  	_ =	swait.ge [sflag:s9], $0x2800  }
0x11: {  	[sflag:s9] =	ssyncset.done $0x0  }
0x12: {  	[sflag:s9] =	ssyncadd.s32 $0xFFFFD800  }
0x13: {  	[tilespmem:s10], [sflag:$0x2] =	stream.linear.gather [hbm4b:s6+s3], $0x2800, $0x38;
	[tilespmem:$0x1CC00] =	vst v63  }
0x14: {  	_ =	swait.ge [sflag:s9], $0x2800  }
0x15: {  	[sflag:s9] =	ssyncset.done $0x0  }
0x16: {  	[sflag:s9] =	ssyncadd.s32 $0xFFFFD800  }
0x17: {  	[spmem:s12], [sflag:s11] =	dma.local [hbm:s7], $0x2780  }
0x18: {  	_ =	swait.ge [sflag:s9], $0x2780  }
0x19: {  	[sflag:s9] =	ssyncset.done $0x0  }
0x1a: {  	[sflag:s9] =	ssyncadd.s32 $0xFFFFD880  }
0x1b: {  	s18 =	simm.s32 $0x0;
	[bflag:$0x0] =	sbarrier.arrive $0xFFFF  }
0x1c: {  	[tilespmem:s14], [sflag:$0x1] =	stream.indirect.gather [hbm4b:s4+s13], $0x80, s18, s13, $0xb8;
	[tilespmem:$0x1CC00] =	vst v63  }
0x1d: {  	_ =	swait.ge [sflag:s15], $0x4000  }
0x1e: {  	[sflag:s15] =	ssyncset.done $0x0  }
0x1f: {  	s31 =	simm.s32 $0x2800;
	[sflag:s15] =	ssyncadd.s32 $0xFFFFC000  }
0x20: {  	[spmem:s2] =	stream.indirect.scatter.add.f32 [tilespmem:s14], [sflag:$0x2], $0x80, s31, s13, $0xb8;
	[tilespmem:$0x1CC00] =	vst v63  }
0x21: {  	_ =	swait.ge [sflag:s9], $0x4000  }
0x22: {  	s19 =	simm.s32 $0x400;
	s18 =	simm.s32 $0x200;
	[sflag:s9] =	ssyncset.done $0x0  }
.LBB2_2:
0x23: {  	s20 =	sshra.s32 s18, $0x2  }
0x24: {  	[sflag:s9] =	ssyncadd.s32 $0xFFFFC000;
	s18 =	smov.u32 s19;
	s21 =	sadd.s32 $0x200, s19  }
0x25: {  	[tilespmem:s14], [sflag:$0x1] =	stream.indirect.gather [hbm4b:s4+s13], $0x80, s20, s13, $0xb8;
	[tilespmem:$0x1CC00] =	vst v63  }
0x26: {  	p0 =	sne.s32 s19, $0x9E00;
	_ =	swait.ge [sflag:s15], $0x4000  }
.Ltmp0:
0x27: {  	[sflag:s15] =	ssyncset.done $0x0;
	(pc) =	sbr.rel @p0 .LBB2_2-.Ltmp0, $4  }
0x28: {  	s19 =	sadd.s32 $0x2800, s20;
	[sflag:s15] =	ssyncadd.s32 $0xFFFFC000  }
0x29: {  	[spmem:s2] =	stream.indirect.scatter.add.f32 [tilespmem:s14], [sflag:$0x2], $0x80, s19, s13, $0xb8;
	[tilespmem:$0x1CC00] =	vst v63  }
0x2a: {  	_ =	swait.ge [sflag:s9], $0x4000  }
0x2b: {  	s19 =	smov.u32 s21;
	[sflag:s9] =	ssyncset.done $0x0  }
0x2c: {  	s18 =	sshra.s32 s18, $0x2;
	[sflag:s9] =	ssyncadd.s32 $0xFFFFC000  }
0x2d: {  	[tilespmem:s14], [sflag:$0x1] =	stream.indirect.gather [hbm4b:s4+s13], $0x80, s18, s13, $0xb8;
	[tilespmem:$0x1CC00] =	vst v63  }
0x2e: {  	_ =	swait.ge [sflag:s15], $0x4000  }
0x2f: {  	[sflag:s15] =	ssyncset.done $0x0  }
0x30: {  	s18 =	sadd.s32 $0x2800, s18;
	[sflag:s15] =	ssyncadd.s32 $0xFFFFC000  }
0x31: {  	[spmem:s2] =	stream.indirect.scatter.add.f32 [tilespmem:s14], [sflag:$0x2], $0x80, s18, s13, $0xb8;
	[tilespmem:$0x1CC00] =	vst v63  }
0x32: {  	_ =	swait.ge [sflag:s9], $0x4000  }
0x33: {  	s17 =	sadd.s32 $0x1, s17;
	[sflag:s9] =	ssyncset.done $0x0  }
0x34: {  	p0 =	sne.s32 s17, s8;
	[sflag:s9] =	ssyncadd.s32 $0xFFFFC000  }
.Ltmp1:
0x35: {  	[bflag:$0x0] =	sbarrier.arrive $0xFFFF;
	(pc) =	sbr.rel @p0 .LBB2_1-.Ltmp1, $4  }
0x36: {  	[hbm:s16], [sflag:s11] =	dma.local [spmem:s12], $0x2780  }
0x37: {  	_ =	swait.ge [sflag:s9], $0x2780  }
0x38: {  	[sflag:s9] =	ssyncset.done $0x0  }
0x39: {  	[sflag:s9] =	ssyncadd.s32 $0xFFFFD880  }
0x3a: {  	_ =	sfence.sel $0x180000  }
0x3b: {  	[bflag:$0x0] =	sbarrier.arrive $0xFFFF  }
0x3c: {  	p0 =	sne.s32 s0, $0x0;
	_ =	strace $0x90000050  }
0x3d: {  	s0 =	sadd.s32 @!p0 $0x100000, s1;
	[bflag:$0x2] =	sbarrier.arrive $0xFFFF  }
0x3e: {  	[sflag:s0] =	ssyncadd.tile.s32 @!p0 $0x1;
	_ =	shalt  }
.Lfunc_end2:
_tile_overlayer_lowered:
.L_overlay_start_2:
0x3f: {  	(tag) =	ssettag $0x2  }
0x40: {  	s0 =	rddreg [dreg:$0x0];
	s2 =	stileid.u32  }
0x41: {  	s1 =	rddreg [dreg:$0x1];
	p0 =	sne.s32 s2, $0x0  }
0x42: {  	s3 =	rddreg [dreg:$0x2];
	[bflag:$0x3] =	sbarrier.arrive $0xFFFF;
	s2 =	simm.s32 @!p0 $0x1C02  }
0x43: {  	[timem:s3], [sflag:s2] =	dma.local @!p0 [hbm:s0], s1  }
0x44: {  	s0 =	simm.s32 @!p0 $0x2  }
0x45: {  	_ =	swait.ge @!p0 [sflag:s0], s1  }
0x46: {  	s1 =	ssub.s32 @!p0 $0x0, s1;
	[sflag:s0] =	ssyncset.done @!p0 $0x0  }
0x47: {  	[sflag:s0] =	ssyncadd.s32 @!p0 s1  }
0x48: {  	[bflag:$0x3] =	sbarrier.arrive $0xFFFF  }
0x49: {  	_ =	shalt  }

// kernel: kernel.23.cloned.1.call-start
scs
__scs_entry_jumppad:
0x0: {  	(pc) =	sbr.rel $0x88, $3  }
0x1: {  	(tag) =	ssettag $0x0;
	lr =	simm.s32 $0x1  }
0x2: {  	[smem:$0x3F8D] =	sst lr;
	_ =	strace $0xD0000000  }
0x3: {  	_ = 	snop  }
0x4: {  	_ = 	snop  }
0x5: {  	_ = 	snop  }
0x6: {  	_ = 	snop  }
0x7: {  	_ = 	snop  }
__scs_overlays_trampoline_lowered:
0x8: {  	[smem:$0x3F9C] =	sst s0  }
0x9: {  	[smem:$0x3F9D] =	sst s1  }
0xa: {  	[smem:$0x3F9E] =	sst s2  }
0xb: {  	[smem:$0x3F9F] =	sst s3  }
0xc: {  	[smem:$0x3FA0] =	sst s4  }
0xd: {  	[smem:$0x3FA1] =	sst s5  }
0xe: {  	[smem:$0x3FA2] =	sst s6  }
0xf: {  	[smem:$0x3FA3] =	sst s7  }
0x10: {  	[smem:$0x3FA4] =	sst s8  }
0x11: {  	[smem:$0x3FA5] =	sst s9;
	s0 =	simm.s32 @!p0 $0x0  }
0x12: {  	s1 =	sld [smem:$0x3F8B];
	s0 =	simm.s32 @p0 $0x1  }
0x13: {  	[smem:$0x3FA6] =	sst s0;
	s0 =	simm.s32 @!p1 $0x0  }
0x14: {  	s2 =	sld [smem:$0x3F8A];
	s0 =	simm.s32 @p1 $0x1  }
0x15: {  	[smem:$0x3FA7] =	sst s0;
	s0 =	simm.s32 @!p2 $0x0  }
0x16: {  	s3 =	sld [smem:$0x3FDB];
	s0 =	simm.s32 @p2 $0x1  }
0x17: {  	s4 =	simm.s32 $0x1BF5;
	[smem:$0x3FA9] =	sst s0  }
0x18: {  	s0 =	sld [smem:$0x3F8C];
	_ =	swait.ge [sflag:s4], $0x0  }
0x19: {  	s7 =	sld [smem:$0x3F8D]  }
0x1a: {  	s8 =	sadd.s32 $0xFFFFE003, lr  }
0x1b: {  	s9 =	sadd.s32 $0xFFFFFEF7, lr;
	s5 =	simm.s32 $0xFFFFFFFF;
	p2 =	slt.u32 s8, $0xFFFFF086  }
0x1c: {  	p1 =	slt.u32 s9, $0xF7A;
	s5 =	simm.s32 @!p2 $0x0  }
0x1d: {  	s5 =	simm.s32 @p1 $0x1;
	p0 =	seq.s32 s7, s2  }
0x1e: {  	s7 =	smul.u32 @!p0 $0xF7A, s2;
	p2 =	seq.s32 @!p0 s5, $0x0  }
0x1f: {  	s9 =	smul.u32 $0xF7A, s1;
	s8 =	simm.s32 @!p0 $0x1BF5;
	p2 =	por !p2, p0  }
0x20: {  	[sflag:s8] =	ssyncset.s32 @!p0 $0xFFFFF086;
	s6 =	sadd.s32 @!p0 s3, s7;
	s7 =	simm.s32 @!p0 $0x108  }
0x21: {  	s3 =	sadd.s32 s3, s9;
	s6 =	sadd.s32 @!p0 $0x88, s6;
	s7 =	simm.s32 @p2 $0x1082  }
0x22: {  	[simem:s7], [sflag:s8] =	dma.local @!p0 [hbm:s6], $0xF7A  }
0x23: {  	s9 =	sor.u32 $0xD0000000, s2;
	s6 =	simm.s32 $0x108;
	_ =	swait.ge @!p0 [sflag:s8], $0x0  }
0x24: {  	s3 =	sadd.s32 $0x88, s3;
	s6 =	simm.s32 @!p1 $0x1082;
	[sflag:s4] =	ssyncset.s32 $0xFFFFF086  }
0x25: {  	[simem:s6], [sflag:s4] =	dma.local [hbm:s3], $0xF7A  }
0x26: {  	[smem:$0x3F8D] =	sst s1;
	(tag) =	ssettag s2;
	_ =	strace s9  }
0x27: {  	s1 =	sld [smem:$0x3F9D]  }
0x28: {  	s2 =	sld [smem:$0x3F9E]  }
0x29: {  	s4 =	sld [smem:$0x3FA0]  }
0x2a: {  	p0 =	seq.s32 s5, $0x0;
	s5 =	sld [smem:$0x3FA1]  }
0x2b: {  	s6 =	sld [smem:$0x3FA2]  }
0x2c: {  	s7 =	sld [smem:$0x3FA3]  }
0x2d: {  	s3 =	simm.s32 $0x108;
	s8 =	sld [smem:$0x3FA4]  }
0x2e: {  	s3 =	simm.s32 @!p0 $0x1082;
	s9 =	sld [smem:$0x3FA5]  }
0x2f: {  	lr =	sadd.s32 s0, s3;
	s0 =	sld [smem:$0x3F9C]  }
0x30: {  	s3 =	sld [smem:$0x3F9F]  }
0x31: {  	[smem:$0x3FA8] =	sst s10  }
0x32: {  	s10 =	sld [smem:$0x3FA6];
	_ =	sdelay $0x3  }
0x33: {  	p0 =	seq.s32 s10, $0x1;
	s10 =	sld [smem:$0x3FA8];
	_ =	sdelay $0x3  }
0x34: {  	[smem:$0x3FA8] =	sst s10  }
0x35: {  	s10 =	sld [smem:$0x3FA7];
	_ =	sdelay $0x3  }
0x36: {  	p1 =	seq.s32 s10, $0x1;
	s10 =	sld [smem:$0x3FA8];
	_ =	sdelay $0x3  }
0x37: {  	[smem:$0x3FA8] =	sst s10  }
0x38: {  	s10 =	sld [smem:$0x3FA9]  }
0x39: {  	_ = 	snop;
	(pc) =	sbr.ind lr, $3  }
0x3a: {  	_ = 	snop  }
0x3b: {  	_ = 	snop  }
0x3c: {  	p2 =	seq.s32 s10, $0x1;
	s10 =	sld [smem:$0x3FA8]  }
0x3d: {  	_ =	shalt  }
0x3e: {  	_ =	shalt  }
0x3f: {  	_ =	shalt  }
0x40: {  	_ =	shalt  }
0x41: {  	_ =	shalt  }
0x42: {  	_ =	shalt  }
0x43: {  	_ =	shalt  }
0x44: {  	_ =	shalt  }
0x45: {  	_ =	shalt  }
0x46: {  	_ =	shalt  }
0x47: {  	_ =	shalt  }
0x48: {  	_ =	shalt  }
0x49: {  	_ =	shalt  }
0x4a: {  	_ =	shalt  }
0x4b: {  	_ =	shalt  }
0x4c: {  	_ =	shalt  }
0x4d: {  	_ =	shalt  }
0x4e: {  	_ =	shalt  }
0x4f: {  	_ =	shalt  }
0x50: {  	_ =	shalt  }
0x51: {  	_ =	shalt  }
0x52: {  	_ =	shalt  }
0x53: {  	_ =	shalt  }
0x54: {  	_ =	shalt  }
0x55: {  	_ =	shalt  }
0x56: {  	_ =	shalt  }
0x57: {  	_ =	shalt  }
0x58: {  	_ =	shalt  }
0x59: {  	_ =	shalt  }
0x5a: {  	_ =	shalt  }
0x5b: {  	_ =	shalt  }
0x5c: {  	_ =	shalt  }
0x5d: {  	_ =	shalt  }
0x5e: {  	_ =	shalt  }
0x5f: {  	_ =	shalt  }
0x60: {  	_ =	shalt  }
0x61: {  	_ =	shalt  }
0x62: {  	_ =	shalt  }
0x63: {  	_ =	shalt  }
0x64: {  	_ =	shalt  }
0x65: {  	_ =	shalt  }
0x66: {  	_ =	shalt  }
0x67: {  	_ =	shalt  }
0x68: {  	_ =	shalt  }
0x69: {  	_ =	shalt  }
0x6a: {  	_ =	shalt  }
0x6b: {  	_ =	shalt  }
0x6c: {  	_ =	shalt  }
0x6d: {  	_ =	shalt  }
0x6e: {  	_ =	shalt  }
0x6f: {  	_ =	shalt  }
0x70: {  	_ =	shalt  }
0x71: {  	_ =	shalt  }
0x72: {  	_ =	shalt  }
0x73: {  	_ =	shalt  }
0x74: {  	_ =	shalt  }
0x75: {  	_ =	shalt  }
0x76: {  	_ =	shalt  }
0x77: {  	_ =	shalt  }
0x78: {  	_ =	shalt  }
0x79: {  	_ =	shalt  }
0x7a: {  	_ =	shalt  }
0x7b: {  	_ =	shalt  }
0x7c: {  	_ =	shalt  }
0x7d: {  	_ =	shalt  }
0x7e: {  	_ =	shalt  }
0x7f: {  	_ =	shalt  }
0x80: {  	_ =	shalt  }
0x81: {  	_ =	shalt  }
0x82: {  	_ =	shalt  }
0x83: {  	_ =	shalt  }
0x84: {  	_ =	shalt  }
0x85: {  	_ =	shalt  }
0x86: {  	_ =	shalt  }
0x87: {  	_ =	shalt  }
.Lfunc_end0:
.L_simem_size_0:
called_computation.2_lowered:
.L_overlay_start_0:
0x88: {  	s2 =	sld [smem:$0x3FD9]  }
0x89: {  	s3 =	sld [smem:$0x3FFE];
	_ =	sdelay $0x1  }
0x8a: {  	s1 =	srdreg.scid  }
0x8b: {  	s0 =	sand.u32 $0x1, s1  }
0x8c: {  	s17 =	sshll.u32 s0, $0xA;
	s2 =	sadd.s32 s3, s2  }
0x8d: {  	s2 =	sadd.s32 s2, s17  }
0x8e: {  	[smem:$0x3FB4] =	sst s2  }
0x8f: {  	_ = 	snop  }
0x90: {  	(tm) =	ssettm $0x1  }
0x91: {  	s18 =	sld [smem:$0x3FFB];
	_ =	sdelay $0x3  }
0x92: {  	_ =	strace s18  }
0x93: {  	s2 =	sld [smem:$0x3FFC];
	_ =	sdelay $0x3  }
0x94: {  	_ =	strace s2  }
0x95: {  	s2 =	sld [smem:$0x3FFD];
	_ =	sdelay $0x3  }
0x96: {  	_ =	strace s2  }
0x97: {  	_ =	strace $0x8FFFFFFF  }
0x98: {  	s19 =	sld [smem:$0x3FDB];
	_ =	sdelay $0x1  }
0x99: {  	s20 =	simm.s32 $_scs_section_size  }
0x9a: {  	s4 =	simm.s32 $_size__tile_overlayer_lowered;
	s5 =	simm.s32 $_tile_overlayer_lowered  }
0x9b: {  	s6 =	simm.s32 $0x1BFF;
	s21 =	sshll.u32 s5, $0x1;
	s3 =	sadd.s32 s20, s19  }
0x9c: {  	s22 =	simm.s32 $0x0;
	s4 =	sshll.u32 s4, $0x1;
	s5 =	sadd.s32 s21, s3  }
0x9d: {  	[timem:s22], [sflag:s6] =	dma.local [hbm:s5], s4  }
0x9e: {  	_ =	swait.ge [sflag:s6], s4  }
0x9f: {  	s4 =	ssub.s32 $0x0, s4;
	[sflag:s6] =	ssyncset.done $0x0  }
0xa0: {  	[sflag:s6] =	ssyncadd.s32 s4;
	_ =	sdelay $0x1  }
0xa1: {  	s23 =	simm.s32 $0x1B8B  }
0xa2: {  	_ =	swait.ge [sflag:s23], $0x1  }
0xa3: {  	[sflag:s23] =	ssyncset.done $0x0  }
0xa4: {  	[sflag:s23] =	ssyncadd.s32 $0xFFFFFFFF  }
0xa5: {  	s4 =	sld [smem:$0x0]  }
0xa6: {  	s5 =	sand.u32 $0xFFFFFFFE, s1  }
0xa7: {  	p0 =	sne.s32 s1, s5  }
0xa8: {  	s5 =	sshll.u32 @p0 s5, $0xE  }
0xa9: {  	s5 =	sadd.s32 @p0 $0x11B8D, s5;
	s6 =	sshll.u32 @p0 s4, $0x11  }
0xaa: {  	s5 =	sor.u32 @p0 s6, s5  }
0xab: {  	[sflag:s5] =	ssyncadd.remote.s32 @p0 $0x1;
	_ =	sdelay $0x1  }
0xac: {  	s5 =	simm.s32 @p0 $0x1B8D  }
0xad: {  	_ =	swait.eq @p0 [sflag:s5], $0x1  }
0xae: {  	[sflag:s5] =	ssyncadd.s32 @p0 $0xFFFFFFFF  }
0xaf: {  	s6 =	sshll.u32 @!p0 s1, $0xE  }
0xb0: {  	s6 =	sor.u32 @!p0 $0x4000, s6;
	s5 =	simm.s32 @!p0 $0x1B8D  }
0xb1: {  	s4 =	sshll.u32 @!p0 s4, $0x11;
	s6 =	sadd.s32 @!p0 $0x11B8D, s6;
	_ =	swait.eq @!p0 [sflag:s5], $0x1  }
0xb2: {  	s4 =	sor.u32 @!p0 s4, s6;
	[sflag:s5] =	ssyncadd.s32 @!p0 $0xFFFFFFFF  }
0xb3: {  	s25 =	simm.s32 $0x1B8E;
	s24 =	sld [smem:$0x3FFE];
	[sflag:s4] =	ssyncadd.remote.s32 @!p0 $0x1  }
0xb4: {  	s26 =	simm.s32 $execute0_lowered;
	[smem:$0x3FD2] =	sst s25  }
0xb5: {  	s5 =	sshll.u32 s26, $0x1;
	_ =	strace $0x8000004C;
	[dreg:$0x1] =	wrdreg $0xFFFFFFFF  }
0xb6: {  	s28 =	simm.s32 $_size_execute0_lowered;
	s3 =	sadd.s32 s3, s5;
	[dreg:$0x0] =	wrdreg $0x0  }
0xb7: {  	s5 =	sshll.u32 s28, $0x1;
	[dreg:$0x2] =	wrdreg s3  }
0xb8: {  	[dreg:$0x3] =	wrdreg s5  }
0xb9: {  	[dreg:$0x4] =	wrdreg $0xC0  }
0xba: {  	_ =	task [dreg:s22], $0x5FFFF  }
0xbb: {  	[dreg:$0x1] =	wrdreg $0xFFFFFFFF  }
0xbc: {  	[dreg:$0x0] =	wrdreg $0x60  }
0xbd: {  	[dreg:$0x2] =	wrdreg s24  }
0xbe: {  	[dreg:$0x3] =	wrdreg $0x90000  }
0xbf: {  	[dreg:$0x4] =	wrdreg $0xA  }
0xc0: {  	_ =	task.clear_ibuf [dreg:s22], $0x5FFFF;
	_ =	strace $0x9000004C  }
0xc1: {  	s29 =	simm.s32 $0xA;
	_ =	strace $0x8000004E  }
0xc2: {  	_ =	swait.ge [sflag:s29], $0x1  }
0xc3: {  	[sflag:s29] =	ssyncadd.s32 $0xFFFFFFFF  }
0xc4: {  	_ =	strace $0x9000004E  }
0xc5: {  	_ =	sfence  }
0xc6: {  	s30 =	sld [smem:$0x0];
	_ =	sdelay $0x2  }
0xc7: {  	s31 =	sshll.u32 s1, $0xD;
	s1 =	sshrl.u32 s1, $0x2  }
0xc8: {  	s4 =	sand.u32 $0x4000, s31;
	s1 =	sadd.s32 s1, s30  }
0xc9: {  	s0 =	sor.u32 s4, s0;
	s1 =	sshll.u32 s1, $0x11  }
0xca: {  	s0 =	sor.u32 s1, s0  }
0xcb: {  	s0 =	sadd.s32 $0x8F2B, s0  }
0xcc: {  	[sflag:s0] =	ssyncadd.remote.s32 $0x1  }
0xcd: {  	_ =	sfence.sel $0xFFFF  }
0xce: {  	[dreg:$0x0] =	wrdreg $0xFFFFFFFF;
	(pc) =	sbr.abs _section_cstart, $3  }
0xcf: {  	[dreg:$0x1] =	wrdreg $0xFFFFFFFF  }
0xd0: {  	_ =	task.clear_ibuf [dreg:s22], $0x2FFFF;
	_ =	strace $0x9FFFFFFF  }
0xd1: {  	(tm) =	ssettm $0x7FFFFFFF  }
tec
execute0_lowered:
.L_overlay_start_1:
0x0: {  	(tag) =	ssettag $0x1  }
0x1: {  	s6 =	rddreg [dreg:$0x0]  }
0x2: {  	s0 =	srdreg.scid;
	s2 =	rddreg [dreg:$0x1]  }
0x3: {  	s3 =	simm.s32 $0x0;
	s5 =	sand.u32 $0x1, s0;
	s0 =	stileid.u32  }
0x4: {  	s13 =	simm.s32 $0x80;
	s14 =	simm.s32 $0x5000;
	s16 =	smul.u32 $0x2780, s0  }
0x5: {  	s15 =	simm.s32 $0x1;
	[smem:$0x7FF] =	sst s3;
	s8 =	smul.u32 $0x27800, s5  }
0x6: {  	s1 =	sshll.u32 s5, $0x4;
	s5 =	ssub.s32 $0x2, s5;
	s9 =	smul.u32 $0x4F000, s0  }
0x7: {  	s31 =	sshll.u32 s0, $0x6;
	s4 =	sor.u32 s0, s1;
	s1 =	rddreg [dreg:$0x2]  }
0x8: {  	_ =	strace $0x8000004D;
	s30 =	sshrl.u32 s5, $0x1;
	s7 =	smul.u32 $0x500, s4  }
0x9: {  	s4 =	sadd.s32 $0x93800, s6;
	s10 =	sadd.s32 s16, s6;
	s9 =	sshrl.u32 s9, $0x2  }
0xa: {  	s8 =	sadd.s32 s8, s6;
	s11 =	ssub.s32 s5, s30;
	s12 =	sadd.s32 s9, s2  }
0xb: {  	s17 =	sadd.s32 $0x15A800, s8;
	s8 =	smax.u32 s11, $0x1;
	s9 =	simm.s32 $0x2  }
0xc: {  	s11 =	sor.u32 $0x1C02, s31;
	s7 =	sadd.s32 s7, s6;
	s12 =	sshrl.u32 s12, $0x3  }
0xd: {  	s16 =	sadd.s32 s16, s17;
	s17 =	simm.s32 $0x0;
	s5 =	sadd.s32 $0x9000, s7  }
0xe: {  	s6 =	sadd.s32 $0x13000, s7;
	s7 =	sadd.s32 $0x44800, s10;
	s10 =	simm.s32 $0x2800  }
.LBB2_1:
0xf: {  	[tilespmem:s3], [sflag:$0x2] =	stream.linear.gather [hbm4b:s5+s3], $0x2800, $0x38;
	[tilespmem:$0x1CC00] =	vst v63  }
0x10: {  	_ =	swait.ge [sflag:s9], $0x2800  }
0x11: {  	[sflag:s9] =	ssyncset.done $0x0  }
0x12: {  	[sflag:s9] =	ssyncadd.s32 $0xFFFFD800  }
0x13: {  	[tilespmem:s10], [sflag:$0x2] =	stream.linear.gather [hbm4b:s6+s3], $0x2800, $0x38;
	[tilespmem:$0x1CC00] =	vst v63  }
0x14: {  	_ =	swait.ge [sflag:s9], $0x2800  }
0x15: {  	[sflag:s9] =	ssyncset.done $0x0  }
0x16: {  	[sflag:s9] =	ssyncadd.s32 $0xFFFFD800  }
0x17: {  	[spmem:s12], [sflag:s11] =	dma.local [hbm:s7], $0x2780  }
0x18: {  	_ =	swait.ge [sflag:s9], $0x2780  }
0x19: {  	[sflag:s9] =	ssyncset.done $0x0  }
0x1a: {  	[sflag:s9] =	ssyncadd.s32 $0xFFFFD880  }
0x1b: {  	s18 =	simm.s32 $0x0;
	[bflag:$0x0] =	sbarrier.arrive $0xFFFF  }
0x1c: {  	[tilespmem:s14], [sflag:$0x1] =	stream.indirect.gather [hbm4b:s4+s13], $0x80, s18, s13, $0xb8;
	[tilespmem:$0x1CC00] =	vst v63  }
0x1d: {  	_ =	swait.ge [sflag:s15], $0x4000  }
0x1e: {  	[sflag:s15] =	ssyncset.done $0x0  }
0x1f: {  	s31 =	simm.s32 $0x2800;
	[sflag:s15] =	ssyncadd.s32 $0xFFFFC000  }
0x20: {  	[spmem:s2] =	stream.indirect.scatter.add.f32 [tilespmem:s14], [sflag:$0x2], $0x80, s31, s13, $0xb8;
	[tilespmem:$0x1CC00] =	vst v63  }
0x21: {  	_ =	swait.ge [sflag:s9], $0x4000  }
0x22: {  	s19 =	simm.s32 $0x400;
	s18 =	simm.s32 $0x200;
	[sflag:s9] =	ssyncset.done $0x0  }
.LBB2_2:
0x23: {  	s20 =	sshra.s32 s18, $0x2  }
0x24: {  	[sflag:s9] =	ssyncadd.s32 $0xFFFFC000;
	s18 =	smov.u32 s19;
	s21 =	sadd.s32 $0x200, s19  }
0x25: {  	[tilespmem:s14], [sflag:$0x1] =	stream.indirect.gather [hbm4b:s4+s13], $0x80, s20, s13, $0xb8;
	[tilespmem:$0x1CC00] =	vst v63  }
0x26: {  	p0 =	sne.s32 s19, $0x9E00;
	_ =	swait.ge [sflag:s15], $0x4000  }
.Ltmp0:
0x27: {  	[sflag:s15] =	ssyncset.done $0x0;
	(pc) =	sbr.rel @p0 .LBB2_2-.Ltmp0, $4  }
0x28: {  	s19 =	sadd.s32 $0x2800, s20;
	[sflag:s15] =	ssyncadd.s32 $0xFFFFC000  }
0x29: {  	[spmem:s2] =	stream.indirect.scatter.add.f32 [tilespmem:s14], [sflag:$0x2], $0x80, s19, s13, $0xb8;
	[tilespmem:$0x1CC00] =	vst v63  }
0x2a: {  	_ =	swait.ge [sflag:s9], $0x4000  }
0x2b: {  	s19 =	smov.u32 s21;
	[sflag:s9] =	ssyncset.done $0x0  }
0x2c: {  	s18 =	sshra.s32 s18, $0x2;
	[sflag:s9] =	ssyncadd.s32 $0xFFFFC000  }
0x2d: {  	[tilespmem:s14], [sflag:$0x1] =	stream.indirect.gather [hbm4b:s4+s13], $0x80, s18, s13, $0xb8;
	[tilespmem:$0x1CC00] =	vst v63  }
0x2e: {  	_ =	swait.ge [sflag:s15], $0x4000  }
0x2f: {  	[sflag:s15] =	ssyncset.done $0x0  }
0x30: {  	s18 =	sadd.s32 $0x2800, s18;
	[sflag:s15] =	ssyncadd.s32 $0xFFFFC000  }
0x31: {  	[spmem:s2] =	stream.indirect.scatter.add.f32 [tilespmem:s14], [sflag:$0x2], $0x80, s18, s13, $0xb8;
	[tilespmem:$0x1CC00] =	vst v63  }
0x32: {  	_ =	swait.ge [sflag:s9], $0x4000  }
0x33: {  	s17 =	sadd.s32 $0x1, s17;
	[sflag:s9] =	ssyncset.done $0x0  }
0x34: {  	p0 =	sne.s32 s17, s8;
	[sflag:s9] =	ssyncadd.s32 $0xFFFFC000  }
.Ltmp1:
0x35: {  	[bflag:$0x0] =	sbarrier.arrive $0xFFFF;
	(pc) =	sbr.rel @p0 .LBB2_1-.Ltmp1, $4  }
0x36: {  	[hbm:s16], [sflag:s11] =	dma.local [spmem:s12], $0x2780  }
0x37: {  	_ =	swait.ge [sflag:s9], $0x2780  }
0x38: {  	[sflag:s9] =	ssyncset.done $0x0  }
0x39: {  	[sflag:s9] =	ssyncadd.s32 $0xFFFFD880  }
0x3a: {  	_ =	sfence.sel $0x180000  }
0x3b: {  	[bflag:$0x0] =	sbarrier.arrive $0xFFFF  }
0x3c: {  	p0 =	sne.s32 s0, $0x0;
	_ =	strace $0x9000004D  }
0x3d: {  	s0 =	sadd.s32 @!p0 $0x100000, s1;
	[bflag:$0x2] =	sbarrier.arrive $0xFFFF  }
0x3e: {  	[sflag:s0] =	ssyncadd.tile.s32 @!p0 $0x1;
	_ =	shalt  }
.Lfunc_end2:
_tile_overlayer_lowered:
.L_overlay_start_2:
0x3f: {  	(tag) =	ssettag $0x2  }
0x40: {  	s0 =	rddreg [dreg:$0x0];
	s2 =	stileid.u32  }
0x41: {  	s1 =	rddreg [dreg:$0x1];
	p0 =	sne.s32 s2, $0x0  }
0x42: {  	s3 =	rddreg [dreg:$0x2];
	[bflag:$0x3] =	sbarrier.arrive $0xFFFF;
	s2 =	simm.s32 @!p0 $0x1C02  }
0x43: {  	[timem:s3], [sflag:s2] =	dma.local @!p0 [hbm:s0], s1  }
0x44: {  	s0 =	simm.s32 @!p0 $0x2  }
0x45: {  	_ =	swait.ge @!p0 [sflag:s0], s1  }
0x46: {  	s1 =	ssub.s32 @!p0 $0x0, s1;
	[sflag:s0] =	ssyncset.done @!p0 $0x0  }
0x47: {  	[sflag:s0] =	ssyncadd.s32 @!p0 s1  }
0x48: {  	[bflag:$0x3] =	sbarrier.arrive $0xFFFF  }
0x49: {  	_ =	shalt  }

// kernel: kernel.26.cloned.1.call-start
scs
__scs_entry_jumppad:
0x0: {  	(pc) =	sbr.rel $0x88, $3  }
0x1: {  	(tag) =	ssettag $0x0;
	lr =	simm.s32 $0x1  }
0x2: {  	[smem:$0x3F8D] =	sst lr;
	_ =	strace $0xD0000000  }
0x3: {  	_ = 	snop  }
0x4: {  	_ = 	snop  }
0x5: {  	_ = 	snop  }
0x6: {  	_ = 	snop  }
0x7: {  	_ = 	snop  }
__scs_overlays_trampoline_lowered:
0x8: {  	[smem:$0x3F9C] =	sst s0  }
0x9: {  	[smem:$0x3F9D] =	sst s1  }
0xa: {  	[smem:$0x3F9E] =	sst s2  }
0xb: {  	[smem:$0x3F9F] =	sst s3  }
0xc: {  	[smem:$0x3FA0] =	sst s4  }
0xd: {  	[smem:$0x3FA1] =	sst s5  }
0xe: {  	[smem:$0x3FA2] =	sst s6  }
0xf: {  	[smem:$0x3FA3] =	sst s7  }
0x10: {  	[smem:$0x3FA4] =	sst s8  }
0x11: {  	[smem:$0x3FA5] =	sst s9;
	s0 =	simm.s32 @!p0 $0x0  }
0x12: {  	s1 =	sld [smem:$0x3F8B];
	s0 =	simm.s32 @p0 $0x1  }
0x13: {  	[smem:$0x3FA6] =	sst s0;
	s0 =	simm.s32 @!p1 $0x0  }
0x14: {  	s2 =	sld [smem:$0x3F8A];
	s0 =	simm.s32 @p1 $0x1  }
0x15: {  	[smem:$0x3FA7] =	sst s0;
	s0 =	simm.s32 @!p2 $0x0  }
0x16: {  	s3 =	sld [smem:$0x3FDB];
	s0 =	simm.s32 @p2 $0x1  }
0x17: {  	s4 =	simm.s32 $0x1BF5;
	[smem:$0x3FA9] =	sst s0  }
0x18: {  	s0 =	sld [smem:$0x3F8C];
	_ =	swait.ge [sflag:s4], $0x0  }
0x19: {  	s7 =	sld [smem:$0x3F8D]  }
0x1a: {  	s8 =	sadd.s32 $0xFFFFE003, lr  }
0x1b: {  	s9 =	sadd.s32 $0xFFFFFEF7, lr;
	s5 =	simm.s32 $0xFFFFFFFF;
	p2 =	slt.u32 s8, $0xFFFFF086  }
0x1c: {  	p1 =	slt.u32 s9, $0xF7A;
	s5 =	simm.s32 @!p2 $0x0  }
0x1d: {  	s5 =	simm.s32 @p1 $0x1;
	p0 =	seq.s32 s7, s2  }
0x1e: {  	s7 =	smul.u32 @!p0 $0xF7A, s2;
	p2 =	seq.s32 @!p0 s5, $0x0  }
0x1f: {  	s9 =	smul.u32 $0xF7A, s1;
	s8 =	simm.s32 @!p0 $0x1BF5;
	p2 =	por !p2, p0  }
0x20: {  	[sflag:s8] =	ssyncset.s32 @!p0 $0xFFFFF086;
	s6 =	sadd.s32 @!p0 s3, s7;
	s7 =	simm.s32 @!p0 $0x108  }
0x21: {  	s3 =	sadd.s32 s3, s9;
	s6 =	sadd.s32 @!p0 $0x88, s6;
	s7 =	simm.s32 @p2 $0x1082  }
0x22: {  	[simem:s7], [sflag:s8] =	dma.local @!p0 [hbm:s6], $0xF7A  }
0x23: {  	s9 =	sor.u32 $0xD0000000, s2;
	s6 =	simm.s32 $0x108;
	_ =	swait.ge @!p0 [sflag:s8], $0x0  }
0x24: {  	s3 =	sadd.s32 $0x88, s3;
	s6 =	simm.s32 @!p1 $0x1082;
	[sflag:s4] =	ssyncset.s32 $0xFFFFF086  }
0x25: {  	[simem:s6], [sflag:s4] =	dma.local [hbm:s3], $0xF7A  }
0x26: {  	[smem:$0x3F8D] =	sst s1;
	(tag) =	ssettag s2;
	_ =	strace s9  }
0x27: {  	s1 =	sld [smem:$0x3F9D]  }
0x28: {  	s2 =	sld [smem:$0x3F9E]  }
0x29: {  	s4 =	sld [smem:$0x3FA0]  }
0x2a: {  	p0 =	seq.s32 s5, $0x0;
	s5 =	sld [smem:$0x3FA1]  }
0x2b: {  	s6 =	sld [smem:$0x3FA2]  }
0x2c: {  	s7 =	sld [smem:$0x3FA3]  }
0x2d: {  	s3 =	simm.s32 $0x108;
	s8 =	sld [smem:$0x3FA4]  }
0x2e: {  	s3 =	simm.s32 @!p0 $0x1082;
	s9 =	sld [smem:$0x3FA5]  }
0x2f: {  	lr =	sadd.s32 s0, s3;
	s0 =	sld [smem:$0x3F9C]  }
0x30: {  	s3 =	sld [smem:$0x3F9F]  }
0x31: {  	[smem:$0x3FA8] =	sst s10  }
0x32: {  	s10 =	sld [smem:$0x3FA6];
	_ =	sdelay $0x3  }
0x33: {  	p0 =	seq.s32 s10, $0x1;
	s10 =	sld [smem:$0x3FA8];
	_ =	sdelay $0x3  }
0x34: {  	[smem:$0x3FA8] =	sst s10  }
0x35: {  	s10 =	sld [smem:$0x3FA7];
	_ =	sdelay $0x3  }
0x36: {  	p1 =	seq.s32 s10, $0x1;
	s10 =	sld [smem:$0x3FA8];
	_ =	sdelay $0x3  }
0x37: {  	[smem:$0x3FA8] =	sst s10  }
0x38: {  	s10 =	sld [smem:$0x3FA9]  }
0x39: {  	_ = 	snop;
	(pc) =	sbr.ind lr, $3  }
0x3a: {  	_ = 	snop  }
0x3b: {  	_ = 	snop  }
0x3c: {  	p2 =	seq.s32 s10, $0x1;
	s10 =	sld [smem:$0x3FA8]  }
0x3d: {  	_ =	shalt  }
0x3e: {  	_ =	shalt  }
0x3f: {  	_ =	shalt  }
0x40: {  	_ =	shalt  }
0x41: {  	_ =	shalt  }
0x42: {  	_ =	shalt  }
0x43: {  	_ =	shalt  }
0x44: {  	_ =	shalt  }
0x45: {  	_ =	shalt  }
0x46: {  	_ =	shalt  }
0x47: {  	_ =	shalt  }
0x48: {  	_ =	shalt  }
0x49: {  	_ =	shalt  }
0x4a: {  	_ =	shalt  }
0x4b: {  	_ =	shalt  }
0x4c: {  	_ =	shalt  }
0x4d: {  	_ =	shalt  }
0x4e: {  	_ =	shalt  }
0x4f: {  	_ =	shalt  }
0x50: {  	_ =	shalt  }
0x51: {  	_ =	shalt  }
0x52: {  	_ =	shalt  }
0x53: {  	_ =	shalt  }
0x54: {  	_ =	shalt  }
0x55: {  	_ =	shalt  }
0x56: {  	_ =	shalt  }
0x57: {  	_ =	shalt  }
0x58: {  	_ =	shalt  }
0x59: {  	_ =	shalt  }
0x5a: {  	_ =	shalt  }
0x5b: {  	_ =	shalt  }
0x5c: {  	_ =	shalt  }
0x5d: {  	_ =	shalt  }
0x5e: {  	_ =	shalt  }
0x5f: {  	_ =	shalt  }
0x60: {  	_ =	shalt  }
0x61: {  	_ =	shalt  }
0x62: {  	_ =	shalt  }
0x63: {  	_ =	shalt  }
0x64: {  	_ =	shalt  }
0x65: {  	_ =	shalt  }
0x66: {  	_ =	shalt  }
0x67: {  	_ =	shalt  }
0x68: {  	_ =	shalt  }
0x69: {  	_ =	shalt  }
0x6a: {  	_ =	shalt  }
0x6b: {  	_ =	shalt  }
0x6c: {  	_ =	shalt  }
0x6d: {  	_ =	shalt  }
0x6e: {  	_ =	shalt  }
0x6f: {  	_ =	shalt  }
0x70: {  	_ =	shalt  }
0x71: {  	_ =	shalt  }
0x72: {  	_ =	shalt  }
0x73: {  	_ =	shalt  }
0x74: {  	_ =	shalt  }
0x75: {  	_ =	shalt  }
0x76: {  	_ =	shalt  }
0x77: {  	_ =	shalt  }
0x78: {  	_ =	shalt  }
0x79: {  	_ =	shalt  }
0x7a: {  	_ =	shalt  }
0x7b: {  	_ =	shalt  }
0x7c: {  	_ =	shalt  }
0x7d: {  	_ =	shalt  }
0x7e: {  	_ =	shalt  }
0x7f: {  	_ =	shalt  }
0x80: {  	_ =	shalt  }
0x81: {  	_ =	shalt  }
0x82: {  	_ =	shalt  }
0x83: {  	_ =	shalt  }
0x84: {  	_ =	shalt  }
0x85: {  	_ =	shalt  }
0x86: {  	_ =	shalt  }
0x87: {  	_ =	shalt  }
.Lfunc_end0:
.L_simem_size_0:
called_computation.3_lowered:
.L_overlay_start_0:
0x88: {  	s2 =	sld [smem:$0x3FD9]  }
0x89: {  	s3 =	sld [smem:$0x3FFE];
	_ =	sdelay $0x1  }
0x8a: {  	s1 =	srdreg.scid  }
0x8b: {  	s0 =	sand.u32 $0x1, s1  }
0x8c: {  	s16 =	sshll.u32 s0, $0xA;
	s2 =	sadd.s32 s3, s2  }
0x8d: {  	s2 =	sadd.s32 s2, s16  }
0x8e: {  	[smem:$0x3FB4] =	sst s2  }
0x8f: {  	_ = 	snop  }
0x90: {  	(tm) =	ssettm $0x1  }
0x91: {  	s17 =	sld [smem:$0x3FFB];
	_ =	sdelay $0x3  }
0x92: {  	_ =	strace s17  }
0x93: {  	s2 =	sld [smem:$0x3FFC];
	_ =	sdelay $0x3  }
0x94: {  	_ =	strace s2  }
0x95: {  	s2 =	sld [smem:$0x3FFD];
	_ =	sdelay $0x3  }
0x96: {  	_ =	strace s2  }
0x97: {  	_ =	strace $0x8FFFFFFF  }
0x98: {  	s18 =	sld [smem:$0x3FDB];
	_ =	sdelay $0x1  }
0x99: {  	s19 =	simm.s32 $_scs_section_size  }
0x9a: {  	s4 =	simm.s32 $_size__tile_overlayer_lowered;
	s5 =	simm.s32 $_tile_overlayer_lowered  }
0x9b: {  	s22 =	simm.s32 $0x1BFF;
	s21 =	sshll.u32 s5, $0x1;
	s2 =	sadd.s32 s19, s18  }
0x9c: {  	s6 =	simm.s32 $0x0;
	s20 =	sshll.u32 s4, $0x1;
	s4 =	sadd.s32 s21, s2  }
0x9d: {  	[timem:s6], [sflag:s22] =	dma.local [hbm:s4], s20  }
0x9e: {  	_ =	swait.ge [sflag:s22], s20  }
0x9f: {  	s3 =	ssub.s32 $0x0, s20;
	[sflag:s22] =	ssyncset.done $0x0  }
0xa0: {  	[sflag:s22] =	ssyncadd.s32 s3;
	_ =	sdelay $0x1  }
0xa1: {  	s23 =	simm.s32 $0x1B8B  }
0xa2: {  	_ =	swait.ge [sflag:s23], $0x1  }
0xa3: {  	[sflag:s23] =	ssyncset.done $0x0  }
0xa4: {  	s25 =	simm.s32 $0x1B8E;
	s24 =	sld [smem:$0x3FFE];
	[sflag:s23] =	ssyncadd.s32 $0xFFFFFFFF  }
0xa5: {  	s26 =	simm.s32 $execute0_lowered;
	[smem:$0x3FD2] =	sst s25  }
0xa6: {  	s4 =	sshll.u32 s26, $0x1;
	_ =	strace $0x80000049;
	[dreg:$0x1] =	wrdreg $0xFFFFFFFF  }
0xa7: {  	s28 =	simm.s32 $_size_execute0_lowered;
	s2 =	sadd.s32 s2, s4;
	[dreg:$0x0] =	wrdreg $0x0  }
0xa8: {  	s4 =	sshll.u32 s28, $0x1;
	[dreg:$0x2] =	wrdreg s2  }
0xa9: {  	[dreg:$0x3] =	wrdreg s4  }
0xaa: {  	[dreg:$0x4] =	wrdreg $0xC0  }
0xab: {  	_ =	task [dreg:s6], $0x5FFFF  }
0xac: {  	[dreg:$0x1] =	wrdreg $0xFFFFFFFF  }
0xad: {  	[dreg:$0x0] =	wrdreg $0x60  }
0xae: {  	[dreg:$0x2] =	wrdreg s24  }
0xaf: {  	[dreg:$0x3] =	wrdreg $0x90000  }
0xb0: {  	[dreg:$0x4] =	wrdreg $0xB  }
0xb1: {  	_ =	task.clear_ibuf [dreg:s6], $0x5FFFF;
	_ =	strace $0x90000049  }
0xb2: {  	s29 =	simm.s32 $0xB;
	_ =	strace $0x8000004B  }
0xb3: {  	_ =	swait.ge [sflag:s29], $0x1  }
0xb4: {  	[sflag:s29] =	ssyncadd.s32 $0xFFFFFFFF  }
0xb5: {  	_ =	strace $0x9000004B  }
0xb6: {  	_ =	sfence  }
0xb7: {  	s30 =	sld [smem:$0x0];
	_ =	sdelay $0x2  }
0xb8: {  	s31 =	sshll.u32 s1, $0xD;
	s1 =	sshrl.u32 s1, $0x2  }
0xb9: {  	s3 =	sand.u32 $0x4000, s31;
	s1 =	sadd.s32 s1, s30  }
0xba: {  	s0 =	sor.u32 s3, s0;
	s1 =	sshll.u32 s1, $0x11  }
0xbb: {  	s0 =	sor.u32 s1, s0  }
0xbc: {  	s0 =	sadd.s32 $0x8F2B, s0  }
0xbd: {  	[sflag:s0] =	ssyncadd.remote.s32 $0x1  }
0xbe: {  	_ =	sfence.sel $0xFFFF  }
0xbf: {  	[dreg:$0x0] =	wrdreg $0xFFFFFFFF;
	(pc) =	sbr.abs _section_cstart, $3  }
0xc0: {  	[dreg:$0x1] =	wrdreg $0xFFFFFFFF  }
0xc1: {  	_ =	task.clear_ibuf [dreg:s6], $0x2FFFF;
	_ =	strace $0x9FFFFFFF  }
0xc2: {  	(tm) =	ssettm $0x7FFFFFFF  }
0xc3: {  	_ =	shalt  }
tec
execute0_lowered:
.L_overlay_start_1:
0x0: {  	(tag) =	ssettag $0x1  }
0x1: {  	s6 =	rddreg [dreg:$0x0]  }
0x2: {  	s0 =	srdreg.scid;
	s2 =	rddreg [dreg:$0x1]  }
0x3: {  	s3 =	simm.s32 $0x0;
	s5 =	sand.u32 $0x1, s0;
	s0 =	stileid.u32  }
0x4: {  	s13 =	simm.s32 $0x80;
	s14 =	simm.s32 $0x5000;
	s16 =	smul.u32 $0x2780, s0  }
0x5: {  	s15 =	simm.s32 $0x1;
	[smem:$0x7FF] =	sst s3;
	s8 =	smul.u32 $0x27800, s5  }
0x6: {  	s1 =	sshll.u32 s5, $0x4;
	s5 =	ssub.s32 $0x2, s5;
	s9 =	smul.u32 $0x4F000, s0  }
0x7: {  	s31 =	sshll.u32 s0, $0x6;
	s4 =	sor.u32 s0, s1;
	s1 =	rddreg [dreg:$0x2]  }
0x8: {  	_ =	strace $0x8000004A;
	s30 =	sshrl.u32 s5, $0x1;
	s7 =	smul.u32 $0x500, s4  }
0x9: {  	s4 =	sadd.s32 $0x1D000, s6;
	s10 =	sadd.s32 s16, s6;
	s9 =	sshrl.u32 s9, $0x2  }
0xa: {  	s8 =	sadd.s32 s8, s6;
	s11 =	ssub.s32 s5, s30;
	s12 =	sadd.s32 s9, s2  }
0xb: {  	s17 =	sadd.s32 $0x10B800, s8;
	s8 =	smax.u32 s11, $0x1;
	s9 =	simm.s32 $0x2  }
0xc: {  	s11 =	sor.u32 $0x1C02, s31;
	s7 =	sadd.s32 s7, s6;
	s12 =	sshrl.u32 s12, $0x3  }
0xd: {  	s16 =	sadd.s32 s16, s17;
	s17 =	simm.s32 $0x0;
	s5 =	sadd.s32 $0x9000, s7  }
0xe: {  	s6 =	sadd.s32 $0x13000, s7;
	s7 =	sadd.s32 $0x44800, s10;
	s10 =	simm.s32 $0x2800  }
.LBB2_1:
0xf: {  	[tilespmem:s3], [sflag:$0x2] =	stream.linear.gather [hbm4b:s5+s3], $0x2800, $0x38;
	[tilespmem:$0x1CC00] =	vst v63  }
0x10: {  	_ =	swait.ge [sflag:s9], $0x2800  }
0x11: {  	[sflag:s9] =	ssyncset.done $0x0  }
0x12: {  	[sflag:s9] =	ssyncadd.s32 $0xFFFFD800  }
0x13: {  	[tilespmem:s10], [sflag:$0x2] =	stream.linear.gather [hbm4b:s6+s3], $0x2800, $0x38;
	[tilespmem:$0x1CC00] =	vst v63  }
0x14: {  	_ =	swait.ge [sflag:s9], $0x2800  }
0x15: {  	[sflag:s9] =	ssyncset.done $0x0  }
0x16: {  	[sflag:s9] =	ssyncadd.s32 $0xFFFFD800  }
0x17: {  	[spmem:s12], [sflag:s11] =	dma.local [hbm:s7], $0x2780  }
0x18: {  	_ =	swait.ge [sflag:s9], $0x2780  }
0x19: {  	[sflag:s9] =	ssyncset.done $0x0  }
0x1a: {  	[sflag:s9] =	ssyncadd.s32 $0xFFFFD880  }
0x1b: {  	s18 =	simm.s32 $0x0;
	[bflag:$0x0] =	sbarrier.arrive $0xFFFF  }
0x1c: {  	[tilespmem:s14], [sflag:$0x1] =	stream.indirect.gather [hbm4b:s4+s13], $0x80, s18, s13, $0xb8;
	[tilespmem:$0x1CC00] =	vst v63  }
0x1d: {  	_ =	swait.ge [sflag:s15], $0x4000  }
0x1e: {  	[sflag:s15] =	ssyncset.done $0x0  }
0x1f: {  	s31 =	simm.s32 $0x2800;
	[sflag:s15] =	ssyncadd.s32 $0xFFFFC000  }
0x20: {  	[spmem:s2] =	stream.indirect.scatter.add.f32 [tilespmem:s14], [sflag:$0x2], $0x80, s31, s13, $0xb8;
	[tilespmem:$0x1CC00] =	vst v63  }
0x21: {  	_ =	swait.ge [sflag:s9], $0x4000  }
0x22: {  	s19 =	simm.s32 $0x400;
	s18 =	simm.s32 $0x200;
	[sflag:s9] =	ssyncset.done $0x0  }
.LBB2_2:
0x23: {  	s20 =	sshra.s32 s18, $0x2  }
0x24: {  	[sflag:s9] =	ssyncadd.s32 $0xFFFFC000;
	s18 =	smov.u32 s19;
	s21 =	sadd.s32 $0x200, s19  }
0x25: {  	[tilespmem:s14], [sflag:$0x1] =	stream.indirect.gather [hbm4b:s4+s13], $0x80, s20, s13, $0xb8;
	[tilespmem:$0x1CC00] =	vst v63  }
0x26: {  	p0 =	sne.s32 s19, $0x9E00;
	_ =	swait.ge [sflag:s15], $0x4000  }
.Ltmp0:
0x27: {  	[sflag:s15] =	ssyncset.done $0x0;
	(pc) =	sbr.rel @p0 .LBB2_2-.Ltmp0, $4  }
0x28: {  	s19 =	sadd.s32 $0x2800, s20;
	[sflag:s15] =	ssyncadd.s32 $0xFFFFC000  }
0x29: {  	[spmem:s2] =	stream.indirect.scatter.add.f32 [tilespmem:s14], [sflag:$0x2], $0x80, s19, s13, $0xb8;
	[tilespmem:$0x1CC00] =	vst v63  }
0x2a: {  	_ =	swait.ge [sflag:s9], $0x4000  }
0x2b: {  	s19 =	smov.u32 s21;
	[sflag:s9] =	ssyncset.done $0x0  }
0x2c: {  	s18 =	sshra.s32 s18, $0x2;
	[sflag:s9] =	ssyncadd.s32 $0xFFFFC000  }
0x2d: {  	[tilespmem:s14], [sflag:$0x1] =	stream.indirect.gather [hbm4b:s4+s13], $0x80, s18, s13, $0xb8;
	[tilespmem:$0x1CC00] =	vst v63  }
0x2e: {  	_ =	swait.ge [sflag:s15], $0x4000  }
0x2f: {  	[sflag:s15] =	ssyncset.done $0x0  }
0x30: {  	s18 =	sadd.s32 $0x2800, s18;
	[sflag:s15] =	ssyncadd.s32 $0xFFFFC000  }
0x31: {  	[spmem:s2] =	stream.indirect.scatter.add.f32 [tilespmem:s14], [sflag:$0x2], $0x80, s18, s13, $0xb8;
	[tilespmem:$0x1CC00] =	vst v63  }
0x32: {  	_ =	swait.ge [sflag:s9], $0x4000  }
0x33: {  	s17 =	sadd.s32 $0x1, s17;
	[sflag:s9] =	ssyncset.done $0x0  }
0x34: {  	p0 =	sne.s32 s17, s8;
	[sflag:s9] =	ssyncadd.s32 $0xFFFFC000  }
.Ltmp1:
0x35: {  	[bflag:$0x0] =	sbarrier.arrive $0xFFFF;
	(pc) =	sbr.rel @p0 .LBB2_1-.Ltmp1, $4  }
0x36: {  	[hbm:s16], [sflag:s11] =	dma.local [spmem:s12], $0x2780  }
0x37: {  	_ =	swait.ge [sflag:s9], $0x2780  }
0x38: {  	[sflag:s9] =	ssyncset.done $0x0  }
0x39: {  	[sflag:s9] =	ssyncadd.s32 $0xFFFFD880  }
0x3a: {  	_ =	sfence.sel $0x180000  }
0x3b: {  	[bflag:$0x0] =	sbarrier.arrive $0xFFFF  }
0x3c: {  	p0 =	sne.s32 s0, $0x0;
	_ =	strace $0x9000004A  }
0x3d: {  	s0 =	sadd.s32 @!p0 $0x100000, s1;
	[bflag:$0x2] =	sbarrier.arrive $0xFFFF  }
0x3e: {  	[sflag:s0] =	ssyncadd.tile.s32 @!p0 $0x1;
	_ =	shalt  }
.Lfunc_end2:
_tile_overlayer_lowered:
.L_overlay_start_2:
0x3f: {  	(tag) =	ssettag $0x2  }
0x40: {  	s0 =	rddreg [dreg:$0x0];
	s2 =	stileid.u32  }
0x41: {  	s1 =	rddreg [dreg:$0x1];
	p0 =	sne.s32 s2, $0x0  }
0x42: {  	s3 =	rddreg [dreg:$0x2];
	[bflag:$0x3] =	sbarrier.arrive $0xFFFF;
	s2 =	simm.s32 @!p0 $0x1C02  }
0x43: {  	[timem:s3], [sflag:s2] =	dma.local @!p0 [hbm:s0], s1  }
0x44: {  	s0 =	simm.s32 @!p0 $0x2  }
0x45: {  	_ =	swait.ge @!p0 [sflag:s0], s1  }
0x46: {  	s1 =	ssub.s32 @!p0 $0x0, s1;
	[sflag:s0] =	ssyncset.done @!p0 $0x0  }
0x47: {  	[sflag:s0] =	ssyncadd.s32 @!p0 s1  }
0x48: {  	[bflag:$0x3] =	sbarrier.arrive $0xFFFF  }
0x49: {  	_ =	shalt  }

// kernel: kernel.29.cloned.1.call-start
scs
__scs_entry_jumppad:
0x0: {  	(pc) =	sbr.rel $0x88, $3  }
0x1: {  	(tag) =	ssettag $0x0;
	lr =	simm.s32 $0x1  }
0x2: {  	[smem:$0x3F8D] =	sst lr;
	_ =	strace $0xD0000000  }
0x3: {  	_ = 	snop  }
0x4: {  	_ = 	snop  }
0x5: {  	_ = 	snop  }
0x6: {  	_ = 	snop  }
0x7: {  	_ = 	snop  }
__scs_overlays_trampoline_lowered:
0x8: {  	[smem:$0x3F9C] =	sst s0  }
0x9: {  	[smem:$0x3F9D] =	sst s1  }
0xa: {  	[smem:$0x3F9E] =	sst s2  }
0xb: {  	[smem:$0x3F9F] =	sst s3  }
0xc: {  	[smem:$0x3FA0] =	sst s4  }
0xd: {  	[smem:$0x3FA1] =	sst s5  }
0xe: {  	[smem:$0x3FA2] =	sst s6  }
0xf: {  	[smem:$0x3FA3] =	sst s7  }
0x10: {  	[smem:$0x3FA4] =	sst s8  }
0x11: {  	[smem:$0x3FA5] =	sst s9;
	s0 =	simm.s32 @!p0 $0x0  }
0x12: {  	s1 =	sld [smem:$0x3F8B];
	s0 =	simm.s32 @p0 $0x1  }
0x13: {  	[smem:$0x3FA6] =	sst s0;
	s0 =	simm.s32 @!p1 $0x0  }
0x14: {  	s2 =	sld [smem:$0x3F8A];
	s0 =	simm.s32 @p1 $0x1  }
0x15: {  	[smem:$0x3FA7] =	sst s0;
	s0 =	simm.s32 @!p2 $0x0  }
0x16: {  	s3 =	sld [smem:$0x3FDB];
	s0 =	simm.s32 @p2 $0x1  }
0x17: {  	s4 =	simm.s32 $0x1BF5;
	[smem:$0x3FA9] =	sst s0  }
0x18: {  	s0 =	sld [smem:$0x3F8C];
	_ =	swait.ge [sflag:s4], $0x0  }
0x19: {  	s7 =	sld [smem:$0x3F8D]  }
0x1a: {  	s8 =	sadd.s32 $0xFFFFE003, lr  }
0x1b: {  	s9 =	sadd.s32 $0xFFFFFEF7, lr;
	s5 =	simm.s32 $0xFFFFFFFF;
	p2 =	slt.u32 s8, $0xFFFFF086  }
0x1c: {  	p1 =	slt.u32 s9, $0xF7A;
	s5 =	simm.s32 @!p2 $0x0  }
0x1d: {  	s5 =	simm.s32 @p1 $0x1;
	p0 =	seq.s32 s7, s2  }
0x1e: {  	s7 =	smul.u32 @!p0 $0xF7A, s2;
	p2 =	seq.s32 @!p0 s5, $0x0  }
0x1f: {  	s9 =	smul.u32 $0xF7A, s1;
	s8 =	simm.s32 @!p0 $0x1BF5;
	p2 =	por !p2, p0  }
0x20: {  	[sflag:s8] =	ssyncset.s32 @!p0 $0xFFFFF086;
	s6 =	sadd.s32 @!p0 s3, s7;
	s7 =	simm.s32 @!p0 $0x108  }
0x21: {  	s3 =	sadd.s32 s3, s9;
	s6 =	sadd.s32 @!p0 $0x88, s6;
	s7 =	simm.s32 @p2 $0x1082  }
0x22: {  	[simem:s7], [sflag:s8] =	dma.local @!p0 [hbm:s6], $0xF7A  }
0x23: {  	s9 =	sor.u32 $0xD0000000, s2;
	s6 =	simm.s32 $0x108;
	_ =	swait.ge @!p0 [sflag:s8], $0x0  }
0x24: {  	s3 =	sadd.s32 $0x88, s3;
	s6 =	simm.s32 @!p1 $0x1082;
	[sflag:s4] =	ssyncset.s32 $0xFFFFF086  }
0x25: {  	[simem:s6], [sflag:s4] =	dma.local [hbm:s3], $0xF7A  }
0x26: {  	[smem:$0x3F8D] =	sst s1;
	(tag) =	ssettag s2;
	_ =	strace s9  }
0x27: {  	s1 =	sld [smem:$0x3F9D]  }
0x28: {  	s2 =	sld [smem:$0x3F9E]  }
0x29: {  	s4 =	sld [smem:$0x3FA0]  }
0x2a: {  	p0 =	seq.s32 s5, $0x0;
	s5 =	sld [smem:$0x3FA1]  }
0x2b: {  	s6 =	sld [smem:$0x3FA2]  }
0x2c: {  	s7 =	sld [smem:$0x3FA3]  }
0x2d: {  	s3 =	simm.s32 $0x108;
	s8 =	sld [smem:$0x3FA4]  }
0x2e: {  	s3 =	simm.s32 @!p0 $0x1082;
	s9 =	sld [smem:$0x3FA5]  }
0x2f: {  	lr =	sadd.s32 s0, s3;
	s0 =	sld [smem:$0x3F9C]  }
0x30: {  	s3 =	sld [smem:$0x3F9F]  }
0x31: {  	[smem:$0x3FA8] =	sst s10  }
0x32: {  	s10 =	sld [smem:$0x3FA6];
	_ =	sdelay $0x3  }
0x33: {  	p0 =	seq.s32 s10, $0x1;
	s10 =	sld [smem:$0x3FA8];
	_ =	sdelay $0x3  }
0x34: {  	[smem:$0x3FA8] =	sst s10  }
0x35: {  	s10 =	sld [smem:$0x3FA7];
	_ =	sdelay $0x3  }
0x36: {  	p1 =	seq.s32 s10, $0x1;
	s10 =	sld [smem:$0x3FA8];
	_ =	sdelay $0x3  }
0x37: {  	[smem:$0x3FA8] =	sst s10  }
0x38: {  	s10 =	sld [smem:$0x3FA9]  }
0x39: {  	_ = 	snop;
	(pc) =	sbr.ind lr, $3  }
0x3a: {  	_ = 	snop  }
0x3b: {  	_ = 	snop  }
0x3c: {  	p2 =	seq.s32 s10, $0x1;
	s10 =	sld [smem:$0x3FA8]  }
0x3d: {  	_ =	shalt  }
0x3e: {  	_ =	shalt  }
0x3f: {  	_ =	shalt  }
0x40: {  	_ =	shalt  }
0x41: {  	_ =	shalt  }
0x42: {  	_ =	shalt  }
0x43: {  	_ =	shalt  }
0x44: {  	_ =	shalt  }
0x45: {  	_ =	shalt  }
0x46: {  	_ =	shalt  }
0x47: {  	_ =	shalt  }
0x48: {  	_ =	shalt  }
0x49: {  	_ =	shalt  }
0x4a: {  	_ =	shalt  }
0x4b: {  	_ =	shalt  }
0x4c: {  	_ =	shalt  }
0x4d: {  	_ =	shalt  }
0x4e: {  	_ =	shalt  }
0x4f: {  	_ =	shalt  }
0x50: {  	_ =	shalt  }
0x51: {  	_ =	shalt  }
0x52: {  	_ =	shalt  }
0x53: {  	_ =	shalt  }
0x54: {  	_ =	shalt  }
0x55: {  	_ =	shalt  }
0x56: {  	_ =	shalt  }
0x57: {  	_ =	shalt  }
0x58: {  	_ =	shalt  }
0x59: {  	_ =	shalt  }
0x5a: {  	_ =	shalt  }
0x5b: {  	_ =	shalt  }
0x5c: {  	_ =	shalt  }
0x5d: {  	_ =	shalt  }
0x5e: {  	_ =	shalt  }
0x5f: {  	_ =	shalt  }
0x60: {  	_ =	shalt  }
0x61: {  	_ =	shalt  }
0x62: {  	_ =	shalt  }
0x63: {  	_ =	shalt  }
0x64: {  	_ =	shalt  }
0x65: {  	_ =	shalt  }
0x66: {  	_ =	shalt  }
0x67: {  	_ =	shalt  }
0x68: {  	_ =	shalt  }
0x69: {  	_ =	shalt  }
0x6a: {  	_ =	shalt  }
0x6b: {  	_ =	shalt  }
0x6c: {  	_ =	shalt  }
0x6d: {  	_ =	shalt  }
0x6e: {  	_ =	shalt  }
0x6f: {  	_ =	shalt  }
0x70: {  	_ =	shalt  }
0x71: {  	_ =	shalt  }
0x72: {  	_ =	shalt  }
0x73: {  	_ =	shalt  }
0x74: {  	_ =	shalt  }
0x75: {  	_ =	shalt  }
0x76: {  	_ =	shalt  }
0x77: {  	_ =	shalt  }
0x78: {  	_ =	shalt  }
0x79: {  	_ =	shalt  }
0x7a: {  	_ =	shalt  }
0x7b: {  	_ =	shalt  }
0x7c: {  	_ =	shalt  }
0x7d: {  	_ =	shalt  }
0x7e: {  	_ =	shalt  }
0x7f: {  	_ =	shalt  }
0x80: {  	_ =	shalt  }
0x81: {  	_ =	shalt  }
0x82: {  	_ =	shalt  }
0x83: {  	_ =	shalt  }
0x84: {  	_ =	shalt  }
0x85: {  	_ =	shalt  }
0x86: {  	_ =	shalt  }
0x87: {  	_ =	shalt  }
.Lfunc_end0:
.L_simem_size_0:
called_computation.4_lowered:
.L_overlay_start_0:
0x88: {  	s2 =	sld [smem:$0x3FD9]  }
0x89: {  	s3 =	sld [smem:$0x3FFE];
	_ =	sdelay $0x1  }
0x8a: {  	s1 =	srdreg.scid  }
0x8b: {  	s0 =	sand.u32 $0x1, s1  }
0x8c: {  	s17 =	sshll.u32 s0, $0xA;
	s2 =	sadd.s32 s3, s2  }
0x8d: {  	s2 =	sadd.s32 s2, s17  }
0x8e: {  	[smem:$0x3FB4] =	sst s2  }
0x8f: {  	_ = 	snop  }
0x90: {  	(tm) =	ssettm $0x1  }
0x91: {  	s18 =	sld [smem:$0x3FFB];
	_ =	sdelay $0x3  }
0x92: {  	_ =	strace s18  }
0x93: {  	s2 =	sld [smem:$0x3FFC];
	_ =	sdelay $0x3  }
0x94: {  	_ =	strace s2  }
0x95: {  	s2 =	sld [smem:$0x3FFD];
	_ =	sdelay $0x3  }
0x96: {  	_ =	strace s2  }
0x97: {  	_ =	strace $0x8FFFFFFF  }
0x98: {  	s19 =	sld [smem:$0x3FDB];
	_ =	sdelay $0x1  }
0x99: {  	s20 =	simm.s32 $_scs_section_size  }
0x9a: {  	s4 =	simm.s32 $_size__tile_overlayer_lowered;
	s5 =	simm.s32 $_tile_overlayer_lowered  }
0x9b: {  	s6 =	simm.s32 $0x1BFF;
	s21 =	sshll.u32 s5, $0x1;
	s3 =	sadd.s32 s20, s19  }
0x9c: {  	s22 =	simm.s32 $0x0;
	s4 =	sshll.u32 s4, $0x1;
	s5 =	sadd.s32 s21, s3  }
0x9d: {  	[timem:s22], [sflag:s6] =	dma.local [hbm:s5], s4  }
0x9e: {  	_ =	swait.ge [sflag:s6], s4  }
0x9f: {  	s4 =	ssub.s32 $0x0, s4;
	[sflag:s6] =	ssyncset.done $0x0  }
0xa0: {  	[sflag:s6] =	ssyncadd.s32 s4;
	_ =	sdelay $0x1  }
0xa1: {  	s23 =	simm.s32 $0x1B8B  }
0xa2: {  	_ =	swait.ge [sflag:s23], $0x1  }
0xa3: {  	[sflag:s23] =	ssyncset.done $0x0  }
0xa4: {  	[sflag:s23] =	ssyncadd.s32 $0xFFFFFFFF  }
0xa5: {  	s4 =	sld [smem:$0x0]  }
0xa6: {  	s5 =	sand.u32 $0xFFFFFFFE, s1  }
0xa7: {  	p0 =	sne.s32 s1, s5  }
0xa8: {  	s5 =	sshll.u32 @p0 s5, $0xE  }
0xa9: {  	s5 =	sadd.s32 @p0 $0x11B8D, s5;
	s6 =	sshll.u32 @p0 s4, $0x11  }
0xaa: {  	s5 =	sor.u32 @p0 s6, s5  }
0xab: {  	[sflag:s5] =	ssyncadd.remote.s32 @p0 $0x1;
	_ =	sdelay $0x1  }
0xac: {  	s5 =	simm.s32 @p0 $0x1B8D  }
0xad: {  	_ =	swait.eq @p0 [sflag:s5], $0x1  }
0xae: {  	[sflag:s5] =	ssyncadd.s32 @p0 $0xFFFFFFFF  }
0xaf: {  	s6 =	sshll.u32 @!p0 s1, $0xE  }
0xb0: {  	s6 =	sor.u32 @!p0 $0x4000, s6;
	s5 =	simm.s32 @!p0 $0x1B8D  }
0xb1: {  	s4 =	sshll.u32 @!p0 s4, $0x11;
	s6 =	sadd.s32 @!p0 $0x11B8D, s6;
	_ =	swait.eq @!p0 [sflag:s5], $0x1  }
0xb2: {  	s4 =	sor.u32 @!p0 s4, s6;
	[sflag:s5] =	ssyncadd.s32 @!p0 $0xFFFFFFFF  }
0xb3: {  	s25 =	simm.s32 $0x1B8E;
	s24 =	sld [smem:$0x3FFE];
	[sflag:s4] =	ssyncadd.remote.s32 @!p0 $0x1  }
0xb4: {  	s26 =	simm.s32 $execute0_lowered;
	[smem:$0x3FD2] =	sst s25  }
0xb5: {  	s5 =	sshll.u32 s26, $0x1;
	_ =	strace $0x80000058;
	[dreg:$0x1] =	wrdreg $0xFFFFFFFF  }
0xb6: {  	s28 =	simm.s32 $_size_execute0_lowered;
	s3 =	sadd.s32 s3, s5;
	[dreg:$0x0] =	wrdreg $0x0  }
0xb7: {  	s5 =	sshll.u32 s28, $0x1;
	[dreg:$0x2] =	wrdreg s3  }
0xb8: {  	[dreg:$0x3] =	wrdreg s5  }
0xb9: {  	[dreg:$0x4] =	wrdreg $0xC0  }
0xba: {  	_ =	task [dreg:s22], $0x5FFFF  }
0xbb: {  	[dreg:$0x1] =	wrdreg $0xFFFFFFFF  }
0xbc: {  	[dreg:$0x0] =	wrdreg $0x60  }
0xbd: {  	[dreg:$0x2] =	wrdreg s24  }
0xbe: {  	[dreg:$0x3] =	wrdreg $0x90000  }
0xbf: {  	[dreg:$0x4] =	wrdreg $0x9  }
0xc0: {  	_ =	task.clear_ibuf [dreg:s22], $0x5FFFF;
	_ =	strace $0x90000058  }
0xc1: {  	s29 =	simm.s32 $0x9;
	_ =	strace $0x8000005A  }
0xc2: {  	_ =	swait.ge [sflag:s29], $0x1  }
0xc3: {  	[sflag:s29] =	ssyncadd.s32 $0xFFFFFFFF  }
0xc4: {  	_ =	strace $0x9000005A  }
0xc5: {  	_ =	sfence  }
0xc6: {  	s30 =	sld [smem:$0x0];
	_ =	sdelay $0x2  }
0xc7: {  	s31 =	sshll.u32 s1, $0xD;
	s1 =	sshrl.u32 s1, $0x2  }
0xc8: {  	s4 =	sand.u32 $0x4000, s31;
	s1 =	sadd.s32 s1, s30  }
0xc9: {  	s0 =	sor.u32 s4, s0;
	s1 =	sshll.u32 s1, $0x11  }
0xca: {  	s0 =	sor.u32 s1, s0  }
0xcb: {  	s0 =	sadd.s32 $0x8F2B, s0  }
0xcc: {  	[sflag:s0] =	ssyncadd.remote.s32 $0x1  }
0xcd: {  	_ =	sfence.sel $0xFFFF  }
0xce: {  	[dreg:$0x0] =	wrdreg $0xFFFFFFFF;
	(pc) =	sbr.abs _section_cstart, $3  }
0xcf: {  	[dreg:$0x1] =	wrdreg $0xFFFFFFFF  }
0xd0: {  	_ =	task.clear_ibuf [dreg:s22], $0x2FFFF;
	_ =	strace $0x9FFFFFFF  }
0xd1: {  	(tm) =	ssettm $0x7FFFFFFF  }
tec
execute0_lowered:
.L_overlay_start_1:
0x0: {  	(tag) =	ssettag $0x1  }
0x1: {  	s6 =	rddreg [dreg:$0x0]  }
0x2: {  	s0 =	srdreg.scid;
	s2 =	rddreg [dreg:$0x1]  }
0x3: {  	s3 =	simm.s32 $0x0;
	s5 =	sand.u32 $0x1, s0;
	s0 =	stileid.u32  }
0x4: {  	s13 =	simm.s32 $0x80;
	s14 =	simm.s32 $0x5000;
	s16 =	smul.u32 $0x2780, s0  }
0x5: {  	s15 =	simm.s32 $0x1;
	[smem:$0x7FF] =	sst s3;
	s8 =	smul.u32 $0x27800, s5  }
0x6: {  	s1 =	sshll.u32 s5, $0x4;
	s5 =	ssub.s32 $0x2, s5;
	s9 =	smul.u32 $0x4F000, s0  }
0x7: {  	s31 =	sshll.u32 s0, $0x6;
	s4 =	sor.u32 s0, s1;
	s1 =	rddreg [dreg:$0x2]  }
0x8: {  	_ =	strace $0x80000059;
	s30 =	sshrl.u32 s5, $0x1;
	s7 =	smul.u32 $0x500, s4  }
0x9: {  	s4 =	sadd.s32 $0x6C000, s6;
	s10 =	sadd.s32 s16, s6;
	s9 =	sshrl.u32 s9, $0x2  }
0xa: {  	s8 =	sadd.s32 s8, s6;
	s11 =	ssub.s32 s5, s30;
	s12 =	sadd.s32 s9, s2  }
0xb: {  	s17 =	sadd.s32 $0x1A9800, s8;
	s8 =	smax.u32 s11, $0x1;
	s9 =	simm.s32 $0x2  }
0xc: {  	s11 =	sor.u32 $0x1C02, s31;
	s7 =	sadd.s32 s7, s6;
	s12 =	sshrl.u32 s12, $0x3  }
0xd: {  	s16 =	sadd.s32 s16, s17;
	s17 =	simm.s32 $0x0;
	s5 =	sadd.s32 $0x9000, s7  }
0xe: {  	s6 =	sadd.s32 $0x13000, s7;
	s7 =	sadd.s32 $0x44800, s10;
	s10 =	simm.s32 $0x2800  }
.LBB2_1:
0xf: {  	[tilespmem:s3], [sflag:$0x2] =	stream.linear.gather [hbm4b:s5+s3], $0x2800, $0x38;
	[tilespmem:$0x1CC00] =	vst v63  }
0x10: {  	_ =	swait.ge [sflag:s9], $0x2800  }
0x11: {  	[sflag:s9] =	ssyncset.done $0x0  }
0x12: {  	[sflag:s9] =	ssyncadd.s32 $0xFFFFD800  }
0x13: {  	[tilespmem:s10], [sflag:$0x2] =	stream.linear.gather [hbm4b:s6+s3], $0x2800, $0x38;
	[tilespmem:$0x1CC00] =	vst v63  }
0x14: {  	_ =	swait.ge [sflag:s9], $0x2800  }
0x15: {  	[sflag:s9] =	ssyncset.done $0x0  }
0x16: {  	[sflag:s9] =	ssyncadd.s32 $0xFFFFD800  }
0x17: {  	[spmem:s12], [sflag:s11] =	dma.local [hbm:s7], $0x2780  }
0x18: {  	_ =	swait.ge [sflag:s9], $0x2780  }
0x19: {  	[sflag:s9] =	ssyncset.done $0x0  }
0x1a: {  	[sflag:s9] =	ssyncadd.s32 $0xFFFFD880  }
0x1b: {  	s18 =	simm.s32 $0x0;
	[bflag:$0x0] =	sbarrier.arrive $0xFFFF  }
0x1c: {  	[tilespmem:s14], [sflag:$0x1] =	stream.indirect.gather [hbm4b:s4+s13], $0x80, s18, s13, $0xb8;
	[tilespmem:$0x1CC00] =	vst v63  }
0x1d: {  	_ =	swait.ge [sflag:s15], $0x4000  }
0x1e: {  	[sflag:s15] =	ssyncset.done $0x0  }
0x1f: {  	s31 =	simm.s32 $0x2800;
	[sflag:s15] =	ssyncadd.s32 $0xFFFFC000  }
0x20: {  	[spmem:s2] =	stream.indirect.scatter.add.f32 [tilespmem:s14], [sflag:$0x2], $0x80, s31, s13, $0xb8;
	[tilespmem:$0x1CC00] =	vst v63  }
0x21: {  	_ =	swait.ge [sflag:s9], $0x4000  }
0x22: {  	s19 =	simm.s32 $0x400;
	s18 =	simm.s32 $0x200;
	[sflag:s9] =	ssyncset.done $0x0  }
.LBB2_2:
0x23: {  	s20 =	sshra.s32 s18, $0x2  }
0x24: {  	[sflag:s9] =	ssyncadd.s32 $0xFFFFC000;
	s18 =	smov.u32 s19;
	s21 =	sadd.s32 $0x200, s19  }
0x25: {  	[tilespmem:s14], [sflag:$0x1] =	stream.indirect.gather [hbm4b:s4+s13], $0x80, s20, s13, $0xb8;
	[tilespmem:$0x1CC00] =	vst v63  }
0x26: {  	p0 =	sne.s32 s19, $0x9E00;
	_ =	swait.ge [sflag:s15], $0x4000  }
.Ltmp0:
0x27: {  	[sflag:s15] =	ssyncset.done $0x0;
	(pc) =	sbr.rel @p0 .LBB2_2-.Ltmp0, $4  }
0x28: {  	s19 =	sadd.s32 $0x2800, s20;
	[sflag:s15] =	ssyncadd.s32 $0xFFFFC000  }
0x29: {  	[spmem:s2] =	stream.indirect.scatter.add.f32 [tilespmem:s14], [sflag:$0x2], $0x80, s19, s13, $0xb8;
	[tilespmem:$0x1CC00] =	vst v63  }
0x2a: {  	_ =	swait.ge [sflag:s9], $0x4000  }
0x2b: {  	s19 =	smov.u32 s21;
	[sflag:s9] =	ssyncset.done $0x0  }
0x2c: {  	s18 =	sshra.s32 s18, $0x2;
	[sflag:s9] =	ssyncadd.s32 $0xFFFFC000  }
0x2d: {  	[tilespmem:s14], [sflag:$0x1] =	stream.indirect.gather [hbm4b:s4+s13], $0x80, s18, s13, $0xb8;
	[tilespmem:$0x1CC00] =	vst v63  }
0x2e: {  	_ =	swait.ge [sflag:s15], $0x4000  }
0x2f: {  	[sflag:s15] =	ssyncset.done $0x0  }
0x30: {  	s18 =	sadd.s32 $0x2800, s18;
	[sflag:s15] =	ssyncadd.s32 $0xFFFFC000  }
0x31: {  	[spmem:s2] =	stream.indirect.scatter.add.f32 [tilespmem:s14], [sflag:$0x2], $0x80, s18, s13, $0xb8;
	[tilespmem:$0x1CC00] =	vst v63  }
0x32: {  	_ =	swait.ge [sflag:s9], $0x4000  }
0x33: {  	s17 =	sadd.s32 $0x1, s17;
	[sflag:s9] =	ssyncset.done $0x0  }
0x34: {  	p0 =	sne.s32 s17, s8;
	[sflag:s9] =	ssyncadd.s32 $0xFFFFC000  }
.Ltmp1:
0x35: {  	[bflag:$0x0] =	sbarrier.arrive $0xFFFF;
	(pc) =	sbr.rel @p0 .LBB2_1-.Ltmp1, $4  }
0x36: {  	[hbm:s16], [sflag:s11] =	dma.local [spmem:s12], $0x2780  }
0x37: {  	_ =	swait.ge [sflag:s9], $0x2780  }
0x38: {  	[sflag:s9] =	ssyncset.done $0x0  }
0x39: {  	[sflag:s9] =	ssyncadd.s32 $0xFFFFD880  }
0x3a: {  	_ =	sfence.sel $0x180000  }
0x3b: {  	[bflag:$0x0] =	sbarrier.arrive $0xFFFF  }
0x3c: {  	p0 =	sne.s32 s0, $0x0;
	_ =	strace $0x90000059  }
0x3d: {  	s0 =	sadd.s32 @!p0 $0x100000, s1;
	[bflag:$0x2] =	sbarrier.arrive $0xFFFF  }
0x3e: {  	[sflag:s0] =	ssyncadd.tile.s32 @!p0 $0x1;
	_ =	shalt  }
.Lfunc_end2:
_tile_overlayer_lowered:
.L_overlay_start_2:
0x3f: {  	(tag) =	ssettag $0x2  }
0x40: {  	s0 =	rddreg [dreg:$0x0];
	s2 =	stileid.u32  }
0x41: {  	s1 =	rddreg [dreg:$0x1];
	p0 =	sne.s32 s2, $0x0  }
0x42: {  	s3 =	rddreg [dreg:$0x2];
	[bflag:$0x3] =	sbarrier.arrive $0xFFFF;
	s2 =	simm.s32 @!p0 $0x1C02  }
0x43: {  	[timem:s3], [sflag:s2] =	dma.local @!p0 [hbm:s0], s1  }
0x44: {  	s0 =	simm.s32 @!p0 $0x2  }
0x45: {  	_ =	swait.ge @!p0 [sflag:s0], s1  }
0x46: {  	s1 =	ssub.s32 @!p0 $0x0, s1;
	[sflag:s0] =	ssyncset.done @!p0 $0x0  }
0x47: {  	[sflag:s0] =	ssyncadd.s32 @!p0 s1  }
0x48: {  	[bflag:$0x3] =	sbarrier.arrive $0xFFFF  }
0x49: {  	_ =	shalt  }

// kernel: kernel.32.cloned.1.call-start
scs
__scs_entry_jumppad:
0x0: {  	(pc) =	sbr.rel $0x88, $3  }
0x1: {  	(tag) =	ssettag $0x0;
	lr =	simm.s32 $0x1  }
0x2: {  	[smem:$0x3F8D] =	sst lr;
	_ =	strace $0xD0000000  }
0x3: {  	_ = 	snop  }
0x4: {  	_ = 	snop  }
0x5: {  	_ = 	snop  }
0x6: {  	_ = 	snop  }
0x7: {  	_ = 	snop  }
__scs_overlays_trampoline_lowered:
0x8: {  	[smem:$0x3F9C] =	sst s0  }
0x9: {  	[smem:$0x3F9D] =	sst s1  }
0xa: {  	[smem:$0x3F9E] =	sst s2  }
0xb: {  	[smem:$0x3F9F] =	sst s3  }
0xc: {  	[smem:$0x3FA0] =	sst s4  }
0xd: {  	[smem:$0x3FA1] =	sst s5  }
0xe: {  	[smem:$0x3FA2] =	sst s6  }
0xf: {  	[smem:$0x3FA3] =	sst s7  }
0x10: {  	[smem:$0x3FA4] =	sst s8  }
0x11: {  	[smem:$0x3FA5] =	sst s9;
	s0 =	simm.s32 @!p0 $0x0  }
0x12: {  	s1 =	sld [smem:$0x3F8B];
	s0 =	simm.s32 @p0 $0x1  }
0x13: {  	[smem:$0x3FA6] =	sst s0;
	s0 =	simm.s32 @!p1 $0x0  }
0x14: {  	s2 =	sld [smem:$0x3F8A];
	s0 =	simm.s32 @p1 $0x1  }
0x15: {  	[smem:$0x3FA7] =	sst s0;
	s0 =	simm.s32 @!p2 $0x0  }
0x16: {  	s3 =	sld [smem:$0x3FDB];
	s0 =	simm.s32 @p2 $0x1  }
0x17: {  	s4 =	simm.s32 $0x1BF5;
	[smem:$0x3FA9] =	sst s0  }
0x18: {  	s0 =	sld [smem:$0x3F8C];
	_ =	swait.ge [sflag:s4], $0x0  }
0x19: {  	s7 =	sld [smem:$0x3F8D]  }
0x1a: {  	s8 =	sadd.s32 $0xFFFFE003, lr  }
0x1b: {  	s9 =	sadd.s32 $0xFFFFFEF7, lr;
	s5 =	simm.s32 $0xFFFFFFFF;
	p2 =	slt.u32 s8, $0xFFFFF086  }
0x1c: {  	p1 =	slt.u32 s9, $0xF7A;
	s5 =	simm.s32 @!p2 $0x0  }
0x1d: {  	s5 =	simm.s32 @p1 $0x1;
	p0 =	seq.s32 s7, s2  }
0x1e: {  	s7 =	smul.u32 @!p0 $0xF7A, s2;
	p2 =	seq.s32 @!p0 s5, $0x0  }
0x1f: {  	s9 =	smul.u32 $0xF7A, s1;
	s8 =	simm.s32 @!p0 $0x1BF5;
	p2 =	por !p2, p0  }
0x20: {  	[sflag:s8] =	ssyncset.s32 @!p0 $0xFFFFF086;
	s6 =	sadd.s32 @!p0 s3, s7;
	s7 =	simm.s32 @!p0 $0x108  }
0x21: {  	s3 =	sadd.s32 s3, s9;
	s6 =	sadd.s32 @!p0 $0x88, s6;
	s7 =	simm.s32 @p2 $0x1082  }
0x22: {  	[simem:s7], [sflag:s8] =	dma.local @!p0 [hbm:s6], $0xF7A  }
0x23: {  	s9 =	sor.u32 $0xD0000000, s2;
	s6 =	simm.s32 $0x108;
	_ =	swait.ge @!p0 [sflag:s8], $0x0  }
0x24: {  	s3 =	sadd.s32 $0x88, s3;
	s6 =	simm.s32 @!p1 $0x1082;
	[sflag:s4] =	ssyncset.s32 $0xFFFFF086  }
0x25: {  	[simem:s6], [sflag:s4] =	dma.local [hbm:s3], $0xF7A  }
0x26: {  	[smem:$0x3F8D] =	sst s1;
	(tag) =	ssettag s2;
	_ =	strace s9  }
0x27: {  	s1 =	sld [smem:$0x3F9D]  }
0x28: {  	s2 =	sld [smem:$0x3F9E]  }
0x29: {  	s4 =	sld [smem:$0x3FA0]  }
0x2a: {  	p0 =	seq.s32 s5, $0x0;
	s5 =	sld [smem:$0x3FA1]  }
0x2b: {  	s6 =	sld [smem:$0x3FA2]  }
0x2c: {  	s7 =	sld [smem:$0x3FA3]  }
0x2d: {  	s3 =	simm.s32 $0x108;
	s8 =	sld [smem:$0x3FA4]  }
0x2e: {  	s3 =	simm.s32 @!p0 $0x1082;
	s9 =	sld [smem:$0x3FA5]  }
0x2f: {  	lr =	sadd.s32 s0, s3;
	s0 =	sld [smem:$0x3F9C]  }
0x30: {  	s3 =	sld [smem:$0x3F9F]  }
0x31: {  	[smem:$0x3FA8] =	sst s10  }
0x32: {  	s10 =	sld [smem:$0x3FA6];
	_ =	sdelay $0x3  }
0x33: {  	p0 =	seq.s32 s10, $0x1;
	s10 =	sld [smem:$0x3FA8];
	_ =	sdelay $0x3  }
0x34: {  	[smem:$0x3FA8] =	sst s10  }
0x35: {  	s10 =	sld [smem:$0x3FA7];
	_ =	sdelay $0x3  }
0x36: {  	p1 =	seq.s32 s10, $0x1;
	s10 =	sld [smem:$0x3FA8];
	_ =	sdelay $0x3  }
0x37: {  	[smem:$0x3FA8] =	sst s10  }
0x38: {  	s10 =	sld [smem:$0x3FA9]  }
0x39: {  	_ = 	snop;
	(pc) =	sbr.ind lr, $3  }
0x3a: {  	_ = 	snop  }
0x3b: {  	_ = 	snop  }
0x3c: {  	p2 =	seq.s32 s10, $0x1;
	s10 =	sld [smem:$0x3FA8]  }
0x3d: {  	_ =	shalt  }
0x3e: {  	_ =	shalt  }
0x3f: {  	_ =	shalt  }
0x40: {  	_ =	shalt  }
0x41: {  	_ =	shalt  }
0x42: {  	_ =	shalt  }
0x43: {  	_ =	shalt  }
0x44: {  	_ =	shalt  }
0x45: {  	_ =	shalt  }
0x46: {  	_ =	shalt  }
0x47: {  	_ =	shalt  }
0x48: {  	_ =	shalt  }
0x49: {  	_ =	shalt  }
0x4a: {  	_ =	shalt  }
0x4b: {  	_ =	shalt  }
0x4c: {  	_ =	shalt  }
0x4d: {  	_ =	shalt  }
0x4e: {  	_ =	shalt  }
0x4f: {  	_ =	shalt  }
0x50: {  	_ =	shalt  }
0x51: {  	_ =	shalt  }
0x52: {  	_ =	shalt  }
0x53: {  	_ =	shalt  }
0x54: {  	_ =	shalt  }
0x55: {  	_ =	shalt  }
0x56: {  	_ =	shalt  }
0x57: {  	_ =	shalt  }
0x58: {  	_ =	shalt  }
0x59: {  	_ =	shalt  }
0x5a: {  	_ =	shalt  }
0x5b: {  	_ =	shalt  }
0x5c: {  	_ =	shalt  }
0x5d: {  	_ =	shalt  }
0x5e: {  	_ =	shalt  }
0x5f: {  	_ =	shalt  }
0x60: {  	_ =	shalt  }
0x61: {  	_ =	shalt  }
0x62: {  	_ =	shalt  }
0x63: {  	_ =	shalt  }
0x64: {  	_ =	shalt  }
0x65: {  	_ =	shalt  }
0x66: {  	_ =	shalt  }
0x67: {  	_ =	shalt  }
0x68: {  	_ =	shalt  }
0x69: {  	_ =	shalt  }
0x6a: {  	_ =	shalt  }
0x6b: {  	_ =	shalt  }
0x6c: {  	_ =	shalt  }
0x6d: {  	_ =	shalt  }
0x6e: {  	_ =	shalt  }
0x6f: {  	_ =	shalt  }
0x70: {  	_ =	shalt  }
0x71: {  	_ =	shalt  }
0x72: {  	_ =	shalt  }
0x73: {  	_ =	shalt  }
0x74: {  	_ =	shalt  }
0x75: {  	_ =	shalt  }
0x76: {  	_ =	shalt  }
0x77: {  	_ =	shalt  }
0x78: {  	_ =	shalt  }
0x79: {  	_ =	shalt  }
0x7a: {  	_ =	shalt  }
0x7b: {  	_ =	shalt  }
0x7c: {  	_ =	shalt  }
0x7d: {  	_ =	shalt  }
0x7e: {  	_ =	shalt  }
0x7f: {  	_ =	shalt  }
0x80: {  	_ =	shalt  }
0x81: {  	_ =	shalt  }
0x82: {  	_ =	shalt  }
0x83: {  	_ =	shalt  }
0x84: {  	_ =	shalt  }
0x85: {  	_ =	shalt  }
0x86: {  	_ =	shalt  }
0x87: {  	_ =	shalt  }
.Lfunc_end0:
.L_simem_size_0:
called_computation.5_lowered:
.L_overlay_start_0:
0x88: {  	s2 =	sld [smem:$0x3FD9]  }
0x89: {  	s3 =	sld [smem:$0x3FFE];
	_ =	sdelay $0x1  }
0x8a: {  	s1 =	srdreg.scid  }
0x8b: {  	s0 =	sand.u32 $0x1, s1  }
0x8c: {  	s17 =	sshll.u32 s0, $0xA;
	s2 =	sadd.s32 s3, s2  }
0x8d: {  	s2 =	sadd.s32 s2, s17  }
0x8e: {  	[smem:$0x3FB4] =	sst s2  }
0x8f: {  	_ = 	snop  }
0x90: {  	(tm) =	ssettm $0x1  }
0x91: {  	s18 =	sld [smem:$0x3FFB];
	_ =	sdelay $0x3  }
0x92: {  	_ =	strace s18  }
0x93: {  	s2 =	sld [smem:$0x3FFC];
	_ =	sdelay $0x3  }
0x94: {  	_ =	strace s2  }
0x95: {  	s2 =	sld [smem:$0x3FFD];
	_ =	sdelay $0x3  }
0x96: {  	_ =	strace s2  }
0x97: {  	_ =	strace $0x8FFFFFFF  }
0x98: {  	s19 =	sld [smem:$0x3FDB];
	_ =	sdelay $0x1  }
0x99: {  	s20 =	simm.s32 $_scs_section_size  }
0x9a: {  	s4 =	simm.s32 $_size__tile_overlayer_lowered;
	s5 =	simm.s32 $_tile_overlayer_lowered  }
0x9b: {  	s6 =	simm.s32 $0x1BFF;
	s21 =	sshll.u32 s5, $0x1;
	s3 =	sadd.s32 s20, s19  }
0x9c: {  	s22 =	simm.s32 $0x0;
	s4 =	sshll.u32 s4, $0x1;
	s5 =	sadd.s32 s21, s3  }
0x9d: {  	[timem:s22], [sflag:s6] =	dma.local [hbm:s5], s4  }
0x9e: {  	_ =	swait.ge [sflag:s6], s4  }
0x9f: {  	s4 =	ssub.s32 $0x0, s4;
	[sflag:s6] =	ssyncset.done $0x0  }
0xa0: {  	[sflag:s6] =	ssyncadd.s32 s4;
	_ =	sdelay $0x1  }
0xa1: {  	s23 =	simm.s32 $0x1B8B  }
0xa2: {  	_ =	swait.ge [sflag:s23], $0x1  }
0xa3: {  	[sflag:s23] =	ssyncset.done $0x0  }
0xa4: {  	[sflag:s23] =	ssyncadd.s32 $0xFFFFFFFF  }
0xa5: {  	s4 =	sld [smem:$0x0]  }
0xa6: {  	s5 =	sand.u32 $0xFFFFFFFE, s1  }
0xa7: {  	p0 =	sne.s32 s1, s5  }
0xa8: {  	s5 =	sshll.u32 @p0 s5, $0xE  }
0xa9: {  	s5 =	sadd.s32 @p0 $0x11B8D, s5;
	s6 =	sshll.u32 @p0 s4, $0x11  }
0xaa: {  	s5 =	sor.u32 @p0 s6, s5  }
0xab: {  	[sflag:s5] =	ssyncadd.remote.s32 @p0 $0x1;
	_ =	sdelay $0x1  }
0xac: {  	s5 =	simm.s32 @p0 $0x1B8D  }
0xad: {  	_ =	swait.eq @p0 [sflag:s5], $0x1  }
0xae: {  	[sflag:s5] =	ssyncadd.s32 @p0 $0xFFFFFFFF  }
0xaf: {  	s6 =	sshll.u32 @!p0 s1, $0xE  }
0xb0: {  	s6 =	sor.u32 @!p0 $0x4000, s6;
	s5 =	simm.s32 @!p0 $0x1B8D  }
0xb1: {  	s4 =	sshll.u32 @!p0 s4, $0x11;
	s6 =	sadd.s32 @!p0 $0x11B8D, s6;
	_ =	swait.eq @!p0 [sflag:s5], $0x1  }
0xb2: {  	s4 =	sor.u32 @!p0 s4, s6;
	[sflag:s5] =	ssyncadd.s32 @!p0 $0xFFFFFFFF  }
0xb3: {  	s25 =	simm.s32 $0x1B8E;
	s24 =	sld [smem:$0x3FFE];
	[sflag:s4] =	ssyncadd.remote.s32 @!p0 $0x1  }
0xb4: {  	s26 =	simm.s32 $execute0_lowered;
	[smem:$0x3FD2] =	sst s25  }
0xb5: {  	s5 =	sshll.u32 s26, $0x1;
	_ =	strace $0x80000055;
	[dreg:$0x1] =	wrdreg $0xFFFFFFFF  }
0xb6: {  	s28 =	simm.s32 $_size_execute0_lowered;
	s3 =	sadd.s32 s3, s5;
	[dreg:$0x0] =	wrdreg $0x0  }
0xb7: {  	s5 =	sshll.u32 s28, $0x1;
	[dreg:$0x2] =	wrdreg s3  }
0xb8: {  	[dreg:$0x3] =	wrdreg s5  }
0xb9: {  	[dreg:$0x4] =	wrdreg $0xC0  }
0xba: {  	_ =	task [dreg:s22], $0x5FFFF  }
0xbb: {  	[dreg:$0x1] =	wrdreg $0xFFFFFFFF  }
0xbc: {  	[dreg:$0x0] =	wrdreg $0x60  }
0xbd: {  	[dreg:$0x2] =	wrdreg s24  }
0xbe: {  	[dreg:$0x3] =	wrdreg $0x90000  }
0xbf: {  	[dreg:$0x4] =	wrdreg $0xA  }
0xc0: {  	_ =	task.clear_ibuf [dreg:s22], $0x5FFFF;
	_ =	strace $0x90000055  }
0xc1: {  	s29 =	simm.s32 $0xA;
	_ =	strace $0x80000057  }
0xc2: {  	_ =	swait.ge [sflag:s29], $0x1  }
0xc3: {  	[sflag:s29] =	ssyncadd.s32 $0xFFFFFFFF  }
0xc4: {  	_ =	strace $0x90000057  }
0xc5: {  	_ =	sfence  }
0xc6: {  	s30 =	sld [smem:$0x0];
	_ =	sdelay $0x2  }
0xc7: {  	s31 =	sshll.u32 s1, $0xD;
	s1 =	sshrl.u32 s1, $0x2  }
0xc8: {  	s4 =	sand.u32 $0x4000, s31;
	s1 =	sadd.s32 s1, s30  }
0xc9: {  	s0 =	sor.u32 s4, s0;
	s1 =	sshll.u32 s1, $0x11  }
0xca: {  	s0 =	sor.u32 s1, s0  }
0xcb: {  	s0 =	sadd.s32 $0x8F2B, s0  }
0xcc: {  	[sflag:s0] =	ssyncadd.remote.s32 $0x1  }
0xcd: {  	_ =	sfence.sel $0xFFFF  }
0xce: {  	[dreg:$0x0] =	wrdreg $0xFFFFFFFF;
	(pc) =	sbr.abs _section_cstart, $3  }
0xcf: {  	[dreg:$0x1] =	wrdreg $0xFFFFFFFF  }
0xd0: {  	_ =	task.clear_ibuf [dreg:s22], $0x2FFFF;
	_ =	strace $0x9FFFFFFF  }
0xd1: {  	(tm) =	ssettm $0x7FFFFFFF  }
tec
execute0_lowered:
.L_overlay_start_1:
0x0: {  	(tag) =	ssettag $0x1  }
0x1: {  	s6 =	rddreg [dreg:$0x0]  }
0x2: {  	s0 =	srdreg.scid;
	s2 =	rddreg [dreg:$0x1]  }
0x3: {  	s3 =	simm.s32 $0x0;
	s5 =	sand.u32 $0x1, s0;
	s0 =	stileid.u32  }
0x4: {  	s13 =	simm.s32 $0x80;
	s14 =	simm.s32 $0x5000;
	s16 =	smul.u32 $0x2780, s0  }
0x5: {  	s15 =	simm.s32 $0x1;
	[smem:$0x7FF] =	sst s3;
	s8 =	smul.u32 $0x27800, s5  }
0x6: {  	s1 =	sshll.u32 s5, $0x4;
	s5 =	ssub.s32 $0x2, s5;
	s9 =	smul.u32 $0x4F000, s0  }
0x7: {  	s31 =	sshll.u32 s0, $0x6;
	s4 =	sor.u32 s0, s1;
	s1 =	rddreg [dreg:$0x2]  }
0x8: {  	_ =	strace $0x80000056;
	s30 =	sshrl.u32 s5, $0x1;
	s7 =	smul.u32 $0x500, s4  }
0x9: {  	s4 =	sadd.s32 $0x93800, s6;
	s10 =	sadd.s32 s16, s6;
	s9 =	sshrl.u32 s9, $0x2  }
0xa: {  	s8 =	sadd.s32 s8, s6;
	s11 =	ssub.s32 s5, s30;
	s12 =	sadd.s32 s9, s2  }
0xb: {  	s17 =	sadd.s32 $0x15A800, s8;
	s8 =	smax.u32 s11, $0x1;
	s9 =	simm.s32 $0x2  }
0xc: {  	s11 =	sor.u32 $0x1C02, s31;
	s7 =	sadd.s32 s7, s6;
	s12 =	sshrl.u32 s12, $0x3  }
0xd: {  	s16 =	sadd.s32 s16, s17;
	s17 =	simm.s32 $0x0;
	s5 =	sadd.s32 $0x9000, s7  }
0xe: {  	s6 =	sadd.s32 $0x13000, s7;
	s7 =	sadd.s32 $0x44800, s10;
	s10 =	simm.s32 $0x2800  }
.LBB2_1:
0xf: {  	[tilespmem:s3], [sflag:$0x2] =	stream.linear.gather [hbm4b:s5+s3], $0x2800, $0x38;
	[tilespmem:$0x1CC00] =	vst v63  }
0x10: {  	_ =	swait.ge [sflag:s9], $0x2800  }
0x11: {  	[sflag:s9] =	ssyncset.done $0x0  }
0x12: {  	[sflag:s9] =	ssyncadd.s32 $0xFFFFD800  }
0x13: {  	[tilespmem:s10], [sflag:$0x2] =	stream.linear.gather [hbm4b:s6+s3], $0x2800, $0x38;
	[tilespmem:$0x1CC00] =	vst v63  }
0x14: {  	_ =	swait.ge [sflag:s9], $0x2800  }
0x15: {  	[sflag:s9] =	ssyncset.done $0x0  }
0x16: {  	[sflag:s9] =	ssyncadd.s32 $0xFFFFD800  }
0x17: {  	[spmem:s12], [sflag:s11] =	dma.local [hbm:s7], $0x2780  }
0x18: {  	_ =	swait.ge [sflag:s9], $0x2780  }
0x19: {  	[sflag:s9] =	ssyncset.done $0x0  }
0x1a: {  	[sflag:s9] =	ssyncadd.s32 $0xFFFFD880  }
0x1b: {  	s18 =	simm.s32 $0x0;
	[bflag:$0x0] =	sbarrier.arrive $0xFFFF  }
0x1c: {  	[tilespmem:s14], [sflag:$0x1] =	stream.indirect.gather [hbm4b:s4+s13], $0x80, s18, s13, $0xb8;
	[tilespmem:$0x1CC00] =	vst v63  }
0x1d: {  	_ =	swait.ge [sflag:s15], $0x4000  }
0x1e: {  	[sflag:s15] =	ssyncset.done $0x0  }
0x1f: {  	s31 =	simm.s32 $0x2800;
	[sflag:s15] =	ssyncadd.s32 $0xFFFFC000  }
0x20: {  	[spmem:s2] =	stream.indirect.scatter.add.f32 [tilespmem:s14], [sflag:$0x2], $0x80, s31, s13, $0xb8;
	[tilespmem:$0x1CC00] =	vst v63  }
0x21: {  	_ =	swait.ge [sflag:s9], $0x4000  }
0x22: {  	s19 =	simm.s32 $0x400;
	s18 =	simm.s32 $0x200;
	[sflag:s9] =	ssyncset.done $0x0  }
.LBB2_2:
0x23: {  	s20 =	sshra.s32 s18, $0x2  }
0x24: {  	[sflag:s9] =	ssyncadd.s32 $0xFFFFC000;
	s18 =	smov.u32 s19;
	s21 =	sadd.s32 $0x200, s19  }
0x25: {  	[tilespmem:s14], [sflag:$0x1] =	stream.indirect.gather [hbm4b:s4+s13], $0x80, s20, s13, $0xb8;
	[tilespmem:$0x1CC00] =	vst v63  }
0x26: {  	p0 =	sne.s32 s19, $0x9E00;
	_ =	swait.ge [sflag:s15], $0x4000  }
.Ltmp0:
0x27: {  	[sflag:s15] =	ssyncset.done $0x0;
	(pc) =	sbr.rel @p0 .LBB2_2-.Ltmp0, $4  }
0x28: {  	s19 =	sadd.s32 $0x2800, s20;
	[sflag:s15] =	ssyncadd.s32 $0xFFFFC000  }
0x29: {  	[spmem:s2] =	stream.indirect.scatter.add.f32 [tilespmem:s14], [sflag:$0x2], $0x80, s19, s13, $0xb8;
	[tilespmem:$0x1CC00] =	vst v63  }
0x2a: {  	_ =	swait.ge [sflag:s9], $0x4000  }
0x2b: {  	s19 =	smov.u32 s21;
	[sflag:s9] =	ssyncset.done $0x0  }
0x2c: {  	s18 =	sshra.s32 s18, $0x2;
	[sflag:s9] =	ssyncadd.s32 $0xFFFFC000  }
0x2d: {  	[tilespmem:s14], [sflag:$0x1] =	stream.indirect.gather [hbm4b:s4+s13], $0x80, s18, s13, $0xb8;
	[tilespmem:$0x1CC00] =	vst v63  }
0x2e: {  	_ =	swait.ge [sflag:s15], $0x4000  }
0x2f: {  	[sflag:s15] =	ssyncset.done $0x0  }
0x30: {  	s18 =	sadd.s32 $0x2800, s18;
	[sflag:s15] =	ssyncadd.s32 $0xFFFFC000  }
0x31: {  	[spmem:s2] =	stream.indirect.scatter.add.f32 [tilespmem:s14], [sflag:$0x2], $0x80, s18, s13, $0xb8;
	[tilespmem:$0x1CC00] =	vst v63  }
0x32: {  	_ =	swait.ge [sflag:s9], $0x4000  }
0x33: {  	s17 =	sadd.s32 $0x1, s17;
	[sflag:s9] =	ssyncset.done $0x0  }
0x34: {  	p0 =	sne.s32 s17, s8;
	[sflag:s9] =	ssyncadd.s32 $0xFFFFC000  }
.Ltmp1:
0x35: {  	[bflag:$0x0] =	sbarrier.arrive $0xFFFF;
	(pc) =	sbr.rel @p0 .LBB2_1-.Ltmp1, $4  }
0x36: {  	[hbm:s16], [sflag:s11] =	dma.local [spmem:s12], $0x2780  }
0x37: {  	_ =	swait.ge [sflag:s9], $0x2780  }
0x38: {  	[sflag:s9] =	ssyncset.done $0x0  }
0x39: {  	[sflag:s9] =	ssyncadd.s32 $0xFFFFD880  }
0x3a: {  	_ =	sfence.sel $0x180000  }
0x3b: {  	[bflag:$0x0] =	sbarrier.arrive $0xFFFF  }
0x3c: {  	p0 =	sne.s32 s0, $0x0;
	_ =	strace $0x90000056  }
0x3d: {  	s0 =	sadd.s32 @!p0 $0x100000, s1;
	[bflag:$0x2] =	sbarrier.arrive $0xFFFF  }
0x3e: {  	[sflag:s0] =	ssyncadd.tile.s32 @!p0 $0x1;
	_ =	shalt  }
.Lfunc_end2:
_tile_overlayer_lowered:
.L_overlay_start_2:
0x3f: {  	(tag) =	ssettag $0x2  }
0x40: {  	s0 =	rddreg [dreg:$0x0];
	s2 =	stileid.u32  }
0x41: {  	s1 =	rddreg [dreg:$0x1];
	p0 =	sne.s32 s2, $0x0  }
0x42: {  	s3 =	rddreg [dreg:$0x2];
	[bflag:$0x3] =	sbarrier.arrive $0xFFFF;
	s2 =	simm.s32 @!p0 $0x1C02  }
0x43: {  	[timem:s3], [sflag:s2] =	dma.local @!p0 [hbm:s0], s1  }
0x44: {  	s0 =	simm.s32 @!p0 $0x2  }
0x45: {  	_ =	swait.ge @!p0 [sflag:s0], s1  }
0x46: {  	s1 =	ssub.s32 @!p0 $0x0, s1;
	[sflag:s0] =	ssyncset.done @!p0 $0x0  }
0x47: {  	[sflag:s0] =	ssyncadd.s32 @!p0 s1  }
0x48: {  	[bflag:$0x3] =	sbarrier.arrive $0xFFFF  }
0x49: {  	_ =	shalt  }

// kernel: kernel.35.cloned.1.call-start
scs
__scs_entry_jumppad:
0x0: {  	(pc) =	sbr.rel $0x88, $3  }
0x1: {  	(tag) =	ssettag $0x0;
	lr =	simm.s32 $0x1  }
0x2: {  	[smem:$0x3F8D] =	sst lr;
	_ =	strace $0xD0000000  }
0x3: {  	_ = 	snop  }
0x4: {  	_ = 	snop  }
0x5: {  	_ = 	snop  }
0x6: {  	_ = 	snop  }
0x7: {  	_ = 	snop  }
__scs_overlays_trampoline_lowered:
0x8: {  	[smem:$0x3F9C] =	sst s0  }
0x9: {  	[smem:$0x3F9D] =	sst s1  }
0xa: {  	[smem:$0x3F9E] =	sst s2  }
0xb: {  	[smem:$0x3F9F] =	sst s3  }
0xc: {  	[smem:$0x3FA0] =	sst s4  }
0xd: {  	[smem:$0x3FA1] =	sst s5  }
0xe: {  	[smem:$0x3FA2] =	sst s6  }
0xf: {  	[smem:$0x3FA3] =	sst s7  }
0x10: {  	[smem:$0x3FA4] =	sst s8  }
0x11: {  	[smem:$0x3FA5] =	sst s9;
	s0 =	simm.s32 @!p0 $0x0  }
0x12: {  	s1 =	sld [smem:$0x3F8B];
	s0 =	simm.s32 @p0 $0x1  }
0x13: {  	[smem:$0x3FA6] =	sst s0;
	s0 =	simm.s32 @!p1 $0x0  }
0x14: {  	s2 =	sld [smem:$0x3F8A];
	s0 =	simm.s32 @p1 $0x1  }
0x15: {  	[smem:$0x3FA7] =	sst s0;
	s0 =	simm.s32 @!p2 $0x0  }
0x16: {  	s3 =	sld [smem:$0x3FDB];
	s0 =	simm.s32 @p2 $0x1  }
0x17: {  	s4 =	simm.s32 $0x1BF5;
	[smem:$0x3FA9] =	sst s0  }
0x18: {  	s0 =	sld [smem:$0x3F8C];
	_ =	swait.ge [sflag:s4], $0x0  }
0x19: {  	s7 =	sld [smem:$0x3F8D]  }
0x1a: {  	s8 =	sadd.s32 $0xFFFFE003, lr  }
0x1b: {  	s9 =	sadd.s32 $0xFFFFFEF7, lr;
	s5 =	simm.s32 $0xFFFFFFFF;
	p2 =	slt.u32 s8, $0xFFFFF086  }
0x1c: {  	p1 =	slt.u32 s9, $0xF7A;
	s5 =	simm.s32 @!p2 $0x0  }
0x1d: {  	s5 =	simm.s32 @p1 $0x1;
	p0 =	seq.s32 s7, s2  }
0x1e: {  	s7 =	smul.u32 @!p0 $0xF7A, s2;
	p2 =	seq.s32 @!p0 s5, $0x0  }
0x1f: {  	s9 =	smul.u32 $0xF7A, s1;
	s8 =	simm.s32 @!p0 $0x1BF5;
	p2 =	por !p2, p0  }
0x20: {  	[sflag:s8] =	ssyncset.s32 @!p0 $0xFFFFF086;
	s6 =	sadd.s32 @!p0 s3, s7;
	s7 =	simm.s32 @!p0 $0x108  }
0x21: {  	s3 =	sadd.s32 s3, s9;
	s6 =	sadd.s32 @!p0 $0x88, s6;
	s7 =	simm.s32 @p2 $0x1082  }
0x22: {  	[simem:s7], [sflag:s8] =	dma.local @!p0 [hbm:s6], $0xF7A  }
0x23: {  	s9 =	sor.u32 $0xD0000000, s2;
	s6 =	simm.s32 $0x108;
	_ =	swait.ge @!p0 [sflag:s8], $0x0  }
0x24: {  	s3 =	sadd.s32 $0x88, s3;
	s6 =	simm.s32 @!p1 $0x1082;
	[sflag:s4] =	ssyncset.s32 $0xFFFFF086  }
0x25: {  	[simem:s6], [sflag:s4] =	dma.local [hbm:s3], $0xF7A  }
0x26: {  	[smem:$0x3F8D] =	sst s1;
	(tag) =	ssettag s2;
	_ =	strace s9  }
0x27: {  	s1 =	sld [smem:$0x3F9D]  }
0x28: {  	s2 =	sld [smem:$0x3F9E]  }
0x29: {  	s4 =	sld [smem:$0x3FA0]  }
0x2a: {  	p0 =	seq.s32 s5, $0x0;
	s5 =	sld [smem:$0x3FA1]  }
0x2b: {  	s6 =	sld [smem:$0x3FA2]  }
0x2c: {  	s7 =	sld [smem:$0x3FA3]  }
0x2d: {  	s3 =	simm.s32 $0x108;
	s8 =	sld [smem:$0x3FA4]  }
0x2e: {  	s3 =	simm.s32 @!p0 $0x1082;
	s9 =	sld [smem:$0x3FA5]  }
0x2f: {  	lr =	sadd.s32 s0, s3;
	s0 =	sld [smem:$0x3F9C]  }
0x30: {  	s3 =	sld [smem:$0x3F9F]  }
0x31: {  	[smem:$0x3FA8] =	sst s10  }
0x32: {  	s10 =	sld [smem:$0x3FA6];
	_ =	sdelay $0x3  }
0x33: {  	p0 =	seq.s32 s10, $0x1;
	s10 =	sld [smem:$0x3FA8];
	_ =	sdelay $0x3  }
0x34: {  	[smem:$0x3FA8] =	sst s10  }
0x35: {  	s10 =	sld [smem:$0x3FA7];
	_ =	sdelay $0x3  }
0x36: {  	p1 =	seq.s32 s10, $0x1;
	s10 =	sld [smem:$0x3FA8];
	_ =	sdelay $0x3  }
0x37: {  	[smem:$0x3FA8] =	sst s10  }
0x38: {  	s10 =	sld [smem:$0x3FA9]  }
0x39: {  	_ = 	snop;
	(pc) =	sbr.ind lr, $3  }
0x3a: {  	_ = 	snop  }
0x3b: {  	_ = 	snop  }
0x3c: {  	p2 =	seq.s32 s10, $0x1;
	s10 =	sld [smem:$0x3FA8]  }
0x3d: {  	_ =	shalt  }
0x3e: {  	_ =	shalt  }
0x3f: {  	_ =	shalt  }
0x40: {  	_ =	shalt  }
0x41: {  	_ =	shalt  }
0x42: {  	_ =	shalt  }
0x43: {  	_ =	shalt  }
0x44: {  	_ =	shalt  }
0x45: {  	_ =	shalt  }
0x46: {  	_ =	shalt  }
0x47: {  	_ =	shalt  }
0x48: {  	_ =	shalt  }
0x49: {  	_ =	shalt  }
0x4a: {  	_ =	shalt  }
0x4b: {  	_ =	shalt  }
0x4c: {  	_ =	shalt  }
0x4d: {  	_ =	shalt  }
0x4e: {  	_ =	shalt  }
0x4f: {  	_ =	shalt  }
0x50: {  	_ =	shalt  }
0x51: {  	_ =	shalt  }
0x52: {  	_ =	shalt  }
0x53: {  	_ =	shalt  }
0x54: {  	_ =	shalt  }
0x55: {  	_ =	shalt  }
0x56: {  	_ =	shalt  }
0x57: {  	_ =	shalt  }
0x58: {  	_ =	shalt  }
0x59: {  	_ =	shalt  }
0x5a: {  	_ =	shalt  }
0x5b: {  	_ =	shalt  }
0x5c: {  	_ =	shalt  }
0x5d: {  	_ =	shalt  }
0x5e: {  	_ =	shalt  }
0x5f: {  	_ =	shalt  }
0x60: {  	_ =	shalt  }
0x61: {  	_ =	shalt  }
0x62: {  	_ =	shalt  }
0x63: {  	_ =	shalt  }
0x64: {  	_ =	shalt  }
0x65: {  	_ =	shalt  }
0x66: {  	_ =	shalt  }
0x67: {  	_ =	shalt  }
0x68: {  	_ =	shalt  }
0x69: {  	_ =	shalt  }
0x6a: {  	_ =	shalt  }
0x6b: {  	_ =	shalt  }
0x6c: {  	_ =	shalt  }
0x6d: {  	_ =	shalt  }
0x6e: {  	_ =	shalt  }
0x6f: {  	_ =	shalt  }
0x70: {  	_ =	shalt  }
0x71: {  	_ =	shalt  }
0x72: {  	_ =	shalt  }
0x73: {  	_ =	shalt  }
0x74: {  	_ =	shalt  }
0x75: {  	_ =	shalt  }
0x76: {  	_ =	shalt  }
0x77: {  	_ =	shalt  }
0x78: {  	_ =	shalt  }
0x79: {  	_ =	shalt  }
0x7a: {  	_ =	shalt  }
0x7b: {  	_ =	shalt  }
0x7c: {  	_ =	shalt  }
0x7d: {  	_ =	shalt  }
0x7e: {  	_ =	shalt  }
0x7f: {  	_ =	shalt  }
0x80: {  	_ =	shalt  }
0x81: {  	_ =	shalt  }
0x82: {  	_ =	shalt  }
0x83: {  	_ =	shalt  }
0x84: {  	_ =	shalt  }
0x85: {  	_ =	shalt  }
0x86: {  	_ =	shalt  }
0x87: {  	_ =	shalt  }
.Lfunc_end0:
.L_simem_size_0:
called_computation.6_lowered:
.L_overlay_start_0:
0x88: {  	s2 =	sld [smem:$0x3FD9]  }
0x89: {  	s3 =	sld [smem:$0x3FFE];
	_ =	sdelay $0x1  }
0x8a: {  	s1 =	srdreg.scid  }
0x8b: {  	s0 =	sand.u32 $0x1, s1  }
0x8c: {  	s16 =	sshll.u32 s0, $0xA;
	s2 =	sadd.s32 s3, s2  }
0x8d: {  	s2 =	sadd.s32 s2, s16  }
0x8e: {  	[smem:$0x3FB4] =	sst s2  }
0x8f: {  	_ = 	snop  }
0x90: {  	(tm) =	ssettm $0x1  }
0x91: {  	s17 =	sld [smem:$0x3FFB];
	_ =	sdelay $0x3  }
0x92: {  	_ =	strace s17  }
0x93: {  	s2 =	sld [smem:$0x3FFC];
	_ =	sdelay $0x3  }
0x94: {  	_ =	strace s2  }
0x95: {  	s2 =	sld [smem:$0x3FFD];
	_ =	sdelay $0x3  }
0x96: {  	_ =	strace s2  }
0x97: {  	_ =	strace $0x8FFFFFFF  }
0x98: {  	s18 =	sld [smem:$0x3FDB];
	_ =	sdelay $0x1  }
0x99: {  	s19 =	simm.s32 $_scs_section_size  }
0x9a: {  	s4 =	simm.s32 $_size__tile_overlayer_lowered;
	s5 =	simm.s32 $_tile_overlayer_lowered  }
0x9b: {  	s22 =	simm.s32 $0x1BFF;
	s21 =	sshll.u32 s5, $0x1;
	s2 =	sadd.s32 s19, s18  }
0x9c: {  	s6 =	simm.s32 $0x0;
	s20 =	sshll.u32 s4, $0x1;
	s4 =	sadd.s32 s21, s2  }
0x9d: {  	[timem:s6], [sflag:s22] =	dma.local [hbm:s4], s20  }
0x9e: {  	_ =	swait.ge [sflag:s22], s20  }
0x9f: {  	s3 =	ssub.s32 $0x0, s20;
	[sflag:s22] =	ssyncset.done $0x0  }
0xa0: {  	[sflag:s22] =	ssyncadd.s32 s3;
	_ =	sdelay $0x1  }
0xa1: {  	s23 =	simm.s32 $0x1B8B  }
0xa2: {  	_ =	swait.ge [sflag:s23], $0x1  }
0xa3: {  	[sflag:s23] =	ssyncset.done $0x0  }
0xa4: {  	s25 =	simm.s32 $0x1B8E;
	s24 =	sld [smem:$0x3FFE];
	[sflag:s23] =	ssyncadd.s32 $0xFFFFFFFF  }
0xa5: {  	s26 =	simm.s32 $execute0_lowered;
	[smem:$0x3FD2] =	sst s25  }
0xa6: {  	s4 =	sshll.u32 s26, $0x1;
	_ =	strace $0x80000052;
	[dreg:$0x1] =	wrdreg $0xFFFFFFFF  }
0xa7: {  	s28 =	simm.s32 $_size_execute0_lowered;
	s2 =	sadd.s32 s2, s4;
	[dreg:$0x0] =	wrdreg $0x0  }
0xa8: {  	s4 =	sshll.u32 s28, $0x1;
	[dreg:$0x2] =	wrdreg s2  }
0xa9: {  	[dreg:$0x3] =	wrdreg s4  }
0xaa: {  	[dreg:$0x4] =	wrdreg $0xC0  }
0xab: {  	_ =	task [dreg:s6], $0x5FFFF  }
0xac: {  	[dreg:$0x1] =	wrdreg $0xFFFFFFFF  }
0xad: {  	[dreg:$0x0] =	wrdreg $0x60  }
0xae: {  	[dreg:$0x2] =	wrdreg s24  }
0xaf: {  	[dreg:$0x3] =	wrdreg $0x90000  }
0xb0: {  	[dreg:$0x4] =	wrdreg $0xB  }
0xb1: {  	_ =	task.clear_ibuf [dreg:s6], $0x5FFFF;
	_ =	strace $0x90000052  }
0xb2: {  	s29 =	simm.s32 $0xB;
	_ =	strace $0x80000054  }
0xb3: {  	_ =	swait.ge [sflag:s29], $0x1  }
0xb4: {  	[sflag:s29] =	ssyncadd.s32 $0xFFFFFFFF  }
0xb5: {  	_ =	strace $0x90000054  }
0xb6: {  	_ =	sfence  }
0xb7: {  	s30 =	sld [smem:$0x0];
	_ =	sdelay $0x2  }
0xb8: {  	s31 =	sshll.u32 s1, $0xD;
	s1 =	sshrl.u32 s1, $0x2  }
0xb9: {  	s3 =	sand.u32 $0x4000, s31;
	s1 =	sadd.s32 s1, s30  }
0xba: {  	s0 =	sor.u32 s3, s0;
	s1 =	sshll.u32 s1, $0x11  }
0xbb: {  	s0 =	sor.u32 s1, s0  }
0xbc: {  	s0 =	sadd.s32 $0x8F2B, s0  }
0xbd: {  	[sflag:s0] =	ssyncadd.remote.s32 $0x1  }
0xbe: {  	_ =	sfence.sel $0xFFFF  }
0xbf: {  	[dreg:$0x0] =	wrdreg $0xFFFFFFFF;
	(pc) =	sbr.abs _section_cstart, $3  }
0xc0: {  	[dreg:$0x1] =	wrdreg $0xFFFFFFFF  }
0xc1: {  	_ =	task.clear_ibuf [dreg:s6], $0x2FFFF;
	_ =	strace $0x9FFFFFFF  }
0xc2: {  	(tm) =	ssettm $0x7FFFFFFF  }
0xc3: {  	_ =	shalt  }
tec
execute0_lowered:
.L_overlay_start_1:
0x0: {  	(tag) =	ssettag $0x1  }
0x1: {  	s6 =	rddreg [dreg:$0x0]  }
0x2: {  	s0 =	srdreg.scid;
	s2 =	rddreg [dreg:$0x1]  }
0x3: {  	s3 =	simm.s32 $0x0;
	s5 =	sand.u32 $0x1, s0;
	s0 =	stileid.u32  }
0x4: {  	s13 =	simm.s32 $0x80;
	s14 =	simm.s32 $0x5000;
	s16 =	smul.u32 $0x2780, s0  }
0x5: {  	s15 =	simm.s32 $0x1;
	[smem:$0x7FF] =	sst s3;
	s8 =	smul.u32 $0x27800, s5  }
0x6: {  	s1 =	sshll.u32 s5, $0x4;
	s5 =	ssub.s32 $0x2, s5;
	s9 =	smul.u32 $0x4F000, s0  }
0x7: {  	s31 =	sshll.u32 s0, $0x6;
	s4 =	sor.u32 s0, s1;
	s1 =	rddreg [dreg:$0x2]  }
0x8: {  	_ =	strace $0x80000053;
	s30 =	sshrl.u32 s5, $0x1;
	s7 =	smul.u32 $0x500, s4  }
0x9: {  	s4 =	sadd.s32 $0x1D000, s6;
	s10 =	sadd.s32 s16, s6;
	s9 =	sshrl.u32 s9, $0x2  }
0xa: {  	s8 =	sadd.s32 s8, s6;
	s11 =	ssub.s32 s5, s30;
	s12 =	sadd.s32 s9, s2  }
0xb: {  	s17 =	sadd.s32 $0x10B800, s8;
	s8 =	smax.u32 s11, $0x1;
	s9 =	simm.s32 $0x2  }
0xc: {  	s11 =	sor.u32 $0x1C02, s31;
	s7 =	sadd.s32 s7, s6;
	s12 =	sshrl.u32 s12, $0x3  }
0xd: {  	s16 =	sadd.s32 s16, s17;
	s17 =	simm.s32 $0x0;
	s5 =	sadd.s32 $0x9000, s7  }
0xe: {  	s6 =	sadd.s32 $0x13000, s7;
	s7 =	sadd.s32 $0x44800, s10;
	s10 =	simm.s32 $0x2800  }
.LBB2_1:
0xf: {  	[tilespmem:s3], [sflag:$0x2] =	stream.linear.gather [hbm4b:s5+s3], $0x2800, $0x38;
	[tilespmem:$0x1CC00] =	vst v63  }
0x10: {  	_ =	swait.ge [sflag:s9], $0x2800  }
0x11: {  	[sflag:s9] =	ssyncset.done $0x0  }
0x12: {  	[sflag:s9] =	ssyncadd.s32 $0xFFFFD800  }
0x13: {  	[tilespmem:s10], [sflag:$0x2] =	stream.linear.gather [hbm4b:s6+s3], $0x2800, $0x38;
	[tilespmem:$0x1CC00] =	vst v63  }
0x14: {  	_ =	swait.ge [sflag:s9], $0x2800  }
0x15: {  	[sflag:s9] =	ssyncset.done $0x0  }
0x16: {  	[sflag:s9] =	ssyncadd.s32 $0xFFFFD800  }
0x17: {  	[spmem:s12], [sflag:s11] =	dma.local [hbm:s7], $0x2780  }
0x18: {  	_ =	swait.ge [sflag:s9], $0x2780  }
0x19: {  	[sflag:s9] =	ssyncset.done $0x0  }
0x1a: {  	[sflag:s9] =	ssyncadd.s32 $0xFFFFD880  }
0x1b: {  	s18 =	simm.s32 $0x0;
	[bflag:$0x0] =	sbarrier.arrive $0xFFFF  }
0x1c: {  	[tilespmem:s14], [sflag:$0x1] =	stream.indirect.gather [hbm4b:s4+s13], $0x80, s18, s13, $0xb8;
	[tilespmem:$0x1CC00] =	vst v63  }
0x1d: {  	_ =	swait.ge [sflag:s15], $0x4000  }
0x1e: {  	[sflag:s15] =	ssyncset.done $0x0  }
0x1f: {  	s31 =	simm.s32 $0x2800;
	[sflag:s15] =	ssyncadd.s32 $0xFFFFC000  }
0x20: {  	[spmem:s2] =	stream.indirect.scatter.add.f32 [tilespmem:s14], [sflag:$0x2], $0x80, s31, s13, $0xb8;
	[tilespmem:$0x1CC00] =	vst v63  }
0x21: {  	_ =	swait.ge [sflag:s9], $0x4000  }
0x22: {  	s19 =	simm.s32 $0x400;
	s18 =	simm.s32 $0x200;
	[sflag:s9] =	ssyncset.done $0x0  }
.LBB2_2:
0x23: {  	s20 =	sshra.s32 s18, $0x2  }
0x24: {  	[sflag:s9] =	ssyncadd.s32 $0xFFFFC000;
	s18 =	smov.u32 s19;
	s21 =	sadd.s32 $0x200, s19  }
0x25: {  	[tilespmem:s14], [sflag:$0x1] =	stream.indirect.gather [hbm4b:s4+s13], $0x80, s20, s13, $0xb8;
	[tilespmem:$0x1CC00] =	vst v63  }
0x26: {  	p0 =	sne.s32 s19, $0x9E00;
	_ =	swait.ge [sflag:s15], $0x4000  }
.Ltmp0:
0x27: {  	[sflag:s15] =	ssyncset.done $0x0;
	(pc) =	sbr.rel @p0 .LBB2_2-.Ltmp0, $4  }
0x28: {  	s19 =	sadd.s32 $0x2800, s20;
	[sflag:s15] =	ssyncadd.s32 $0xFFFFC000  }
0x29: {  	[spmem:s2] =	stream.indirect.scatter.add.f32 [tilespmem:s14], [sflag:$0x2], $0x80, s19, s13, $0xb8;
	[tilespmem:$0x1CC00] =	vst v63  }
0x2a: {  	_ =	swait.ge [sflag:s9], $0x4000  }
0x2b: {  	s19 =	smov.u32 s21;
	[sflag:s9] =	ssyncset.done $0x0  }
0x2c: {  	s18 =	sshra.s32 s18, $0x2;
	[sflag:s9] =	ssyncadd.s32 $0xFFFFC000  }
0x2d: {  	[tilespmem:s14], [sflag:$0x1] =	stream.indirect.gather [hbm4b:s4+s13], $0x80, s18, s13, $0xb8;
	[tilespmem:$0x1CC00] =	vst v63  }
0x2e: {  	_ =	swait.ge [sflag:s15], $0x4000  }
0x2f: {  	[sflag:s15] =	ssyncset.done $0x0  }
0x30: {  	s18 =	sadd.s32 $0x2800, s18;
	[sflag:s15] =	ssyncadd.s32 $0xFFFFC000  }
0x31: {  	[spmem:s2] =	stream.indirect.scatter.add.f32 [tilespmem:s14], [sflag:$0x2], $0x80, s18, s13, $0xb8;
	[tilespmem:$0x1CC00] =	vst v63  }
0x32: {  	_ =	swait.ge [sflag:s9], $0x4000  }
0x33: {  	s17 =	sadd.s32 $0x1, s17;
	[sflag:s9] =	ssyncset.done $0x0  }
0x34: {  	p0 =	sne.s32 s17, s8;
	[sflag:s9] =	ssyncadd.s32 $0xFFFFC000  }
.Ltmp1:
0x35: {  	[bflag:$0x0] =	sbarrier.arrive $0xFFFF;
	(pc) =	sbr.rel @p0 .LBB2_1-.Ltmp1, $4  }
0x36: {  	[hbm:s16], [sflag:s11] =	dma.local [spmem:s12], $0x2780  }
0x37: {  	_ =	swait.ge [sflag:s9], $0x2780  }
0x38: {  	[sflag:s9] =	ssyncset.done $0x0  }
0x39: {  	[sflag:s9] =	ssyncadd.s32 $0xFFFFD880  }
0x3a: {  	_ =	sfence.sel $0x180000  }
0x3b: {  	[bflag:$0x0] =	sbarrier.arrive $0xFFFF  }
0x3c: {  	p0 =	sne.s32 s0, $0x0;
	_ =	strace $0x90000053  }
0x3d: {  	s0 =	sadd.s32 @!p0 $0x100000, s1;
	[bflag:$0x2] =	sbarrier.arrive $0xFFFF  }
0x3e: {  	[sflag:s0] =	ssyncadd.tile.s32 @!p0 $0x1;
	_ =	shalt  }
.Lfunc_end2:
_tile_overlayer_lowered:
.L_overlay_start_2:
0x3f: {  	(tag) =	ssettag $0x2  }
0x40: {  	s0 =	rddreg [dreg:$0x0];
	s2 =	stileid.u32  }
0x41: {  	s1 =	rddreg [dreg:$0x1];
	p0 =	sne.s32 s2, $0x0  }
0x42: {  	s3 =	rddreg [dreg:$0x2];
	[bflag:$0x3] =	sbarrier.arrive $0xFFFF;
	s2 =	simm.s32 @!p0 $0x1C02  }
0x43: {  	[timem:s3], [sflag:s2] =	dma.local @!p0 [hbm:s0], s1  }
0x44: {  	s0 =	simm.s32 @!p0 $0x2  }
0x45: {  	_ =	swait.ge @!p0 [sflag:s0], s1  }
0x46: {  	s1 =	ssub.s32 @!p0 $0x0, s1;
	[sflag:s0] =	ssyncset.done @!p0 $0x0  }
0x47: {  	[sflag:s0] =	ssyncadd.s32 @!p0 s1  }
0x48: {  	[bflag:$0x3] =	sbarrier.arrive $0xFFFF  }
0x49: {  	_ =	shalt  }

// kernel: kernel.38.cloned.1.call-start
scs
__scs_entry_jumppad:
0x0: {  	(pc) =	sbr.rel $0x88, $3  }
0x1: {  	(tag) =	ssettag $0x0;
	lr =	simm.s32 $0x1  }
0x2: {  	[smem:$0x3F8D] =	sst lr;
	_ =	strace $0xD0000000  }
0x3: {  	_ = 	snop  }
0x4: {  	_ = 	snop  }
0x5: {  	_ = 	snop  }
0x6: {  	_ = 	snop  }
0x7: {  	_ = 	snop  }
__scs_overlays_trampoline_lowered:
0x8: {  	[smem:$0x3F9C] =	sst s0  }
0x9: {  	[smem:$0x3F9D] =	sst s1  }
0xa: {  	[smem:$0x3F9E] =	sst s2  }
0xb: {  	[smem:$0x3F9F] =	sst s3  }
0xc: {  	[smem:$0x3FA0] =	sst s4  }
0xd: {  	[smem:$0x3FA1] =	sst s5  }
0xe: {  	[smem:$0x3FA2] =	sst s6  }
0xf: {  	[smem:$0x3FA3] =	sst s7  }
0x10: {  	[smem:$0x3FA4] =	sst s8  }
0x11: {  	[smem:$0x3FA5] =	sst s9;
	s0 =	simm.s32 @!p0 $0x0  }
0x12: {  	s1 =	sld [smem:$0x3F8B];
	s0 =	simm.s32 @p0 $0x1  }
0x13: {  	[smem:$0x3FA6] =	sst s0;
	s0 =	simm.s32 @!p1 $0x0  }
0x14: {  	s2 =	sld [smem:$0x3F8A];
	s0 =	simm.s32 @p1 $0x1  }
0x15: {  	[smem:$0x3FA7] =	sst s0;
	s0 =	simm.s32 @!p2 $0x0  }
0x16: {  	s3 =	sld [smem:$0x3FDB];
	s0 =	simm.s32 @p2 $0x1  }
0x17: {  	s4 =	simm.s32 $0x1BF5;
	[smem:$0x3FA9] =	sst s0  }
0x18: {  	s0 =	sld [smem:$0x3F8C];
	_ =	swait.ge [sflag:s4], $0x0  }
0x19: {  	s7 =	sld [smem:$0x3F8D]  }
0x1a: {  	s8 =	sadd.s32 $0xFFFFE003, lr  }
0x1b: {  	s9 =	sadd.s32 $0xFFFFFEF7, lr;
	s5 =	simm.s32 $0xFFFFFFFF;
	p2 =	slt.u32 s8, $0xFFFFF086  }
0x1c: {  	p1 =	slt.u32 s9, $0xF7A;
	s5 =	simm.s32 @!p2 $0x0  }
0x1d: {  	s5 =	simm.s32 @p1 $0x1;
	p0 =	seq.s32 s7, s2  }
0x1e: {  	s7 =	smul.u32 @!p0 $0xF7A, s2;
	p2 =	seq.s32 @!p0 s5, $0x0  }
0x1f: {  	s9 =	smul.u32 $0xF7A, s1;
	s8 =	simm.s32 @!p0 $0x1BF5;
	p2 =	por !p2, p0  }
0x20: {  	[sflag:s8] =	ssyncset.s32 @!p0 $0xFFFFF086;
	s6 =	sadd.s32 @!p0 s3, s7;
	s7 =	simm.s32 @!p0 $0x108  }
0x21: {  	s3 =	sadd.s32 s3, s9;
	s6 =	sadd.s32 @!p0 $0x88, s6;
	s7 =	simm.s32 @p2 $0x1082  }
0x22: {  	[simem:s7], [sflag:s8] =	dma.local @!p0 [hbm:s6], $0xF7A  }
0x23: {  	s9 =	sor.u32 $0xD0000000, s2;
	s6 =	simm.s32 $0x108;
	_ =	swait.ge @!p0 [sflag:s8], $0x0  }
0x24: {  	s3 =	sadd.s32 $0x88, s3;
	s6 =	simm.s32 @!p1 $0x1082;
	[sflag:s4] =	ssyncset.s32 $0xFFFFF086  }
0x25: {  	[simem:s6], [sflag:s4] =	dma.local [hbm:s3], $0xF7A  }
0x26: {  	[smem:$0x3F8D] =	sst s1;
	(tag) =	ssettag s2;
	_ =	strace s9  }
0x27: {  	s1 =	sld [smem:$0x3F9D]  }
0x28: {  	s2 =	sld [smem:$0x3F9E]  }
0x29: {  	s4 =	sld [smem:$0x3FA0]  }
0x2a: {  	p0 =	seq.s32 s5, $0x0;
	s5 =	sld [smem:$0x3FA1]  }
0x2b: {  	s6 =	sld [smem:$0x3FA2]  }
0x2c: {  	s7 =	sld [smem:$0x3FA3]  }
0x2d: {  	s3 =	simm.s32 $0x108;
	s8 =	sld [smem:$0x3FA4]  }
0x2e: {  	s3 =	simm.s32 @!p0 $0x1082;
	s9 =	sld [smem:$0x3FA5]  }
0x2f: {  	lr =	sadd.s32 s0, s3;
	s0 =	sld [smem:$0x3F9C]  }
0x30: {  	s3 =	sld [smem:$0x3F9F]  }
0x31: {  	[smem:$0x3FA8] =	sst s10  }
0x32: {  	s10 =	sld [smem:$0x3FA6];
	_ =	sdelay $0x3  }
0x33: {  	p0 =	seq.s32 s10, $0x1;
	s10 =	sld [smem:$0x3FA8];
	_ =	sdelay $0x3  }
0x34: {  	[smem:$0x3FA8] =	sst s10  }
0x35: {  	s10 =	sld [smem:$0x3FA7];
	_ =	sdelay $0x3  }
0x36: {  	p1 =	seq.s32 s10, $0x1;
	s10 =	sld [smem:$0x3FA8];
	_ =	sdelay $0x3  }
0x37: {  	[smem:$0x3FA8] =	sst s10  }
0x38: {  	s10 =	sld [smem:$0x3FA9]  }
0x39: {  	_ = 	snop;
	(pc) =	sbr.ind lr, $3  }
0x3a: {  	_ = 	snop  }
0x3b: {  	_ = 	snop  }
0x3c: {  	p2 =	seq.s32 s10, $0x1;
	s10 =	sld [smem:$0x3FA8]  }
0x3d: {  	_ =	shalt  }
0x3e: {  	_ =	shalt  }
0x3f: {  	_ =	shalt  }
0x40: {  	_ =	shalt  }
0x41: {  	_ =	shalt  }
0x42: {  	_ =	shalt  }
0x43: {  	_ =	shalt  }
0x44: {  	_ =	shalt  }
0x45: {  	_ =	shalt  }
0x46: {  	_ =	shalt  }
0x47: {  	_ =	shalt  }
0x48: {  	_ =	shalt  }
0x49: {  	_ =	shalt  }
0x4a: {  	_ =	shalt  }
0x4b: {  	_ =	shalt  }
0x4c: {  	_ =	shalt  }
0x4d: {  	_ =	shalt  }
0x4e: {  	_ =	shalt  }
0x4f: {  	_ =	shalt  }
0x50: {  	_ =	shalt  }
0x51: {  	_ =	shalt  }
0x52: {  	_ =	shalt  }
0x53: {  	_ =	shalt  }
0x54: {  	_ =	shalt  }
0x55: {  	_ =	shalt  }
0x56: {  	_ =	shalt  }
0x57: {  	_ =	shalt  }
0x58: {  	_ =	shalt  }
0x59: {  	_ =	shalt  }
0x5a: {  	_ =	shalt  }
0x5b: {  	_ =	shalt  }
0x5c: {  	_ =	shalt  }
0x5d: {  	_ =	shalt  }
0x5e: {  	_ =	shalt  }
0x5f: {  	_ =	shalt  }
0x60: {  	_ =	shalt  }
0x61: {  	_ =	shalt  }
0x62: {  	_ =	shalt  }
0x63: {  	_ =	shalt  }
0x64: {  	_ =	shalt  }
0x65: {  	_ =	shalt  }
0x66: {  	_ =	shalt  }
0x67: {  	_ =	shalt  }
0x68: {  	_ =	shalt  }
0x69: {  	_ =	shalt  }
0x6a: {  	_ =	shalt  }
0x6b: {  	_ =	shalt  }
0x6c: {  	_ =	shalt  }
0x6d: {  	_ =	shalt  }
0x6e: {  	_ =	shalt  }
0x6f: {  	_ =	shalt  }
0x70: {  	_ =	shalt  }
0x71: {  	_ =	shalt  }
0x72: {  	_ =	shalt  }
0x73: {  	_ =	shalt  }
0x74: {  	_ =	shalt  }
0x75: {  	_ =	shalt  }
0x76: {  	_ =	shalt  }
0x77: {  	_ =	shalt  }
0x78: {  	_ =	shalt  }
0x79: {  	_ =	shalt  }
0x7a: {  	_ =	shalt  }
0x7b: {  	_ =	shalt  }
0x7c: {  	_ =	shalt  }
0x7d: {  	_ =	shalt  }
0x7e: {  	_ =	shalt  }
0x7f: {  	_ =	shalt  }
0x80: {  	_ =	shalt  }
0x81: {  	_ =	shalt  }
0x82: {  	_ =	shalt  }
0x83: {  	_ =	shalt  }
0x84: {  	_ =	shalt  }
0x85: {  	_ =	shalt  }
0x86: {  	_ =	shalt  }
0x87: {  	_ =	shalt  }
.Lfunc_end0:
.L_simem_size_0:
called_computation.7_lowered:
.L_overlay_start_0:
0x88: {  	s2 =	sld [smem:$0x3FD9]  }
0x89: {  	s3 =	sld [smem:$0x3FFE];
	_ =	sdelay $0x1  }
0x8a: {  	s1 =	srdreg.scid  }
0x8b: {  	s0 =	sand.u32 $0x1, s1  }
0x8c: {  	s17 =	sshll.u32 s0, $0xA;
	s2 =	sadd.s32 s3, s2  }
0x8d: {  	s2 =	sadd.s32 s2, s17  }
0x8e: {  	[smem:$0x3FB4] =	sst s2  }
0x8f: {  	_ = 	snop  }
0x90: {  	(tm) =	ssettm $0x1  }
0x91: {  	s18 =	sld [smem:$0x3FFB];
	_ =	sdelay $0x3  }
0x92: {  	_ =	strace s18  }
0x93: {  	s2 =	sld [smem:$0x3FFC];
	_ =	sdelay $0x3  }
0x94: {  	_ =	strace s2  }
0x95: {  	s2 =	sld [smem:$0x3FFD];
	_ =	sdelay $0x3  }
0x96: {  	_ =	strace s2  }
0x97: {  	_ =	strace $0x8FFFFFFF  }
0x98: {  	s19 =	sld [smem:$0x3FDB];
	_ =	sdelay $0x1  }
0x99: {  	s20 =	simm.s32 $_scs_section_size  }
0x9a: {  	s4 =	simm.s32 $_size__tile_overlayer_lowered;
	s5 =	simm.s32 $_tile_overlayer_lowered  }
0x9b: {  	s6 =	simm.s32 $0x1BFF;
	s21 =	sshll.u32 s5, $0x1;
	s3 =	sadd.s32 s20, s19  }
0x9c: {  	s22 =	simm.s32 $0x0;
	s4 =	sshll.u32 s4, $0x1;
	s5 =	sadd.s32 s21, s3  }
0x9d: {  	[timem:s22], [sflag:s6] =	dma.local [hbm:s5], s4  }
0x9e: {  	_ =	swait.ge [sflag:s6], s4  }
0x9f: {  	s4 =	ssub.s32 $0x0, s4;
	[sflag:s6] =	ssyncset.done $0x0  }
0xa0: {  	[sflag:s6] =	ssyncadd.s32 s4;
	_ =	sdelay $0x1  }
0xa1: {  	s23 =	simm.s32 $0x1B8B  }
0xa2: {  	_ =	swait.ge [sflag:s23], $0x1  }
0xa3: {  	[sflag:s23] =	ssyncset.done $0x0  }
0xa4: {  	[sflag:s23] =	ssyncadd.s32 $0xFFFFFFFF  }
0xa5: {  	s4 =	sld [smem:$0x0]  }
0xa6: {  	s5 =	sand.u32 $0xFFFFFFFE, s1  }
0xa7: {  	p0 =	sne.s32 s1, s5  }
0xa8: {  	s5 =	sshll.u32 @p0 s5, $0xE  }
0xa9: {  	s5 =	sadd.s32 @p0 $0x11B8D, s5;
	s6 =	sshll.u32 @p0 s4, $0x11  }
0xaa: {  	s5 =	sor.u32 @p0 s6, s5  }
0xab: {  	[sflag:s5] =	ssyncadd.remote.s32 @p0 $0x1;
	_ =	sdelay $0x1  }
0xac: {  	s5 =	simm.s32 @p0 $0x1B8D  }
0xad: {  	_ =	swait.eq @p0 [sflag:s5], $0x1  }
0xae: {  	[sflag:s5] =	ssyncadd.s32 @p0 $0xFFFFFFFF  }
0xaf: {  	s6 =	sshll.u32 @!p0 s1, $0xE  }
0xb0: {  	s6 =	sor.u32 @!p0 $0x4000, s6;
	s5 =	simm.s32 @!p0 $0x1B8D  }
0xb1: {  	s4 =	sshll.u32 @!p0 s4, $0x11;
	s6 =	sadd.s32 @!p0 $0x11B8D, s6;
	_ =	swait.eq @!p0 [sflag:s5], $0x1  }
0xb2: {  	s4 =	sor.u32 @!p0 s4, s6;
	[sflag:s5] =	ssyncadd.s32 @!p0 $0xFFFFFFFF  }
0xb3: {  	s25 =	simm.s32 $0x1B8E;
	s24 =	sld [smem:$0x3FFE];
	[sflag:s4] =	ssyncadd.remote.s32 @!p0 $0x1  }
0xb4: {  	s26 =	simm.s32 $execute0_lowered;
	[smem:$0x3FD2] =	sst s25  }
0xb5: {  	s5 =	sshll.u32 s26, $0x1;
	_ =	strace $0x80000061;
	[dreg:$0x1] =	wrdreg $0xFFFFFFFF  }
0xb6: {  	s28 =	simm.s32 $_size_execute0_lowered;
	s3 =	sadd.s32 s3, s5;
	[dreg:$0x0] =	wrdreg $0x0  }
0xb7: {  	s5 =	sshll.u32 s28, $0x1;
	[dreg:$0x2] =	wrdreg s3  }
0xb8: {  	[dreg:$0x3] =	wrdreg s5  }
0xb9: {  	[dreg:$0x4] =	wrdreg $0xC0  }
0xba: {  	_ =	task [dreg:s22], $0x5FFFF  }
0xbb: {  	[dreg:$0x1] =	wrdreg $0xFFFFFFFF  }
0xbc: {  	[dreg:$0x0] =	wrdreg $0x60  }
0xbd: {  	[dreg:$0x2] =	wrdreg s24  }
0xbe: {  	[dreg:$0x3] =	wrdreg $0x90000  }
0xbf: {  	[dreg:$0x4] =	wrdreg $0x9  }
0xc0: {  	_ =	task.clear_ibuf [dreg:s22], $0x5FFFF;
	_ =	strace $0x90000061  }
0xc1: {  	s29 =	simm.s32 $0x9;
	_ =	strace $0x80000063  }
0xc2: {  	_ =	swait.ge [sflag:s29], $0x1  }
0xc3: {  	[sflag:s29] =	ssyncadd.s32 $0xFFFFFFFF  }
0xc4: {  	_ =	strace $0x90000063  }
0xc5: {  	_ =	sfence  }
0xc6: {  	s30 =	sld [smem:$0x0];
	_ =	sdelay $0x2  }
0xc7: {  	s31 =	sshll.u32 s1, $0xD;
	s1 =	sshrl.u32 s1, $0x2  }
0xc8: {  	s4 =	sand.u32 $0x4000, s31;
	s1 =	sadd.s32 s1, s30  }
0xc9: {  	s0 =	sor.u32 s4, s0;
	s1 =	sshll.u32 s1, $0x11  }
0xca: {  	s0 =	sor.u32 s1, s0  }
0xcb: {  	s0 =	sadd.s32 $0x8F2B, s0  }
0xcc: {  	[sflag:s0] =	ssyncadd.remote.s32 $0x1  }
0xcd: {  	_ =	sfence.sel $0xFFFF  }
0xce: {  	[dreg:$0x0] =	wrdreg $0xFFFFFFFF;
	(pc) =	sbr.abs _section_cstart, $3  }
0xcf: {  	[dreg:$0x1] =	wrdreg $0xFFFFFFFF  }
0xd0: {  	_ =	task.clear_ibuf [dreg:s22], $0x2FFFF;
	_ =	strace $0x9FFFFFFF  }
0xd1: {  	(tm) =	ssettm $0x7FFFFFFF  }
tec
execute0_lowered:
.L_overlay_start_1:
0x0: {  	(tag) =	ssettag $0x1  }
0x1: {  	s6 =	rddreg [dreg:$0x0]  }
0x2: {  	s0 =	srdreg.scid;
	s2 =	rddreg [dreg:$0x1]  }
0x3: {  	s3 =	simm.s32 $0x0;
	s5 =	sand.u32 $0x1, s0;
	s0 =	stileid.u32  }
0x4: {  	s13 =	simm.s32 $0x80;
	s14 =	simm.s32 $0x5000;
	s16 =	smul.u32 $0x2780, s0  }
0x5: {  	s15 =	simm.s32 $0x1;
	[smem:$0x7FF] =	sst s3;
	s8 =	smul.u32 $0x27800, s5  }
0x6: {  	s1 =	sshll.u32 s5, $0x4;
	s5 =	ssub.s32 $0x2, s5;
	s9 =	smul.u32 $0x4F000, s0  }
0x7: {  	s31 =	sshll.u32 s0, $0x6;
	s4 =	sor.u32 s0, s1;
	s1 =	rddreg [dreg:$0x2]  }
0x8: {  	_ =	strace $0x80000062;
	s30 =	sshrl.u32 s5, $0x1;
	s7 =	smul.u32 $0x500, s4  }
0x9: {  	s4 =	sadd.s32 $0x6C000, s6;
	s10 =	sadd.s32 s16, s6;
	s9 =	sshrl.u32 s9, $0x2  }
0xa: {  	s8 =	sadd.s32 s8, s6;
	s11 =	ssub.s32 s5, s30;
	s12 =	sadd.s32 s9, s2  }
0xb: {  	s17 =	sadd.s32 $0x1A9800, s8;
	s8 =	smax.u32 s11, $0x1;
	s9 =	simm.s32 $0x2  }
0xc: {  	s11 =	sor.u32 $0x1C02, s31;
	s7 =	sadd.s32 s7, s6;
	s12 =	sshrl.u32 s12, $0x3  }
0xd: {  	s16 =	sadd.s32 s16, s17;
	s17 =	simm.s32 $0x0;
	s5 =	sadd.s32 $0x9000, s7  }
0xe: {  	s6 =	sadd.s32 $0x13000, s7;
	s7 =	sadd.s32 $0x44800, s10;
	s10 =	simm.s32 $0x2800  }
.LBB2_1:
0xf: {  	[tilespmem:s3], [sflag:$0x2] =	stream.linear.gather [hbm4b:s5+s3], $0x2800, $0x38;
	[tilespmem:$0x1CC00] =	vst v63  }
0x10: {  	_ =	swait.ge [sflag:s9], $0x2800  }
0x11: {  	[sflag:s9] =	ssyncset.done $0x0  }
0x12: {  	[sflag:s9] =	ssyncadd.s32 $0xFFFFD800  }
0x13: {  	[tilespmem:s10], [sflag:$0x2] =	stream.linear.gather [hbm4b:s6+s3], $0x2800, $0x38;
	[tilespmem:$0x1CC00] =	vst v63  }
0x14: {  	_ =	swait.ge [sflag:s9], $0x2800  }
0x15: {  	[sflag:s9] =	ssyncset.done $0x0  }
0x16: {  	[sflag:s9] =	ssyncadd.s32 $0xFFFFD800  }
0x17: {  	[spmem:s12], [sflag:s11] =	dma.local [hbm:s7], $0x2780  }
0x18: {  	_ =	swait.ge [sflag:s9], $0x2780  }
0x19: {  	[sflag:s9] =	ssyncset.done $0x0  }
0x1a: {  	[sflag:s9] =	ssyncadd.s32 $0xFFFFD880  }
0x1b: {  	s18 =	simm.s32 $0x0;
	[bflag:$0x0] =	sbarrier.arrive $0xFFFF  }
0x1c: {  	[tilespmem:s14], [sflag:$0x1] =	stream.indirect.gather [hbm4b:s4+s13], $0x80, s18, s13, $0xb8;
	[tilespmem:$0x1CC00] =	vst v63  }
0x1d: {  	_ =	swait.ge [sflag:s15], $0x4000  }
0x1e: {  	[sflag:s15] =	ssyncset.done $0x0  }
0x1f: {  	s31 =	simm.s32 $0x2800;
	[sflag:s15] =	ssyncadd.s32 $0xFFFFC000  }
0x20: {  	[spmem:s2] =	stream.indirect.scatter.add.f32 [tilespmem:s14], [sflag:$0x2], $0x80, s31, s13, $0xb8;
	[tilespmem:$0x1CC00] =	vst v63  }
0x21: {  	_ =	swait.ge [sflag:s9], $0x4000  }
0x22: {  	s19 =	simm.s32 $0x400;
	s18 =	simm.s32 $0x200;
	[sflag:s9] =	ssyncset.done $0x0  }
.LBB2_2:
0x23: {  	s20 =	sshra.s32 s18, $0x2  }
0x24: {  	[sflag:s9] =	ssyncadd.s32 $0xFFFFC000;
	s18 =	smov.u32 s19;
	s21 =	sadd.s32 $0x200, s19  }
0x25: {  	[tilespmem:s14], [sflag:$0x1] =	stream.indirect.gather [hbm4b:s4+s13], $0x80, s20, s13, $0xb8;
	[tilespmem:$0x1CC00] =	vst v63  }
0x26: {  	p0 =	sne.s32 s19, $0x9E00;
	_ =	swait.ge [sflag:s15], $0x4000  }
.Ltmp0:
0x27: {  	[sflag:s15] =	ssyncset.done $0x0;
	(pc) =	sbr.rel @p0 .LBB2_2-.Ltmp0, $4  }
0x28: {  	s19 =	sadd.s32 $0x2800, s20;
	[sflag:s15] =	ssyncadd.s32 $0xFFFFC000  }
0x29: {  	[spmem:s2] =	stream.indirect.scatter.add.f32 [tilespmem:s14], [sflag:$0x2], $0x80, s19, s13, $0xb8;
	[tilespmem:$0x1CC00] =	vst v63  }
0x2a: {  	_ =	swait.ge [sflag:s9], $0x4000  }
0x2b: {  	s19 =	smov.u32 s21;
	[sflag:s9] =	ssyncset.done $0x0  }
0x2c: {  	s18 =	sshra.s32 s18, $0x2;
	[sflag:s9] =	ssyncadd.s32 $0xFFFFC000  }
0x2d: {  	[tilespmem:s14], [sflag:$0x1] =	stream.indirect.gather [hbm4b:s4+s13], $0x80, s18, s13, $0xb8;
	[tilespmem:$0x1CC00] =	vst v63  }
0x2e: {  	_ =	swait.ge [sflag:s15], $0x4000  }
0x2f: {  	[sflag:s15] =	ssyncset.done $0x0  }
0x30: {  	s18 =	sadd.s32 $0x2800, s18;
	[sflag:s15] =	ssyncadd.s32 $0xFFFFC000  }
0x31: {  	[spmem:s2] =	stream.indirect.scatter.add.f32 [tilespmem:s14], [sflag:$0x2], $0x80, s18, s13, $0xb8;
	[tilespmem:$0x1CC00] =	vst v63  }
0x32: {  	_ =	swait.ge [sflag:s9], $0x4000  }
0x33: {  	s17 =	sadd.s32 $0x1, s17;
	[sflag:s9] =	ssyncset.done $0x0  }
0x34: {  	p0 =	sne.s32 s17, s8;
	[sflag:s9] =	ssyncadd.s32 $0xFFFFC000  }
.Ltmp1:
0x35: {  	[bflag:$0x0] =	sbarrier.arrive $0xFFFF;
	(pc) =	sbr.rel @p0 .LBB2_1-.Ltmp1, $4  }
0x36: {  	[hbm:s16], [sflag:s11] =	dma.local [spmem:s12], $0x2780  }
0x37: {  	_ =	swait.ge [sflag:s9], $0x2780  }
0x38: {  	[sflag:s9] =	ssyncset.done $0x0  }
0x39: {  	[sflag:s9] =	ssyncadd.s32 $0xFFFFD880  }
0x3a: {  	_ =	sfence.sel $0x180000  }
0x3b: {  	[bflag:$0x0] =	sbarrier.arrive $0xFFFF  }
0x3c: {  	p0 =	sne.s32 s0, $0x0;
	_ =	strace $0x90000062  }
0x3d: {  	s0 =	sadd.s32 @!p0 $0x100000, s1;
	[bflag:$0x2] =	sbarrier.arrive $0xFFFF  }
0x3e: {  	[sflag:s0] =	ssyncadd.tile.s32 @!p0 $0x1;
	_ =	shalt  }
.Lfunc_end2:
_tile_overlayer_lowered:
.L_overlay_start_2:
0x3f: {  	(tag) =	ssettag $0x2  }
0x40: {  	s0 =	rddreg [dreg:$0x0];
	s2 =	stileid.u32  }
0x41: {  	s1 =	rddreg [dreg:$0x1];
	p0 =	sne.s32 s2, $0x0  }
0x42: {  	s3 =	rddreg [dreg:$0x2];
	[bflag:$0x3] =	sbarrier.arrive $0xFFFF;
	s2 =	simm.s32 @!p0 $0x1C02  }
0x43: {  	[timem:s3], [sflag:s2] =	dma.local @!p0 [hbm:s0], s1  }
0x44: {  	s0 =	simm.s32 @!p0 $0x2  }
0x45: {  	_ =	swait.ge @!p0 [sflag:s0], s1  }
0x46: {  	s1 =	ssub.s32 @!p0 $0x0, s1;
	[sflag:s0] =	ssyncset.done @!p0 $0x0  }
0x47: {  	[sflag:s0] =	ssyncadd.s32 @!p0 s1  }
0x48: {  	[bflag:$0x3] =	sbarrier.arrive $0xFFFF  }
0x49: {  	_ =	shalt  }

// kernel: kernel.41.cloned.1.call-start
scs
__scs_entry_jumppad:
0x0: {  	(pc) =	sbr.rel $0x88, $3  }
0x1: {  	(tag) =	ssettag $0x0;
	lr =	simm.s32 $0x1  }
0x2: {  	[smem:$0x3F8D] =	sst lr;
	_ =	strace $0xD0000000  }
0x3: {  	_ = 	snop  }
0x4: {  	_ = 	snop  }
0x5: {  	_ = 	snop  }
0x6: {  	_ = 	snop  }
0x7: {  	_ = 	snop  }
__scs_overlays_trampoline_lowered:
0x8: {  	[smem:$0x3F9C] =	sst s0  }
0x9: {  	[smem:$0x3F9D] =	sst s1  }
0xa: {  	[smem:$0x3F9E] =	sst s2  }
0xb: {  	[smem:$0x3F9F] =	sst s3  }
0xc: {  	[smem:$0x3FA0] =	sst s4  }
0xd: {  	[smem:$0x3FA1] =	sst s5  }
0xe: {  	[smem:$0x3FA2] =	sst s6  }
0xf: {  	[smem:$0x3FA3] =	sst s7  }
0x10: {  	[smem:$0x3FA4] =	sst s8  }
0x11: {  	[smem:$0x3FA5] =	sst s9;
	s0 =	simm.s32 @!p0 $0x0  }
0x12: {  	s1 =	sld [smem:$0x3F8B];
	s0 =	simm.s32 @p0 $0x1  }
0x13: {  	[smem:$0x3FA6] =	sst s0;
	s0 =	simm.s32 @!p1 $0x0  }
0x14: {  	s2 =	sld [smem:$0x3F8A];
	s0 =	simm.s32 @p1 $0x1  }
0x15: {  	[smem:$0x3FA7] =	sst s0;
	s0 =	simm.s32 @!p2 $0x0  }
0x16: {  	s3 =	sld [smem:$0x3FDB];
	s0 =	simm.s32 @p2 $0x1  }
0x17: {  	s4 =	simm.s32 $0x1BF5;
	[smem:$0x3FA9] =	sst s0  }
0x18: {  	s0 =	sld [smem:$0x3F8C];
	_ =	swait.ge [sflag:s4], $0x0  }
0x19: {  	s7 =	sld [smem:$0x3F8D]  }
0x1a: {  	s8 =	sadd.s32 $0xFFFFE003, lr  }
0x1b: {  	s9 =	sadd.s32 $0xFFFFFEF7, lr;
	s5 =	simm.s32 $0xFFFFFFFF;
	p2 =	slt.u32 s8, $0xFFFFF086  }
0x1c: {  	p1 =	slt.u32 s9, $0xF7A;
	s5 =	simm.s32 @!p2 $0x0  }
0x1d: {  	s5 =	simm.s32 @p1 $0x1;
	p0 =	seq.s32 s7, s2  }
0x1e: {  	s7 =	smul.u32 @!p0 $0xF7A, s2;
	p2 =	seq.s32 @!p0 s5, $0x0  }
0x1f: {  	s9 =	smul.u32 $0xF7A, s1;
	s8 =	simm.s32 @!p0 $0x1BF5;
	p2 =	por !p2, p0  }
0x20: {  	[sflag:s8] =	ssyncset.s32 @!p0 $0xFFFFF086;
	s6 =	sadd.s32 @!p0 s3, s7;
	s7 =	simm.s32 @!p0 $0x108  }
0x21: {  	s3 =	sadd.s32 s3, s9;
	s6 =	sadd.s32 @!p0 $0x88, s6;
	s7 =	simm.s32 @p2 $0x1082  }
0x22: {  	[simem:s7], [sflag:s8] =	dma.local @!p0 [hbm:s6], $0xF7A  }
0x23: {  	s9 =	sor.u32 $0xD0000000, s2;
	s6 =	simm.s32 $0x108;
	_ =	swait.ge @!p0 [sflag:s8], $0x0  }
0x24: {  	s3 =	sadd.s32 $0x88, s3;
	s6 =	simm.s32 @!p1 $0x1082;
	[sflag:s4] =	ssyncset.s32 $0xFFFFF086  }
0x25: {  	[simem:s6], [sflag:s4] =	dma.local [hbm:s3], $0xF7A  }
0x26: {  	[smem:$0x3F8D] =	sst s1;
	(tag) =	ssettag s2;
	_ =	strace s9  }
0x27: {  	s1 =	sld [smem:$0x3F9D]  }
0x28: {  	s2 =	sld [smem:$0x3F9E]  }
0x29: {  	s4 =	sld [smem:$0x3FA0]  }
0x2a: {  	p0 =	seq.s32 s5, $0x0;
	s5 =	sld [smem:$0x3FA1]  }
0x2b: {  	s6 =	sld [smem:$0x3FA2]  }
0x2c: {  	s7 =	sld [smem:$0x3FA3]  }
0x2d: {  	s3 =	simm.s32 $0x108;
	s8 =	sld [smem:$0x3FA4]  }
0x2e: {  	s3 =	simm.s32 @!p0 $0x1082;
	s9 =	sld [smem:$0x3FA5]  }
0x2f: {  	lr =	sadd.s32 s0, s3;
	s0 =	sld [smem:$0x3F9C]  }
0x30: {  	s3 =	sld [smem:$0x3F9F]  }
0x31: {  	[smem:$0x3FA8] =	sst s10  }
0x32: {  	s10 =	sld [smem:$0x3FA6];
	_ =	sdelay $0x3  }
0x33: {  	p0 =	seq.s32 s10, $0x1;
	s10 =	sld [smem:$0x3FA8];
	_ =	sdelay $0x3  }
0x34: {  	[smem:$0x3FA8] =	sst s10  }
0x35: {  	s10 =	sld [smem:$0x3FA7];
	_ =	sdelay $0x3  }
0x36: {  	p1 =	seq.s32 s10, $0x1;
	s10 =	sld [smem:$0x3FA8];
	_ =	sdelay $0x3  }
0x37: {  	[smem:$0x3FA8] =	sst s10  }
0x38: {  	s10 =	sld [smem:$0x3FA9]  }
0x39: {  	_ = 	snop;
	(pc) =	sbr.ind lr, $3  }
0x3a: {  	_ = 	snop  }
0x3b: {  	_ = 	snop  }
0x3c: {  	p2 =	seq.s32 s10, $0x1;
	s10 =	sld [smem:$0x3FA8]  }
0x3d: {  	_ =	shalt  }
0x3e: {  	_ =	shalt  }
0x3f: {  	_ =	shalt  }
0x40: {  	_ =	shalt  }
0x41: {  	_ =	shalt  }
0x42: {  	_ =	shalt  }
0x43: {  	_ =	shalt  }
0x44: {  	_ =	shalt  }
0x45: {  	_ =	shalt  }
0x46: {  	_ =	shalt  }
0x47: {  	_ =	shalt  }
0x48: {  	_ =	shalt  }
0x49: {  	_ =	shalt  }
0x4a: {  	_ =	shalt  }
0x4b: {  	_ =	shalt  }
0x4c: {  	_ =	shalt  }
0x4d: {  	_ =	shalt  }
0x4e: {  	_ =	shalt  }
0x4f: {  	_ =	shalt  }
0x50: {  	_ =	shalt  }
0x51: {  	_ =	shalt  }
0x52: {  	_ =	shalt  }
0x53: {  	_ =	shalt  }
0x54: {  	_ =	shalt  }
0x55: {  	_ =	shalt  }
0x56: {  	_ =	shalt  }
0x57: {  	_ =	shalt  }
0x58: {  	_ =	shalt  }
0x59: {  	_ =	shalt  }
0x5a: {  	_ =	shalt  }
0x5b: {  	_ =	shalt  }
0x5c: {  	_ =	shalt  }
0x5d: {  	_ =	shalt  }
0x5e: {  	_ =	shalt  }
0x5f: {  	_ =	shalt  }
0x60: {  	_ =	shalt  }
0x61: {  	_ =	shalt  }
0x62: {  	_ =	shalt  }
0x63: {  	_ =	shalt  }
0x64: {  	_ =	shalt  }
0x65: {  	_ =	shalt  }
0x66: {  	_ =	shalt  }
0x67: {  	_ =	shalt  }
0x68: {  	_ =	shalt  }
0x69: {  	_ =	shalt  }
0x6a: {  	_ =	shalt  }
0x6b: {  	_ =	shalt  }
0x6c: {  	_ =	shalt  }
0x6d: {  	_ =	shalt  }
0x6e: {  	_ =	shalt  }
0x6f: {  	_ =	shalt  }
0x70: {  	_ =	shalt  }
0x71: {  	_ =	shalt  }
0x72: {  	_ =	shalt  }
0x73: {  	_ =	shalt  }
0x74: {  	_ =	shalt  }
0x75: {  	_ =	shalt  }
0x76: {  	_ =	shalt  }
0x77: {  	_ =	shalt  }
0x78: {  	_ =	shalt  }
0x79: {  	_ =	shalt  }
0x7a: {  	_ =	shalt  }
0x7b: {  	_ =	shalt  }
0x7c: {  	_ =	shalt  }
0x7d: {  	_ =	shalt  }
0x7e: {  	_ =	shalt  }
0x7f: {  	_ =	shalt  }
0x80: {  	_ =	shalt  }
0x81: {  	_ =	shalt  }
0x82: {  	_ =	shalt  }
0x83: {  	_ =	shalt  }
0x84: {  	_ =	shalt  }
0x85: {  	_ =	shalt  }
0x86: {  	_ =	shalt  }
0x87: {  	_ =	shalt  }
.Lfunc_end0:
.L_simem_size_0:
called_computation.8_lowered:
.L_overlay_start_0:
0x88: {  	s2 =	sld [smem:$0x3FD9]  }
0x89: {  	s3 =	sld [smem:$0x3FFE];
	_ =	sdelay $0x1  }
0x8a: {  	s1 =	srdreg.scid  }
0x8b: {  	s0 =	sand.u32 $0x1, s1  }
0x8c: {  	s17 =	sshll.u32 s0, $0xA;
	s2 =	sadd.s32 s3, s2  }
0x8d: {  	s2 =	sadd.s32 s2, s17  }
0x8e: {  	[smem:$0x3FB4] =	sst s2  }
0x8f: {  	_ = 	snop  }
0x90: {  	(tm) =	ssettm $0x1  }
0x91: {  	s18 =	sld [smem:$0x3FFB];
	_ =	sdelay $0x3  }
0x92: {  	_ =	strace s18  }
0x93: {  	s2 =	sld [smem:$0x3FFC];
	_ =	sdelay $0x3  }
0x94: {  	_ =	strace s2  }
0x95: {  	s2 =	sld [smem:$0x3FFD];
	_ =	sdelay $0x3  }
0x96: {  	_ =	strace s2  }
0x97: {  	_ =	strace $0x8FFFFFFF  }
0x98: {  	s19 =	sld [smem:$0x3FDB];
	_ =	sdelay $0x1  }
0x99: {  	s20 =	simm.s32 $_scs_section_size  }
0x9a: {  	s4 =	simm.s32 $_size__tile_overlayer_lowered;
	s5 =	simm.s32 $_tile_overlayer_lowered  }
0x9b: {  	s6 =	simm.s32 $0x1BFF;
	s21 =	sshll.u32 s5, $0x1;
	s3 =	sadd.s32 s20, s19  }
0x9c: {  	s22 =	simm.s32 $0x0;
	s4 =	sshll.u32 s4, $0x1;
	s5 =	sadd.s32 s21, s3  }
0x9d: {  	[timem:s22], [sflag:s6] =	dma.local [hbm:s5], s4  }
0x9e: {  	_ =	swait.ge [sflag:s6], s4  }
0x9f: {  	s4 =	ssub.s32 $0x0, s4;
	[sflag:s6] =	ssyncset.done $0x0  }
0xa0: {  	[sflag:s6] =	ssyncadd.s32 s4;
	_ =	sdelay $0x1  }
0xa1: {  	s23 =	simm.s32 $0x1B8B  }
0xa2: {  	_ =	swait.ge [sflag:s23], $0x1  }
0xa3: {  	[sflag:s23] =	ssyncset.done $0x0  }
0xa4: {  	[sflag:s23] =	ssyncadd.s32 $0xFFFFFFFF  }
0xa5: {  	s4 =	sld [smem:$0x0]  }
0xa6: {  	s5 =	sand.u32 $0xFFFFFFFE, s1  }
0xa7: {  	p0 =	sne.s32 s1, s5  }
0xa8: {  	s5 =	sshll.u32 @p0 s5, $0xE  }
0xa9: {  	s5 =	sadd.s32 @p0 $0x11B8D, s5;
	s6 =	sshll.u32 @p0 s4, $0x11  }
0xaa: {  	s5 =	sor.u32 @p0 s6, s5  }
0xab: {  	[sflag:s5] =	ssyncadd.remote.s32 @p0 $0x1;
	_ =	sdelay $0x1  }
0xac: {  	s5 =	simm.s32 @p0 $0x1B8D  }
0xad: {  	_ =	swait.eq @p0 [sflag:s5], $0x1  }
0xae: {  	[sflag:s5] =	ssyncadd.s32 @p0 $0xFFFFFFFF  }
0xaf: {  	s6 =	sshll.u32 @!p0 s1, $0xE  }
0xb0: {  	s6 =	sor.u32 @!p0 $0x4000, s6;
	s5 =	simm.s32 @!p0 $0x1B8D  }
0xb1: {  	s4 =	sshll.u32 @!p0 s4, $0x11;
	s6 =	sadd.s32 @!p0 $0x11B8D, s6;
	_ =	swait.eq @!p0 [sflag:s5], $0x1  }
0xb2: {  	s4 =	sor.u32 @!p0 s4, s6;
	[sflag:s5] =	ssyncadd.s32 @!p0 $0xFFFFFFFF  }
0xb3: {  	s25 =	simm.s32 $0x1B8E;
	s24 =	sld [smem:$0x3FFE];
	[sflag:s4] =	ssyncadd.remote.s32 @!p0 $0x1  }
0xb4: {  	s26 =	simm.s32 $execute0_lowered;
	[smem:$0x3FD2] =	sst s25  }
0xb5: {  	s5 =	sshll.u32 s26, $0x1;
	_ =	strace $0x8000005E;
	[dreg:$0x1] =	wrdreg $0xFFFFFFFF  }
0xb6: {  	s28 =	simm.s32 $_size_execute0_lowered;
	s3 =	sadd.s32 s3, s5;
	[dreg:$0x0] =	wrdreg $0x0  }
0xb7: {  	s5 =	sshll.u32 s28, $0x1;
	[dreg:$0x2] =	wrdreg s3  }
0xb8: {  	[dreg:$0x3] =	wrdreg s5  }
0xb9: {  	[dreg:$0x4] =	wrdreg $0xC0  }
0xba: {  	_ =	task [dreg:s22], $0x5FFFF  }
0xbb: {  	[dreg:$0x1] =	wrdreg $0xFFFFFFFF  }
0xbc: {  	[dreg:$0x0] =	wrdreg $0x60  }
0xbd: {  	[dreg:$0x2] =	wrdreg s24  }
0xbe: {  	[dreg:$0x3] =	wrdreg $0x90000  }
0xbf: {  	[dreg:$0x4] =	wrdreg $0xA  }
0xc0: {  	_ =	task.clear_ibuf [dreg:s22], $0x5FFFF;
	_ =	strace $0x9000005E  }
0xc1: {  	s29 =	simm.s32 $0xA;
	_ =	strace $0x80000060  }
0xc2: {  	_ =	swait.ge [sflag:s29], $0x1  }
0xc3: {  	[sflag:s29] =	ssyncadd.s32 $0xFFFFFFFF  }
0xc4: {  	_ =	strace $0x90000060  }
0xc5: {  	_ =	sfence  }
0xc6: {  	s30 =	sld [smem:$0x0];
	_ =	sdelay $0x2  }
0xc7: {  	s31 =	sshll.u32 s1, $0xD;
	s1 =	sshrl.u32 s1, $0x2  }
0xc8: {  	s4 =	sand.u32 $0x4000, s31;
	s1 =	sadd.s32 s1, s30  }
0xc9: {  	s0 =	sor.u32 s4, s0;
	s1 =	sshll.u32 s1, $0x11  }
0xca: {  	s0 =	sor.u32 s1, s0  }
0xcb: {  	s0 =	sadd.s32 $0x8F2B, s0  }
0xcc: {  	[sflag:s0] =	ssyncadd.remote.s32 $0x1  }
0xcd: {  	_ =	sfence.sel $0xFFFF  }
0xce: {  	[dreg:$0x0] =	wrdreg $0xFFFFFFFF;
	(pc) =	sbr.abs _section_cstart, $3  }
0xcf: {  	[dreg:$0x1] =	wrdreg $0xFFFFFFFF  }
0xd0: {  	_ =	task.clear_ibuf [dreg:s22], $0x2FFFF;
	_ =	strace $0x9FFFFFFF  }
0xd1: {  	(tm) =	ssettm $0x7FFFFFFF  }
tec
execute0_lowered:
.L_overlay_start_1:
0x0: {  	(tag) =	ssettag $0x1  }
0x1: {  	s6 =	rddreg [dreg:$0x0]  }
0x2: {  	s0 =	srdreg.scid;
	s2 =	rddreg [dreg:$0x1]  }
0x3: {  	s3 =	simm.s32 $0x0;
	s5 =	sand.u32 $0x1, s0;
	s0 =	stileid.u32  }
0x4: {  	s13 =	simm.s32 $0x80;
	s14 =	simm.s32 $0x5000;
	s16 =	smul.u32 $0x2780, s0  }
0x5: {  	s15 =	simm.s32 $0x1;
	[smem:$0x7FF] =	sst s3;
	s8 =	smul.u32 $0x27800, s5  }
0x6: {  	s1 =	sshll.u32 s5, $0x4;
	s5 =	ssub.s32 $0x2, s5;
	s9 =	smul.u32 $0x4F000, s0  }
0x7: {  	s31 =	sshll.u32 s0, $0x6;
	s4 =	sor.u32 s0, s1;
	s1 =	rddreg [dreg:$0x2]  }
0x8: {  	_ =	strace $0x8000005F;
	s30 =	sshrl.u32 s5, $0x1;
	s7 =	smul.u32 $0x500, s4  }
0x9: {  	s4 =	sadd.s32 $0x93800, s6;
	s10 =	sadd.s32 s16, s6;
	s9 =	sshrl.u32 s9, $0x2  }
0xa: {  	s8 =	sadd.s32 s8, s6;
	s11 =	ssub.s32 s5, s30;
	s12 =	sadd.s32 s9, s2  }
0xb: {  	s17 =	sadd.s32 $0x15A800, s8;
	s8 =	smax.u32 s11, $0x1;
	s9 =	simm.s32 $0x2  }
0xc: {  	s11 =	sor.u32 $0x1C02, s31;
	s7 =	sadd.s32 s7, s6;
	s12 =	sshrl.u32 s12, $0x3  }
0xd: {  	s16 =	sadd.s32 s16, s17;
	s17 =	simm.s32 $0x0;
	s5 =	sadd.s32 $0x9000, s7  }
0xe: {  	s6 =	sadd.s32 $0x13000, s7;
	s7 =	sadd.s32 $0x44800, s10;
	s10 =	simm.s32 $0x2800  }
.LBB2_1:
0xf: {  	[tilespmem:s3], [sflag:$0x2] =	stream.linear.gather [hbm4b:s5+s3], $0x2800, $0x38;
	[tilespmem:$0x1CC00] =	vst v63  }
0x10: {  	_ =	swait.ge [sflag:s9], $0x2800  }
0x11: {  	[sflag:s9] =	ssyncset.done $0x0  }
0x12: {  	[sflag:s9] =	ssyncadd.s32 $0xFFFFD800  }
0x13: {  	[tilespmem:s10], [sflag:$0x2] =	stream.linear.gather [hbm4b:s6+s3], $0x2800, $0x38;
	[tilespmem:$0x1CC00] =	vst v63  }
0x14: {  	_ =	swait.ge [sflag:s9], $0x2800  }
0x15: {  	[sflag:s9] =	ssyncset.done $0x0  }
0x16: {  	[sflag:s9] =	ssyncadd.s32 $0xFFFFD800  }
0x17: {  	[spmem:s12], [sflag:s11] =	dma.local [hbm:s7], $0x2780  }
0x18: {  	_ =	swait.ge [sflag:s9], $0x2780  }
0x19: {  	[sflag:s9] =	ssyncset.done $0x0  }
0x1a: {  	[sflag:s9] =	ssyncadd.s32 $0xFFFFD880  }
0x1b: {  	s18 =	simm.s32 $0x0;
	[bflag:$0x0] =	sbarrier.arrive $0xFFFF  }
0x1c: {  	[tilespmem:s14], [sflag:$0x1] =	stream.indirect.gather [hbm4b:s4+s13], $0x80, s18, s13, $0xb8;
	[tilespmem:$0x1CC00] =	vst v63  }
0x1d: {  	_ =	swait.ge [sflag:s15], $0x4000  }
0x1e: {  	[sflag:s15] =	ssyncset.done $0x0  }
0x1f: {  	s31 =	simm.s32 $0x2800;
	[sflag:s15] =	ssyncadd.s32 $0xFFFFC000  }
0x20: {  	[spmem:s2] =	stream.indirect.scatter.add.f32 [tilespmem:s14], [sflag:$0x2], $0x80, s31, s13, $0xb8;
	[tilespmem:$0x1CC00] =	vst v63  }
0x21: {  	_ =	swait.ge [sflag:s9], $0x4000  }
0x22: {  	s19 =	simm.s32 $0x400;
	s18 =	simm.s32 $0x200;
	[sflag:s9] =	ssyncset.done $0x0  }
.LBB2_2:
0x23: {  	s20 =	sshra.s32 s18, $0x2  }
0x24: {  	[sflag:s9] =	ssyncadd.s32 $0xFFFFC000;
	s18 =	smov.u32 s19;
	s21 =	sadd.s32 $0x200, s19  }
0x25: {  	[tilespmem:s14], [sflag:$0x1] =	stream.indirect.gather [hbm4b:s4+s13], $0x80, s20, s13, $0xb8;
	[tilespmem:$0x1CC00] =	vst v63  }
0x26: {  	p0 =	sne.s32 s19, $0x9E00;
	_ =	swait.ge [sflag:s15], $0x4000  }
.Ltmp0:
0x27: {  	[sflag:s15] =	ssyncset.done $0x0;
	(pc) =	sbr.rel @p0 .LBB2_2-.Ltmp0, $4  }
0x28: {  	s19 =	sadd.s32 $0x2800, s20;
	[sflag:s15] =	ssyncadd.s32 $0xFFFFC000  }
0x29: {  	[spmem:s2] =	stream.indirect.scatter.add.f32 [tilespmem:s14], [sflag:$0x2], $0x80, s19, s13, $0xb8;
	[tilespmem:$0x1CC00] =	vst v63  }
0x2a: {  	_ =	swait.ge [sflag:s9], $0x4000  }
0x2b: {  	s19 =	smov.u32 s21;
	[sflag:s9] =	ssyncset.done $0x0  }
0x2c: {  	s18 =	sshra.s32 s18, $0x2;
	[sflag:s9] =	ssyncadd.s32 $0xFFFFC000  }
0x2d: {  	[tilespmem:s14], [sflag:$0x1] =	stream.indirect.gather [hbm4b:s4+s13], $0x80, s18, s13, $0xb8;
	[tilespmem:$0x1CC00] =	vst v63  }
0x2e: {  	_ =	swait.ge [sflag:s15], $0x4000  }
0x2f: {  	[sflag:s15] =	ssyncset.done $0x0  }
0x30: {  	s18 =	sadd.s32 $0x2800, s18;
	[sflag:s15] =	ssyncadd.s32 $0xFFFFC000  }
0x31: {  	[spmem:s2] =	stream.indirect.scatter.add.f32 [tilespmem:s14], [sflag:$0x2], $0x80, s18, s13, $0xb8;
	[tilespmem:$0x1CC00] =	vst v63  }
0x32: {  	_ =	swait.ge [sflag:s9], $0x4000  }
0x33: {  	s17 =	sadd.s32 $0x1, s17;
	[sflag:s9] =	ssyncset.done $0x0  }
0x34: {  	p0 =	sne.s32 s17, s8;
	[sflag:s9] =	ssyncadd.s32 $0xFFFFC000  }
.Ltmp1:
0x35: {  	[bflag:$0x0] =	sbarrier.arrive $0xFFFF;
	(pc) =	sbr.rel @p0 .LBB2_1-.Ltmp1, $4  }
0x36: {  	[hbm:s16], [sflag:s11] =	dma.local [spmem:s12], $0x2780  }
0x37: {  	_ =	swait.ge [sflag:s9], $0x2780  }
0x38: {  	[sflag:s9] =	ssyncset.done $0x0  }
0x39: {  	[sflag:s9] =	ssyncadd.s32 $0xFFFFD880  }
0x3a: {  	_ =	sfence.sel $0x180000  }
0x3b: {  	[bflag:$0x0] =	sbarrier.arrive $0xFFFF  }
0x3c: {  	p0 =	sne.s32 s0, $0x0;
	_ =	strace $0x9000005F  }
0x3d: {  	s0 =	sadd.s32 @!p0 $0x100000, s1;
	[bflag:$0x2] =	sbarrier.arrive $0xFFFF  }
0x3e: {  	[sflag:s0] =	ssyncadd.tile.s32 @!p0 $0x1;
	_ =	shalt  }
.Lfunc_end2:
_tile_overlayer_lowered:
.L_overlay_start_2:
0x3f: {  	(tag) =	ssettag $0x2  }
0x40: {  	s0 =	rddreg [dreg:$0x0];
	s2 =	stileid.u32  }
0x41: {  	s1 =	rddreg [dreg:$0x1];
	p0 =	sne.s32 s2, $0x0  }
0x42: {  	s3 =	rddreg [dreg:$0x2];
	[bflag:$0x3] =	sbarrier.arrive $0xFFFF;
	s2 =	simm.s32 @!p0 $0x1C02  }
0x43: {  	[timem:s3], [sflag:s2] =	dma.local @!p0 [hbm:s0], s1  }
0x44: {  	s0 =	simm.s32 @!p0 $0x2  }
0x45: {  	_ =	swait.ge @!p0 [sflag:s0], s1  }
0x46: {  	s1 =	ssub.s32 @!p0 $0x0, s1;
	[sflag:s0] =	ssyncset.done @!p0 $0x0  }
0x47: {  	[sflag:s0] =	ssyncadd.s32 @!p0 s1  }
0x48: {  	[bflag:$0x3] =	sbarrier.arrive $0xFFFF  }
0x49: {  	_ =	shalt  }

// kernel: kernel.44.cloned.1.call-start
scs
__scs_entry_jumppad:
0x0: {  	(pc) =	sbr.rel $0x88, $3  }
0x1: {  	(tag) =	ssettag $0x0;
	lr =	simm.s32 $0x1  }
0x2: {  	[smem:$0x3F8D] =	sst lr;
	_ =	strace $0xD0000000  }
0x3: {  	_ = 	snop  }
0x4: {  	_ = 	snop  }
0x5: {  	_ = 	snop  }
0x6: {  	_ = 	snop  }
0x7: {  	_ = 	snop  }
__scs_overlays_trampoline_lowered:
0x8: {  	[smem:$0x3F9C] =	sst s0  }
0x9: {  	[smem:$0x3F9D] =	sst s1  }
0xa: {  	[smem:$0x3F9E] =	sst s2  }
0xb: {  	[smem:$0x3F9F] =	sst s3  }
0xc: {  	[smem:$0x3FA0] =	sst s4  }
0xd: {  	[smem:$0x3FA1] =	sst s5  }
0xe: {  	[smem:$0x3FA2] =	sst s6  }
0xf: {  	[smem:$0x3FA3] =	sst s7  }
0x10: {  	[smem:$0x3FA4] =	sst s8  }
0x11: {  	[smem:$0x3FA5] =	sst s9;
	s0 =	simm.s32 @!p0 $0x0  }
0x12: {  	s1 =	sld [smem:$0x3F8B];
	s0 =	simm.s32 @p0 $0x1  }
0x13: {  	[smem:$0x3FA6] =	sst s0;
	s0 =	simm.s32 @!p1 $0x0  }
0x14: {  	s2 =	sld [smem:$0x3F8A];
	s0 =	simm.s32 @p1 $0x1  }
0x15: {  	[smem:$0x3FA7] =	sst s0;
	s0 =	simm.s32 @!p2 $0x0  }
0x16: {  	s3 =	sld [smem:$0x3FDB];
	s0 =	simm.s32 @p2 $0x1  }
0x17: {  	s4 =	simm.s32 $0x1BF5;
	[smem:$0x3FA9] =	sst s0  }
0x18: {  	s0 =	sld [smem:$0x3F8C];
	_ =	swait.ge [sflag:s4], $0x0  }
0x19: {  	s7 =	sld [smem:$0x3F8D]  }
0x1a: {  	s8 =	sadd.s32 $0xFFFFE003, lr  }
0x1b: {  	s9 =	sadd.s32 $0xFFFFFEF7, lr;
	s5 =	simm.s32 $0xFFFFFFFF;
	p2 =	slt.u32 s8, $0xFFFFF086  }
0x1c: {  	p1 =	slt.u32 s9, $0xF7A;
	s5 =	simm.s32 @!p2 $0x0  }
0x1d: {  	s5 =	simm.s32 @p1 $0x1;
	p0 =	seq.s32 s7, s2  }
0x1e: {  	s7 =	smul.u32 @!p0 $0xF7A, s2;
	p2 =	seq.s32 @!p0 s5, $0x0  }
0x1f: {  	s9 =	smul.u32 $0xF7A, s1;
	s8 =	simm.s32 @!p0 $0x1BF5;
	p2 =	por !p2, p0  }
0x20: {  	[sflag:s8] =	ssyncset.s32 @!p0 $0xFFFFF086;
	s6 =	sadd.s32 @!p0 s3, s7;
	s7 =	simm.s32 @!p0 $0x108  }
0x21: {  	s3 =	sadd.s32 s3, s9;
	s6 =	sadd.s32 @!p0 $0x88, s6;
	s7 =	simm.s32 @p2 $0x1082  }
0x22: {  	[simem:s7], [sflag:s8] =	dma.local @!p0 [hbm:s6], $0xF7A  }
0x23: {  	s9 =	sor.u32 $0xD0000000, s2;
	s6 =	simm.s32 $0x108;
	_ =	swait.ge @!p0 [sflag:s8], $0x0  }
0x24: {  	s3 =	sadd.s32 $0x88, s3;
	s6 =	simm.s32 @!p1 $0x1082;
	[sflag:s4] =	ssyncset.s32 $0xFFFFF086  }
0x25: {  	[simem:s6], [sflag:s4] =	dma.local [hbm:s3], $0xF7A  }
0x26: {  	[smem:$0x3F8D] =	sst s1;
	(tag) =	ssettag s2;
	_ =	strace s9  }
0x27: {  	s1 =	sld [smem:$0x3F9D]  }
0x28: {  	s2 =	sld [smem:$0x3F9E]  }
0x29: {  	s4 =	sld [smem:$0x3FA0]  }
0x2a: {  	p0 =	seq.s32 s5, $0x0;
	s5 =	sld [smem:$0x3FA1]  }
0x2b: {  	s6 =	sld [smem:$0x3FA2]  }
0x2c: {  	s7 =	sld [smem:$0x3FA3]  }
0x2d: {  	s3 =	simm.s32 $0x108;
	s8 =	sld [smem:$0x3FA4]  }
0x2e: {  	s3 =	simm.s32 @!p0 $0x1082;
	s9 =	sld [smem:$0x3FA5]  }
0x2f: {  	lr =	sadd.s32 s0, s3;
	s0 =	sld [smem:$0x3F9C]  }
0x30: {  	s3 =	sld [smem:$0x3F9F]  }
0x31: {  	[smem:$0x3FA8] =	sst s10  }
0x32: {  	s10 =	sld [smem:$0x3FA6];
	_ =	sdelay $0x3  }
0x33: {  	p0 =	seq.s32 s10, $0x1;
	s10 =	sld [smem:$0x3FA8];
	_ =	sdelay $0x3  }
0x34: {  	[smem:$0x3FA8] =	sst s10  }
0x35: {  	s10 =	sld [smem:$0x3FA7];
	_ =	sdelay $0x3  }
0x36: {  	p1 =	seq.s32 s10, $0x1;
	s10 =	sld [smem:$0x3FA8];
	_ =	sdelay $0x3  }
0x37: {  	[smem:$0x3FA8] =	sst s10  }
0x38: {  	s10 =	sld [smem:$0x3FA9]  }
0x39: {  	_ = 	snop;
	(pc) =	sbr.ind lr, $3  }
0x3a: {  	_ = 	snop  }
0x3b: {  	_ = 	snop  }
0x3c: {  	p2 =	seq.s32 s10, $0x1;
	s10 =	sld [smem:$0x3FA8]  }
0x3d: {  	_ =	shalt  }
0x3e: {  	_ =	shalt  }
0x3f: {  	_ =	shalt  }
0x40: {  	_ =	shalt  }
0x41: {  	_ =	shalt  }
0x42: {  	_ =	shalt  }
0x43: {  	_ =	shalt  }
0x44: {  	_ =	shalt  }
0x45: {  	_ =	shalt  }
0x46: {  	_ =	shalt  }
0x47: {  	_ =	shalt  }
0x48: {  	_ =	shalt  }
0x49: {  	_ =	shalt  }
0x4a: {  	_ =	shalt  }
0x4b: {  	_ =	shalt  }
0x4c: {  	_ =	shalt  }
0x4d: {  	_ =	shalt  }
0x4e: {  	_ =	shalt  }
0x4f: {  	_ =	shalt  }
0x50: {  	_ =	shalt  }
0x51: {  	_ =	shalt  }
0x52: {  	_ =	shalt  }
0x53: {  	_ =	shalt  }
0x54: {  	_ =	shalt  }
0x55: {  	_ =	shalt  }
0x56: {  	_ =	shalt  }
0x57: {  	_ =	shalt  }
0x58: {  	_ =	shalt  }
0x59: {  	_ =	shalt  }
0x5a: {  	_ =	shalt  }
0x5b: {  	_ =	shalt  }
0x5c: {  	_ =	shalt  }
0x5d: {  	_ =	shalt  }
0x5e: {  	_ =	shalt  }
0x5f: {  	_ =	shalt  }
0x60: {  	_ =	shalt  }
0x61: {  	_ =	shalt  }
0x62: {  	_ =	shalt  }
0x63: {  	_ =	shalt  }
0x64: {  	_ =	shalt  }
0x65: {  	_ =	shalt  }
0x66: {  	_ =	shalt  }
0x67: {  	_ =	shalt  }
0x68: {  	_ =	shalt  }
0x69: {  	_ =	shalt  }
0x6a: {  	_ =	shalt  }
0x6b: {  	_ =	shalt  }
0x6c: {  	_ =	shalt  }
0x6d: {  	_ =	shalt  }
0x6e: {  	_ =	shalt  }
0x6f: {  	_ =	shalt  }
0x70: {  	_ =	shalt  }
0x71: {  	_ =	shalt  }
0x72: {  	_ =	shalt  }
0x73: {  	_ =	shalt  }
0x74: {  	_ =	shalt  }
0x75: {  	_ =	shalt  }
0x76: {  	_ =	shalt  }
0x77: {  	_ =	shalt  }
0x78: {  	_ =	shalt  }
0x79: {  	_ =	shalt  }
0x7a: {  	_ =	shalt  }
0x7b: {  	_ =	shalt  }
0x7c: {  	_ =	shalt  }
0x7d: {  	_ =	shalt  }
0x7e: {  	_ =	shalt  }
0x7f: {  	_ =	shalt  }
0x80: {  	_ =	shalt  }
0x81: {  	_ =	shalt  }
0x82: {  	_ =	shalt  }
0x83: {  	_ =	shalt  }
0x84: {  	_ =	shalt  }
0x85: {  	_ =	shalt  }
0x86: {  	_ =	shalt  }
0x87: {  	_ =	shalt  }
.Lfunc_end0:
.L_simem_size_0:
called_computation.9_lowered:
.L_overlay_start_0:
0x88: {  	s2 =	sld [smem:$0x3FD9]  }
0x89: {  	s3 =	sld [smem:$0x3FFE];
	_ =	sdelay $0x1  }
0x8a: {  	s1 =	srdreg.scid  }
0x8b: {  	s0 =	sand.u32 $0x1, s1  }
0x8c: {  	s16 =	sshll.u32 s0, $0xA;
	s2 =	sadd.s32 s3, s2  }
0x8d: {  	s2 =	sadd.s32 s2, s16  }
0x8e: {  	[smem:$0x3FB4] =	sst s2  }
0x8f: {  	_ = 	snop  }
0x90: {  	(tm) =	ssettm $0x1  }
0x91: {  	s17 =	sld [smem:$0x3FFB];
	_ =	sdelay $0x3  }
0x92: {  	_ =	strace s17  }
0x93: {  	s2 =	sld [smem:$0x3FFC];
	_ =	sdelay $0x3  }
0x94: {  	_ =	strace s2  }
0x95: {  	s2 =	sld [smem:$0x3FFD];
	_ =	sdelay $0x3  }
0x96: {  	_ =	strace s2  }
0x97: {  	_ =	strace $0x8FFFFFFF  }
0x98: {  	s18 =	sld [smem:$0x3FDB];
	_ =	sdelay $0x1  }
0x99: {  	s19 =	simm.s32 $_scs_section_size  }
0x9a: {  	s4 =	simm.s32 $_size__tile_overlayer_lowered;
	s5 =	simm.s32 $_tile_overlayer_lowered  }
0x9b: {  	s22 =	simm.s32 $0x1BFF;
	s21 =	sshll.u32 s5, $0x1;
	s2 =	sadd.s32 s19, s18  }
0x9c: {  	s6 =	simm.s32 $0x0;
	s20 =	sshll.u32 s4, $0x1;
	s4 =	sadd.s32 s21, s2  }
0x9d: {  	[timem:s6], [sflag:s22] =	dma.local [hbm:s4], s20  }
0x9e: {  	_ =	swait.ge [sflag:s22], s20  }
0x9f: {  	s3 =	ssub.s32 $0x0, s20;
	[sflag:s22] =	ssyncset.done $0x0  }
0xa0: {  	[sflag:s22] =	ssyncadd.s32 s3;
	_ =	sdelay $0x1  }
0xa1: {  	s23 =	simm.s32 $0x1B8B  }
0xa2: {  	_ =	swait.ge [sflag:s23], $0x1  }
0xa3: {  	[sflag:s23] =	ssyncset.done $0x0  }
0xa4: {  	s25 =	simm.s32 $0x1B8E;
	s24 =	sld [smem:$0x3FFE];
	[sflag:s23] =	ssyncadd.s32 $0xFFFFFFFF  }
0xa5: {  	s26 =	simm.s32 $execute0_lowered;
	[smem:$0x3FD2] =	sst s25  }
0xa6: {  	s4 =	sshll.u32 s26, $0x1;
	_ =	strace $0x8000005B;
	[dreg:$0x1] =	wrdreg $0xFFFFFFFF  }
0xa7: {  	s28 =	simm.s32 $_size_execute0_lowered;
	s2 =	sadd.s32 s2, s4;
	[dreg:$0x0] =	wrdreg $0x0  }
0xa8: {  	s4 =	sshll.u32 s28, $0x1;
	[dreg:$0x2] =	wrdreg s2  }
0xa9: {  	[dreg:$0x3] =	wrdreg s4  }
0xaa: {  	[dreg:$0x4] =	wrdreg $0xC0  }
0xab: {  	_ =	task [dreg:s6], $0x5FFFF  }
0xac: {  	[dreg:$0x1] =	wrdreg $0xFFFFFFFF  }
0xad: {  	[dreg:$0x0] =	wrdreg $0x60  }
0xae: {  	[dreg:$0x2] =	wrdreg s24  }
0xaf: {  	[dreg:$0x3] =	wrdreg $0x90000  }
0xb0: {  	[dreg:$0x4] =	wrdreg $0xB  }
0xb1: {  	_ =	task.clear_ibuf [dreg:s6], $0x5FFFF;
	_ =	strace $0x9000005B  }
0xb2: {  	s29 =	simm.s32 $0xB;
	_ =	strace $0x8000005D  }
0xb3: {  	_ =	swait.ge [sflag:s29], $0x1  }
0xb4: {  	[sflag:s29] =	ssyncadd.s32 $0xFFFFFFFF  }
0xb5: {  	_ =	strace $0x9000005D  }
0xb6: {  	_ =	sfence  }
0xb7: {  	s30 =	sld [smem:$0x0];
	_ =	sdelay $0x2  }
0xb8: {  	s31 =	sshll.u32 s1, $0xD;
	s1 =	sshrl.u32 s1, $0x2  }
0xb9: {  	s3 =	sand.u32 $0x4000, s31;
	s1 =	sadd.s32 s1, s30  }
0xba: {  	s0 =	sor.u32 s3, s0;
	s1 =	sshll.u32 s1, $0x11  }
0xbb: {  	s0 =	sor.u32 s1, s0  }
0xbc: {  	s0 =	sadd.s32 $0x8F2B, s0  }
0xbd: {  	[sflag:s0] =	ssyncadd.remote.s32 $0x1  }
0xbe: {  	_ =	sfence.sel $0xFFFF  }
0xbf: {  	[dreg:$0x0] =	wrdreg $0xFFFFFFFF;
	(pc) =	sbr.abs _section_cstart, $3  }
0xc0: {  	[dreg:$0x1] =	wrdreg $0xFFFFFFFF  }
0xc1: {  	_ =	task.clear_ibuf [dreg:s6], $0x2FFFF;
	_ =	strace $0x9FFFFFFF  }
0xc2: {  	(tm) =	ssettm $0x7FFFFFFF  }
0xc3: {  	_ =	shalt  }
tec
execute0_lowered:
.L_overlay_start_1:
0x0: {  	(tag) =	ssettag $0x1  }
0x1: {  	s6 =	rddreg [dreg:$0x0]  }
0x2: {  	s0 =	srdreg.scid;
	s2 =	rddreg [dreg:$0x1]  }
0x3: {  	s3 =	simm.s32 $0x0;
	s5 =	sand.u32 $0x1, s0;
	s0 =	stileid.u32  }
0x4: {  	s13 =	simm.s32 $0x80;
	s14 =	simm.s32 $0x5000;
	s16 =	smul.u32 $0x2780, s0  }
0x5: {  	s15 =	simm.s32 $0x1;
	[smem:$0x7FF] =	sst s3;
	s8 =	smul.u32 $0x27800, s5  }
0x6: {  	s1 =	sshll.u32 s5, $0x4;
	s5 =	ssub.s32 $0x2, s5;
	s9 =	smul.u32 $0x4F000, s0  }
0x7: {  	s31 =	sshll.u32 s0, $0x6;
	s4 =	sor.u32 s0, s1;
	s1 =	rddreg [dreg:$0x2]  }
0x8: {  	_ =	strace $0x8000005C;
	s30 =	sshrl.u32 s5, $0x1;
	s7 =	smul.u32 $0x500, s4  }
0x9: {  	s4 =	sadd.s32 $0x1D000, s6;
	s10 =	sadd.s32 s16, s6;
	s9 =	sshrl.u32 s9, $0x2  }
0xa: {  	s8 =	sadd.s32 s8, s6;
	s11 =	ssub.s32 s5, s30;
	s12 =	sadd.s32 s9, s2  }
0xb: {  	s17 =	sadd.s32 $0x10B800, s8;
	s8 =	smax.u32 s11, $0x1;
	s9 =	simm.s32 $0x2  }
0xc: {  	s11 =	sor.u32 $0x1C02, s31;
	s7 =	sadd.s32 s7, s6;
	s12 =	sshrl.u32 s12, $0x3  }
0xd: {  	s16 =	sadd.s32 s16, s17;
	s17 =	simm.s32 $0x0;
	s5 =	sadd.s32 $0x9000, s7  }
0xe: {  	s6 =	sadd.s32 $0x13000, s7;
	s7 =	sadd.s32 $0x44800, s10;
	s10 =	simm.s32 $0x2800  }
.LBB2_1:
0xf: {  	[tilespmem:s3], [sflag:$0x2] =	stream.linear.gather [hbm4b:s5+s3], $0x2800, $0x38;
	[tilespmem:$0x1CC00] =	vst v63  }
0x10: {  	_ =	swait.ge [sflag:s9], $0x2800  }
0x11: {  	[sflag:s9] =	ssyncset.done $0x0  }
0x12: {  	[sflag:s9] =	ssyncadd.s32 $0xFFFFD800  }
0x13: {  	[tilespmem:s10], [sflag:$0x2] =	stream.linear.gather [hbm4b:s6+s3], $0x2800, $0x38;
	[tilespmem:$0x1CC00] =	vst v63  }
0x14: {  	_ =	swait.ge [sflag:s9], $0x2800  }
0x15: {  	[sflag:s9] =	ssyncset.done $0x0  }
0x16: {  	[sflag:s9] =	ssyncadd.s32 $0xFFFFD800  }
0x17: {  	[spmem:s12], [sflag:s11] =	dma.local [hbm:s7], $0x2780  }
0x18: {  	_ =	swait.ge [sflag:s9], $0x2780  }
0x19: {  	[sflag:s9] =	ssyncset.done $0x0  }
0x1a: {  	[sflag:s9] =	ssyncadd.s32 $0xFFFFD880  }
0x1b: {  	s18 =	simm.s32 $0x0;
	[bflag:$0x0] =	sbarrier.arrive $0xFFFF  }
0x1c: {  	[tilespmem:s14], [sflag:$0x1] =	stream.indirect.gather [hbm4b:s4+s13], $0x80, s18, s13, $0xb8;
	[tilespmem:$0x1CC00] =	vst v63  }
0x1d: {  	_ =	swait.ge [sflag:s15], $0x4000  }
0x1e: {  	[sflag:s15] =	ssyncset.done $0x0  }
0x1f: {  	s31 =	simm.s32 $0x2800;
	[sflag:s15] =	ssyncadd.s32 $0xFFFFC000  }
0x20: {  	[spmem:s2] =	stream.indirect.scatter.add.f32 [tilespmem:s14], [sflag:$0x2], $0x80, s31, s13, $0xb8;
	[tilespmem:$0x1CC00] =	vst v63  }
0x21: {  	_ =	swait.ge [sflag:s9], $0x4000  }
0x22: {  	s19 =	simm.s32 $0x400;
	s18 =	simm.s32 $0x200;
	[sflag:s9] =	ssyncset.done $0x0  }
.LBB2_2:
0x23: {  	s20 =	sshra.s32 s18, $0x2  }
0x24: {  	[sflag:s9] =	ssyncadd.s32 $0xFFFFC000;
	s18 =	smov.u32 s19;
	s21 =	sadd.s32 $0x200, s19  }
0x25: {  	[tilespmem:s14], [sflag:$0x1] =	stream.indirect.gather [hbm4b:s4+s13], $0x80, s20, s13, $0xb8;
	[tilespmem:$0x1CC00] =	vst v63  }
0x26: {  	p0 =	sne.s32 s19, $0x9E00;
	_ =	swait.ge [sflag:s15], $0x4000  }
.Ltmp0:
0x27: {  	[sflag:s15] =	ssyncset.done $0x0;
	(pc) =	sbr.rel @p0 .LBB2_2-.Ltmp0, $4  }
0x28: {  	s19 =	sadd.s32 $0x2800, s20;
	[sflag:s15] =	ssyncadd.s32 $0xFFFFC000  }
0x29: {  	[spmem:s2] =	stream.indirect.scatter.add.f32 [tilespmem:s14], [sflag:$0x2], $0x80, s19, s13, $0xb8;
	[tilespmem:$0x1CC00] =	vst v63  }
0x2a: {  	_ =	swait.ge [sflag:s9], $0x4000  }
0x2b: {  	s19 =	smov.u32 s21;
	[sflag:s9] =	ssyncset.done $0x0  }
0x2c: {  	s18 =	sshra.s32 s18, $0x2;
	[sflag:s9] =	ssyncadd.s32 $0xFFFFC000  }
0x2d: {  	[tilespmem:s14], [sflag:$0x1] =	stream.indirect.gather [hbm4b:s4+s13], $0x80, s18, s13, $0xb8;
	[tilespmem:$0x1CC00] =	vst v63  }
0x2e: {  	_ =	swait.ge [sflag:s15], $0x4000  }
0x2f: {  	[sflag:s15] =	ssyncset.done $0x0  }
0x30: {  	s18 =	sadd.s32 $0x2800, s18;
	[sflag:s15] =	ssyncadd.s32 $0xFFFFC000  }
0x31: {  	[spmem:s2] =	stream.indirect.scatter.add.f32 [tilespmem:s14], [sflag:$0x2], $0x80, s18, s13, $0xb8;
	[tilespmem:$0x1CC00] =	vst v63  }
0x32: {  	_ =	swait.ge [sflag:s9], $0x4000  }
0x33: {  	s17 =	sadd.s32 $0x1, s17;
	[sflag:s9] =	ssyncset.done $0x0  }
0x34: {  	p0 =	sne.s32 s17, s8;
	[sflag:s9] =	ssyncadd.s32 $0xFFFFC000  }
.Ltmp1:
0x35: {  	[bflag:$0x0] =	sbarrier.arrive $0xFFFF;
	(pc) =	sbr.rel @p0 .LBB2_1-.Ltmp1, $4  }
0x36: {  	[hbm:s16], [sflag:s11] =	dma.local [spmem:s12], $0x2780  }
0x37: {  	_ =	swait.ge [sflag:s9], $0x2780  }
0x38: {  	[sflag:s9] =	ssyncset.done $0x0  }
0x39: {  	[sflag:s9] =	ssyncadd.s32 $0xFFFFD880  }
0x3a: {  	_ =	sfence.sel $0x180000  }
0x3b: {  	[bflag:$0x0] =	sbarrier.arrive $0xFFFF  }
0x3c: {  	p0 =	sne.s32 s0, $0x0;
	_ =	strace $0x9000005C  }
0x3d: {  	s0 =	sadd.s32 @!p0 $0x100000, s1;
	[bflag:$0x2] =	sbarrier.arrive $0xFFFF  }
0x3e: {  	[sflag:s0] =	ssyncadd.tile.s32 @!p0 $0x1;
	_ =	shalt  }
.Lfunc_end2:
_tile_overlayer_lowered:
.L_overlay_start_2:
0x3f: {  	(tag) =	ssettag $0x2  }
0x40: {  	s0 =	rddreg [dreg:$0x0];
	s2 =	stileid.u32  }
0x41: {  	s1 =	rddreg [dreg:$0x1];
	p0 =	sne.s32 s2, $0x0  }
0x42: {  	s3 =	rddreg [dreg:$0x2];
	[bflag:$0x3] =	sbarrier.arrive $0xFFFF;
	s2 =	simm.s32 @!p0 $0x1C02  }
0x43: {  	[timem:s3], [sflag:s2] =	dma.local @!p0 [hbm:s0], s1  }
0x44: {  	s0 =	simm.s32 @!p0 $0x2  }
0x45: {  	_ =	swait.ge @!p0 [sflag:s0], s1  }
0x46: {  	s1 =	ssub.s32 @!p0 $0x0, s1;
	[sflag:s0] =	ssyncset.done @!p0 $0x0  }
0x47: {  	[sflag:s0] =	ssyncadd.s32 @!p0 s1  }
0x48: {  	[bflag:$0x3] =	sbarrier.arrive $0xFFFF  }
0x49: {  	_ =	shalt  }

</sc_bundles>
